<compile_context>
chip_gen: v7x
topology: tpu7x:2x2x1
jax: 0.10.2.dev20260603
libtpu: 0.0.44.dev20260713+nightly
codegen_flags: <defaults>
</compile_context>

<pallas_src>
import functools

import jax
import jax.numpy as jnp
from jax import lax
from jax.experimental import pallas as pl
from jax.experimental.pallas import tpu as pltpu
from jax.experimental.pallas import tpu_sc as plsc

F = 128
FH = 64
CH = 128
NC = 2
NS = 16
DEGW = 16
NB = 64
LANES = 16
ZPT = 640


def _sc_mesh():
    return plsc.VectorSubcoreMesh(core_axis_name="c", subcore_axis_name="s",
                                  num_cores=NC, num_subcores=NS)


def _zero_fill(buf, rows, width):
    def row(i, carry):
        for j in range(width // LANES):
            buf[i, pl.ds(j * LANES, LANES)] = jnp.zeros((LANES,), jnp.float32)
        return carry
    lax.fori_loop(0, rows, row, 0)


def _sc_deg(dst_p):
    cpt = dst_p.shape[1]
    cpth = cpt // NC
    acc_rows = NS * ZPT

    @functools.partial(
        pl.kernel,
        out_type=jax.ShapeDtypeStruct((NC, acc_rows, DEGW), jnp.float32),
        mesh=_sc_mesh(),
        compiler_params=pltpu.CompilerParams(use_tc_tiling_on_sc=False),
        scratch_types=[
            pltpu.VMEM((cpth, CH), jnp.int32),
            pltpu.VMEM((CH, DEGW), jnp.float32),
            pltpu.VMEM((CH, DEGW), jnp.float32),
            pltpu.VMEM_SHARED((acc_rows, DEGW), jnp.float32),
        ],
    )
    def body(dst_hbm, out_hbm, dst_v, ones_v, zbuf, acc):
        cid = lax.axis_index("c")
        sid = lax.axis_index("s")
        pltpu.sync_copy(dst_hbm.at[sid, pl.ds(cid * cpth, cpth)], dst_v)
        _zero_fill(zbuf, CH, DEGW)

        def orow(i, carry):
            ones_v[i, pl.ds(0, LANES)] = jnp.ones((LANES,), jnp.float32)
            return carry
        lax.fori_loop(0, CH, orow, 0)
        for t in range(ZPT // CH):
            pltpu.sync_copy(zbuf, acc.at[pl.ds(sid * ZPT + t * CH, CH)])
        plsc.subcore_barrier()

        def chunk(j, carry):
            pltpu.sync_copy(ones_v, acc.at[dst_v.at[j]], add=True)
            return carry
        lax.fori_loop(0, cpth, chunk, 0)
        plsc.subcore_barrier()
        pltpu.sync_copy(acc.at[pl.ds(sid * ZPT, ZPT)],
                        out_hbm.at[cid, pl.ds(sid * ZPT, ZPT)])

    return body(dst_p)


def _sc_agg(src_p, dst_p, g0, g1):
    cpt = src_p.shape[1]
    acc_rows = NS * ZPT

    @functools.partial(
        pl.kernel,
        out_type=jax.ShapeDtypeStruct((NC, acc_rows, FH), jnp.float32),
        mesh=_sc_mesh(),
        compiler_params=pltpu.CompilerParams(use_tc_tiling_on_sc=False),
        scratch_types=[
            pltpu.VMEM((cpt, CH), jnp.int32),
            pltpu.VMEM((cpt, CH), jnp.int32),
            pltpu.VMEM((CH, FH), jnp.float32),
            pltpu.VMEM((CH, FH), jnp.float32),
            pltpu.VMEM((CH, FH), jnp.float32),
            pltpu.VMEM((CH, FH), jnp.float32),
            pltpu.VMEM((CH, FH), jnp.float32),
            pltpu.VMEM_SHARED((acc_rows, FH), jnp.float32),
            pltpu.SemaphoreType.DMA,
            pltpu.SemaphoreType.DMA,
            pltpu.SemaphoreType.DMA,
            pltpu.SemaphoreType.DMA,
            pltpu.SemaphoreType.DMA,
            pltpu.SemaphoreType.DMA,
            pltpu.SemaphoreType.DMA,
            pltpu.SemaphoreType.DMA,
        ],
    )
    def body(src_hbm, dst_hbm, g0_hbm, g1_hbm, out_hbm,
             src_v, dst_v, buf0, buf1, buf2, buf3, zbuf, acc,
             gs0, gs1, gs2, gs3, ss0, ss1, ss2, ss3):
        cid = lax.axis_index("c")
        sid = lax.axis_index("s")
        pltpu.sync_copy(src_hbm.at[sid], src_v)
        pltpu.sync_copy(dst_hbm.at[sid], dst_v)

        bufs = (buf0, buf1, buf2, buf3)
        gsem = (gs0, gs1, gs2, gs3)
        ssem = (ss0, ss1, ss2, ss3)
        nbuf = 4

        @pl.when(cid == 0)
        def _():
            for k in range(nbuf - 1):
                pltpu.async_copy(g0_hbm.at[src_v.at[k]], bufs[k], gsem[k])

        @pl.when(cid == 1)
        def _():
            for k in range(nbuf - 1):
                pltpu.async_copy(g1_hbm.at[src_v.at[k]], bufs[k], gsem[k])

        _zero_fill(zbuf, CH, FH)
        for t in range(ZPT // CH):
            pltpu.sync_copy(zbuf, acc.at[pl.ds(sid * ZPT + t * CH, CH)])
        plsc.subcore_barrier()

        def run(g_hbm):
            def outer(i, carry):
                for b in range(nbuf):
                    c = i * nbuf + b
                    tb = (b + nbuf - 1) % nbuf

                    @pl.when(c + nbuf - 1 < cpt)
                    def _():
                        @pl.when(c >= 1)
                        def _():
                            pltpu.make_async_copy(
                                bufs[tb], acc.at[dst_v.at[c - 1]],
                                ssem[tb]).wait()
                        pltpu.async_copy(g_hbm.at[src_v.at[c + nbuf - 1]],
                                         bufs[tb], gsem[tb])
                    pltpu.make_async_copy(g_hbm.at[src_v.at[c]],
                                          bufs[b], gsem[b]).wait()
                    pltpu.async_copy(bufs[b], acc.at[dst_v.at[c]],
                                     ssem[b], add=True)
                return carry
            lax.fori_loop(0, cpt // nbuf, outer, 0)
            for b in range(nbuf):
                c = cpt - nbuf + b
                pltpu.make_async_copy(bufs[b], acc.at[dst_v.at[c]],
                                      ssem[b]).wait()

        @pl.when(cid == 0)
        def _():
            run(g0_hbm)

        @pl.when(cid == 1)
        def _():
            run(g1_hbm)

        plsc.subcore_barrier()
        pltpu.sync_copy(acc.at[pl.ds(sid * ZPT, ZPT)],
                        out_hbm.at[cid, pl.ds(sid * ZPT, ZPT)])

    return body(src_p, dst_p, g0, g1)


def _dinv_of(dp):
    deg = dp[0, :, :1] + dp[1, :, :1] + 1.0
    return lax.rsqrt(deg)


def _split_out(o0_ref, o1_ref, t):
    o0_ref[...] = t[:, :FH]
    o1_ref[...] = t[:, FH:]


_gspec = lambda blk: pl.BlockSpec((blk, FH), lambda i: (i, 0))


def _tc_first(x, W1, degp, blk=2000):
    n = x.shape[0]
    grid = n // blk

    def body(x_ref, w_ref, dp_ref, o0_ref, o1_ref):
        dinv = _dinv_of(dp_ref[...])
        h = jnp.dot(x_ref[...], w_ref[...],
                    preferred_element_type=jnp.float32,
                    precision=lax.Precision.HIGHEST)
        _split_out(o0_ref, o1_ref, h * dinv)

    return pl.pallas_call(
        body,
        grid=(grid,),
        in_specs=[
            pl.BlockSpec((blk, F), lambda i: (i, 0)),
            pl.BlockSpec((F, F), lambda i: (0, 0)),
            pl.BlockSpec((NC, blk, DEGW), lambda i: (0, i, 0)),
        ],
        out_specs=[_gspec(blk), _gspec(blk)],
        out_shape=[jax.ShapeDtypeStruct((n, FH), jnp.float32)] * 2,
    )(x, W1, degp)


def _tc_mid(p, g0, g1, degp, b, W, blk=2000):
    n = g0.shape[0]
    grid = n // blk

    def body(p_ref, g0_ref, g1_ref, dp_ref, b_ref, w_ref, o0_ref, o1_ref):
        dinv = _dinv_of(dp_ref[...])
        pp = p_ref[...]
        es = jnp.concatenate([pp[0], pp[1]], axis=1)
        g = jnp.concatenate([g0_ref[...], g1_ref[...]], axis=1)
        a = dinv * (es + g) + b_ref[...]
        a = jnp.maximum(a, 0.0)
        h = jnp.dot(a, w_ref[...],
                    preferred_element_type=jnp.float32,
                    precision=lax.Precision.HIGHEST)
        _split_out(o0_ref, o1_ref, h * dinv)

    return pl.pallas_call(
        body,
        grid=(grid,),
        in_specs=[
            pl.BlockSpec((NC, blk, FH), lambda i: (0, i, 0)),
            _gspec(blk),
            _gspec(blk),
            pl.BlockSpec((NC, blk, DEGW), lambda i: (0, i, 0)),
            pl.BlockSpec((1, F), lambda i: (0, 0)),
            pl.BlockSpec((F, F), lambda i: (0, 0)),
        ],
        out_specs=[_gspec(blk), _gspec(blk)],
        out_shape=[jax.ShapeDtypeStruct((n, FH), jnp.float32)] * 2,
    )(p, g0, g1, degp, b, W)


def _tc_final(p, g0, g1, degp, b, batch_col, Wl, bl, blk=2000):
    n = g0.shape[0]
    c_out = Wl.shape[1]
    grid = n // blk

    def body(p_ref, g0_ref, g1_ref, dp_ref, b_ref, bt_ref, wl_ref, bl_ref,
             o_ref, sums, cnt):
        i = pl.program_id(0)
        dinv = _dinv_of(dp_ref[...])
        pp = p_ref[...]
        es = jnp.concatenate([pp[0], pp[1]], axis=1)
        g = jnp.concatenate([g0_ref[...], g1_ref[...]], axis=1)
        a = dinv * (es + g) + b_ref[...]
        seg = lax.broadcasted_iota(jnp.int32, (blk, NB), 1)
        oh = (bt_ref[...] == seg).astype(jnp.float32)
        s_blk = lax.dot_general(oh, a, (((0,), (0,)), ((), ())),
                                preferred_element_type=jnp.float32,
                                precision=lax.Precision.HIGHEST)
        ones = jnp.ones((blk, 1), jnp.float32)
        c_blk = lax.dot_general(oh, ones, (((0,), (0,)), ((), ())),
                                preferred_element_type=jnp.float32,
                                precision=lax.Precision.HIGHEST)

        @pl.when(i == 0)
        def _():
            sums[...] = s_blk
            cnt[...] = c_blk

        @pl.when(i > 0)
        def _():
            sums[...] += s_blk
            cnt[...] += c_blk

        @pl.when(i == grid - 1)
        def _():
            embed = sums[...] / jnp.maximum(cnt[...], 1.0)
            o_ref[...] = jnp.dot(embed, wl_ref[...],
                                 preferred_element_type=jnp.float32,
                                 precision=lax.Precision.HIGHEST) + bl_ref[...]

    return pl.pallas_call(
        body,
        grid=(grid,),
        in_specs=[
            pl.BlockSpec((NC, blk, FH), lambda i: (0, i, 0)),
            _gspec(blk),
            _gspec(blk),
            pl.BlockSpec((NC, blk, DEGW), lambda i: (0, i, 0)),
            pl.BlockSpec((1, F), lambda i: (0, 0)),
            pl.BlockSpec((blk, 1), lambda i: (i, 0)),
            pl.BlockSpec((F, c_out), lambda i: (0, 0)),
            pl.BlockSpec((1, c_out), lambda i: (0, 0)),
        ],
        out_specs=pl.BlockSpec((NB, c_out), lambda i: (0, 0)),
        out_shape=jax.ShapeDtypeStruct((NB, c_out), jnp.float32),
        scratch_shapes=[
            pltpu.VMEM((NB, F), jnp.float32),
            pltpu.VMEM((NB, 1), jnp.float32),
        ],
    )(p, g0, g1, degp, b, batch_col, Wl, bl)


def kernel(x, edge_index, batch, W1, b1, W2, b2, W3, b3, Wl, bl):
    n, f = x.shape
    e = edge_index.shape[1]
    assert f == F and n % NS == 0 and n % 1000 == 0

    cpt = -(-e // (NS * CH))
    cpt += (-cpt) % 16
    epad = NS * cpt * CH - e
    pad_src = jnp.zeros((epad,), edge_index.dtype)
    pad_dst = jnp.full((epad,), n, edge_index.dtype)
    src_p = jnp.concatenate([edge_index[0], pad_src]).reshape(NS, cpt, CH)
    dst_p = jnp.concatenate([edge_index[1], pad_dst]).reshape(NS, cpt, CH)

    b1r = b1.reshape(1, F)
    b2r = b2.reshape(1, F)
    b3r = b3.reshape(1, F)
    blr = bl.reshape(1, -1)
    batch_col = batch.reshape(n, 1)

    degp = _sc_deg(dst_p)
    g10, g11 = _tc_first(x, W1, degp)
    p1 = _sc_agg(src_p, dst_p, g10, g11)
    g20, g21 = _tc_mid(p1, g10, g11, degp, b1r, W2)
    p2 = _sc_agg(src_p, dst_p, g20, g21)
    g30, g31 = _tc_mid(p2, g20, g21, degp, b2r, W3)
    p3 = _sc_agg(src_p, dst_p, g30, g31)
    return _tc_final(p3, g30, g31, degp, b3r, batch_col, Wl, blr)

# --- scband reference (transcript-rebuilt; emitter-appended) ---
"""Pipeline reference for scband-gcn-82334523064536 (READ-ONLY COPY).

The authoritative reference and input builder live on the scoring server;
editing this copy changes nothing except your own understanding.
"""

import jax, jax.numpy as jnp
import numpy as np

N = 10000
E = 320000
D = 128
H = 128
C = 10
B = 64


def setup_inputs(seed: int = 0) -> dict:
    key = jax.random.key(seed)
    ks = jax.random.split(key, 12)
    x = jax.random.normal(ks[0], (N, D), dtype=jnp.float32)
    edge_index = jax.random.randint(ks[1], (2, E), 0, N, dtype=jnp.int32)
    batch = jnp.sort(jax.random.randint(ks[2], (N,), 0, B, dtype=jnp.int32))
    W1 = jax.random.normal(ks[3], (D, H), dtype=jnp.float32) * (1.0 / np.sqrt(D))
    b1 = jnp.zeros((H,), dtype=jnp.float32)
    W2 = jax.random.normal(ks[4], (H, H), dtype=jnp.float32) * (1.0 / np.sqrt(H))
    b2 = jnp.zeros((H,), dtype=jnp.float32)
    W3 = jax.random.normal(ks[5], (H, H), dtype=jnp.float32) * (1.0 / np.sqrt(H))
    b3 = jnp.zeros((H,), dtype=jnp.float32)
    Wl = jax.random.normal(ks[6], (H, C), dtype=jnp.float32) * (1.0 / np.sqrt(H))
    bl = jnp.zeros((C,), dtype=jnp.float32)
    return {"x": x, "edge_index": edge_index, "batch": batch,
            "W1": W1, "b1": b1, "W2": W2, "b2": b2, "W3": W3, "b3": b3,
            "Wl": Wl, "bl": bl}


def _gcn_conv(x, src, dst, W, b):
    # PyG GCNConv with normalize=True and add_self_loops (src/dst already include self loops)
    h = x @ W
    n = h.shape[0]
    deg = jnp.zeros((n,), dtype=h.dtype).at[dst].add(1.0)
    dinv = jnp.where(deg > 0, jax.lax.rsqrt(deg), 0.0)
    norm = dinv[src] * dinv[dst]
    msg = h[src] * norm[:, None]
    out = jnp.zeros_like(h).at[dst].add(msg)
    return out + b


def reference(x, edge_index, batch, W1, b1, W2, b2, W3, b3, Wl, bl):
    loop = jnp.arange(x.shape[0], dtype=edge_index.dtype)
    src = jnp.concatenate([edge_index[0], loop])
    dst = jnp.concatenate([edge_index[1], loop])
    h = jax.nn.relu(_gcn_conv(x, src, dst, W1, b1))
    h = jax.nn.relu(_gcn_conv(h, src, dst, W2, b2))
    h = _gcn_conv(h, src, dst, W3, b3)
    # global_mean_pool over batch ids
    sums = jax.ops.segment_sum(h, batch, num_segments=B)
    cnt = jax.ops.segment_sum(jnp.ones((h.shape[0], 1), dtype=h.dtype), batch, num_segments=B)
    embed = sums / jnp.maximum(cnt, 1.0)
    # dropout is identity in eval mode
    return embed @ Wl + bl

if __name__ == "__main__":
    import jax
    _d = setup_inputs()
    print(jax.jit(kernel)(*tuple(_d.values())))

</pallas_src>

<mosaic_0001>
#map = affine_map<(d0, d1) -> (0, 0, 0)>
module attributes {stable_mosaic.version = 14 : i64} {
  func.func @body(%arg0: i32, %arg1: i32, %arg2: memref<16x160x128xi32, #tpu.memory_space<hbm>>, %arg3: memref<2x10240x16xf32, #tpu.memory_space<hbm>>, %arg4: memref<80x128xi32, #tpu.memory_space<vmem>>, %arg5: memref<128x16xf32, #tpu.memory_space<vmem>>, %arg6: memref<128x16xf32, #tpu.memory_space<vmem>>, %arg7: memref<10240x16xf32, #tpu.memory_space<vmem_shared>>) attributes {dimension_semantics = [#tpu.dimension_semantics<core_parallel>, #tpu.dimension_semantics<subcore_parallel>], iteration_bounds = array<i64: 2, 16>, scalar_prefetch = 0 : i64, scratch_operands = 4 : i64, tpu.core_type = #tpu.core_type<sc_vector_subcore>, window_params = [{transform_indices = #map}, {transform_indices = #map}]} {
    %mul3A = arith.constant 80 : i32
    %mul3A_0 = arith.muli %arg0, %mul3A : i32
    "tpu.region"() ({
      %run_scoped3A = tpu.sem_alloc : memref<!tpu.dma_semaphore, #tpu.memory_space<semaphore_mem>>
      %dma_start3A = arith.constant 0 : i32
      %dma_start3A_42 = tpu.memref_slice %arg2[%arg1, %mul3A_0, %dma_start3A] : memref<16x160x128xi32, #tpu.memory_space<hbm>> -> memref<1x80x128xi32, #tpu.memory_space<hbm>>
      %dma_start3A_43 = tpu.memref_squeeze %dma_start3A_42 : memref<1x80x128xi32, #tpu.memory_space<hbm>> -> memref<80x128xi32, #tpu.memory_space<hbm>>
      %dma_start3A_44 = arith.constant 0 : i32
      %dma_start3A_45 = tpu.memref_slice %arg2[%arg1, %mul3A_0, %dma_start3A_44] : memref<16x160x128xi32, #tpu.memory_space<hbm>> -> memref<1x80x128xi32, #tpu.memory_space<hbm>>
      %dma_start3A_46 = tpu.memref_squeeze %dma_start3A_45 : memref<1x80x128xi32, #tpu.memory_space<hbm>> -> memref<80x128xi32, #tpu.memory_space<hbm>>
      tpu.enqueue_dma source(%dma_start3A_46 : memref<80x128xi32, #tpu.memory_space<hbm>>) target(%arg4 : memref<80x128xi32, #tpu.memory_space<vmem>>) target_semaphore(%run_scoped3A : memref<!tpu.dma_semaphore, #tpu.memory_space<semaphore_mem>>)
      %dma_wait3A = arith.constant 0 : i32
      %dma_wait3A_47 = tpu.memref_slice %arg2[%arg1, %mul3A_0, %dma_wait3A] : memref<16x160x128xi32, #tpu.memory_space<hbm>> -> memref<1x80x128xi32, #tpu.memory_space<hbm>>
      %dma_wait3A_48 = tpu.memref_squeeze %dma_wait3A_47 : memref<1x80x128xi32, #tpu.memory_space<hbm>> -> memref<80x128xi32, #tpu.memory_space<hbm>>
      %dma_wait3A_49 = arith.constant 0 : i32
      %dma_wait3A_50 = tpu.memref_slice %arg2[%arg1, %mul3A_0, %dma_wait3A_49] : memref<16x160x128xi32, #tpu.memory_space<hbm>> -> memref<1x80x128xi32, #tpu.memory_space<hbm>>
      %dma_wait3A_51 = tpu.memref_squeeze %dma_wait3A_50 : memref<1x80x128xi32, #tpu.memory_space<hbm>> -> memref<80x128xi32, #tpu.memory_space<hbm>>
      tpu.wait_dma2 semaphore(%run_scoped3A : memref<!tpu.dma_semaphore, #tpu.memory_space<semaphore_mem>>) src(%dma_wait3A_51 : memref<80x128xi32, #tpu.memory_space<hbm>>) dst(%arg4 : memref<80x128xi32, #tpu.memory_space<vmem>>)
      tpu.yield
    }) : () -> ()
    %scan3A = arith.constant 0 : i32
    %scan3A_1 = arith.constant 0 : i32
    %scan3A_2 = arith.constant 128 : i32
    %scan3A_3 = arith.addi %scan3A_1, %scan3A_2 : i32
    %scan3A_4 = arith.constant 1 : i32
    scf.for %scan3A_42 = %scan3A_1 to %scan3A_3 step %scan3A_4  : i32 {
      %broadcast_in_dim3A = arith.constant 0.000000e+00 : f32
      %broadcast_in_dim3A_43 = vector.broadcast %broadcast_in_dim3A : f32 to vector<16xf32>
      %swap3A = arith.index_cast %scan3A_42 : i32 to index
      %swap3A_44 = arith.constant 0 : index
      %swap3A_45 = tpu.vector_load %arg6[%swap3A, %swap3A_44] {strides = array<i32>} : memref<128x16xf32, #tpu.memory_space<vmem>>, vector<1x16xf32>,
      %swap3A_46 = vector.shape_cast %swap3A_45 : vector<1x16xf32> to vector<16xf32>
      %swap3A_47 = vector.shape_cast %broadcast_in_dim3A_43 : vector<16xf32> to vector<1x16xf32>
      tpu.vector_store %arg6[%swap3A, %swap3A_44], %swap3A_47 {strides = array<i32>} : memref<128x16xf32, #tpu.memory_space<vmem>>, vector<1x16xf32>,
    }
    %scan3A_5 = arith.constant 128 : i32
    %scan3A_6 = arith.constant 0 : i32
    %scan3A_7 = arith.constant 0 : i32
    %scan3A_8 = arith.constant 128 : i32
    %scan3A_9 = arith.addi %scan3A_7, %scan3A_8 : i32
    %scan3A_10 = arith.constant 1 : i32
    scf.for %scan3A_42 = %scan3A_7 to %scan3A_9 step %scan3A_10  : i32 {
      %broadcast_in_dim3A = arith.constant 1.000000e+00 : f32
      %broadcast_in_dim3A_43 = vector.broadcast %broadcast_in_dim3A : f32 to vector<16xf32>
      %swap3A = arith.index_cast %scan3A_42 : i32 to index
      %swap3A_44 = arith.constant 0 : index
      %swap3A_45 = tpu.vector_load %arg5[%swap3A, %swap3A_44] {strides = array<i32>} : memref<128x16xf32, #tpu.memory_space<vmem>>, vector<1x16xf32>,
      %swap3A_46 = vector.shape_cast %swap3A_45 : vector<1x16xf32> to vector<16xf32>
      %swap3A_47 = vector.shape_cast %broadcast_in_dim3A_43 : vector<16xf32> to vector<1x16xf32>
      tpu.vector_store %arg5[%swap3A, %swap3A_44], %swap3A_47 {strides = array<i32>} : memref<128x16xf32, #tpu.memory_space<vmem>>, vector<1x16xf32>,
    }
    %scan3A_11 = arith.constant 128 : i32
    %mul3A_12 = arith.constant 640 : i32
    %mul3A_13 = arith.muli %arg1, %mul3A_12 : i32
    %add3A = arith.constant 0 : i32
    %add3A_14 = arith.addi %mul3A_13, %add3A : i32
    "tpu.region"() ({
      %run_scoped3A = tpu.sem_alloc : memref<!tpu.dma_semaphore, #tpu.memory_space<semaphore_mem>>
      %dma_start3A = arith.constant 0 : i32
      %dma_start3A_42 = tpu.memref_slice %arg7[%add3A_14, %dma_start3A] : memref<10240x16xf32, #tpu.memory_space<vmem_shared>> -> memref<128x16xf32, #tpu.memory_space<vmem_shared>>
      %dma_start3A_43 = arith.constant 0 : i32
      %dma_start3A_44 = tpu.memref_slice %arg7[%add3A_14, %dma_start3A_43] : memref<10240x16xf32, #tpu.memory_space<vmem_shared>> -> memref<128x16xf32, #tpu.memory_space<vmem_shared>>
      tpu.enqueue_dma source(%arg6 : memref<128x16xf32, #tpu.memory_space<vmem>>) target(%dma_start3A_44 : memref<128x16xf32, #tpu.memory_space<vmem_shared>>) target_semaphore(%run_scoped3A : memref<!tpu.dma_semaphore, #tpu.memory_space<semaphore_mem>>)
      %dma_wait3A = arith.constant 0 : i32
      %dma_wait3A_45 = tpu.memref_slice %arg7[%add3A_14, %dma_wait3A] : memref<10240x16xf32, #tpu.memory_space<vmem_shared>> -> memref<128x16xf32, #tpu.memory_space<vmem_shared>>
      %dma_wait3A_46 = arith.constant 0 : i32
      %dma_wait3A_47 = tpu.memref_slice %arg7[%add3A_14, %dma_wait3A_46] : memref<10240x16xf32, #tpu.memory_space<vmem_shared>> -> memref<128x16xf32, #tpu.memory_space<vmem_shared>>
      tpu.wait_dma2 semaphore(%run_scoped3A : memref<!tpu.dma_semaphore, #tpu.memory_space<semaphore_mem>>) src(%arg6 : memref<128x16xf32, #tpu.memory_space<vmem>>) dst(%dma_wait3A_47 : memref<128x16xf32, #tpu.memory_space<vmem_shared>>)
      tpu.yield
    }) : () -> ()
    %mul3A_15 = arith.constant 640 : i32
    %mul3A_16 = arith.muli %arg1, %mul3A_15 : i32
    %add3A_17 = arith.constant 128 : i32
    %add3A_18 = arith.addi %mul3A_16, %add3A_17 : i32
    "tpu.region"() ({
      %run_scoped3A = tpu.sem_alloc : memref<!tpu.dma_semaphore, #tpu.memory_space<semaphore_mem>>
      %dma_start3A = arith.constant 0 : i32
      %dma_start3A_42 = tpu.memref_slice %arg7[%add3A_18, %dma_start3A] : memref<10240x16xf32, #tpu.memory_space<vmem_shared>> -> memref<128x16xf32, #tpu.memory_space<vmem_shared>>
      %dma_start3A_43 = arith.constant 0 : i32
      %dma_start3A_44 = tpu.memref_slice %arg7[%add3A_18, %dma_start3A_43] : memref<10240x16xf32, #tpu.memory_space<vmem_shared>> -> memref<128x16xf32, #tpu.memory_space<vmem_shared>>
      tpu.enqueue_dma source(%arg6 : memref<128x16xf32, #tpu.memory_space<vmem>>) target(%dma_start3A_44 : memref<128x16xf32, #tpu.memory_space<vmem_shared>>) target_semaphore(%run_scoped3A : memref<!tpu.dma_semaphore, #tpu.memory_space<semaphore_mem>>)
      %dma_wait3A = arith.constant 0 : i32
      %dma_wait3A_45 = tpu.memref_slice %arg7[%add3A_18, %dma_wait3A] : memref<10240x16xf32, #tpu.memory_space<vmem_shared>> -> memref<128x16xf32, #tpu.memory_space<vmem_shared>>
      %dma_wait3A_46 = arith.constant 0 : i32
      %dma_wait3A_47 = tpu.memref_slice %arg7[%add3A_18, %dma_wait3A_46] : memref<10240x16xf32, #tpu.memory_space<vmem_shared>> -> memref<128x16xf32, #tpu.memory_space<vmem_shared>>
      tpu.wait_dma2 semaphore(%run_scoped3A : memref<!tpu.dma_semaphore, #tpu.memory_space<semaphore_mem>>) src(%arg6 : memref<128x16xf32, #tpu.memory_space<vmem>>) dst(%dma_wait3A_47 : memref<128x16xf32, #tpu.memory_space<vmem_shared>>)
      tpu.yield
    }) : () -> ()
    %mul3A_19 = arith.constant 640 : i32
    %mul3A_20 = arith.muli %arg1, %mul3A_19 : i32
    %add3A_21 = arith.constant 256 : i32
    %add3A_22 = arith.addi %mul3A_20, %add3A_21 : i32
    "tpu.region"() ({
      %run_scoped3A = tpu.sem_alloc : memref<!tpu.dma_semaphore, #tpu.memory_space<semaphore_mem>>
      %dma_start3A = arith.constant 0 : i32
      %dma_start3A_42 = tpu.memref_slice %arg7[%add3A_22, %dma_start3A] : memref<10240x16xf32, #tpu.memory_space<vmem_shared>> -> memref<128x16xf32, #tpu.memory_space<vmem_shared>>
      %dma_start3A_43 = arith.constant 0 : i32
      %dma_start3A_44 = tpu.memref_slice %arg7[%add3A_22, %dma_start3A_43] : memref<10240x16xf32, #tpu.memory_space<vmem_shared>> -> memref<128x16xf32, #tpu.memory_space<vmem_shared>>
      tpu.enqueue_dma source(%arg6 : memref<128x16xf32, #tpu.memory_space<vmem>>) target(%dma_start3A_44 : memref<128x16xf32, #tpu.memory_space<vmem_shared>>) target_semaphore(%run_scoped3A : memref<!tpu.dma_semaphore, #tpu.memory_space<semaphore_mem>>)
      %dma_wait3A = arith.constant 0 : i32
      %dma_wait3A_45 = tpu.memref_slice %arg7[%add3A_22, %dma_wait3A] : memref<10240x16xf32, #tpu.memory_space<vmem_shared>> -> memref<128x16xf32, #tpu.memory_space<vmem_shared>>
      %dma_wait3A_46 = arith.constant 0 : i32
      %dma_wait3A_47 = tpu.memref_slice %arg7[%add3A_22, %dma_wait3A_46] : memref<10240x16xf32, #tpu.memory_space<vmem_shared>> -> memref<128x16xf32, #tpu.memory_space<vmem_shared>>
      tpu.wait_dma2 semaphore(%run_scoped3A : memref<!tpu.dma_semaphore, #tpu.memory_space<semaphore_mem>>) src(%arg6 : memref<128x16xf32, #tpu.memory_space<vmem>>) dst(%dma_wait3A_47 : memref<128x16xf32, #tpu.memory_space<vmem_shared>>)
      tpu.yield
    }) : () -> ()
    %mul3A_23 = arith.constant 640 : i32
    %mul3A_24 = arith.muli %arg1, %mul3A_23 : i32
    %add3A_25 = arith.constant 384 : i32
    %add3A_26 = arith.addi %mul3A_24, %add3A_25 : i32
    "tpu.region"() ({
      %run_scoped3A = tpu.sem_alloc : memref<!tpu.dma_semaphore, #tpu.memory_space<semaphore_mem>>
      %dma_start3A = arith.constant 0 : i32
      %dma_start3A_42 = tpu.memref_slice %arg7[%add3A_26, %dma_start3A] : memref<10240x16xf32, #tpu.memory_space<vmem_shared>> -> memref<128x16xf32, #tpu.memory_space<vmem_shared>>
      %dma_start3A_43 = arith.constant 0 : i32
      %dma_start3A_44 = tpu.memref_slice %arg7[%add3A_26, %dma_start3A_43] : memref<10240x16xf32, #tpu.memory_space<vmem_shared>> -> memref<128x16xf32, #tpu.memory_space<vmem_shared>>
      tpu.enqueue_dma source(%arg6 : memref<128x16xf32, #tpu.memory_space<vmem>>) target(%dma_start3A_44 : memref<128x16xf32, #tpu.memory_space<vmem_shared>>) target_semaphore(%run_scoped3A : memref<!tpu.dma_semaphore, #tpu.memory_space<semaphore_mem>>)
      %dma_wait3A = arith.constant 0 : i32
      %dma_wait3A_45 = tpu.memref_slice %arg7[%add3A_26, %dma_wait3A] : memref<10240x16xf32, #tpu.memory_space<vmem_shared>> -> memref<128x16xf32, #tpu.memory_space<vmem_shared>>
      %dma_wait3A_46 = arith.constant 0 : i32
      %dma_wait3A_47 = tpu.memref_slice %arg7[%add3A_26, %dma_wait3A_46] : memref<10240x16xf32, #tpu.memory_space<vmem_shared>> -> memref<128x16xf32, #tpu.memory_space<vmem_shared>>
      tpu.wait_dma2 semaphore(%run_scoped3A : memref<!tpu.dma_semaphore, #tpu.memory_space<semaphore_mem>>) src(%arg6 : memref<128x16xf32, #tpu.memory_space<vmem>>) dst(%dma_wait3A_47 : memref<128x16xf32, #tpu.memory_space<vmem_shared>>)
      tpu.yield
    }) : () -> ()
    %mul3A_27 = arith.constant 640 : i32
    %mul3A_28 = arith.muli %arg1, %mul3A_27 : i32
    %add3A_29 = arith.constant 512 : i32
    %add3A_30 = arith.addi %mul3A_28, %add3A_29 : i32
    "tpu.region"() ({
      %run_scoped3A = tpu.sem_alloc : memref<!tpu.dma_semaphore, #tpu.memory_space<semaphore_mem>>
      %dma_start3A = arith.constant 0 : i32
      %dma_start3A_42 = tpu.memref_slice %arg7[%add3A_30, %dma_start3A] : memref<10240x16xf32, #tpu.memory_space<vmem_shared>> -> memref<128x16xf32, #tpu.memory_space<vmem_shared>>
      %dma_start3A_43 = arith.constant 0 : i32
      %dma_start3A_44 = tpu.memref_slice %arg7[%add3A_30, %dma_start3A_43] : memref<10240x16xf32, #tpu.memory_space<vmem_shared>> -> memref<128x16xf32, #tpu.memory_space<vmem_shared>>
      tpu.enqueue_dma source(%arg6 : memref<128x16xf32, #tpu.memory_space<vmem>>) target(%dma_start3A_44 : memref<128x16xf32, #tpu.memory_space<vmem_shared>>) target_semaphore(%run_scoped3A : memref<!tpu.dma_semaphore, #tpu.memory_space<semaphore_mem>>)
      %dma_wait3A = arith.constant 0 : i32
      %dma_wait3A_45 = tpu.memref_slice %arg7[%add3A_30, %dma_wait3A] : memref<10240x16xf32, #tpu.memory_space<vmem_shared>> -> memref<128x16xf32, #tpu.memory_space<vmem_shared>>
      %dma_wait3A_46 = arith.constant 0 : i32
      %dma_wait3A_47 = tpu.memref_slice %arg7[%add3A_30, %dma_wait3A_46] : memref<10240x16xf32, #tpu.memory_space<vmem_shared>> -> memref<128x16xf32, #tpu.memory_space<vmem_shared>>
      tpu.wait_dma2 semaphore(%run_scoped3A : memref<!tpu.dma_semaphore, #tpu.memory_space<semaphore_mem>>) src(%arg6 : memref<128x16xf32, #tpu.memory_space<vmem>>) dst(%dma_wait3A_47 : memref<128x16xf32, #tpu.memory_space<vmem_shared>>)
      tpu.yield
    }) : () -> ()
    %barrier3A = arith.constant 0 : index
    tpu.barrier barrier_id(%barrier3A)
    %scan3A_31 = arith.constant 0 : i32
    %scan3A_32 = arith.constant 0 : i32
    %scan3A_33 = arith.constant 80 : i32
    %scan3A_34 = arith.addi %scan3A_32, %scan3A_33 : i32
    %scan3A_35 = arith.constant 1 : i32
    scf.for %scan3A_42 = %scan3A_32 to %scan3A_34 step %scan3A_35  : i32 {
      "tpu.region"() ({
        %run_scoped3A = tpu.sem_alloc : memref<!tpu.dma_semaphore, #tpu.memory_space<semaphore_mem>>
        %dma_start3A = arith.constant 0 : i32
        %dma_start3A_43 = tpu.memref_slice %arg4[%scan3A_42, %dma_start3A] : memref<80x128xi32, #tpu.memory_space<vmem>> -> memref<1x128xi32, #tpu.memory_space<vmem>>
        %dma_start3A_44 = tpu.memref_squeeze %dma_start3A_43 : memref<1x128xi32, #tpu.memory_space<vmem>> -> memref<128xi32, #tpu.memory_space<vmem>>
        %dma_start3A_45 = arith.constant 0 : i32
        %dma_start3A_46 = arith.constant 0 : i32
        %dma_start3A_47 = tpu.memref_slice %arg7[%dma_start3A_45, %dma_start3A_46] : memref<10240x16xf32, #tpu.memory_space<vmem_shared>> -> memref<10240x16xf32, #tpu.memory_space<vmem_shared>>
        tpu.enqueue_indirect_dma source(%arg5 : memref<128x16xf32, #tpu.memory_space<vmem>>) target(%dma_start3A_47 : memref<10240x16xf32, #tpu.memory_space<vmem_shared>>) offsets(%dma_start3A_44 : memref<128xi32, #tpu.memory_space<vmem>>) semaphore(%run_scoped3A : memref<!tpu.dma_semaphore, #tpu.memory_space<semaphore_mem>>) {add = true}
        %dma_wait3A = arith.constant 0 : i32
        %dma_wait3A_48 = tpu.memref_slice %arg4[%scan3A_42, %dma_wait3A] : memref<80x128xi32, #tpu.memory_space<vmem>> -> memref<1x128xi32, #tpu.memory_space<vmem>>
        %dma_wait3A_49 = tpu.memref_squeeze %dma_wait3A_48 : memref<1x128xi32, #tpu.memory_space<vmem>> -> memref<128xi32, #tpu.memory_space<vmem>>
        %dma_wait3A_50 = arith.constant 0 : i32
        %dma_wait3A_51 = arith.constant 0 : i32
        %dma_wait3A_52 = tpu.memref_slice %arg7[%dma_wait3A_50, %dma_wait3A_51] : memref<10240x16xf32, #tpu.memory_space<vmem_shared>> -> memref<10240x16xf32, #tpu.memory_space<vmem_shared>>
        tpu.wait_indirect_dma semaphore(%run_scoped3A : memref<!tpu.dma_semaphore, #tpu.memory_space<semaphore_mem>>) src(%arg5 : memref<128x16xf32, #tpu.memory_space<vmem>>) dst(%dma_wait3A_52 : memref<10240x16xf32, #tpu.memory_space<vmem_shared>>)
        tpu.yield
      }) : () -> ()
    }
    %scan3A_36 = arith.constant 80 : i32
    %barrier3A_37 = arith.constant 0 : index
    tpu.barrier barrier_id(%barrier3A_37)
    %mul3A_38 = arith.constant 640 : i32
    %mul3A_39 = arith.muli %arg1, %mul3A_38 : i32
    %mul3A_40 = arith.constant 640 : i32
    %mul3A_41 = arith.muli %arg1, %mul3A_40 : i32
    "tpu.region"() ({
      %run_scoped3A = tpu.sem_alloc : memref<!tpu.dma_semaphore, #tpu.memory_space<semaphore_mem>>
      %dma_start3A = arith.constant 0 : i32
      %dma_start3A_42 = tpu.memref_slice %arg3[%arg0, %mul3A_41, %dma_start3A] : memref<2x10240x16xf32, #tpu.memory_space<hbm>> -> memref<1x640x16xf32, #tpu.memory_space<hbm>>
      %dma_start3A_43 = tpu.memref_squeeze %dma_start3A_42 : memref<1x640x16xf32, #tpu.memory_space<hbm>> -> memref<640x16xf32, #tpu.memory_space<hbm>>
      %dma_start3A_44 = arith.constant 0 : i32
      %dma_start3A_45 = tpu.memref_slice %arg7[%mul3A_39, %dma_start3A_44] : memref<10240x16xf32, #tpu.memory_space<vmem_shared>> -> memref<640x16xf32, #tpu.memory_space<vmem_shared>>
      tpu.enqueue_dma source(%dma_start3A_45 : memref<640x16xf32, #tpu.memory_space<vmem_shared>>) target(%dma_start3A_43 : memref<640x16xf32, #tpu.memory_space<hbm>>) target_semaphore(%run_scoped3A : memref<!tpu.dma_semaphore, #tpu.memory_space<semaphore_mem>>)
      %dma_wait3A = arith.constant 0 : i32
      %dma_wait3A_46 = tpu.memref_slice %arg3[%arg0, %mul3A_41, %dma_wait3A] : memref<2x10240x16xf32, #tpu.memory_space<hbm>> -> memref<1x640x16xf32, #tpu.memory_space<hbm>>
      %dma_wait3A_47 = tpu.memref_squeeze %dma_wait3A_46 : memref<1x640x16xf32, #tpu.memory_space<hbm>> -> memref<640x16xf32, #tpu.memory_space<hbm>>
      %dma_wait3A_48 = arith.constant 0 : i32
      %dma_wait3A_49 = tpu.memref_slice %arg7[%mul3A_39, %dma_wait3A_48] : memref<10240x16xf32, #tpu.memory_space<vmem_shared>> -> memref<640x16xf32, #tpu.memory_space<vmem_shared>>
      tpu.wait_dma2 semaphore(%run_scoped3A : memref<!tpu.dma_semaphore, #tpu.memory_space<semaphore_mem>>) src(%dma_wait3A_49 : memref<640x16xf32, #tpu.memory_space<vmem_shared>>) dst(%dma_wait3A_47 : memref<640x16xf32, #tpu.memory_space<hbm>>)
      tpu.yield
    }) : () -> ()
    return
  }
}

#map = affine_map<(d0, d1) -> (0, 0, 0)>
#map1 = affine_map<(d0, d1) -> (0, 0)>
module attributes {stable_mosaic.version = 14 : i64} {
  func.func @body(%arg0: i32, %arg1: i32, %arg2: memref<16x160x128xi32, #tpu.memory_space<hbm>>, %arg3: memref<16x160x128xi32, #tpu.memory_space<hbm>>, %arg4: memref<10000x64xf32, #tpu.memory_space<hbm>>, %arg5: memref<10000x64xf32, #tpu.memory_space<hbm>>, %arg6: memref<2x10240x64xf32, #tpu.memory_space<hbm>>, %arg7: memref<160x128xi32, #tpu.memory_space<vmem>>, %arg8: memref<160x128xi32, #tpu.memory_space<vmem>>, %arg9: memref<128x64xf32, #tpu.memory_space<vmem>>, %arg10: memref<128x64xf32, #tpu.memory_space<vmem>>, %arg11: memref<128x64xf32, #tpu.memory_space<vmem>>, %arg12: memref<128x64xf32, #tpu.memory_space<vmem>>, %arg13: memref<128x64xf32, #tpu.memory_space<vmem>>, %arg14: memref<10240x64xf32, #tpu.memory_space<vmem_shared>>, %arg15: memref<!tpu.dma_semaphore, #tpu.memory_space<semaphore_mem>>, %arg16: memref<!tpu.dma_semaphore, #tpu.memory_space<semaphore_mem>>, %arg17: memref<!tpu.dma_semaphore, #tpu.memory_space<semaphore_mem>>, %arg18: memref<!tpu.dma_semaphore, #tpu.memory_space<semaphore_mem>>, %arg19: memref<!tpu.dma_semaphore, #tpu.memory_space<semaphore_mem>>, %arg20: memref<!tpu.dma_semaphore, #tpu.memory_space<semaphore_mem>>, %arg21: memref<!tpu.dma_semaphore, #tpu.memory_space<semaphore_mem>>, %arg22: memref<!tpu.dma_semaphore, #tpu.memory_space<semaphore_mem>>) attributes {dimension_semantics = [#tpu.dimension_semantics<core_parallel>, #tpu.dimension_semantics<subcore_parallel>], iteration_bounds = array<i64: 2, 16>, scalar_prefetch = 0 : i64, scratch_operands = 16 : i64, tpu.core_type = #tpu.core_type<sc_vector_subcore>, window_params = [{transform_indices = #map}, {transform_indices = #map}, {transform_indices = #map1}, {transform_indices = #map1}, {transform_indices = #map}]} {
    "tpu.region"() ({
      %run_scoped3A = tpu.sem_alloc : memref<!tpu.dma_semaphore, #tpu.memory_space<semaphore_mem>>
      %dma_start3A = arith.constant 0 : i32
      %dma_start3A_45 = arith.constant 0 : i32
      %dma_start3A_46 = tpu.memref_slice %arg2[%arg1, %dma_start3A, %dma_start3A_45] : memref<16x160x128xi32, #tpu.memory_space<hbm>> -> memref<1x160x128xi32, #tpu.memory_space<hbm>>
      %dma_start3A_47 = tpu.memref_squeeze %dma_start3A_46 : memref<1x160x128xi32, #tpu.memory_space<hbm>> -> memref<160x128xi32, #tpu.memory_space<hbm>>
      %dma_start3A_48 = arith.constant 0 : i32
      %dma_start3A_49 = arith.constant 0 : i32
      %dma_start3A_50 = tpu.memref_slice %arg2[%arg1, %dma_start3A_48, %dma_start3A_49] : memref<16x160x128xi32, #tpu.memory_space<hbm>> -> memref<1x160x128xi32, #tpu.memory_space<hbm>>
      %dma_start3A_51 = tpu.memref_squeeze %dma_start3A_50 : memref<1x160x128xi32, #tpu.memory_space<hbm>> -> memref<160x128xi32, #tpu.memory_space<hbm>>
      tpu.enqueue_dma source(%dma_start3A_51 : memref<160x128xi32, #tpu.memory_space<hbm>>) target(%arg7 : memref<160x128xi32, #tpu.memory_space<vmem>>) target_semaphore(%run_scoped3A : memref<!tpu.dma_semaphore, #tpu.memory_space<semaphore_mem>>)
      %dma_wait3A = arith.constant 0 : i32
      %dma_wait3A_52 = arith.constant 0 : i32
      %dma_wait3A_53 = tpu.memref_slice %arg2[%arg1, %dma_wait3A, %dma_wait3A_52] : memref<16x160x128xi32, #tpu.memory_space<hbm>> -> memref<1x160x128xi32, #tpu.memory_space<hbm>>
      %dma_wait3A_54 = tpu.memref_squeeze %dma_wait3A_53 : memref<1x160x128xi32, #tpu.memory_space<hbm>> -> memref<160x128xi32, #tpu.memory_space<hbm>>
      %dma_wait3A_55 = arith.constant 0 : i32
      %dma_wait3A_56 = arith.constant 0 : i32
      %dma_wait3A_57 = tpu.memref_slice %arg2[%arg1, %dma_wait3A_55, %dma_wait3A_56] : memref<16x160x128xi32, #tpu.memory_space<hbm>> -> memref<1x160x128xi32, #tpu.memory_space<hbm>>
      %dma_wait3A_58 = tpu.memref_squeeze %dma_wait3A_57 : memref<1x160x128xi32, #tpu.memory_space<hbm>> -> memref<160x128xi32, #tpu.memory_space<hbm>>
      tpu.wait_dma2 semaphore(%run_scoped3A : memref<!tpu.dma_semaphore, #tpu.memory_space<semaphore_mem>>) src(%dma_wait3A_58 : memref<160x128xi32, #tpu.memory_space<hbm>>) dst(%arg7 : memref<160x128xi32, #tpu.memory_space<vmem>>)
      tpu.yield
    }) : () -> ()
    "tpu.region"() ({
      %run_scoped3A = tpu.sem_alloc : memref<!tpu.dma_semaphore, #tpu.memory_space<semaphore_mem>>
      %dma_start3A = arith.constant 0 : i32
      %dma_start3A_45 = arith.constant 0 : i32
      %dma_start3A_46 = tpu.memref_slice %arg3[%arg1, %dma_start3A, %dma_start3A_45] : memref<16x160x128xi32, #tpu.memory_space<hbm>> -> memref<1x160x128xi32, #tpu.memory_space<hbm>>
      %dma_start3A_47 = tpu.memref_squeeze %dma_start3A_46 : memref<1x160x128xi32, #tpu.memory_space<hbm>> -> memref<160x128xi32, #tpu.memory_space<hbm>>
      %dma_start3A_48 = arith.constant 0 : i32
      %dma_start3A_49 = arith.constant 0 : i32
      %dma_start3A_50 = tpu.memref_slice %arg3[%arg1, %dma_start3A_48, %dma_start3A_49] : memref<16x160x128xi32, #tpu.memory_space<hbm>> -> memref<1x160x128xi32, #tpu.memory_space<hbm>>
      %dma_start3A_51 = tpu.memref_squeeze %dma_start3A_50 : memref<1x160x128xi32, #tpu.memory_space<hbm>> -> memref<160x128xi32, #tpu.memory_space<hbm>>
      tpu.enqueue_dma source(%dma_start3A_51 : memref<160x128xi32, #tpu.memory_space<hbm>>) target(%arg8 : memref<160x128xi32, #tpu.memory_space<vmem>>) target_semaphore(%run_scoped3A : memref<!tpu.dma_semaphore, #tpu.memory_space<semaphore_mem>>)
      %dma_wait3A = arith.constant 0 : i32
      %dma_wait3A_52 = arith.constant 0 : i32
      %dma_wait3A_53 = tpu.memref_slice %arg3[%arg1, %dma_wait3A, %dma_wait3A_52] : memref<16x160x128xi32, #tpu.memory_space<hbm>> -> memref<1x160x128xi32, #tpu.memory_space<hbm>>
      %dma_wait3A_54 = tpu.memref_squeeze %dma_wait3A_53 : memref<1x160x128xi32, #tpu.memory_space<hbm>> -> memref<160x128xi32, #tpu.memory_space<hbm>>
      %dma_wait3A_55 = arith.constant 0 : i32
      %dma_wait3A_56 = arith.constant 0 : i32
      %dma_wait3A_57 = tpu.memref_slice %arg3[%arg1, %dma_wait3A_55, %dma_wait3A_56] : memref<16x160x128xi32, #tpu.memory_space<hbm>> -> memref<1x160x128xi32, #tpu.memory_space<hbm>>
      %dma_wait3A_58 = tpu.memref_squeeze %dma_wait3A_57 : memref<1x160x128xi32, #tpu.memory_space<hbm>> -> memref<160x128xi32, #tpu.memory_space<hbm>>
      tpu.wait_dma2 semaphore(%run_scoped3A : memref<!tpu.dma_semaphore, #tpu.memory_space<semaphore_mem>>) src(%dma_wait3A_58 : memref<160x128xi32, #tpu.memory_space<hbm>>) dst(%arg8 : memref<160x128xi32, #tpu.memory_space<vmem>>)
      tpu.yield
    }) : () -> ()
    %eq3A = arith.constant 0 : i32
    %eq3A_0 = arith.cmpi eq, %arg0, %eq3A : i32
    %convert_element_type3A = arith.extui %eq3A_0 : i1 to i32
    %cond3A = arith.constant 0 : i32
    %cond3A_1 = arith.cmpi ne, %convert_element_type3A, %cond3A : i32
    scf.if %cond3A_1 {
      %dma_start3A = arith.constant 0 : i32
      %dma_start3A_45 = arith.constant 0 : i32
      %dma_start3A_46 = tpu.memref_slice %arg7[%dma_start3A, %dma_start3A_45] : memref<160x128xi32, #tpu.memory_space<vmem>> -> memref<1x128xi32, #tpu.memory_space<vmem>>
      %dma_start3A_47 = tpu.memref_squeeze %dma_start3A_46 : memref<1x128xi32, #tpu.memory_space<vmem>> -> memref<128xi32, #tpu.memory_space<vmem>>
      %dma_start3A_48 = arith.constant 0 : i32
      %dma_start3A_49 = arith.constant 0 : i32
      %dma_start3A_50 = tpu.memref_slice %arg4[%dma_start3A_48, %dma_start3A_49] : memref<10000x64xf32, #tpu.memory_space<hbm>> -> memref<10000x64xf32, #tpu.memory_space<hbm>>
      tpu.enqueue_indirect_dma source(%dma_start3A_50 : memref<10000x64xf32, #tpu.memory_space<hbm>>) target(%arg9 : memref<128x64xf32, #tpu.memory_space<vmem>>) offsets(%dma_start3A_47 : memref<128xi32, #tpu.memory_space<vmem>>) semaphore(%arg15 : memref<!tpu.dma_semaphore, #tpu.memory_space<semaphore_mem>>)
      %dma_start3A_51 = arith.constant 1 : i32
      %dma_start3A_52 = arith.constant 0 : i32
      %dma_start3A_53 = tpu.memref_slice %arg7[%dma_start3A_51, %dma_start3A_52] : memref<160x128xi32, #tpu.memory_space<vmem>> -> memref<1x128xi32, #tpu.memory_space<vmem>>
      %dma_start3A_54 = tpu.memref_squeeze %dma_start3A_53 : memref<1x128xi32, #tpu.memory_space<vmem>> -> memref<128xi32, #tpu.memory_space<vmem>>
      %dma_start3A_55 = arith.constant 0 : i32
      %dma_start3A_56 = arith.constant 0 : i32
      %dma_start3A_57 = tpu.memref_slice %arg4[%dma_start3A_55, %dma_start3A_56] : memref<10000x64xf32, #tpu.memory_space<hbm>> -> memref<10000x64xf32, #tpu.memory_space<hbm>>
      tpu.enqueue_indirect_dma source(%dma_start3A_57 : memref<10000x64xf32, #tpu.memory_space<hbm>>) target(%arg10 : memref<128x64xf32, #tpu.memory_space<vmem>>) offsets(%dma_start3A_54 : memref<128xi32, #tpu.memory_space<vmem>>) semaphore(%arg16 : memref<!tpu.dma_semaphore, #tpu.memory_space<semaphore_mem>>)
      %dma_start3A_58 = arith.constant 2 : i32
      %dma_start3A_59 = arith.constant 0 : i32
      %dma_start3A_60 = tpu.memref_slice %arg7[%dma_start3A_58, %dma_start3A_59] : memref<160x128xi32, #tpu.memory_space<vmem>> -> memref<1x128xi32, #tpu.memory_space<vmem>>
      %dma_start3A_61 = tpu.memref_squeeze %dma_start3A_60 : memref<1x128xi32, #tpu.memory_space<vmem>> -> memref<128xi32, #tpu.memory_space<vmem>>
      %dma_start3A_62 = arith.constant 0 : i32
      %dma_start3A_63 = arith.constant 0 : i32
      %dma_start3A_64 = tpu.memref_slice %arg4[%dma_start3A_62, %dma_start3A_63] : memref<10000x64xf32, #tpu.memory_space<hbm>> -> memref<10000x64xf32, #tpu.memory_space<hbm>>
      tpu.enqueue_indirect_dma source(%dma_start3A_64 : memref<10000x64xf32, #tpu.memory_space<hbm>>) target(%arg11 : memref<128x64xf32, #tpu.memory_space<vmem>>) offsets(%dma_start3A_61 : memref<128xi32, #tpu.memory_space<vmem>>) semaphore(%arg17 : memref<!tpu.dma_semaphore, #tpu.memory_space<semaphore_mem>>)
    } else {
    }
    %eq3A_2 = arith.constant 1 : i32
    %eq3A_3 = arith.cmpi eq, %arg0, %eq3A_2 : i32
    %convert_element_type3A_4 = arith.extui %eq3A_3 : i1 to i32
    %cond3A_5 = arith.constant 0 : i32
    %cond3A_6 = arith.cmpi ne, %convert_element_type3A_4, %cond3A_5 : i32
    scf.if %cond3A_6 {
      %dma_start3A = arith.constant 0 : i32
      %dma_start3A_45 = arith.constant 0 : i32
      %dma_start3A_46 = tpu.memref_slice %arg7[%dma_start3A, %dma_start3A_45] : memref<160x128xi32, #tpu.memory_space<vmem>> -> memref<1x128xi32, #tpu.memory_space<vmem>>
      %dma_start3A_47 = tpu.memref_squeeze %dma_start3A_46 : memref<1x128xi32, #tpu.memory_space<vmem>> -> memref<128xi32, #tpu.memory_space<vmem>>
      %dma_start3A_48 = arith.constant 0 : i32
      %dma_start3A_49 = arith.constant 0 : i32
      %dma_start3A_50 = tpu.memref_slice %arg5[%dma_start3A_48, %dma_start3A_49] : memref<10000x64xf32, #tpu.memory_space<hbm>> -> memref<10000x64xf32, #tpu.memory_space<hbm>>
      tpu.enqueue_indirect_dma source(%dma_start3A_50 : memref<10000x64xf32, #tpu.memory_space<hbm>>) target(%arg9 : memref<128x64xf32, #tpu.memory_space<vmem>>) offsets(%dma_start3A_47 : memref<128xi32, #tpu.memory_space<vmem>>) semaphore(%arg15 : memref<!tpu.dma_semaphore, #tpu.memory_space<semaphore_mem>>)
      %dma_start3A_51 = arith.constant 1 : i32
      %dma_start3A_52 = arith.constant 0 : i32
      %dma_start3A_53 = tpu.memref_slice %arg7[%dma_start3A_51, %dma_start3A_52] : memref<160x128xi32, #tpu.memory_space<vmem>> -> memref<1x128xi32, #tpu.memory_space<vmem>>
      %dma_start3A_54 = tpu.memref_squeeze %dma_start3A_53 : memref<1x128xi32, #tpu.memory_space<vmem>> -> memref<128xi32, #tpu.memory_space<vmem>>
      %dma_start3A_55 = arith.constant 0 : i32
      %dma_start3A_56 = arith.constant 0 : i32
      %dma_start3A_57 = tpu.memref_slice %arg5[%dma_start3A_55, %dma_start3A_56] : memref<10000x64xf32, #tpu.memory_space<hbm>> -> memref<10000x64xf32, #tpu.memory_space<hbm>>
      tpu.enqueue_indirect_dma source(%dma_start3A_57 : memref<10000x64xf32, #tpu.memory_space<hbm>>) target(%arg10 : memref<128x64xf32, #tpu.memory_space<vmem>>) offsets(%dma_start3A_54 : memref<128xi32, #tpu.memory_space<vmem>>) semaphore(%arg16 : memref<!tpu.dma_semaphore, #tpu.memory_space<semaphore_mem>>)
      %dma_start3A_58 = arith.constant 2 : i32
      %dma_start3A_59 = arith.constant 0 : i32
      %dma_start3A_60 = tpu.memref_slice %arg7[%dma_start3A_58, %dma_start3A_59] : memref<160x128xi32, #tpu.memory_space<vmem>> -> memref<1x128xi32, #tpu.memory_space<vmem>>
      %dma_start3A_61 = tpu.memref_squeeze %dma_start3A_60 : memref<1x128xi32, #tpu.memory_space<vmem>> -> memref<128xi32, #tpu.memory_space<vmem>>
      %dma_start3A_62 = arith.constant 0 : i32
      %dma_start3A_63 = arith.constant 0 : i32
      %dma_start3A_64 = tpu.memref_slice %arg5[%dma_start3A_62, %dma_start3A_63] : memref<10000x64xf32, #tpu.memory_space<hbm>> -> memref<10000x64xf32, #tpu.memory_space<hbm>>
      tpu.enqueue_indirect_dma source(%dma_start3A_64 : memref<10000x64xf32, #tpu.memory_space<hbm>>) target(%arg11 : memref<128x64xf32, #tpu.memory_space<vmem>>) offsets(%dma_start3A_61 : memref<128xi32, #tpu.memory_space<vmem>>) semaphore(%arg17 : memref<!tpu.dma_semaphore, #tpu.memory_space<semaphore_mem>>)
    } else {
    }
    %scan3A = arith.constant 0 : i32
    %scan3A_7 = arith.constant 0 : i32
    %scan3A_8 = arith.constant 128 : i32
    %scan3A_9 = arith.addi %scan3A_7, %scan3A_8 : i32
    %scan3A_10 = arith.constant 1 : i32
    scf.for %scan3A_45 = %scan3A_7 to %scan3A_9 step %scan3A_10  : i32 {
      %broadcast_in_dim3A = arith.constant 0.000000e+00 : f32
      %broadcast_in_dim3A_46 = vector.broadcast %broadcast_in_dim3A : f32 to vector<16xf32>
      %swap3A = arith.index_cast %scan3A_45 : i32 to index
      %swap3A_47 = arith.constant 0 : index
      %swap3A_48 = tpu.vector_load %arg13[%swap3A, %swap3A_47] {strides = array<i32>} : memref<128x64xf32, #tpu.memory_space<vmem>>, vector<1x16xf32>,
      %swap3A_49 = vector.shape_cast %swap3A_48 : vector<1x16xf32> to vector<16xf32>
      %swap3A_50 = vector.shape_cast %broadcast_in_dim3A_46 : vector<16xf32> to vector<1x16xf32>
      tpu.vector_store %arg13[%swap3A, %swap3A_47], %swap3A_50 {strides = array<i32>} : memref<128x64xf32, #tpu.memory_space<vmem>>, vector<1x16xf32>,
      %broadcast_in_dim3A_51 = arith.constant 0.000000e+00 : f32
      %broadcast_in_dim3A_52 = vector.broadcast %broadcast_in_dim3A_51 : f32 to vector<16xf32>
      %swap3A_53 = arith.index_cast %scan3A_45 : i32 to index
      %swap3A_54 = arith.constant 16 : index
      %swap3A_55 = tpu.vector_load %arg13[%swap3A_53, %swap3A_54] {strides = array<i32>} : memref<128x64xf32, #tpu.memory_space<vmem>>, vector<1x16xf32>,
      %swap3A_56 = vector.shape_cast %swap3A_55 : vector<1x16xf32> to vector<16xf32>
      %swap3A_57 = vector.shape_cast %broadcast_in_dim3A_52 : vector<16xf32> to vector<1x16xf32>
      tpu.vector_store %arg13[%swap3A_53, %swap3A_54], %swap3A_57 {strides = array<i32>} : memref<128x64xf32, #tpu.memory_space<vmem>>, vector<1x16xf32>,
      %broadcast_in_dim3A_58 = arith.constant 0.000000e+00 : f32
      %broadcast_in_dim3A_59 = vector.broadcast %broadcast_in_dim3A_58 : f32 to vector<16xf32>
      %swap3A_60 = arith.index_cast %scan3A_45 : i32 to index
      %swap3A_61 = arith.constant 32 : index
      %swap3A_62 = tpu.vector_load %arg13[%swap3A_60, %swap3A_61] {strides = array<i32>} : memref<128x64xf32, #tpu.memory_space<vmem>>, vector<1x16xf32>,
      %swap3A_63 = vector.shape_cast %swap3A_62 : vector<1x16xf32> to vector<16xf32>
      %swap3A_64 = vector.shape_cast %broadcast_in_dim3A_59 : vector<16xf32> to vector<1x16xf32>
      tpu.vector_store %arg13[%swap3A_60, %swap3A_61], %swap3A_64 {strides = array<i32>} : memref<128x64xf32, #tpu.memory_space<vmem>>, vector<1x16xf32>,
      %broadcast_in_dim3A_65 = arith.constant 0.000000e+00 : f32
      %broadcast_in_dim3A_66 = vector.broadcast %broadcast_in_dim3A_65 : f32 to vector<16xf32>
      %swap3A_67 = arith.index_cast %scan3A_45 : i32 to index
      %swap3A_68 = arith.constant 48 : index
      %swap3A_69 = tpu.vector_load %arg13[%swap3A_67, %swap3A_68] {strides = array<i32>} : memref<128x64xf32, #tpu.memory_space<vmem>>, vector<1x16xf32>,
      %swap3A_70 = vector.shape_cast %swap3A_69 : vector<1x16xf32> to vector<16xf32>
      %swap3A_71 = vector.shape_cast %broadcast_in_dim3A_66 : vector<16xf32> to vector<1x16xf32>
      tpu.vector_store %arg13[%swap3A_67, %swap3A_68], %swap3A_71 {strides = array<i32>} : memref<128x64xf32, #tpu.memory_space<vmem>>, vector<1x16xf32>,
    }
    %scan3A_11 = arith.constant 128 : i32
    %mul3A = arith.constant 640 : i32
    %mul3A_12 = arith.muli %arg1, %mul3A : i32
    %add3A = arith.constant 0 : i32
    %add3A_13 = arith.addi %mul3A_12, %add3A : i32
    "tpu.region"() ({
      %run_scoped3A = tpu.sem_alloc : memref<!tpu.dma_semaphore, #tpu.memory_space<semaphore_mem>>
      %dma_start3A = arith.constant 0 : i32
      %dma_start3A_45 = tpu.memref_slice %arg14[%add3A_13, %dma_start3A] : memref<10240x64xf32, #tpu.memory_space<vmem_shared>> -> memref<128x64xf32, #tpu.memory_space<vmem_shared>>
      %dma_start3A_46 = arith.constant 0 : i32
      %dma_start3A_47 = tpu.memref_slice %arg14[%add3A_13, %dma_start3A_46] : memref<10240x64xf32, #tpu.memory_space<vmem_shared>> -> memref<128x64xf32, #tpu.memory_space<vmem_shared>>
      tpu.enqueue_dma source(%arg13 : memref<128x64xf32, #tpu.memory_space<vmem>>) target(%dma_start3A_47 : memref<128x64xf32, #tpu.memory_space<vmem_shared>>) target_semaphore(%run_scoped3A : memref<!tpu.dma_semaphore, #tpu.memory_space<semaphore_mem>>)
      %dma_wait3A = arith.constant 0 : i32
      %dma_wait3A_48 = tpu.memref_slice %arg14[%add3A_13, %dma_wait3A] : memref<10240x64xf32, #tpu.memory_space<vmem_shared>> -> memref<128x64xf32, #tpu.memory_space<vmem_shared>>
      %dma_wait3A_49 = arith.constant 0 : i32
      %dma_wait3A_50 = tpu.memref_slice %arg14[%add3A_13, %dma_wait3A_49] : memref<10240x64xf32, #tpu.memory_space<vmem_shared>> -> memref<128x64xf32, #tpu.memory_space<vmem_shared>>
      tpu.wait_dma2 semaphore(%run_scoped3A : memref<!tpu.dma_semaphore, #tpu.memory_space<semaphore_mem>>) src(%arg13 : memref<128x64xf32, #tpu.memory_space<vmem>>) dst(%dma_wait3A_50 : memref<128x64xf32, #tpu.memory_space<vmem_shared>>)
      tpu.yield
    }) : () -> ()
    %mul3A_14 = arith.constant 640 : i32
    %mul3A_15 = arith.muli %arg1, %mul3A_14 : i32
    %add3A_16 = arith.constant 128 : i32
    %add3A_17 = arith.addi %mul3A_15, %add3A_16 : i32
    "tpu.region"() ({
      %run_scoped3A = tpu.sem_alloc : memref<!tpu.dma_semaphore, #tpu.memory_space<semaphore_mem>>
      %dma_start3A = arith.constant 0 : i32
      %dma_start3A_45 = tpu.memref_slice %arg14[%add3A_17, %dma_start3A] : memref<10240x64xf32, #tpu.memory_space<vmem_shared>> -> memref<128x64xf32, #tpu.memory_space<vmem_shared>>
      %dma_start3A_46 = arith.constant 0 : i32
      %dma_start3A_47 = tpu.memref_slice %arg14[%add3A_17, %dma_start3A_46] : memref<10240x64xf32, #tpu.memory_space<vmem_shared>> -> memref<128x64xf32, #tpu.memory_space<vmem_shared>>
      tpu.enqueue_dma source(%arg13 : memref<128x64xf32, #tpu.memory_space<vmem>>) target(%dma_start3A_47 : memref<128x64xf32, #tpu.memory_space<vmem_shared>>) target_semaphore(%run_scoped3A : memref<!tpu.dma_semaphore, #tpu.memory_space<semaphore_mem>>)
      %dma_wait3A = arith.constant 0 : i32
      %dma_wait3A_48 = tpu.memref_slice %arg14[%add3A_17, %dma_wait3A] : memref<10240x64xf32, #tpu.memory_space<vmem_shared>> -> memref<128x64xf32, #tpu.memory_space<vmem_shared>>
      %dma_wait3A_49 = arith.constant 0 : i32
      %dma_wait3A_50 = tpu.memref_slice %arg14[%add3A_17, %dma_wait3A_49] : memref<10240x64xf32, #tpu.memory_space<vmem_shared>> -> memref<128x64xf32, #tpu.memory_space<vmem_shared>>
      tpu.wait_dma2 semaphore(%run_scoped3A : memref<!tpu.dma_semaphore, #tpu.memory_space<semaphore_mem>>) src(%arg13 : memref<128x64xf32, #tpu.memory_space<vmem>>) dst(%dma_wait3A_50 : memref<128x64xf32, #tpu.memory_space<vmem_shared>>)
      tpu.yield
    }) : () -> ()
    %mul3A_18 = arith.constant 640 : i32
    %mul3A_19 = arith.muli %arg1, %mul3A_18 : i32
    %add3A_20 = arith.constant 256 : i32
    %add3A_21 = arith.addi %mul3A_19, %add3A_20 : i32
    "tpu.region"() ({
      %run_scoped3A = tpu.sem_alloc : memref<!tpu.dma_semaphore, #tpu.memory_space<semaphore_mem>>
      %dma_start3A = arith.constant 0 : i32
      %dma_start3A_45 = tpu.memref_slice %arg14[%add3A_21, %dma_start3A] : memref<10240x64xf32, #tpu.memory_space<vmem_shared>> -> memref<128x64xf32, #tpu.memory_space<vmem_shared>>
      %dma_start3A_46 = arith.constant 0 : i32
      %dma_start3A_47 = tpu.memref_slice %arg14[%add3A_21, %dma_start3A_46] : memref<10240x64xf32, #tpu.memory_space<vmem_shared>> -> memref<128x64xf32, #tpu.memory_space<vmem_shared>>
      tpu.enqueue_dma source(%arg13 : memref<128x64xf32, #tpu.memory_space<vmem>>) target(%dma_start3A_47 : memref<128x64xf32, #tpu.memory_space<vmem_shared>>) target_semaphore(%run_scoped3A : memref<!tpu.dma_semaphore, #tpu.memory_space<semaphore_mem>>)
      %dma_wait3A = arith.constant 0 : i32
      %dma_wait3A_48 = tpu.memref_slice %arg14[%add3A_21, %dma_wait3A] : memref<10240x64xf32, #tpu.memory_space<vmem_shared>> -> memref<128x64xf32, #tpu.memory_space<vmem_shared>>
      %dma_wait3A_49 = arith.constant 0 : i32
      %dma_wait3A_50 = tpu.memref_slice %arg14[%add3A_21, %dma_wait3A_49] : memref<10240x64xf32, #tpu.memory_space<vmem_shared>> -> memref<128x64xf32, #tpu.memory_space<vmem_shared>>
      tpu.wait_dma2 semaphore(%run_scoped3A : memref<!tpu.dma_semaphore, #tpu.memory_space<semaphore_mem>>) src(%arg13 : memref<128x64xf32, #tpu.memory_space<vmem>>) dst(%dma_wait3A_50 : memref<128x64xf32, #tpu.memory_space<vmem_shared>>)
      tpu.yield
    }) : () -> ()
    %mul3A_22 = arith.constant 640 : i32
    %mul3A_23 = arith.muli %arg1, %mul3A_22 : i32
    %add3A_24 = arith.constant 384 : i32
    %add3A_25 = arith.addi %mul3A_23, %add3A_24 : i32
    "tpu.region"() ({
      %run_scoped3A = tpu.sem_alloc : memref<!tpu.dma_semaphore, #tpu.memory_space<semaphore_mem>>
      %dma_start3A = arith.constant 0 : i32
      %dma_start3A_45 = tpu.memref_slice %arg14[%add3A_25, %dma_start3A] : memref<10240x64xf32, #tpu.memory_space<vmem_shared>> -> memref<128x64xf32, #tpu.memory_space<vmem_shared>>
      %dma_start3A_46 = arith.constant 0 : i32
      %dma_start3A_47 = tpu.memref_slice %arg14[%add3A_25, %dma_start3A_46] : memref<10240x64xf32, #tpu.memory_space<vmem_shared>> -> memref<128x64xf32, #tpu.memory_space<vmem_shared>>
      tpu.enqueue_dma source(%arg13 : memref<128x64xf32, #tpu.memory_space<vmem>>) target(%dma_start3A_47 : memref<128x64xf32, #tpu.memory_space<vmem_shared>>) target_semaphore(%run_scoped3A : memref<!tpu.dma_semaphore, #tpu.memory_space<semaphore_mem>>)
      %dma_wait3A = arith.constant 0 : i32
      %dma_wait3A_48 = tpu.memref_slice %arg14[%add3A_25, %dma_wait3A] : memref<10240x64xf32, #tpu.memory_space<vmem_shared>> -> memref<128x64xf32, #tpu.memory_space<vmem_shared>>
      %dma_wait3A_49 = arith.constant 0 : i32
      %dma_wait3A_50 = tpu.memref_slice %arg14[%add3A_25, %dma_wait3A_49] : memref<10240x64xf32, #tpu.memory_space<vmem_shared>> -> memref<128x64xf32, #tpu.memory_space<vmem_shared>>
      tpu.wait_dma2 semaphore(%run_scoped3A : memref<!tpu.dma_semaphore, #tpu.memory_space<semaphore_mem>>) src(%arg13 : memref<128x64xf32, #tpu.memory_space<vmem>>) dst(%dma_wait3A_50 : memref<128x64xf32, #tpu.memory_space<vmem_shared>>)
      tpu.yield
    }) : () -> ()
    %mul3A_26 = arith.constant 640 : i32
    %mul3A_27 = arith.muli %arg1, %mul3A_26 : i32
    %add3A_28 = arith.constant 512 : i32
    %add3A_29 = arith.addi %mul3A_27, %add3A_28 : i32
    "tpu.region"() ({
      %run_scoped3A = tpu.sem_alloc : memref<!tpu.dma_semaphore, #tpu.memory_space<semaphore_mem>>
      %dma_start3A = arith.constant 0 : i32
      %dma_start3A_45 = tpu.memref_slice %arg14[%add3A_29, %dma_start3A] : memref<10240x64xf32, #tpu.memory_space<vmem_shared>> -> memref<128x64xf32, #tpu.memory_space<vmem_shared>>
      %dma_start3A_46 = arith.constant 0 : i32
      %dma_start3A_47 = tpu.memref_slice %arg14[%add3A_29, %dma_start3A_46] : memref<10240x64xf32, #tpu.memory_space<vmem_shared>> -> memref<128x64xf32, #tpu.memory_space<vmem_shared>>
      tpu.enqueue_dma source(%arg13 : memref<128x64xf32, #tpu.memory_space<vmem>>) target(%dma_start3A_47 : memref<128x64xf32, #tpu.memory_space<vmem_shared>>) target_semaphore(%run_scoped3A : memref<!tpu.dma_semaphore, #tpu.memory_space<semaphore_mem>>)
      %dma_wait3A = arith.constant 0 : i32
      %dma_wait3A_48 = tpu.memref_slice %arg14[%add3A_29, %dma_wait3A] : memref<10240x64xf32, #tpu.memory_space<vmem_shared>> -> memref<128x64xf32, #tpu.memory_space<vmem_shared>>
      %dma_wait3A_49 = arith.constant 0 : i32
      %dma_wait3A_50 = tpu.memref_slice %arg14[%add3A_29, %dma_wait3A_49] : memref<10240x64xf32, #tpu.memory_space<vmem_shared>> -> memref<128x64xf32, #tpu.memory_space<vmem_shared>>
      tpu.wait_dma2 semaphore(%run_scoped3A : memref<!tpu.dma_semaphore, #tpu.memory_space<semaphore_mem>>) src(%arg13 : memref<128x64xf32, #tpu.memory_space<vmem>>) dst(%dma_wait3A_50 : memref<128x64xf32, #tpu.memory_space<vmem_shared>>)
      tpu.yield
    }) : () -> ()
    %barrier3A = arith.constant 0 : index
    tpu.barrier barrier_id(%barrier3A)
    %eq3A_30 = arith.constant 0 : i32
    %eq3A_31 = arith.cmpi eq, %arg0, %eq3A_30 : i32
    %convert_element_type3A_32 = arith.extui %eq3A_31 : i1 to i32
    %cond3A_33 = arith.constant 0 : i32
    %cond3A_34 = arith.cmpi ne, %convert_element_type3A_32, %cond3A_33 : i32
    scf.if %cond3A_34 {
      %scan3A_45 = arith.constant 0 : i32
      %scan3A_46 = arith.constant 0 : i32
      %scan3A_47 = arith.constant 40 : i32
      %scan3A_48 = arith.addi %scan3A_46, %scan3A_47 : i32
      %scan3A_49 = arith.constant 1 : i32
      scf.for %scan3A_78 = %scan3A_46 to %scan3A_48 step %scan3A_49  : i32 {
        %mul3A_79 = arith.constant 4 : i32
        %mul3A_80 = arith.muli %scan3A_78, %mul3A_79 : i32
        %add3A_81 = arith.constant 0 : i32
        %add3A_82 = arith.addi %mul3A_80, %add3A_81 : i32
        %add3A_83 = arith.constant 4 : i32
        %add3A_84 = arith.addi %add3A_82, %add3A_83 : i32
        %sub3A = arith.constant 1 : i32
        %sub3A_85 = arith.subi %add3A_84, %sub3A : i32
        %lt3A = arith.constant 160 : i32
        %lt3A_86 = arith.cmpi slt, %sub3A_85, %lt3A : i32
        %convert_element_type3A_87 = arith.extui %lt3A_86 : i1 to i32
        %cond3A_88 = arith.constant 0 : i32
        %cond3A_89 = arith.cmpi ne, %convert_element_type3A_87, %cond3A_88 : i32
        scf.if %cond3A_89 {
          %ge3A = arith.constant 1 : i32
          %ge3A_176 = arith.cmpi sge, %add3A_82, %ge3A : i32
          %convert_element_type3A_177 = arith.extui %ge3A_176 : i1 to i32
          %cond3A_178 = arith.constant 0 : i32
          %cond3A_179 = arith.cmpi ne, %convert_element_type3A_177, %cond3A_178 : i32
          scf.if %cond3A_179 {
            %sub3A_190 = arith.constant 1 : i32
            %sub3A_191 = arith.subi %add3A_82, %sub3A_190 : i32
            %dma_wait3A_192 = arith.constant 0 : i32
            %dma_wait3A_193 = tpu.memref_slice %arg8[%sub3A_191, %dma_wait3A_192] : memref<160x128xi32, #tpu.memory_space<vmem>> -> memref<1x128xi32, #tpu.memory_space<vmem>>
            %dma_wait3A_194 = tpu.memref_squeeze %dma_wait3A_193 : memref<1x128xi32, #tpu.memory_space<vmem>> -> memref<128xi32, #tpu.memory_space<vmem>>
            %dma_wait3A_195 = arith.constant 0 : i32
            %dma_wait3A_196 = arith.constant 0 : i32
            %dma_wait3A_197 = tpu.memref_slice %arg14[%dma_wait3A_195, %dma_wait3A_196] : memref<10240x64xf32, #tpu.memory_space<vmem_shared>> -> memref<10240x64xf32, #tpu.memory_space<vmem_shared>>
            tpu.wait_indirect_dma semaphore(%arg22 : memref<!tpu.dma_semaphore, #tpu.memory_space<semaphore_mem>>) src(%arg12 : memref<128x64xf32, #tpu.memory_space<vmem>>) dst(%dma_wait3A_197 : memref<10240x64xf32, #tpu.memory_space<vmem_shared>>)
          } else {
          }
          %add3A_180 = arith.constant 4 : i32
          %add3A_181 = arith.addi %add3A_82, %add3A_180 : i32
          %sub3A_182 = arith.constant 1 : i32
          %sub3A_183 = arith.subi %add3A_181, %sub3A_182 : i32
          %dma_start3A_184 = arith.constant 0 : i32
          %dma_start3A_185 = tpu.memref_slice %arg7[%sub3A_183, %dma_start3A_184] : memref<160x128xi32, #tpu.memory_space<vmem>> -> memref<1x128xi32, #tpu.memory_space<vmem>>
          %dma_start3A_186 = tpu.memref_squeeze %dma_start3A_185 : memref<1x128xi32, #tpu.memory_space<vmem>> -> memref<128xi32, #tpu.memory_space<vmem>>
          %dma_start3A_187 = arith.constant 0 : i32
          %dma_start3A_188 = arith.constant 0 : i32
          %dma_start3A_189 = tpu.memref_slice %arg4[%dma_start3A_187, %dma_start3A_188] : memref<10000x64xf32, #tpu.memory_space<hbm>> -> memref<10000x64xf32, #tpu.memory_space<hbm>>
          tpu.enqueue_indirect_dma source(%dma_start3A_189 : memref<10000x64xf32, #tpu.memory_space<hbm>>) target(%arg12 : memref<128x64xf32, #tpu.memory_space<vmem>>) offsets(%dma_start3A_186 : memref<128xi32, #tpu.memory_space<vmem>>) semaphore(%arg18 : memref<!tpu.dma_semaphore, #tpu.memory_space<semaphore_mem>>)
        } else {
        }
        %dma_wait3A_90 = arith.constant 0 : i32
        %dma_wait3A_91 = tpu.memref_slice %arg7[%add3A_82, %dma_wait3A_90] : memref<160x128xi32, #tpu.memory_space<vmem>> -> memref<1x128xi32, #tpu.memory_space<vmem>>
        %dma_wait3A_92 = tpu.memref_squeeze %dma_wait3A_91 : memref<1x128xi32, #tpu.memory_space<vmem>> -> memref<128xi32, #tpu.memory_space<vmem>>
        %dma_wait3A_93 = arith.constant 0 : i32
        %dma_wait3A_94 = arith.constant 0 : i32
        %dma_wait3A_95 = tpu.memref_slice %arg4[%dma_wait3A_93, %dma_wait3A_94] : memref<10000x64xf32, #tpu.memory_space<hbm>> -> memref<10000x64xf32, #tpu.memory_space<hbm>>
        tpu.wait_indirect_dma semaphore(%arg15 : memref<!tpu.dma_semaphore, #tpu.memory_space<semaphore_mem>>) src(%dma_wait3A_95 : memref<10000x64xf32, #tpu.memory_space<hbm>>) dst(%arg9 : memref<128x64xf32, #tpu.memory_space<vmem>>)
        %dma_start3A = arith.constant 0 : i32
        %dma_start3A_96 = tpu.memref_slice %arg8[%add3A_82, %dma_start3A] : memref<160x128xi32, #tpu.memory_space<vmem>> -> memref<1x128xi32, #tpu.memory_space<vmem>>
        %dma_start3A_97 = tpu.memref_squeeze %dma_start3A_96 : memref<1x128xi32, #tpu.memory_space<vmem>> -> memref<128xi32, #tpu.memory_space<vmem>>
        %dma_start3A_98 = arith.constant 0 : i32
        %dma_start3A_99 = arith.constant 0 : i32
        %dma_start3A_100 = tpu.memref_slice %arg14[%dma_start3A_98, %dma_start3A_99] : memref<10240x64xf32, #tpu.memory_space<vmem_shared>> -> memref<10240x64xf32, #tpu.memory_space<vmem_shared>>
        tpu.enqueue_indirect_dma source(%arg9 : memref<128x64xf32, #tpu.memory_space<vmem>>) target(%dma_start3A_100 : memref<10240x64xf32, #tpu.memory_space<vmem_shared>>) offsets(%dma_start3A_97 : memref<128xi32, #tpu.memory_space<vmem>>) semaphore(%arg19 : memref<!tpu.dma_semaphore, #tpu.memory_space<semaphore_mem>>) {add = true}
        %mul3A_101 = arith.constant 4 : i32
        %mul3A_102 = arith.muli %scan3A_78, %mul3A_101 : i32
        %add3A_103 = arith.constant 1 : i32
        %add3A_104 = arith.addi %mul3A_102, %add3A_103 : i32
        %add3A_105 = arith.constant 4 : i32
        %add3A_106 = arith.addi %add3A_104, %add3A_105 : i32
        %sub3A_107 = arith.constant 1 : i32
        %sub3A_108 = arith.subi %add3A_106, %sub3A_107 : i32
        %lt3A_109 = arith.constant 160 : i32
        %lt3A_110 = arith.cmpi slt, %sub3A_108, %lt3A_109 : i32
        %convert_element_type3A_111 = arith.extui %lt3A_110 : i1 to i32
        %cond3A_112 = arith.constant 0 : i32
        %cond3A_113 = arith.cmpi ne, %convert_element_type3A_111, %cond3A_112 : i32
        scf.if %cond3A_113 {
          %ge3A = arith.constant 1 : i32
          %ge3A_176 = arith.cmpi sge, %add3A_104, %ge3A : i32
          %convert_element_type3A_177 = arith.extui %ge3A_176 : i1 to i32
          %cond3A_178 = arith.constant 0 : i32
          %cond3A_179 = arith.cmpi ne, %convert_element_type3A_177, %cond3A_178 : i32
          scf.if %cond3A_179 {
            %sub3A_190 = arith.constant 1 : i32
            %sub3A_191 = arith.subi %add3A_104, %sub3A_190 : i32
            %dma_wait3A_192 = arith.constant 0 : i32
            %dma_wait3A_193 = tpu.memref_slice %arg8[%sub3A_191, %dma_wait3A_192] : memref<160x128xi32, #tpu.memory_space<vmem>> -> memref<1x128xi32, #tpu.memory_space<vmem>>
            %dma_wait3A_194 = tpu.memref_squeeze %dma_wait3A_193 : memref<1x128xi32, #tpu.memory_space<vmem>> -> memref<128xi32, #tpu.memory_space<vmem>>
            %dma_wait3A_195 = arith.constant 0 : i32
            %dma_wait3A_196 = arith.constant 0 : i32
            %dma_wait3A_197 = tpu.memref_slice %arg14[%dma_wait3A_195, %dma_wait3A_196] : memref<10240x64xf32, #tpu.memory_space<vmem_shared>> -> memref<10240x64xf32, #tpu.memory_space<vmem_shared>>
            tpu.wait_indirect_dma semaphore(%arg19 : memref<!tpu.dma_semaphore, #tpu.memory_space<semaphore_mem>>) src(%arg9 : memref<128x64xf32, #tpu.memory_space<vmem>>) dst(%dma_wait3A_197 : memref<10240x64xf32, #tpu.memory_space<vmem_shared>>)
          } else {
          }
          %add3A_180 = arith.constant 4 : i32
          %add3A_181 = arith.addi %add3A_104, %add3A_180 : i32
          %sub3A_182 = arith.constant 1 : i32
          %sub3A_183 = arith.subi %add3A_181, %sub3A_182 : i32
          %dma_start3A_184 = arith.constant 0 : i32
          %dma_start3A_185 = tpu.memref_slice %arg7[%sub3A_183, %dma_start3A_184] : memref<160x128xi32, #tpu.memory_space<vmem>> -> memref<1x128xi32, #tpu.memory_space<vmem>>
          %dma_start3A_186 = tpu.memref_squeeze %dma_start3A_185 : memref<1x128xi32, #tpu.memory_space<vmem>> -> memref<128xi32, #tpu.memory_space<vmem>>
          %dma_start3A_187 = arith.constant 0 : i32
          %dma_start3A_188 = arith.constant 0 : i32
          %dma_start3A_189 = tpu.memref_slice %arg4[%dma_start3A_187, %dma_start3A_188] : memref<10000x64xf32, #tpu.memory_space<hbm>> -> memref<10000x64xf32, #tpu.memory_space<hbm>>
          tpu.enqueue_indirect_dma source(%dma_start3A_189 : memref<10000x64xf32, #tpu.memory_space<hbm>>) target(%arg9 : memref<128x64xf32, #tpu.memory_space<vmem>>) offsets(%dma_start3A_186 : memref<128xi32, #tpu.memory_space<vmem>>) semaphore(%arg15 : memref<!tpu.dma_semaphore, #tpu.memory_space<semaphore_mem>>)
        } else {
        }
        %dma_wait3A_114 = arith.constant 0 : i32
        %dma_wait3A_115 = tpu.memref_slice %arg7[%add3A_104, %dma_wait3A_114] : memref<160x128xi32, #tpu.memory_space<vmem>> -> memref<1x128xi32, #tpu.memory_space<vmem>>
        %dma_wait3A_116 = tpu.memref_squeeze %dma_wait3A_115 : memref<1x128xi32, #tpu.memory_space<vmem>> -> memref<128xi32, #tpu.memory_space<vmem>>
        %dma_wait3A_117 = arith.constant 0 : i32
        %dma_wait3A_118 = arith.constant 0 : i32
        %dma_wait3A_119 = tpu.memref_slice %arg4[%dma_wait3A_117, %dma_wait3A_118] : memref<10000x64xf32, #tpu.memory_space<hbm>> -> memref<10000x64xf32, #tpu.memory_space<hbm>>
        tpu.wait_indirect_dma semaphore(%arg16 : memref<!tpu.dma_semaphore, #tpu.memory_space<semaphore_mem>>) src(%dma_wait3A_119 : memref<10000x64xf32, #tpu.memory_space<hbm>>) dst(%arg10 : memref<128x64xf32, #tpu.memory_space<vmem>>)
        %dma_start3A_120 = arith.constant 0 : i32
        %dma_start3A_121 = tpu.memref_slice %arg8[%add3A_104, %dma_start3A_120] : memref<160x128xi32, #tpu.memory_space<vmem>> -> memref<1x128xi32, #tpu.memory_space<vmem>>
        %dma_start3A_122 = tpu.memref_squeeze %dma_start3A_121 : memref<1x128xi32, #tpu.memory_space<vmem>> -> memref<128xi32, #tpu.memory_space<vmem>>
        %dma_start3A_123 = arith.constant 0 : i32
        %dma_start3A_124 = arith.constant 0 : i32
        %dma_start3A_125 = tpu.memref_slice %arg14[%dma_start3A_123, %dma_start3A_124] : memref<10240x64xf32, #tpu.memory_space<vmem_shared>> -> memref<10240x64xf32, #tpu.memory_space<vmem_shared>>
        tpu.enqueue_indirect_dma source(%arg10 : memref<128x64xf32, #tpu.memory_space<vmem>>) target(%dma_start3A_125 : memref<10240x64xf32, #tpu.memory_space<vmem_shared>>) offsets(%dma_start3A_122 : memref<128xi32, #tpu.memory_space<vmem>>) semaphore(%arg20 : memref<!tpu.dma_semaphore, #tpu.memory_space<semaphore_mem>>) {add = true}
        %mul3A_126 = arith.constant 4 : i32
        %mul3A_127 = arith.muli %scan3A_78, %mul3A_126 : i32
        %add3A_128 = arith.constant 2 : i32
        %add3A_129 = arith.addi %mul3A_127, %add3A_128 : i32
        %add3A_130 = arith.constant 4 : i32
        %add3A_131 = arith.addi %add3A_129, %add3A_130 : i32
        %sub3A_132 = arith.constant 1 : i32
        %sub3A_133 = arith.subi %add3A_131, %sub3A_132 : i32
        %lt3A_134 = arith.constant 160 : i32
        %lt3A_135 = arith.cmpi slt, %sub3A_133, %lt3A_134 : i32
        %convert_element_type3A_136 = arith.extui %lt3A_135 : i1 to i32
        %cond3A_137 = arith.constant 0 : i32
        %cond3A_138 = arith.cmpi ne, %convert_element_type3A_136, %cond3A_137 : i32
        scf.if %cond3A_138 {
          %ge3A = arith.constant 1 : i32
          %ge3A_176 = arith.cmpi sge, %add3A_129, %ge3A : i32
          %convert_element_type3A_177 = arith.extui %ge3A_176 : i1 to i32
          %cond3A_178 = arith.constant 0 : i32
          %cond3A_179 = arith.cmpi ne, %convert_element_type3A_177, %cond3A_178 : i32
          scf.if %cond3A_179 {
            %sub3A_190 = arith.constant 1 : i32
            %sub3A_191 = arith.subi %add3A_129, %sub3A_190 : i32
            %dma_wait3A_192 = arith.constant 0 : i32
            %dma_wait3A_193 = tpu.memref_slice %arg8[%sub3A_191, %dma_wait3A_192] : memref<160x128xi32, #tpu.memory_space<vmem>> -> memref<1x128xi32, #tpu.memory_space<vmem>>
            %dma_wait3A_194 = tpu.memref_squeeze %dma_wait3A_193 : memref<1x128xi32, #tpu.memory_space<vmem>> -> memref<128xi32, #tpu.memory_space<vmem>>
            %dma_wait3A_195 = arith.constant 0 : i32
            %dma_wait3A_196 = arith.constant 0 : i32
            %dma_wait3A_197 = tpu.memref_slice %arg14[%dma_wait3A_195, %dma_wait3A_196] : memref<10240x64xf32, #tpu.memory_space<vmem_shared>> -> memref<10240x64xf32, #tpu.memory_space<vmem_shared>>
            tpu.wait_indirect_dma semaphore(%arg20 : memref<!tpu.dma_semaphore, #tpu.memory_space<semaphore_mem>>) src(%arg10 : memref<128x64xf32, #tpu.memory_space<vmem>>) dst(%dma_wait3A_197 : memref<10240x64xf32, #tpu.memory_space<vmem_shared>>)
          } else {
          }
          %add3A_180 = arith.constant 4 : i32
          %add3A_181 = arith.addi %add3A_129, %add3A_180 : i32
          %sub3A_182 = arith.constant 1 : i32
          %sub3A_183 = arith.subi %add3A_181, %sub3A_182 : i32
          %dma_start3A_184 = arith.constant 0 : i32
          %dma_start3A_185 = tpu.memref_slice %arg7[%sub3A_183, %dma_start3A_184] : memref<160x128xi32, #tpu.memory_space<vmem>> -> memref<1x128xi32, #tpu.memory_space<vmem>>
          %dma_start3A_186 = tpu.memref_squeeze %dma_start3A_185 : memref<1x128xi32, #tpu.memory_space<vmem>> -> memref<128xi32, #tpu.memory_space<vmem>>
          %dma_start3A_187 = arith.constant 0 : i32
          %dma_start3A_188 = arith.constant 0 : i32
          %dma_start3A_189 = tpu.memref_slice %arg4[%dma_start3A_187, %dma_start3A_188] : memref<10000x64xf32, #tpu.memory_space<hbm>> -> memref<10000x64xf32, #tpu.memory_space<hbm>>
          tpu.enqueue_indirect_dma source(%dma_start3A_189 : memref<10000x64xf32, #tpu.memory_space<hbm>>) target(%arg10 : memref<128x64xf32, #tpu.memory_space<vmem>>) offsets(%dma_start3A_186 : memref<128xi32, #tpu.memory_space<vmem>>) semaphore(%arg16 : memref<!tpu.dma_semaphore, #tpu.memory_space<semaphore_mem>>)
        } else {
        }
        %dma_wait3A_139 = arith.constant 0 : i32
        %dma_wait3A_140 = tpu.memref_slice %arg7[%add3A_129, %dma_wait3A_139] : memref<160x128xi32, #tpu.memory_space<vmem>> -> memref<1x128xi32, #tpu.memory_space<vmem>>
        %dma_wait3A_141 = tpu.memref_squeeze %dma_wait3A_140 : memref<1x128xi32, #tpu.memory_space<vmem>> -> memref<128xi32, #tpu.memory_space<vmem>>
        %dma_wait3A_142 = arith.constant 0 : i32
        %dma_wait3A_143 = arith.constant 0 : i32
        %dma_wait3A_144 = tpu.memref_slice %arg4[%dma_wait3A_142, %dma_wait3A_143] : memref<10000x64xf32, #tpu.memory_space<hbm>> -> memref<10000x64xf32, #tpu.memory_space<hbm>>
        tpu.wait_indirect_dma semaphore(%arg17 : memref<!tpu.dma_semaphore, #tpu.memory_space<semaphore_mem>>) src(%dma_wait3A_144 : memref<10000x64xf32, #tpu.memory_space<hbm>>) dst(%arg11 : memref<128x64xf32, #tpu.memory_space<vmem>>)
        %dma_start3A_145 = arith.constant 0 : i32
        %dma_start3A_146 = tpu.memref_slice %arg8[%add3A_129, %dma_start3A_145] : memref<160x128xi32, #tpu.memory_space<vmem>> -> memref<1x128xi32, #tpu.memory_space<vmem>>
        %dma_start3A_147 = tpu.memref_squeeze %dma_start3A_146 : memref<1x128xi32, #tpu.memory_space<vmem>> -> memref<128xi32, #tpu.memory_space<vmem>>
        %dma_start3A_148 = arith.constant 0 : i32
        %dma_start3A_149 = arith.constant 0 : i32
        %dma_start3A_150 = tpu.memref_slice %arg14[%dma_start3A_148, %dma_start3A_149] : memref<10240x64xf32, #tpu.memory_space<vmem_shared>> -> memref<10240x64xf32, #tpu.memory_space<vmem_shared>>
        tpu.enqueue_indirect_dma source(%arg11 : memref<128x64xf32, #tpu.memory_space<vmem>>) target(%dma_start3A_150 : memref<10240x64xf32, #tpu.memory_space<vmem_shared>>) offsets(%dma_start3A_147 : memref<128xi32, #tpu.memory_space<vmem>>) semaphore(%arg21 : memref<!tpu.dma_semaphore, #tpu.memory_space<semaphore_mem>>) {add = true}
        %mul3A_151 = arith.constant 4 : i32
        %mul3A_152 = arith.muli %scan3A_78, %mul3A_151 : i32
        %add3A_153 = arith.constant 3 : i32
        %add3A_154 = arith.addi %mul3A_152, %add3A_153 : i32
        %add3A_155 = arith.constant 4 : i32
        %add3A_156 = arith.addi %add3A_154, %add3A_155 : i32
        %sub3A_157 = arith.constant 1 : i32
        %sub3A_158 = arith.subi %add3A_156, %sub3A_157 : i32
        %lt3A_159 = arith.constant 160 : i32
        %lt3A_160 = arith.cmpi slt, %sub3A_158, %lt3A_159 : i32
        %convert_element_type3A_161 = arith.extui %lt3A_160 : i1 to i32
        %cond3A_162 = arith.constant 0 : i32
        %cond3A_163 = arith.cmpi ne, %convert_element_type3A_161, %cond3A_162 : i32
        scf.if %cond3A_163 {
          %ge3A = arith.constant 1 : i32
          %ge3A_176 = arith.cmpi sge, %add3A_154, %ge3A : i32
          %convert_element_type3A_177 = arith.extui %ge3A_176 : i1 to i32
          %cond3A_178 = arith.constant 0 : i32
          %cond3A_179 = arith.cmpi ne, %convert_element_type3A_177, %cond3A_178 : i32
          scf.if %cond3A_179 {
            %sub3A_190 = arith.constant 1 : i32
            %sub3A_191 = arith.subi %add3A_154, %sub3A_190 : i32
            %dma_wait3A_192 = arith.constant 0 : i32
            %dma_wait3A_193 = tpu.memref_slice %arg8[%sub3A_191, %dma_wait3A_192] : memref<160x128xi32, #tpu.memory_space<vmem>> -> memref<1x128xi32, #tpu.memory_space<vmem>>
            %dma_wait3A_194 = tpu.memref_squeeze %dma_wait3A_193 : memref<1x128xi32, #tpu.memory_space<vmem>> -> memref<128xi32, #tpu.memory_space<vmem>>
            %dma_wait3A_195 = arith.constant 0 : i32
            %dma_wait3A_196 = arith.constant 0 : i32
            %dma_wait3A_197 = tpu.memref_slice %arg14[%dma_wait3A_195, %dma_wait3A_196] : memref<10240x64xf32, #tpu.memory_space<vmem_shared>> -> memref<10240x64xf32, #tpu.memory_space<vmem_shared>>
            tpu.wait_indirect_dma semaphore(%arg21 : memref<!tpu.dma_semaphore, #tpu.memory_space<semaphore_mem>>) src(%arg11 : memref<128x64xf32, #tpu.memory_space<vmem>>) dst(%dma_wait3A_197 : memref<10240x64xf32, #tpu.memory_space<vmem_shared>>)
          } else {
          }
          %add3A_180 = arith.constant 4 : i32
          %add3A_181 = arith.addi %add3A_154, %add3A_180 : i32
          %sub3A_182 = arith.constant 1 : i32
          %sub3A_183 = arith.subi %add3A_181, %sub3A_182 : i32
          %dma_start3A_184 = arith.constant 0 : i32
          %dma_start3A_185 = tpu.memref_slice %arg7[%sub3A_183, %dma_start3A_184] : memref<160x128xi32, #tpu.memory_space<vmem>> -> memref<1x128xi32, #tpu.memory_space<vmem>>
          %dma_start3A_186 = tpu.memref_squeeze %dma_start3A_185 : memref<1x128xi32, #tpu.memory_space<vmem>> -> memref<128xi32, #tpu.memory_space<vmem>>
          %dma_start3A_187 = arith.constant 0 : i32
          %dma_start3A_188 = arith.constant 0 : i32
          %dma_start3A_189 = tpu.memref_slice %arg4[%dma_start3A_187, %dma_start3A_188] : memref<10000x64xf32, #tpu.memory_space<hbm>> -> memref<10000x64xf32, #tpu.memory_space<hbm>>
          tpu.enqueue_indirect_dma source(%dma_start3A_189 : memref<10000x64xf32, #tpu.memory_space<hbm>>) target(%arg11 : memref<128x64xf32, #tpu.memory_space<vmem>>) offsets(%dma_start3A_186 : memref<128xi32, #tpu.memory_space<vmem>>) semaphore(%arg17 : memref<!tpu.dma_semaphore, #tpu.memory_space<semaphore_mem>>)
        } else {
        }
        %dma_wait3A_164 = arith.constant 0 : i32
        %dma_wait3A_165 = tpu.memref_slice %arg7[%add3A_154, %dma_wait3A_164] : memref<160x128xi32, #tpu.memory_space<vmem>> -> memref<1x128xi32, #tpu.memory_space<vmem>>
        %dma_wait3A_166 = tpu.memref_squeeze %dma_wait3A_165 : memref<1x128xi32, #tpu.memory_space<vmem>> -> memref<128xi32, #tpu.memory_space<vmem>>
        %dma_wait3A_167 = arith.constant 0 : i32
        %dma_wait3A_168 = arith.constant 0 : i32
        %dma_wait3A_169 = tpu.memref_slice %arg4[%dma_wait3A_167, %dma_wait3A_168] : memref<10000x64xf32, #tpu.memory_space<hbm>> -> memref<10000x64xf32, #tpu.memory_space<hbm>>
        tpu.wait_indirect_dma semaphore(%arg18 : memref<!tpu.dma_semaphore, #tpu.memory_space<semaphore_mem>>) src(%dma_wait3A_169 : memref<10000x64xf32, #tpu.memory_space<hbm>>) dst(%arg12 : memref<128x64xf32, #tpu.memory_space<vmem>>)
        %dma_start3A_170 = arith.constant 0 : i32
        %dma_start3A_171 = tpu.memref_slice %arg8[%add3A_154, %dma_start3A_170] : memref<160x128xi32, #tpu.memory_space<vmem>> -> memref<1x128xi32, #tpu.memory_space<vmem>>
        %dma_start3A_172 = tpu.memref_squeeze %dma_start3A_171 : memref<1x128xi32, #tpu.memory_space<vmem>> -> memref<128xi32, #tpu.memory_space<vmem>>
        %dma_start3A_173 = arith.constant 0 : i32
        %dma_start3A_174 = arith.constant 0 : i32
        %dma_start3A_175 = tpu.memref_slice %arg14[%dma_start3A_173, %dma_start3A_174] : memref<10240x64xf32, #tpu.memory_space<vmem_shared>> -> memref<10240x64xf32, #tpu.memory_space<vmem_shared>>
        tpu.enqueue_indirect_dma source(%arg12 : memref<128x64xf32, #tpu.memory_space<vmem>>) target(%dma_start3A_175 : memref<10240x64xf32, #tpu.memory_space<vmem_shared>>) offsets(%dma_start3A_172 : memref<128xi32, #tpu.memory_space<vmem>>) semaphore(%arg22 : memref<!tpu.dma_semaphore, #tpu.memory_space<semaphore_mem>>) {add = true}
      }
      %scan3A_50 = arith.constant 40 : i32
      %dma_wait3A = arith.constant 156 : i32
      %dma_wait3A_51 = arith.constant 0 : i32
      %dma_wait3A_52 = tpu.memref_slice %arg8[%dma_wait3A, %dma_wait3A_51] : memref<160x128xi32, #tpu.memory_space<vmem>> -> memref<1x128xi32, #tpu.memory_space<vmem>>
      %dma_wait3A_53 = tpu.memref_squeeze %dma_wait3A_52 : memref<1x128xi32, #tpu.memory_space<vmem>> -> memref<128xi32, #tpu.memory_space<vmem>>
      %dma_wait3A_54 = arith.constant 0 : i32
      %dma_wait3A_55 = arith.constant 0 : i32
      %dma_wait3A_56 = tpu.memref_slice %arg14[%dma_wait3A_54, %dma_wait3A_55] : memref<10240x64xf32, #tpu.memory_space<vmem_shared>> -> memref<10240x64xf32, #tpu.memory_space<vmem_shared>>
      tpu.wait_indirect_dma semaphore(%arg19 : memref<!tpu.dma_semaphore, #tpu.memory_space<semaphore_mem>>) src(%arg9 : memref<128x64xf32, #tpu.memory_space<vmem>>) dst(%dma_wait3A_56 : memref<10240x64xf32, #tpu.memory_space<vmem_shared>>)
      %dma_wait3A_57 = arith.constant 157 : i32
      %dma_wait3A_58 = arith.constant 0 : i32
      %dma_wait3A_59 = tpu.memref_slice %arg8[%dma_wait3A_57, %dma_wait3A_58] : memref<160x128xi32, #tpu.memory_space<vmem>> -> memref<1x128xi32, #tpu.memory_space<vmem>>
      %dma_wait3A_60 = tpu.memref_squeeze %dma_wait3A_59 : memref<1x128xi32, #tpu.memory_space<vmem>> -> memref<128xi32, #tpu.memory_space<vmem>>
      %dma_wait3A_61 = arith.constant 0 : i32
      %dma_wait3A_62 = arith.constant 0 : i32
      %dma_wait3A_63 = tpu.memref_slice %arg14[%dma_wait3A_61, %dma_wait3A_62] : memref<10240x64xf32, #tpu.memory_space<vmem_shared>> -> memref<10240x64xf32, #tpu.memory_space<vmem_shared>>
      tpu.wait_indirect_dma semaphore(%arg20 : memref<!tpu.dma_semaphore, #tpu.memory_space<semaphore_mem>>) src(%arg10 : memref<128x64xf32, #tpu.memory_space<vmem>>) dst(%dma_wait3A_63 : memref<10240x64xf32, #tpu.memory_space<vmem_shared>>)
      %dma_wait3A_64 = arith.constant 158 : i32
      %dma_wait3A_65 = arith.constant 0 : i32
      %dma_wait3A_66 = tpu.memref_slice %arg8[%dma_wait3A_64, %dma_wait3A_65] : memref<160x128xi32, #tpu.memory_space<vmem>> -> memref<1x128xi32, #tpu.memory_space<vmem>>
      %dma_wait3A_67 = tpu.memref_squeeze %dma_wait3A_66 : memref<1x128xi32, #tpu.memory_space<vmem>> -> memref<128xi32, #tpu.memory_space<vmem>>
      %dma_wait3A_68 = arith.constant 0 : i32
      %dma_wait3A_69 = arith.constant 0 : i32
      %dma_wait3A_70 = tpu.memref_slice %arg14[%dma_wait3A_68, %dma_wait3A_69] : memref<10240x64xf32, #tpu.memory_space<vmem_shared>> -> memref<10240x64xf32, #tpu.memory_space<vmem_shared>>
      tpu.wait_indirect_dma semaphore(%arg21 : memref<!tpu.dma_semaphore, #tpu.memory_space<semaphore_mem>>) src(%arg11 : memref<128x64xf32, #tpu.memory_space<vmem>>) dst(%dma_wait3A_70 : memref<10240x64xf32, #tpu.memory_space<vmem_shared>>)
      %dma_wait3A_71 = arith.constant 159 : i32
      %dma_wait3A_72 = arith.constant 0 : i32
      %dma_wait3A_73 = tpu.memref_slice %arg8[%dma_wait3A_71, %dma_wait3A_72] : memref<160x128xi32, #tpu.memory_space<vmem>> -> memref<1x128xi32, #tpu.memory_space<vmem>>
      %dma_wait3A_74 = tpu.memref_squeeze %dma_wait3A_73 : memref<1x128xi32, #tpu.memory_space<vmem>> -> memref<128xi32, #tpu.memory_space<vmem>>
      %dma_wait3A_75 = arith.constant 0 : i32
      %dma_wait3A_76 = arith.constant 0 : i32
      %dma_wait3A_77 = tpu.memref_slice %arg14[%dma_wait3A_75, %dma_wait3A_76] : memref<10240x64xf32, #tpu.memory_space<vmem_shared>> -> memref<10240x64xf32, #tpu.memory_space<vmem_shared>>
      tpu.wait_indirect_dma semaphore(%arg22 : memref<!tpu.dma_semaphore, #tpu.memory_space<semaphore_mem>>) src(%arg12 : memref<128x64xf32, #tpu.memory_space<vmem>>) dst(%dma_wait3A_77 : memref<10240x64xf32, #tpu.memory_space<vmem_shared>>)
    } else {
    }
    %eq3A_35 = arith.constant 1 : i32
    %eq3A_36 = arith.cmpi eq, %arg0, %eq3A_35 : i32
    %convert_element_type3A_37 = arith.extui %eq3A_36 : i1 to i32
    %cond3A_38 = arith.constant 0 : i32
    %cond3A_39 = arith.cmpi ne, %convert_element_type3A_37, %cond3A_38 : i32
    scf.if %cond3A_39 {
      %scan3A_45 = arith.constant 0 : i32
      %scan3A_46 = arith.constant 0 : i32
      %scan3A_47 = arith.constant 40 : i32
      %scan3A_48 = arith.addi %scan3A_46, %scan3A_47 : i32
      %scan3A_49 = arith.constant 1 : i32
      scf.for %scan3A_78 = %scan3A_46 to %scan3A_48 step %scan3A_49  : i32 {
        %mul3A_79 = arith.constant 4 : i32
        %mul3A_80 = arith.muli %scan3A_78, %mul3A_79 : i32
        %add3A_81 = arith.constant 0 : i32
        %add3A_82 = arith.addi %mul3A_80, %add3A_81 : i32
        %add3A_83 = arith.constant 4 : i32
        %add3A_84 = arith.addi %add3A_82, %add3A_83 : i32
        %sub3A = arith.constant 1 : i32
        %sub3A_85 = arith.subi %add3A_84, %sub3A : i32
        %lt3A = arith.constant 160 : i32
        %lt3A_86 = arith.cmpi slt, %sub3A_85, %lt3A : i32
        %convert_element_type3A_87 = arith.extui %lt3A_86 : i1 to i32
        %cond3A_88 = arith.constant 0 : i32
        %cond3A_89 = arith.cmpi ne, %convert_element_type3A_87, %cond3A_88 : i32
        scf.if %cond3A_89 {
          %ge3A = arith.constant 1 : i32
          %ge3A_176 = arith.cmpi sge, %add3A_82, %ge3A : i32
          %convert_element_type3A_177 = arith.extui %ge3A_176 : i1 to i32
          %cond3A_178 = arith.constant 0 : i32
          %cond3A_179 = arith.cmpi ne, %convert_element_type3A_177, %cond3A_178 : i32
          scf.if %cond3A_179 {
            %sub3A_190 = arith.constant 1 : i32
            %sub3A_191 = arith.subi %add3A_82, %sub3A_190 : i32
            %dma_wait3A_192 = arith.constant 0 : i32
            %dma_wait3A_193 = tpu.memref_slice %arg8[%sub3A_191, %dma_wait3A_192] : memref<160x128xi32, #tpu.memory_space<vmem>> -> memref<1x128xi32, #tpu.memory_space<vmem>>
            %dma_wait3A_194 = tpu.memref_squeeze %dma_wait3A_193 : memref<1x128xi32, #tpu.memory_space<vmem>> -> memref<128xi32, #tpu.memory_space<vmem>>
            %dma_wait3A_195 = arith.constant 0 : i32
            %dma_wait3A_196 = arith.constant 0 : i32
            %dma_wait3A_197 = tpu.memref_slice %arg14[%dma_wait3A_195, %dma_wait3A_196] : memref<10240x64xf32, #tpu.memory_space<vmem_shared>> -> memref<10240x64xf32, #tpu.memory_space<vmem_shared>>
            tpu.wait_indirect_dma semaphore(%arg22 : memref<!tpu.dma_semaphore, #tpu.memory_space<semaphore_mem>>) src(%arg12 : memref<128x64xf32, #tpu.memory_space<vmem>>) dst(%dma_wait3A_197 : memref<10240x64xf32, #tpu.memory_space<vmem_shared>>)
          } else {
          }
          %add3A_180 = arith.constant 4 : i32
          %add3A_181 = arith.addi %add3A_82, %add3A_180 : i32
          %sub3A_182 = arith.constant 1 : i32
          %sub3A_183 = arith.subi %add3A_181, %sub3A_182 : i32
          %dma_start3A_184 = arith.constant 0 : i32
          %dma_start3A_185 = tpu.memref_slice %arg7[%sub3A_183, %dma_start3A_184] : memref<160x128xi32, #tpu.memory_space<vmem>> -> memref<1x128xi32, #tpu.memory_space<vmem>>
          %dma_start3A_186 = tpu.memref_squeeze %dma_start3A_185 : memref<1x128xi32, #tpu.memory_space<vmem>> -> memref<128xi32, #tpu.memory_space<vmem>>
          %dma_start3A_187 = arith.constant 0 : i32
          %dma_start3A_188 = arith.constant 0 : i32
          %dma_start3A_189 = tpu.memref_slice %arg5[%dma_start3A_187, %dma_start3A_188] : memref<10000x64xf32, #tpu.memory_space<hbm>> -> memref<10000x64xf32, #tpu.memory_space<hbm>>
          tpu.enqueue_indirect_dma source(%dma_start3A_189 : memref<10000x64xf32, #tpu.memory_space<hbm>>) target(%arg12 : memref<128x64xf32, #tpu.memory_space<vmem>>) offsets(%dma_start3A_186 : memref<128xi32, #tpu.memory_space<vmem>>) semaphore(%arg18 : memref<!tpu.dma_semaphore, #tpu.memory_space<semaphore_mem>>)
        } else {
        }
        %dma_wait3A_90 = arith.constant 0 : i32
        %dma_wait3A_91 = tpu.memref_slice %arg7[%add3A_82, %dma_wait3A_90] : memref<160x128xi32, #tpu.memory_space<vmem>> -> memref<1x128xi32, #tpu.memory_space<vmem>>
        %dma_wait3A_92 = tpu.memref_squeeze %dma_wait3A_91 : memref<1x128xi32, #tpu.memory_space<vmem>> -> memref<128xi32, #tpu.memory_space<vmem>>
        %dma_wait3A_93 = arith.constant 0 : i32
        %dma_wait3A_94 = arith.constant 0 : i32
        %dma_wait3A_95 = tpu.memref_slice %arg5[%dma_wait3A_93, %dma_wait3A_94] : memref<10000x64xf32, #tpu.memory_space<hbm>> -> memref<10000x64xf32, #tpu.memory_space<hbm>>
        tpu.wait_indirect_dma semaphore(%arg15 : memref<!tpu.dma_semaphore, #tpu.memory_space<semaphore_mem>>) src(%dma_wait3A_95 : memref<10000x64xf32, #tpu.memory_space<hbm>>) dst(%arg9 : memref<128x64xf32, #tpu.memory_space<vmem>>)
        %dma_start3A = arith.constant 0 : i32
        %dma_start3A_96 = tpu.memref_slice %arg8[%add3A_82, %dma_start3A] : memref<160x128xi32, #tpu.memory_space<vmem>> -> memref<1x128xi32, #tpu.memory_space<vmem>>
        %dma_start3A_97 = tpu.memref_squeeze %dma_start3A_96 : memref<1x128xi32, #tpu.memory_space<vmem>> -> memref<128xi32, #tpu.memory_space<vmem>>
        %dma_start3A_98 = arith.constant 0 : i32
        %dma_start3A_99 = arith.constant 0 : i32
        %dma_start3A_100 = tpu.memref_slice %arg14[%dma_start3A_98, %dma_start3A_99] : memref<10240x64xf32, #tpu.memory_space<vmem_shared>> -> memref<10240x64xf32, #tpu.memory_space<vmem_shared>>
        tpu.enqueue_indirect_dma source(%arg9 : memref<128x64xf32, #tpu.memory_space<vmem>>) target(%dma_start3A_100 : memref<10240x64xf32, #tpu.memory_space<vmem_shared>>) offsets(%dma_start3A_97 : memref<128xi32, #tpu.memory_space<vmem>>) semaphore(%arg19 : memref<!tpu.dma_semaphore, #tpu.memory_space<semaphore_mem>>) {add = true}
        %mul3A_101 = arith.constant 4 : i32
        %mul3A_102 = arith.muli %scan3A_78, %mul3A_101 : i32
        %add3A_103 = arith.constant 1 : i32
        %add3A_104 = arith.addi %mul3A_102, %add3A_103 : i32
        %add3A_105 = arith.constant 4 : i32
        %add3A_106 = arith.addi %add3A_104, %add3A_105 : i32
        %sub3A_107 = arith.constant 1 : i32
        %sub3A_108 = arith.subi %add3A_106, %sub3A_107 : i32
        %lt3A_109 = arith.constant 160 : i32
        %lt3A_110 = arith.cmpi slt, %sub3A_108, %lt3A_109 : i32
        %convert_element_type3A_111 = arith.extui %lt3A_110 : i1 to i32
        %cond3A_112 = arith.constant 0 : i32
        %cond3A_113 = arith.cmpi ne, %convert_element_type3A_111, %cond3A_112 : i32
        scf.if %cond3A_113 {
          %ge3A = arith.constant 1 : i32
          %ge3A_176 = arith.cmpi sge, %add3A_104, %ge3A : i32
          %convert_element_type3A_177 = arith.extui %ge3A_176 : i1 to i32
          %cond3A_178 = arith.constant 0 : i32
          %cond3A_179 = arith.cmpi ne, %convert_element_type3A_177, %cond3A_178 : i32
          scf.if %cond3A_179 {
            %sub3A_190 = arith.constant 1 : i32
            %sub3A_191 = arith.subi %add3A_104, %sub3A_190 : i32
            %dma_wait3A_192 = arith.constant 0 : i32
            %dma_wait3A_193 = tpu.memref_slice %arg8[%sub3A_191, %dma_wait3A_192] : memref<160x128xi32, #tpu.memory_space<vmem>> -> memref<1x128xi32, #tpu.memory_space<vmem>>
            %dma_wait3A_194 = tpu.memref_squeeze %dma_wait3A_193 : memref<1x128xi32, #tpu.memory_space<vmem>> -> memref<128xi32, #tpu.memory_space<vmem>>
            %dma_wait3A_195 = arith.constant 0 : i32
            %dma_wait3A_196 = arith.constant 0 : i32
            %dma_wait3A_197 = tpu.memref_slice %arg14[%dma_wait3A_195, %dma_wait3A_196] : memref<10240x64xf32, #tpu.memory_space<vmem_shared>> -> memref<10240x64xf32, #tpu.memory_space<vmem_shared>>
            tpu.wait_indirect_dma semaphore(%arg19 : memref<!tpu.dma_semaphore, #tpu.memory_space<semaphore_mem>>) src(%arg9 : memref<128x64xf32, #tpu.memory_space<vmem>>) dst(%dma_wait3A_197 : memref<10240x64xf32, #tpu.memory_space<vmem_shared>>)
          } else {
          }
          %add3A_180 = arith.constant 4 : i32
          %add3A_181 = arith.addi %add3A_104, %add3A_180 : i32
          %sub3A_182 = arith.constant 1 : i32
          %sub3A_183 = arith.subi %add3A_181, %sub3A_182 : i32
          %dma_start3A_184 = arith.constant 0 : i32
          %dma_start3A_185 = tpu.memref_slice %arg7[%sub3A_183, %dma_start3A_184] : memref<160x128xi32, #tpu.memory_space<vmem>> -> memref<1x128xi32, #tpu.memory_space<vmem>>
          %dma_start3A_186 = tpu.memref_squeeze %dma_start3A_185 : memref<1x128xi32, #tpu.memory_space<vmem>> -> memref<128xi32, #tpu.memory_space<vmem>>
          %dma_start3A_187 = arith.constant 0 : i32
          %dma_start3A_188 = arith.constant 0 : i32
          %dma_start3A_189 = tpu.memref_slice %arg5[%dma_start3A_187, %dma_start3A_188] : memref<10000x64xf32, #tpu.memory_space<hbm>> -> memref<10000x64xf32, #tpu.memory_space<hbm>>
          tpu.enqueue_indirect_dma source(%dma_start3A_189 : memref<10000x64xf32, #tpu.memory_space<hbm>>) target(%arg9 : memref<128x64xf32, #tpu.memory_space<vmem>>) offsets(%dma_start3A_186 : memref<128xi32, #tpu.memory_space<vmem>>) semaphore(%arg15 : memref<!tpu.dma_semaphore, #tpu.memory_space<semaphore_mem>>)
        } else {
        }
        %dma_wait3A_114 = arith.constant 0 : i32
        %dma_wait3A_115 = tpu.memref_slice %arg7[%add3A_104, %dma_wait3A_114] : memref<160x128xi32, #tpu.memory_space<vmem>> -> memref<1x128xi32, #tpu.memory_space<vmem>>
        %dma_wait3A_116 = tpu.memref_squeeze %dma_wait3A_115 : memref<1x128xi32, #tpu.memory_space<vmem>> -> memref<128xi32, #tpu.memory_space<vmem>>
        %dma_wait3A_117 = arith.constant 0 : i32
        %dma_wait3A_118 = arith.constant 0 : i32
        %dma_wait3A_119 = tpu.memref_slice %arg5[%dma_wait3A_117, %dma_wait3A_118] : memref<10000x64xf32, #tpu.memory_space<hbm>> -> memref<10000x64xf32, #tpu.memory_space<hbm>>
        tpu.wait_indirect_dma semaphore(%arg16 : memref<!tpu.dma_semaphore, #tpu.memory_space<semaphore_mem>>) src(%dma_wait3A_119 : memref<10000x64xf32, #tpu.memory_space<hbm>>) dst(%arg10 : memref<128x64xf32, #tpu.memory_space<vmem>>)
        %dma_start3A_120 = arith.constant 0 : i32
        %dma_start3A_121 = tpu.memref_slice %arg8[%add3A_104, %dma_start3A_120] : memref<160x128xi32, #tpu.memory_space<vmem>> -> memref<1x128xi32, #tpu.memory_space<vmem>>
        %dma_start3A_122 = tpu.memref_squeeze %dma_start3A_121 : memref<1x128xi32, #tpu.memory_space<vmem>> -> memref<128xi32, #tpu.memory_space<vmem>>
        %dma_start3A_123 = arith.constant 0 : i32
        %dma_start3A_124 = arith.constant 0 : i32
        %dma_start3A_125 = tpu.memref_slice %arg14[%dma_start3A_123, %dma_start3A_124] : memref<10240x64xf32, #tpu.memory_space<vmem_shared>> -> memref<10240x64xf32, #tpu.memory_space<vmem_shared>>
        tpu.enqueue_indirect_dma source(%arg10 : memref<128x64xf32, #tpu.memory_space<vmem>>) target(%dma_start3A_125 : memref<10240x64xf32, #tpu.memory_space<vmem_shared>>) offsets(%dma_start3A_122 : memref<128xi32, #tpu.memory_space<vmem>>) semaphore(%arg20 : memref<!tpu.dma_semaphore, #tpu.memory_space<semaphore_mem>>) {add = true}
        %mul3A_126 = arith.constant 4 : i32
        %mul3A_127 = arith.muli %scan3A_78, %mul3A_126 : i32
        %add3A_128 = arith.constant 2 : i32
        %add3A_129 = arith.addi %mul3A_127, %add3A_128 : i32
        %add3A_130 = arith.constant 4 : i32
        %add3A_131 = arith.addi %add3A_129, %add3A_130 : i32
        %sub3A_132 = arith.constant 1 : i32
        %sub3A_133 = arith.subi %add3A_131, %sub3A_132 : i32
        %lt3A_134 = arith.constant 160 : i32
        %lt3A_135 = arith.cmpi slt, %sub3A_133, %lt3A_134 : i32
        %convert_element_type3A_136 = arith.extui %lt3A_135 : i1 to i32
        %cond3A_137 = arith.constant 0 : i32
        %cond3A_138 = arith.cmpi ne, %convert_element_type3A_136, %cond3A_137 : i32
        scf.if %cond3A_138 {
          %ge3A = arith.constant 1 : i32
          %ge3A_176 = arith.cmpi sge, %add3A_129, %ge3A : i32
          %convert_element_type3A_177 = arith.extui %ge3A_176 : i1 to i32
          %cond3A_178 = arith.constant 0 : i32
          %cond3A_179 = arith.cmpi ne, %convert_element_type3A_177, %cond3A_178 : i32
          scf.if %cond3A_179 {
            %sub3A_190 = arith.constant 1 : i32
            %sub3A_191 = arith.subi %add3A_129, %sub3A_190 : i32
            %dma_wait3A_192 = arith.constant 0 : i32
            %dma_wait3A_193 = tpu.memref_slice %arg8[%sub3A_191, %dma_wait3A_192] : memref<160x128xi32, #tpu.memory_space<vmem>> -> memref<1x128xi32, #tpu.memory_space<vmem>>
            %dma_wait3A_194 = tpu.memref_squeeze %dma_wait3A_193 : memref<1x128xi32, #tpu.memory_space<vmem>> -> memref<128xi32, #tpu.memory_space<vmem>>
            %dma_wait3A_195 = arith.constant 0 : i32
            %dma_wait3A_196 = arith.constant 0 : i32
            %dma_wait3A_197 = tpu.memref_slice %arg14[%dma_wait3A_195, %dma_wait3A_196] : memref<10240x64xf32, #tpu.memory_space<vmem_shared>> -> memref<10240x64xf32, #tpu.memory_space<vmem_shared>>
            tpu.wait_indirect_dma semaphore(%arg20 : memref<!tpu.dma_semaphore, #tpu.memory_space<semaphore_mem>>) src(%arg10 : memref<128x64xf32, #tpu.memory_space<vmem>>) dst(%dma_wait3A_197 : memref<10240x64xf32, #tpu.memory_space<vmem_shared>>)
          } else {
          }
          %add3A_180 = arith.constant 4 : i32
          %add3A_181 = arith.addi %add3A_129, %add3A_180 : i32
          %sub3A_182 = arith.constant 1 : i32
          %sub3A_183 = arith.subi %add3A_181, %sub3A_182 : i32
          %dma_start3A_184 = arith.constant 0 : i32
          %dma_start3A_185 = tpu.memref_slice %arg7[%sub3A_183, %dma_start3A_184] : memref<160x128xi32, #tpu.memory_space<vmem>> -> memref<1x128xi32, #tpu.memory_space<vmem>>
          %dma_start3A_186 = tpu.memref_squeeze %dma_start3A_185 : memref<1x128xi32, #tpu.memory_space<vmem>> -> memref<128xi32, #tpu.memory_space<vmem>>
          %dma_start3A_187 = arith.constant 0 : i32
          %dma_start3A_188 = arith.constant 0 : i32
          %dma_start3A_189 = tpu.memref_slice %arg5[%dma_start3A_187, %dma_start3A_188] : memref<10000x64xf32, #tpu.memory_space<hbm>> -> memref<10000x64xf32, #tpu.memory_space<hbm>>
          tpu.enqueue_indirect_dma source(%dma_start3A_189 : memref<10000x64xf32, #tpu.memory_space<hbm>>) target(%arg10 : memref<128x64xf32, #tpu.memory_space<vmem>>) offsets(%dma_start3A_186 : memref<128xi32, #tpu.memory_space<vmem>>) semaphore(%arg16 : memref<!tpu.dma_semaphore, #tpu.memory_space<semaphore_mem>>)
        } else {
        }
        %dma_wait3A_139 = arith.constant 0 : i32
        %dma_wait3A_140 = tpu.memref_slice %arg7[%add3A_129, %dma_wait3A_139] : memref<160x128xi32, #tpu.memory_space<vmem>> -> memref<1x128xi32, #tpu.memory_space<vmem>>
        %dma_wait3A_141 = tpu.memref_squeeze %dma_wait3A_140 : memref<1x128xi32, #tpu.memory_space<vmem>> -> memref<128xi32, #tpu.memory_space<vmem>>
        %dma_wait3A_142 = arith.constant 0 : i32
        %dma_wait3A_143 = arith.constant 0 : i32
        %dma_wait3A_144 = tpu.memref_slice %arg5[%dma_wait3A_142, %dma_wait3A_143] : memref<10000x64xf32, #tpu.memory_space<hbm>> -> memref<10000x64xf32, #tpu.memory_space<hbm>>
        tpu.wait_indirect_dma semaphore(%arg17 : memref<!tpu.dma_semaphore, #tpu.memory_space<semaphore_mem>>) src(%dma_wait3A_144 : memref<10000x64xf32, #tpu.memory_space<hbm>>) dst(%arg11 : memref<128x64xf32, #tpu.memory_space<vmem>>)
        %dma_start3A_145 = arith.constant 0 : i32
        %dma_start3A_146 = tpu.memref_slice %arg8[%add3A_129, %dma_start3A_145] : memref<160x128xi32, #tpu.memory_space<vmem>> -> memref<1x128xi32, #tpu.memory_space<vmem>>
        %dma_start3A_147 = tpu.memref_squeeze %dma_start3A_146 : memref<1x128xi32, #tpu.memory_space<vmem>> -> memref<128xi32, #tpu.memory_space<vmem>>
        %dma_start3A_148 = arith.constant 0 : i32
        %dma_start3A_149 = arith.constant 0 : i32
        %dma_start3A_150 = tpu.memref_slice %arg14[%dma_start3A_148, %dma_start3A_149] : memref<10240x64xf32, #tpu.memory_space<vmem_shared>> -> memref<10240x64xf32, #tpu.memory_space<vmem_shared>>
        tpu.enqueue_indirect_dma source(%arg11 : memref<128x64xf32, #tpu.memory_space<vmem>>) target(%dma_start3A_150 : memref<10240x64xf32, #tpu.memory_space<vmem_shared>>) offsets(%dma_start3A_147 : memref<128xi32, #tpu.memory_space<vmem>>) semaphore(%arg21 : memref<!tpu.dma_semaphore, #tpu.memory_space<semaphore_mem>>) {add = true}
        %mul3A_151 = arith.constant 4 : i32
        %mul3A_152 = arith.muli %scan3A_78, %mul3A_151 : i32
        %add3A_153 = arith.constant 3 : i32
        %add3A_154 = arith.addi %mul3A_152, %add3A_153 : i32
        %add3A_155 = arith.constant 4 : i32
        %add3A_156 = arith.addi %add3A_154, %add3A_155 : i32
        %sub3A_157 = arith.constant 1 : i32
        %sub3A_158 = arith.subi %add3A_156, %sub3A_157 : i32
        %lt3A_159 = arith.constant 160 : i32
        %lt3A_160 = arith.cmpi slt, %sub3A_158, %lt3A_159 : i32
        %convert_element_type3A_161 = arith.extui %lt3A_160 : i1 to i32
        %cond3A_162 = arith.constant 0 : i32
        %cond3A_163 = arith.cmpi ne, %convert_element_type3A_161, %cond3A_162 : i32
        scf.if %cond3A_163 {
          %ge3A = arith.constant 1 : i32
          %ge3A_176 = arith.cmpi sge, %add3A_154, %ge3A : i32
          %convert_element_type3A_177 = arith.extui %ge3A_176 : i1 to i32
          %cond3A_178 = arith.constant 0 : i32
          %cond3A_179 = arith.cmpi ne, %convert_element_type3A_177, %cond3A_178 : i32
          scf.if %cond3A_179 {
            %sub3A_190 = arith.constant 1 : i32
            %sub3A_191 = arith.subi %add3A_154, %sub3A_190 : i32
            %dma_wait3A_192 = arith.constant 0 : i32
            %dma_wait3A_193 = tpu.memref_slice %arg8[%sub3A_191, %dma_wait3A_192] : memref<160x128xi32, #tpu.memory_space<vmem>> -> memref<1x128xi32, #tpu.memory_space<vmem>>
            %dma_wait3A_194 = tpu.memref_squeeze %dma_wait3A_193 : memref<1x128xi32, #tpu.memory_space<vmem>> -> memref<128xi32, #tpu.memory_space<vmem>>
            %dma_wait3A_195 = arith.constant 0 : i32
            %dma_wait3A_196 = arith.constant 0 : i32
            %dma_wait3A_197 = tpu.memref_slice %arg14[%dma_wait3A_195, %dma_wait3A_196] : memref<10240x64xf32, #tpu.memory_space<vmem_shared>> -> memref<10240x64xf32, #tpu.memory_space<vmem_shared>>
            tpu.wait_indirect_dma semaphore(%arg21 : memref<!tpu.dma_semaphore, #tpu.memory_space<semaphore_mem>>) src(%arg11 : memref<128x64xf32, #tpu.memory_space<vmem>>) dst(%dma_wait3A_197 : memref<10240x64xf32, #tpu.memory_space<vmem_shared>>)
          } else {
          }
          %add3A_180 = arith.constant 4 : i32
          %add3A_181 = arith.addi %add3A_154, %add3A_180 : i32
          %sub3A_182 = arith.constant 1 : i32
          %sub3A_183 = arith.subi %add3A_181, %sub3A_182 : i32
          %dma_start3A_184 = arith.constant 0 : i32
          %dma_start3A_185 = tpu.memref_slice %arg7[%sub3A_183, %dma_start3A_184] : memref<160x128xi32, #tpu.memory_space<vmem>> -> memref<1x128xi32, #tpu.memory_space<vmem>>
          %dma_start3A_186 = tpu.memref_squeeze %dma_start3A_185 : memref<1x128xi32, #tpu.memory_space<vmem>> -> memref<128xi32, #tpu.memory_space<vmem>>
          %dma_start3A_187 = arith.constant 0 : i32
          %dma_start3A_188 = arith.constant 0 : i32
          %dma_start3A_189 = tpu.memref_slice %arg5[%dma_start3A_187, %dma_start3A_188] : memref<10000x64xf32, #tpu.memory_space<hbm>> -> memref<10000x64xf32, #tpu.memory_space<hbm>>
          tpu.enqueue_indirect_dma source(%dma_start3A_189 : memref<10000x64xf32, #tpu.memory_space<hbm>>) target(%arg11 : memref<128x64xf32, #tpu.memory_space<vmem>>) offsets(%dma_start3A_186 : memref<128xi32, #tpu.memory_space<vmem>>) semaphore(%arg17 : memref<!tpu.dma_semaphore, #tpu.memory_space<semaphore_mem>>)
        } else {
        }
        %dma_wait3A_164 = arith.constant 0 : i32
        %dma_wait3A_165 = tpu.memref_slice %arg7[%add3A_154, %dma_wait3A_164] : memref<160x128xi32, #tpu.memory_space<vmem>> -> memref<1x128xi32, #tpu.memory_space<vmem>>
        %dma_wait3A_166 = tpu.memref_squeeze %dma_wait3A_165 : memref<1x128xi32, #tpu.memory_space<vmem>> -> memref<128xi32, #tpu.memory_space<vmem>>
        %dma_wait3A_167 = arith.constant 0 : i32
        %dma_wait3A_168 = arith.constant 0 : i32
        %dma_wait3A_169 = tpu.memref_slice %arg5[%dma_wait3A_167, %dma_wait3A_168] : memref<10000x64xf32, #tpu.memory_space<hbm>> -> memref<10000x64xf32, #tpu.memory_space<hbm>>
        tpu.wait_indirect_dma semaphore(%arg18 : memref<!tpu.dma_semaphore, #tpu.memory_space<semaphore_mem>>) src(%dma_wait3A_169 : memref<10000x64xf32, #tpu.memory_space<hbm>>) dst(%arg12 : memref<128x64xf32, #tpu.memory_space<vmem>>)
        %dma_start3A_170 = arith.constant 0 : i32
        %dma_start3A_171 = tpu.memref_slice %arg8[%add3A_154, %dma_start3A_170] : memref<160x128xi32, #tpu.memory_space<vmem>> -> memref<1x128xi32, #tpu.memory_space<vmem>>
        %dma_start3A_172 = tpu.memref_squeeze %dma_start3A_171 : memref<1x128xi32, #tpu.memory_space<vmem>> -> memref<128xi32, #tpu.memory_space<vmem>>
        %dma_start3A_173 = arith.constant 0 : i32
        %dma_start3A_174 = arith.constant 0 : i32
        %dma_start3A_175 = tpu.memref_slice %arg14[%dma_start3A_173, %dma_start3A_174] : memref<10240x64xf32, #tpu.memory_space<vmem_shared>> -> memref<10240x64xf32, #tpu.memory_space<vmem_shared>>
        tpu.enqueue_indirect_dma source(%arg12 : memref<128x64xf32, #tpu.memory_space<vmem>>) target(%dma_start3A_175 : memref<10240x64xf32, #tpu.memory_space<vmem_shared>>) offsets(%dma_start3A_172 : memref<128xi32, #tpu.memory_space<vmem>>) semaphore(%arg22 : memref<!tpu.dma_semaphore, #tpu.memory_space<semaphore_mem>>) {add = true}
      }
      %scan3A_50 = arith.constant 40 : i32
      %dma_wait3A = arith.constant 156 : i32
      %dma_wait3A_51 = arith.constant 0 : i32
      %dma_wait3A_52 = tpu.memref_slice %arg8[%dma_wait3A, %dma_wait3A_51] : memref<160x128xi32, #tpu.memory_space<vmem>> -> memref<1x128xi32, #tpu.memory_space<vmem>>
      %dma_wait3A_53 = tpu.memref_squeeze %dma_wait3A_52 : memref<1x128xi32, #tpu.memory_space<vmem>> -> memref<128xi32, #tpu.memory_space<vmem>>
      %dma_wait3A_54 = arith.constant 0 : i32
      %dma_wait3A_55 = arith.constant 0 : i32
      %dma_wait3A_56 = tpu.memref_slice %arg14[%dma_wait3A_54, %dma_wait3A_55] : memref<10240x64xf32, #tpu.memory_space<vmem_shared>> -> memref<10240x64xf32, #tpu.memory_space<vmem_shared>>
      tpu.wait_indirect_dma semaphore(%arg19 : memref<!tpu.dma_semaphore, #tpu.memory_space<semaphore_mem>>) src(%arg9 : memref<128x64xf32, #tpu.memory_space<vmem>>) dst(%dma_wait3A_56 : memref<10240x64xf32, #tpu.memory_space<vmem_shared>>)
      %dma_wait3A_57 = arith.constant 157 : i32
      %dma_wait3A_58 = arith.constant 0 : i32
      %dma_wait3A_59 = tpu.memref_slice %arg8[%dma_wait3A_57, %dma_wait3A_58] : memref<160x128xi32, #tpu.memory_space<vmem>> -> memref<1x128xi32, #tpu.memory_space<vmem>>
      %dma_wait3A_60 = tpu.memref_squeeze %dma_wait3A_59 : memref<1x128xi32, #tpu.memory_space<vmem>> -> memref<128xi32, #tpu.memory_space<vmem>>
      %dma_wait3A_61 = arith.constant 0 : i32
      %dma_wait3A_62 = arith.constant 0 : i32
      %dma_wait3A_63 = tpu.memref_slice %arg14[%dma_wait3A_61, %dma_wait3A_62] : memref<10240x64xf32, #tpu.memory_space<vmem_shared>> -> memref<10240x64xf32, #tpu.memory_space<vmem_shared>>
      tpu.wait_indirect_dma semaphore(%arg20 : memref<!tpu.dma_semaphore, #tpu.memory_space<semaphore_mem>>) src(%arg10 : memref<128x64xf32, #tpu.memory_space<vmem>>) dst(%dma_wait3A_63 : memref<10240x64xf32, #tpu.memory_space<vmem_shared>>)
      %dma_wait3A_64 = arith.constant 158 : i32
      %dma_wait3A_65 = arith.constant 0 : i32
      %dma_wait3A_66 = tpu.memref_slice %arg8[%dma_wait3A_64, %dma_wait3A_65] : memref<160x128xi32, #tpu.memory_space<vmem>> -> memref<1x128xi32, #tpu.memory_space<vmem>>
      %dma_wait3A_67 = tpu.memref_squeeze %dma_wait3A_66 : memref<1x128xi32, #tpu.memory_space<vmem>> -> memref<128xi32, #tpu.memory_space<vmem>>
      %dma_wait3A_68 = arith.constant 0 : i32
      %dma_wait3A_69 = arith.constant 0 : i32
      %dma_wait3A_70 = tpu.memref_slice %arg14[%dma_wait3A_68, %dma_wait3A_69] : memref<10240x64xf32, #tpu.memory_space<vmem_shared>> -> memref<10240x64xf32, #tpu.memory_space<vmem_shared>>
      tpu.wait_indirect_dma semaphore(%arg21 : memref<!tpu.dma_semaphore, #tpu.memory_space<semaphore_mem>>) src(%arg11 : memref<128x64xf32, #tpu.memory_space<vmem>>) dst(%dma_wait3A_70 : memref<10240x64xf32, #tpu.memory_space<vmem_shared>>)
      %dma_wait3A_71 = arith.constant 159 : i32
      %dma_wait3A_72 = arith.constant 0 : i32
      %dma_wait3A_73 = tpu.memref_slice %arg8[%dma_wait3A_71, %dma_wait3A_72] : memref<160x128xi32, #tpu.memory_space<vmem>> -> memref<1x128xi32, #tpu.memory_space<vmem>>
      %dma_wait3A_74 = tpu.memref_squeeze %dma_wait3A_73 : memref<1x128xi32, #tpu.memory_space<vmem>> -> memref<128xi32, #tpu.memory_space<vmem>>
      %dma_wait3A_75 = arith.constant 0 : i32
      %dma_wait3A_76 = arith.constant 0 : i32
      %dma_wait3A_77 = tpu.memref_slice %arg14[%dma_wait3A_75, %dma_wait3A_76] : memref<10240x64xf32, #tpu.memory_space<vmem_shared>> -> memref<10240x64xf32, #tpu.memory_space<vmem_shared>>
      tpu.wait_indirect_dma semaphore(%arg22 : memref<!tpu.dma_semaphore, #tpu.memory_space<semaphore_mem>>) src(%arg12 : memref<128x64xf32, #tpu.memory_space<vmem>>) dst(%dma_wait3A_77 : memref<10240x64xf32, #tpu.memory_space<vmem_shared>>)
    } else {
    }
    %barrier3A_40 = arith.constant 0 : index
    tpu.barrier barrier_id(%barrier3A_40)
    %mul3A_41 = arith.constant 640 : i32
    %mul3A_42 = arith.muli %arg1, %mul3A_41 : i32
    %mul3A_43 = arith.constant 640 : i32
    %mul3A_44 = arith.muli %arg1, %mul3A_43 : i32
    "tpu.region"() ({
      %run_scoped3A = tpu.sem_alloc : memref<!tpu.dma_semaphore, #tpu.memory_space<semaphore_mem>>
      %dma_start3A = arith.constant 0 : i32
      %dma_start3A_45 = tpu.memref_slice %arg6[%arg0, %mul3A_44, %dma_start3A] : memref<2x10240x64xf32, #tpu.memory_space<hbm>> -> memref<1x640x64xf32, #tpu.memory_space<hbm>>
      %dma_start3A_46 = tpu.memref_squeeze %dma_start3A_45 : memref<1x640x64xf32, #tpu.memory_space<hbm>> -> memref<640x64xf32, #tpu.memory_space<hbm>>
      %dma_start3A_47 = arith.constant 0 : i32
      %dma_start3A_48 = tpu.memref_slice %arg14[%mul3A_42, %dma_start3A_47] : memref<10240x64xf32, #tpu.memory_space<vmem_shared>> -> memref<640x64xf32, #tpu.memory_space<vmem_shared>>
      tpu.enqueue_dma source(%dma_start3A_48 : memref<640x64xf32, #tpu.memory_space<vmem_shared>>) target(%dma_start3A_46 : memref<640x64xf32, #tpu.memory_space<hbm>>) target_semaphore(%run_scoped3A : memref<!tpu.dma_semaphore, #tpu.memory_space<semaphore_mem>>)
      %dma_wait3A = arith.constant 0 : i32
      %dma_wait3A_49 = tpu.memref_slice %arg6[%arg0, %mul3A_44, %dma_wait3A] : memref<2x10240x64xf32, #tpu.memory_space<hbm>> -> memref<1x640x64xf32, #tpu.memory_space<hbm>>
      %dma_wait3A_50 = tpu.memref_squeeze %dma_wait3A_49 : memref<1x640x64xf32, #tpu.memory_space<hbm>> -> memref<640x64xf32, #tpu.memory_space<hbm>>
      %dma_wait3A_51 = arith.constant 0 : i32
      %dma_wait3A_52 = tpu.memref_slice %arg14[%mul3A_42, %dma_wait3A_51] : memref<10240x64xf32, #tpu.memory_space<vmem_shared>> -> memref<640x64xf32, #tpu.memory_space<vmem_shared>>
      tpu.wait_dma2 semaphore(%run_scoped3A : memref<!tpu.dma_semaphore, #tpu.memory_space<semaphore_mem>>) src(%dma_wait3A_52 : memref<640x64xf32, #tpu.memory_space<vmem_shared>>) dst(%dma_wait3A_50 : memref<640x64xf32, #tpu.memory_space<hbm>>)
      tpu.yield
    }) : () -> ()
    return
  }
}

#map = affine_map<(d0, d1) -> (0, 0, 0)>
#map1 = affine_map<(d0, d1) -> (0, 0)>
module attributes {stable_mosaic.version = 14 : i64} {
  func.func @body(%arg0: i32, %arg1: i32, %arg2: memref<16x160x128xi32, #tpu.memory_space<hbm>>, %arg3: memref<16x160x128xi32, #tpu.memory_space<hbm>>, %arg4: memref<10000x64xf32, #tpu.memory_space<hbm>>, %arg5: memref<10000x64xf32, #tpu.memory_space<hbm>>, %arg6: memref<2x10240x64xf32, #tpu.memory_space<hbm>>, %arg7: memref<160x128xi32, #tpu.memory_space<vmem>>, %arg8: memref<160x128xi32, #tpu.memory_space<vmem>>, %arg9: memref<128x64xf32, #tpu.memory_space<vmem>>, %arg10: memref<128x64xf32, #tpu.memory_space<vmem>>, %arg11: memref<128x64xf32, #tpu.memory_space<vmem>>, %arg12: memref<128x64xf32, #tpu.memory_space<vmem>>, %arg13: memref<128x64xf32, #tpu.memory_space<vmem>>, %arg14: memref<10240x64xf32, #tpu.memory_space<vmem_shared>>, %arg15: memref<!tpu.dma_semaphore, #tpu.memory_space<semaphore_mem>>, %arg16: memref<!tpu.dma_semaphore, #tpu.memory_space<semaphore_mem>>, %arg17: memref<!tpu.dma_semaphore, #tpu.memory_space<semaphore_mem>>, %arg18: memref<!tpu.dma_semaphore, #tpu.memory_space<semaphore_mem>>, %arg19: memref<!tpu.dma_semaphore, #tpu.memory_space<semaphore_mem>>, %arg20: memref<!tpu.dma_semaphore, #tpu.memory_space<semaphore_mem>>, %arg21: memref<!tpu.dma_semaphore, #tpu.memory_space<semaphore_mem>>, %arg22: memref<!tpu.dma_semaphore, #tpu.memory_space<semaphore_mem>>) attributes {dimension_semantics = [#tpu.dimension_semantics<core_parallel>, #tpu.dimension_semantics<subcore_parallel>], iteration_bounds = array<i64: 2, 16>, scalar_prefetch = 0 : i64, scratch_operands = 16 : i64, tpu.core_type = #tpu.core_type<sc_vector_subcore>, window_params = [{transform_indices = #map}, {transform_indices = #map}, {transform_indices = #map1}, {transform_indices = #map1}, {transform_indices = #map}]} {
    "tpu.region"() ({
      %run_scoped3A = tpu.sem_alloc : memref<!tpu.dma_semaphore, #tpu.memory_space<semaphore_mem>>
      %dma_start3A = arith.constant 0 : i32
      %dma_start3A_45 = arith.constant 0 : i32
      %dma_start3A_46 = tpu.memref_slice %arg2[%arg1, %dma_start3A, %dma_start3A_45] : memref<16x160x128xi32, #tpu.memory_space<hbm>> -> memref<1x160x128xi32, #tpu.memory_space<hbm>>
      %dma_start3A_47 = tpu.memref_squeeze %dma_start3A_46 : memref<1x160x128xi32, #tpu.memory_space<hbm>> -> memref<160x128xi32, #tpu.memory_space<hbm>>
      %dma_start3A_48 = arith.constant 0 : i32
      %dma_start3A_49 = arith.constant 0 : i32
      %dma_start3A_50 = tpu.memref_slice %arg2[%arg1, %dma_start3A_48, %dma_start3A_49] : memref<16x160x128xi32, #tpu.memory_space<hbm>> -> memref<1x160x128xi32, #tpu.memory_space<hbm>>
      %dma_start3A_51 = tpu.memref_squeeze %dma_start3A_50 : memref<1x160x128xi32, #tpu.memory_space<hbm>> -> memref<160x128xi32, #tpu.memory_space<hbm>>
      tpu.enqueue_dma source(%dma_start3A_51 : memref<160x128xi32, #tpu.memory_space<hbm>>) target(%arg7 : memref<160x128xi32, #tpu.memory_space<vmem>>) target_semaphore(%run_scoped3A : memref<!tpu.dma_semaphore, #tpu.memory_space<semaphore_mem>>)
      %dma_wait3A = arith.constant 0 : i32
      %dma_wait3A_52 = arith.constant 0 : i32
      %dma_wait3A_53 = tpu.memref_slice %arg2[%arg1, %dma_wait3A, %dma_wait3A_52] : memref<16x160x128xi32, #tpu.memory_space<hbm>> -> memref<1x160x128xi32, #tpu.memory_space<hbm>>
      %dma_wait3A_54 = tpu.memref_squeeze %dma_wait3A_53 : memref<1x160x128xi32, #tpu.memory_space<hbm>> -> memref<160x128xi32, #tpu.memory_space<hbm>>
      %dma_wait3A_55 = arith.constant 0 : i32
      %dma_wait3A_56 = arith.constant 0 : i32
      %dma_wait3A_57 = tpu.memref_slice %arg2[%arg1, %dma_wait3A_55, %dma_wait3A_56] : memref<16x160x128xi32, #tpu.memory_space<hbm>> -> memref<1x160x128xi32, #tpu.memory_space<hbm>>
      %dma_wait3A_58 = tpu.memref_squeeze %dma_wait3A_57 : memref<1x160x128xi32, #tpu.memory_space<hbm>> -> memref<160x128xi32, #tpu.memory_space<hbm>>
      tpu.wait_dma2 semaphore(%run_scoped3A : memref<!tpu.dma_semaphore, #tpu.memory_space<semaphore_mem>>) src(%dma_wait3A_58 : memref<160x128xi32, #tpu.memory_space<hbm>>) dst(%arg7 : memref<160x128xi32, #tpu.memory_space<vmem>>)
      tpu.yield
    }) : () -> ()
    "tpu.region"() ({
      %run_scoped3A = tpu.sem_alloc : memref<!tpu.dma_semaphore, #tpu.memory_space<semaphore_mem>>
      %dma_start3A = arith.constant 0 : i32
      %dma_start3A_45 = arith.constant 0 : i32
      %dma_start3A_46 = tpu.memref_slice %arg3[%arg1, %dma_start3A, %dma_start3A_45] : memref<16x160x128xi32, #tpu.memory_space<hbm>> -> memref<1x160x128xi32, #tpu.memory_space<hbm>>
      %dma_start3A_47 = tpu.memref_squeeze %dma_start3A_46 : memref<1x160x128xi32, #tpu.memory_space<hbm>> -> memref<160x128xi32, #tpu.memory_space<hbm>>
      %dma_start3A_48 = arith.constant 0 : i32
      %dma_start3A_49 = arith.constant 0 : i32
      %dma_start3A_50 = tpu.memref_slice %arg3[%arg1, %dma_start3A_48, %dma_start3A_49] : memref<16x160x128xi32, #tpu.memory_space<hbm>> -> memref<1x160x128xi32, #tpu.memory_space<hbm>>
      %dma_start3A_51 = tpu.memref_squeeze %dma_start3A_50 : memref<1x160x128xi32, #tpu.memory_space<hbm>> -> memref<160x128xi32, #tpu.memory_space<hbm>>
      tpu.enqueue_dma source(%dma_start3A_51 : memref<160x128xi32, #tpu.memory_space<hbm>>) target(%arg8 : memref<160x128xi32, #tpu.memory_space<vmem>>) target_semaphore(%run_scoped3A : memref<!tpu.dma_semaphore, #tpu.memory_space<semaphore_mem>>)
      %dma_wait3A = arith.constant 0 : i32
      %dma_wait3A_52 = arith.constant 0 : i32
      %dma_wait3A_53 = tpu.memref_slice %arg3[%arg1, %dma_wait3A, %dma_wait3A_52] : memref<16x160x128xi32, #tpu.memory_space<hbm>> -> memref<1x160x128xi32, #tpu.memory_space<hbm>>
      %dma_wait3A_54 = tpu.memref_squeeze %dma_wait3A_53 : memref<1x160x128xi32, #tpu.memory_space<hbm>> -> memref<160x128xi32, #tpu.memory_space<hbm>>
      %dma_wait3A_55 = arith.constant 0 : i32
      %dma_wait3A_56 = arith.constant 0 : i32
      %dma_wait3A_57 = tpu.memref_slice %arg3[%arg1, %dma_wait3A_55, %dma_wait3A_56] : memref<16x160x128xi32, #tpu.memory_space<hbm>> -> memref<1x160x128xi32, #tpu.memory_space<hbm>>
      %dma_wait3A_58 = tpu.memref_squeeze %dma_wait3A_57 : memref<1x160x128xi32, #tpu.memory_space<hbm>> -> memref<160x128xi32, #tpu.memory_space<hbm>>
      tpu.wait_dma2 semaphore(%run_scoped3A : memref<!tpu.dma_semaphore, #tpu.memory_space<semaphore_mem>>) src(%dma_wait3A_58 : memref<160x128xi32, #tpu.memory_space<hbm>>) dst(%arg8 : memref<160x128xi32, #tpu.memory_space<vmem>>)
      tpu.yield
    }) : () -> ()
    %eq3A = arith.constant 0 : i32
    %eq3A_0 = arith.cmpi eq, %arg0, %eq3A : i32
    %convert_element_type3A = arith.extui %eq3A_0 : i1 to i32
    %cond3A = arith.constant 0 : i32
    %cond3A_1 = arith.cmpi ne, %convert_element_type3A, %cond3A : i32
    scf.if %cond3A_1 {
      %dma_start3A = arith.constant 0 : i32
      %dma_start3A_45 = arith.constant 0 : i32
      %dma_start3A_46 = tpu.memref_slice %arg7[%dma_start3A, %dma_start3A_45] : memref<160x128xi32, #tpu.memory_space<vmem>> -> memref<1x128xi32, #tpu.memory_space<vmem>>
      %dma_start3A_47 = tpu.memref_squeeze %dma_start3A_46 : memref<1x128xi32, #tpu.memory_space<vmem>> -> memref<128xi32, #tpu.memory_space<vmem>>
      %dma_start3A_48 = arith.constant 0 : i32
      %dma_start3A_49 = arith.constant 0 : i32
      %dma_start3A_50 = tpu.memref_slice %arg4[%dma_start3A_48, %dma_start3A_49] : memref<10000x64xf32, #tpu.memory_space<hbm>> -> memref<10000x64xf32, #tpu.memory_space<hbm>>
      tpu.enqueue_indirect_dma source(%dma_start3A_50 : memref<10000x64xf32, #tpu.memory_space<hbm>>) target(%arg9 : memref<128x64xf32, #tpu.memory_space<vmem>>) offsets(%dma_start3A_47 : memref<128xi32, #tpu.memory_space<vmem>>) semaphore(%arg15 : memref<!tpu.dma_semaphore, #tpu.memory_space<semaphore_mem>>)
      %dma_start3A_51 = arith.constant 1 : i32
      %dma_start3A_52 = arith.constant 0 : i32
      %dma_start3A_53 = tpu.memref_slice %arg7[%dma_start3A_51, %dma_start3A_52] : memref<160x128xi32, #tpu.memory_space<vmem>> -> memref<1x128xi32, #tpu.memory_space<vmem>>
      %dma_start3A_54 = tpu.memref_squeeze %dma_start3A_53 : memref<1x128xi32, #tpu.memory_space<vmem>> -> memref<128xi32, #tpu.memory_space<vmem>>
      %dma_start3A_55 = arith.constant 0 : i32
      %dma_start3A_56 = arith.constant 0 : i32
      %dma_start3A_57 = tpu.memref_slice %arg4[%dma_start3A_55, %dma_start3A_56] : memref<10000x64xf32, #tpu.memory_space<hbm>> -> memref<10000x64xf32, #tpu.memory_space<hbm>>
      tpu.enqueue_indirect_dma source(%dma_start3A_57 : memref<10000x64xf32, #tpu.memory_space<hbm>>) target(%arg10 : memref<128x64xf32, #tpu.memory_space<vmem>>) offsets(%dma_start3A_54 : memref<128xi32, #tpu.memory_space<vmem>>) semaphore(%arg16 : memref<!tpu.dma_semaphore, #tpu.memory_space<semaphore_mem>>)
      %dma_start3A_58 = arith.constant 2 : i32
      %dma_start3A_59 = arith.constant 0 : i32
      %dma_start3A_60 = tpu.memref_slice %arg7[%dma_start3A_58, %dma_start3A_59] : memref<160x128xi32, #tpu.memory_space<vmem>> -> memref<1x128xi32, #tpu.memory_space<vmem>>
      %dma_start3A_61 = tpu.memref_squeeze %dma_start3A_60 : memref<1x128xi32, #tpu.memory_space<vmem>> -> memref<128xi32, #tpu.memory_space<vmem>>
      %dma_start3A_62 = arith.constant 0 : i32
      %dma_start3A_63 = arith.constant 0 : i32
      %dma_start3A_64 = tpu.memref_slice %arg4[%dma_start3A_62, %dma_start3A_63] : memref<10000x64xf32, #tpu.memory_space<hbm>> -> memref<10000x64xf32, #tpu.memory_space<hbm>>
      tpu.enqueue_indirect_dma source(%dma_start3A_64 : memref<10000x64xf32, #tpu.memory_space<hbm>>) target(%arg11 : memref<128x64xf32, #tpu.memory_space<vmem>>) offsets(%dma_start3A_61 : memref<128xi32, #tpu.memory_space<vmem>>) semaphore(%arg17 : memref<!tpu.dma_semaphore, #tpu.memory_space<semaphore_mem>>)
    } else {
    }
    %eq3A_2 = arith.constant 1 : i32
    %eq3A_3 = arith.cmpi eq, %arg0, %eq3A_2 : i32
    %convert_element_type3A_4 = arith.extui %eq3A_3 : i1 to i32
    %cond3A_5 = arith.constant 0 : i32
    %cond3A_6 = arith.cmpi ne, %convert_element_type3A_4, %cond3A_5 : i32
    scf.if %cond3A_6 {
      %dma_start3A = arith.constant 0 : i32
      %dma_start3A_45 = arith.constant 0 : i32
      %dma_start3A_46 = tpu.memref_slice %arg7[%dma_start3A, %dma_start3A_45] : memref<160x128xi32, #tpu.memory_space<vmem>> -> memref<1x128xi32, #tpu.memory_space<vmem>>
      %dma_start3A_47 = tpu.memref_squeeze %dma_start3A_46 : memref<1x128xi32, #tpu.memory_space<vmem>> -> memref<128xi32, #tpu.memory_space<vmem>>
      %dma_start3A_48 = arith.constant 0 : i32
      %dma_start3A_49 = arith.constant 0 : i32
      %dma_start3A_50 = tpu.memref_slice %arg5[%dma_start3A_48, %dma_start3A_49] : memref<10000x64xf32, #tpu.memory_space<hbm>> -> memref<10000x64xf32, #tpu.memory_space<hbm>>
      tpu.enqueue_indirect_dma source(%dma_start3A_50 : memref<10000x64xf32, #tpu.memory_space<hbm>>) target(%arg9 : memref<128x64xf32, #tpu.memory_space<vmem>>) offsets(%dma_start3A_47 : memref<128xi32, #tpu.memory_space<vmem>>) semaphore(%arg15 : memref<!tpu.dma_semaphore, #tpu.memory_space<semaphore_mem>>)
      %dma_start3A_51 = arith.constant 1 : i32
      %dma_start3A_52 = arith.constant 0 : i32
      %dma_start3A_53 = tpu.memref_slice %arg7[%dma_start3A_51, %dma_start3A_52] : memref<160x128xi32, #tpu.memory_space<vmem>> -> memref<1x128xi32, #tpu.memory_space<vmem>>
      %dma_start3A_54 = tpu.memref_squeeze %dma_start3A_53 : memref<1x128xi32, #tpu.memory_space<vmem>> -> memref<128xi32, #tpu.memory_space<vmem>>
      %dma_start3A_55 = arith.constant 0 : i32
      %dma_start3A_56 = arith.constant 0 : i32
      %dma_start3A_57 = tpu.memref_slice %arg5[%dma_start3A_55, %dma_start3A_56] : memref<10000x64xf32, #tpu.memory_space<hbm>> -> memref<10000x64xf32, #tpu.memory_space<hbm>>
      tpu.enqueue_indirect_dma source(%dma_start3A_57 : memref<10000x64xf32, #tpu.memory_space<hbm>>) target(%arg10 : memref<128x64xf32, #tpu.memory_space<vmem>>) offsets(%dma_start3A_54 : memref<128xi32, #tpu.memory_space<vmem>>) semaphore(%arg16 : memref<!tpu.dma_semaphore, #tpu.memory_space<semaphore_mem>>)
      %dma_start3A_58 = arith.constant 2 : i32
      %dma_start3A_59 = arith.constant 0 : i32
      %dma_start3A_60 = tpu.memref_slice %arg7[%dma_start3A_58, %dma_start3A_59] : memref<160x128xi32, #tpu.memory_space<vmem>> -> memref<1x128xi32, #tpu.memory_space<vmem>>
      %dma_start3A_61 = tpu.memref_squeeze %dma_start3A_60 : memref<1x128xi32, #tpu.memory_space<vmem>> -> memref<128xi32, #tpu.memory_space<vmem>>
      %dma_start3A_62 = arith.constant 0 : i32
      %dma_start3A_63 = arith.constant 0 : i32
      %dma_start3A_64 = tpu.memref_slice %arg5[%dma_start3A_62, %dma_start3A_63] : memref<10000x64xf32, #tpu.memory_space<hbm>> -> memref<10000x64xf32, #tpu.memory_space<hbm>>
      tpu.enqueue_indirect_dma source(%dma_start3A_64 : memref<10000x64xf32, #tpu.memory_space<hbm>>) target(%arg11 : memref<128x64xf32, #tpu.memory_space<vmem>>) offsets(%dma_start3A_61 : memref<128xi32, #tpu.memory_space<vmem>>) semaphore(%arg17 : memref<!tpu.dma_semaphore, #tpu.memory_space<semaphore_mem>>)
    } else {
    }
    %scan3A = arith.constant 0 : i32
    %scan3A_7 = arith.constant 0 : i32
    %scan3A_8 = arith.constant 128 : i32
    %scan3A_9 = arith.addi %scan3A_7, %scan3A_8 : i32
    %scan3A_10 = arith.constant 1 : i32
    scf.for %scan3A_45 = %scan3A_7 to %scan3A_9 step %scan3A_10  : i32 {
      %broadcast_in_dim3A = arith.constant 0.000000e+00 : f32
      %broadcast_in_dim3A_46 = vector.broadcast %broadcast_in_dim3A : f32 to vector<16xf32>
      %swap3A = arith.index_cast %scan3A_45 : i32 to index
      %swap3A_47 = arith.constant 0 : index
      %swap3A_48 = tpu.vector_load %arg13[%swap3A, %swap3A_47] {strides = array<i32>} : memref<128x64xf32, #tpu.memory_space<vmem>>, vector<1x16xf32>,
      %swap3A_49 = vector.shape_cast %swap3A_48 : vector<1x16xf32> to vector<16xf32>
      %swap3A_50 = vector.shape_cast %broadcast_in_dim3A_46 : vector<16xf32> to vector<1x16xf32>
      tpu.vector_store %arg13[%swap3A, %swap3A_47], %swap3A_50 {strides = array<i32>} : memref<128x64xf32, #tpu.memory_space<vmem>>, vector<1x16xf32>,
      %broadcast_in_dim3A_51 = arith.constant 0.000000e+00 : f32
      %broadcast_in_dim3A_52 = vector.broadcast %broadcast_in_dim3A_51 : f32 to vector<16xf32>
      %swap3A_53 = arith.index_cast %scan3A_45 : i32 to index
      %swap3A_54 = arith.constant 16 : index
      %swap3A_55 = tpu.vector_load %arg13[%swap3A_53, %swap3A_54] {strides = array<i32>} : memref<128x64xf32, #tpu.memory_space<vmem>>, vector<1x16xf32>,
      %swap3A_56 = vector.shape_cast %swap3A_55 : vector<1x16xf32> to vector<16xf32>
      %swap3A_57 = vector.shape_cast %broadcast_in_dim3A_52 : vector<16xf32> to vector<1x16xf32>
      tpu.vector_store %arg13[%swap3A_53, %swap3A_54], %swap3A_57 {strides = array<i32>} : memref<128x64xf32, #tpu.memory_space<vmem>>, vector<1x16xf32>,
      %broadcast_in_dim3A_58 = arith.constant 0.000000e+00 : f32
      %broadcast_in_dim3A_59 = vector.broadcast %broadcast_in_dim3A_58 : f32 to vector<16xf32>
      %swap3A_60 = arith.index_cast %scan3A_45 : i32 to index
      %swap3A_61 = arith.constant 32 : index
      %swap3A_62 = tpu.vector_load %arg13[%swap3A_60, %swap3A_61] {strides = array<i32>} : memref<128x64xf32, #tpu.memory_space<vmem>>, vector<1x16xf32>,
      %swap3A_63 = vector.shape_cast %swap3A_62 : vector<1x16xf32> to vector<16xf32>
      %swap3A_64 = vector.shape_cast %broadcast_in_dim3A_59 : vector<16xf32> to vector<1x16xf32>
      tpu.vector_store %arg13[%swap3A_60, %swap3A_61], %swap3A_64 {strides = array<i32>} : memref<128x64xf32, #tpu.memory_space<vmem>>, vector<1x16xf32>,
      %broadcast_in_dim3A_65 = arith.constant 0.000000e+00 : f32
      %broadcast_in_dim3A_66 = vector.broadcast %broadcast_in_dim3A_65 : f32 to vector<16xf32>
      %swap3A_67 = arith.index_cast %scan3A_45 : i32 to index
      %swap3A_68 = arith.constant 48 : index
      %swap3A_69 = tpu.vector_load %arg13[%swap3A_67, %swap3A_68] {strides = array<i32>} : memref<128x64xf32, #tpu.memory_space<vmem>>, vector<1x16xf32>,
      %swap3A_70 = vector.shape_cast %swap3A_69 : vector<1x16xf32> to vector<16xf32>
      %swap3A_71 = vector.shape_cast %broadcast_in_dim3A_66 : vector<16xf32> to vector<1x16xf32>
      tpu.vector_store %arg13[%swap3A_67, %swap3A_68], %swap3A_71 {strides = array<i32>} : memref<128x64xf32, #tpu.memory_space<vmem>>, vector<1x16xf32>,
    }
    %scan3A_11 = arith.constant 128 : i32
    %mul3A = arith.constant 640 : i32
    %mul3A_12 = arith.muli %arg1, %mul3A : i32
    %add3A = arith.constant 0 : i32
    %add3A_13 = arith.addi %mul3A_12, %add3A : i32
    "tpu.region"() ({
      %run_scoped3A = tpu.sem_alloc : memref<!tpu.dma_semaphore, #tpu.memory_space<semaphore_mem>>
      %dma_start3A = arith.constant 0 : i32
      %dma_start3A_45 = tpu.memref_slice %arg14[%add3A_13, %dma_start3A] : memref<10240x64xf32, #tpu.memory_space<vmem_shared>> -> memref<128x64xf32, #tpu.memory_space<vmem_shared>>
      %dma_start3A_46 = arith.constant 0 : i32
      %dma_start3A_47 = tpu.memref_slice %arg14[%add3A_13, %dma_start3A_46] : memref<10240x64xf32, #tpu.memory_space<vmem_shared>> -> memref<128x64xf32, #tpu.memory_space<vmem_shared>>
      tpu.enqueue_dma source(%arg13 : memref<128x64xf32, #tpu.memory_space<vmem>>) target(%dma_start3A_47 : memref<128x64xf32, #tpu.memory_space<vmem_shared>>) target_semaphore(%run_scoped3A : memref<!tpu.dma_semaphore, #tpu.memory_space<semaphore_mem>>)
      %dma_wait3A = arith.constant 0 : i32
      %dma_wait3A_48 = tpu.memref_slice %arg14[%add3A_13, %dma_wait3A] : memref<10240x64xf32, #tpu.memory_space<vmem_shared>> -> memref<128x64xf32, #tpu.memory_space<vmem_shared>>
      %dma_wait3A_49 = arith.constant 0 : i32
      %dma_wait3A_50 = tpu.memref_slice %arg14[%add3A_13, %dma_wait3A_49] : memref<10240x64xf32, #tpu.memory_space<vmem_shared>> -> memref<128x64xf32, #tpu.memory_space<vmem_shared>>
      tpu.wait_dma2 semaphore(%run_scoped3A : memref<!tpu.dma_semaphore, #tpu.memory_space<semaphore_mem>>) src(%arg13 : memref<128x64xf32, #tpu.memory_space<vmem>>) dst(%dma_wait3A_50 : memref<128x64xf32, #tpu.memory_space<vmem_shared>>)
      tpu.yield
    }) : () -> ()
    %mul3A_14 = arith.constant 640 : i32
    %mul3A_15 = arith.muli %arg1, %mul3A_14 : i32
    %add3A_16 = arith.constant 128 : i32
    %add3A_17 = arith.addi %mul3A_15, %add3A_16 : i32
    "tpu.region"() ({
      %run_scoped3A = tpu.sem_alloc : memref<!tpu.dma_semaphore, #tpu.memory_space<semaphore_mem>>
      %dma_start3A = arith.constant 0 : i32
      %dma_start3A_45 = tpu.memref_slice %arg14[%add3A_17, %dma_start3A] : memref<10240x64xf32, #tpu.memory_space<vmem_shared>> -> memref<128x64xf32, #tpu.memory_space<vmem_shared>>
      %dma_start3A_46 = arith.constant 0 : i32
      %dma_start3A_47 = tpu.memref_slice %arg14[%add3A_17, %dma_start3A_46] : memref<10240x64xf32, #tpu.memory_space<vmem_shared>> -> memref<128x64xf32, #tpu.memory_space<vmem_shared>>
      tpu.enqueue_dma source(%arg13 : memref<128x64xf32, #tpu.memory_space<vmem>>) target(%dma_start3A_47 : memref<128x64xf32, #tpu.memory_space<vmem_shared>>) target_semaphore(%run_scoped3A : memref<!tpu.dma_semaphore, #tpu.memory_space<semaphore_mem>>)
      %dma_wait3A = arith.constant 0 : i32
      %dma_wait3A_48 = tpu.memref_slice %arg14[%add3A_17, %dma_wait3A] : memref<10240x64xf32, #tpu.memory_space<vmem_shared>> -> memref<128x64xf32, #tpu.memory_space<vmem_shared>>
      %dma_wait3A_49 = arith.constant 0 : i32
      %dma_wait3A_50 = tpu.memref_slice %arg14[%add3A_17, %dma_wait3A_49] : memref<10240x64xf32, #tpu.memory_space<vmem_shared>> -> memref<128x64xf32, #tpu.memory_space<vmem_shared>>
      tpu.wait_dma2 semaphore(%run_scoped3A : memref<!tpu.dma_semaphore, #tpu.memory_space<semaphore_mem>>) src(%arg13 : memref<128x64xf32, #tpu.memory_space<vmem>>) dst(%dma_wait3A_50 : memref<128x64xf32, #tpu.memory_space<vmem_shared>>)
      tpu.yield
    }) : () -> ()
    %mul3A_18 = arith.constant 640 : i32
    %mul3A_19 = arith.muli %arg1, %mul3A_18 : i32
    %add3A_20 = arith.constant 256 : i32
    %add3A_21 = arith.addi %mul3A_19, %add3A_20 : i32
    "tpu.region"() ({
      %run_scoped3A = tpu.sem_alloc : memref<!tpu.dma_semaphore, #tpu.memory_space<semaphore_mem>>
      %dma_start3A = arith.constant 0 : i32
      %dma_start3A_45 = tpu.memref_slice %arg14[%add3A_21, %dma_start3A] : memref<10240x64xf32, #tpu.memory_space<vmem_shared>> -> memref<128x64xf32, #tpu.memory_space<vmem_shared>>
      %dma_start3A_46 = arith.constant 0 : i32
      %dma_start3A_47 = tpu.memref_slice %arg14[%add3A_21, %dma_start3A_46] : memref<10240x64xf32, #tpu.memory_space<vmem_shared>> -> memref<128x64xf32, #tpu.memory_space<vmem_shared>>
      tpu.enqueue_dma source(%arg13 : memref<128x64xf32, #tpu.memory_space<vmem>>) target(%dma_start3A_47 : memref<128x64xf32, #tpu.memory_space<vmem_shared>>) target_semaphore(%run_scoped3A : memref<!tpu.dma_semaphore, #tpu.memory_space<semaphore_mem>>)
      %dma_wait3A = arith.constant 0 : i32
      %dma_wait3A_48 = tpu.memref_slice %arg14[%add3A_21, %dma_wait3A] : memref<10240x64xf32, #tpu.memory_space<vmem_shared>> -> memref<128x64xf32, #tpu.memory_space<vmem_shared>>
      %dma_wait3A_49 = arith.constant 0 : i32
      %dma_wait3A_50 = tpu.memref_slice %arg14[%add3A_21, %dma_wait3A_49] : memref<10240x64xf32, #tpu.memory_space<vmem_shared>> -> memref<128x64xf32, #tpu.memory_space<vmem_shared>>
      tpu.wait_dma2 semaphore(%run_scoped3A : memref<!tpu.dma_semaphore, #tpu.memory_space<semaphore_mem>>) src(%arg13 : memref<128x64xf32, #tpu.memory_space<vmem>>) dst(%dma_wait3A_50 : memref<128x64xf32, #tpu.memory_space<vmem_shared>>)
      tpu.yield
    }) : () -> ()
    %mul3A_22 = arith.constant 640 : i32
    %mul3A_23 = arith.muli %arg1, %mul3A_22 : i32
    %add3A_24 = arith.constant 384 : i32
    %add3A_25 = arith.addi %mul3A_23, %add3A_24 : i32
    "tpu.region"() ({
      %run_scoped3A = tpu.sem_alloc : memref<!tpu.dma_semaphore, #tpu.memory_space<semaphore_mem>>
      %dma_start3A = arith.constant 0 : i32
      %dma_start3A_45 = tpu.memref_slice %arg14[%add3A_25, %dma_start3A] : memref<10240x64xf32, #tpu.memory_space<vmem_shared>> -> memref<128x64xf32, #tpu.memory_space<vmem_shared>>
      %dma_start3A_46 = arith.constant 0 : i32
      %dma_start3A_47 = tpu.memref_slice %arg14[%add3A_25, %dma_start3A_46] : memref<10240x64xf32, #tpu.memory_space<vmem_shared>> -> memref<128x64xf32, #tpu.memory_space<vmem_shared>>
      tpu.enqueue_dma source(%arg13 : memref<128x64xf32, #tpu.memory_space<vmem>>) target(%dma_start3A_47 : memref<128x64xf32, #tpu.memory_space<vmem_shared>>) target_semaphore(%run_scoped3A : memref<!tpu.dma_semaphore, #tpu.memory_space<semaphore_mem>>)
      %dma_wait3A = arith.constant 0 : i32
      %dma_wait3A_48 = tpu.memref_slice %arg14[%add3A_25, %dma_wait3A] : memref<10240x64xf32, #tpu.memory_space<vmem_shared>> -> memref<128x64xf32, #tpu.memory_space<vmem_shared>>
      %dma_wait3A_49 = arith.constant 0 : i32
      %dma_wait3A_50 = tpu.memref_slice %arg14[%add3A_25, %dma_wait3A_49] : memref<10240x64xf32, #tpu.memory_space<vmem_shared>> -> memref<128x64xf32, #tpu.memory_space<vmem_shared>>
      tpu.wait_dma2 semaphore(%run_scoped3A : memref<!tpu.dma_semaphore, #tpu.memory_space<semaphore_mem>>) src(%arg13 : memref<128x64xf32, #tpu.memory_space<vmem>>) dst(%dma_wait3A_50 : memref<128x64xf32, #tpu.memory_space<vmem_shared>>)
      tpu.yield
    }) : () -> ()
    %mul3A_26 = arith.constant 640 : i32
    %mul3A_27 = arith.muli %arg1, %mul3A_26 : i32
    %add3A_28 = arith.constant 512 : i32
    %add3A_29 = arith.addi %mul3A_27, %add3A_28 : i32
    "tpu.region"() ({
      %run_scoped3A = tpu.sem_alloc : memref<!tpu.dma_semaphore, #tpu.memory_space<semaphore_mem>>
      %dma_start3A = arith.constant 0 : i32
      %dma_start3A_45 = tpu.memref_slice %arg14[%add3A_29, %dma_start3A] : memref<10240x64xf32, #tpu.memory_space<vmem_shared>> -> memref<128x64xf32, #tpu.memory_space<vmem_shared>>
      %dma_start3A_46 = arith.constant 0 : i32
      %dma_start3A_47 = tpu.memref_slice %arg14[%add3A_29, %dma_start3A_46] : memref<10240x64xf32, #tpu.memory_space<vmem_shared>> -> memref<128x64xf32, #tpu.memory_space<vmem_shared>>
      tpu.enqueue_dma source(%arg13 : memref<128x64xf32, #tpu.memory_space<vmem>>) target(%dma_start3A_47 : memref<128x64xf32, #tpu.memory_space<vmem_shared>>) target_semaphore(%run_scoped3A : memref<!tpu.dma_semaphore, #tpu.memory_space<semaphore_mem>>)
      %dma_wait3A = arith.constant 0 : i32
      %dma_wait3A_48 = tpu.memref_slice %arg14[%add3A_29, %dma_wait3A] : memref<10240x64xf32, #tpu.memory_space<vmem_shared>> -> memref<128x64xf32, #tpu.memory_space<vmem_shared>>
      %dma_wait3A_49 = arith.constant 0 : i32
      %dma_wait3A_50 = tpu.memref_slice %arg14[%add3A_29, %dma_wait3A_49] : memref<10240x64xf32, #tpu.memory_space<vmem_shared>> -> memref<128x64xf32, #tpu.memory_space<vmem_shared>>
      tpu.wait_dma2 semaphore(%run_scoped3A : memref<!tpu.dma_semaphore, #tpu.memory_space<semaphore_mem>>) src(%arg13 : memref<128x64xf32, #tpu.memory_space<vmem>>) dst(%dma_wait3A_50 : memref<128x64xf32, #tpu.memory_space<vmem_shared>>)
      tpu.yield
    }) : () -> ()
    %barrier3A = arith.constant 0 : index
    tpu.barrier barrier_id(%barrier3A)
    %eq3A_30 = arith.constant 0 : i32
    %eq3A_31 = arith.cmpi eq, %arg0, %eq3A_30 : i32
    %convert_element_type3A_32 = arith.extui %eq3A_31 : i1 to i32
    %cond3A_33 = arith.constant 0 : i32
    %cond3A_34 = arith.cmpi ne, %convert_element_type3A_32, %cond3A_33 : i32
    scf.if %cond3A_34 {
      %scan3A_45 = arith.constant 0 : i32
      %scan3A_46 = arith.constant 0 : i32
      %scan3A_47 = arith.constant 40 : i32
      %scan3A_48 = arith.addi %scan3A_46, %scan3A_47 : i32
      %scan3A_49 = arith.constant 1 : i32
      scf.for %scan3A_78 = %scan3A_46 to %scan3A_48 step %scan3A_49  : i32 {
        %mul3A_79 = arith.constant 4 : i32
        %mul3A_80 = arith.muli %scan3A_78, %mul3A_79 : i32
        %add3A_81 = arith.constant 0 : i32
        %add3A_82 = arith.addi %mul3A_80, %add3A_81 : i32
        %add3A_83 = arith.constant 4 : i32
        %add3A_84 = arith.addi %add3A_82, %add3A_83 : i32
        %sub3A = arith.constant 1 : i32
        %sub3A_85 = arith.subi %add3A_84, %sub3A : i32
        %lt3A = arith.constant 160 : i32
        %lt3A_86 = arith.cmpi slt, %sub3A_85, %lt3A : i32
        %convert_element_type3A_87 = arith.extui %lt3A_86 : i1 to i32
        %cond3A_88 = arith.constant 0 : i32
        %cond3A_89 = arith.cmpi ne, %convert_element_type3A_87, %cond3A_88 : i32
        scf.if %cond3A_89 {
          %ge3A = arith.constant 1 : i32
          %ge3A_176 = arith.cmpi sge, %add3A_82, %ge3A : i32
          %convert_element_type3A_177 = arith.extui %ge3A_176 : i1 to i32
          %cond3A_178 = arith.constant 0 : i32
          %cond3A_179 = arith.cmpi ne, %convert_element_type3A_177, %cond3A_178 : i32
          scf.if %cond3A_179 {
            %sub3A_190 = arith.constant 1 : i32
            %sub3A_191 = arith.subi %add3A_82, %sub3A_190 : i32
            %dma_wait3A_192 = arith.constant 0 : i32
            %dma_wait3A_193 = tpu.memref_slice %arg8[%sub3A_191, %dma_wait3A_192] : memref<160x128xi32, #tpu.memory_space<vmem>> -> memref<1x128xi32, #tpu.memory_space<vmem>>
            %dma_wait3A_194 = tpu.memref_squeeze %dma_wait3A_193 : memref<1x128xi32, #tpu.memory_space<vmem>> -> memref<128xi32, #tpu.memory_space<vmem>>
            %dma_wait3A_195 = arith.constant 0 : i32
            %dma_wait3A_196 = arith.constant 0 : i32
            %dma_wait3A_197 = tpu.memref_slice %arg14[%dma_wait3A_195, %dma_wait3A_196] : memref<10240x64xf32, #tpu.memory_space<vmem_shared>> -> memref<10240x64xf32, #tpu.memory_space<vmem_shared>>
            tpu.wait_indirect_dma semaphore(%arg22 : memref<!tpu.dma_semaphore, #tpu.memory_space<semaphore_mem>>) src(%arg12 : memref<128x64xf32, #tpu.memory_space<vmem>>) dst(%dma_wait3A_197 : memref<10240x64xf32, #tpu.memory_space<vmem_shared>>)
          } else {
          }
          %add3A_180 = arith.constant 4 : i32
          %add3A_181 = arith.addi %add3A_82, %add3A_180 : i32
          %sub3A_182 = arith.constant 1 : i32
          %sub3A_183 = arith.subi %add3A_181, %sub3A_182 : i32
          %dma_start3A_184 = arith.constant 0 : i32
          %dma_start3A_185 = tpu.memref_slice %arg7[%sub3A_183, %dma_start3A_184] : memref<160x128xi32, #tpu.memory_space<vmem>> -> memref<1x128xi32, #tpu.memory_space<vmem>>
          %dma_start3A_186 = tpu.memref_squeeze %dma_start3A_185 : memref<1x128xi32, #tpu.memory_space<vmem>> -> memref<128xi32, #tpu.memory_space<vmem>>
          %dma_start3A_187 = arith.constant 0 : i32
          %dma_start3A_188 = arith.constant 0 : i32
          %dma_start3A_189 = tpu.memref_slice %arg4[%dma_start3A_187, %dma_start3A_188] : memref<10000x64xf32, #tpu.memory_space<hbm>> -> memref<10000x64xf32, #tpu.memory_space<hbm>>
          tpu.enqueue_indirect_dma source(%dma_start3A_189 : memref<10000x64xf32, #tpu.memory_space<hbm>>) target(%arg12 : memref<128x64xf32, #tpu.memory_space<vmem>>) offsets(%dma_start3A_186 : memref<128xi32, #tpu.memory_space<vmem>>) semaphore(%arg18 : memref<!tpu.dma_semaphore, #tpu.memory_space<semaphore_mem>>)
        } else {
        }
        %dma_wait3A_90 = arith.constant 0 : i32
        %dma_wait3A_91 = tpu.memref_slice %arg7[%add3A_82, %dma_wait3A_90] : memref<160x128xi32, #tpu.memory_space<vmem>> -> memref<1x128xi32, #tpu.memory_space<vmem>>
        %dma_wait3A_92 = tpu.memref_squeeze %dma_wait3A_91 : memref<1x128xi32, #tpu.memory_space<vmem>> -> memref<128xi32, #tpu.memory_space<vmem>>
        %dma_wait3A_93 = arith.constant 0 : i32
        %dma_wait3A_94 = arith.constant 0 : i32
        %dma_wait3A_95 = tpu.memref_slice %arg4[%dma_wait3A_93, %dma_wait3A_94] : memref<10000x64xf32, #tpu.memory_space<hbm>> -> memref<10000x64xf32, #tpu.memory_space<hbm>>
        tpu.wait_indirect_dma semaphore(%arg15 : memref<!tpu.dma_semaphore, #tpu.memory_space<semaphore_mem>>) src(%dma_wait3A_95 : memref<10000x64xf32, #tpu.memory_space<hbm>>) dst(%arg9 : memref<128x64xf32, #tpu.memory_space<vmem>>)
        %dma_start3A = arith.constant 0 : i32
        %dma_start3A_96 = tpu.memref_slice %arg8[%add3A_82, %dma_start3A] : memref<160x128xi32, #tpu.memory_space<vmem>> -> memref<1x128xi32, #tpu.memory_space<vmem>>
        %dma_start3A_97 = tpu.memref_squeeze %dma_start3A_96 : memref<1x128xi32, #tpu.memory_space<vmem>> -> memref<128xi32, #tpu.memory_space<vmem>>
        %dma_start3A_98 = arith.constant 0 : i32
        %dma_start3A_99 = arith.constant 0 : i32
        %dma_start3A_100 = tpu.memref_slice %arg14[%dma_start3A_98, %dma_start3A_99] : memref<10240x64xf32, #tpu.memory_space<vmem_shared>> -> memref<10240x64xf32, #tpu.memory_space<vmem_shared>>
        tpu.enqueue_indirect_dma source(%arg9 : memref<128x64xf32, #tpu.memory_space<vmem>>) target(%dma_start3A_100 : memref<10240x64xf32, #tpu.memory_space<vmem_shared>>) offsets(%dma_start3A_97 : memref<128xi32, #tpu.memory_space<vmem>>) semaphore(%arg19 : memref<!tpu.dma_semaphore, #tpu.memory_space<semaphore_mem>>) {add = true}
        %mul3A_101 = arith.constant 4 : i32
        %mul3A_102 = arith.muli %scan3A_78, %mul3A_101 : i32
        %add3A_103 = arith.constant 1 : i32
        %add3A_104 = arith.addi %mul3A_102, %add3A_103 : i32
        %add3A_105 = arith.constant 4 : i32
        %add3A_106 = arith.addi %add3A_104, %add3A_105 : i32
        %sub3A_107 = arith.constant 1 : i32
        %sub3A_108 = arith.subi %add3A_106, %sub3A_107 : i32
        %lt3A_109 = arith.constant 160 : i32
        %lt3A_110 = arith.cmpi slt, %sub3A_108, %lt3A_109 : i32
        %convert_element_type3A_111 = arith.extui %lt3A_110 : i1 to i32
        %cond3A_112 = arith.constant 0 : i32
        %cond3A_113 = arith.cmpi ne, %convert_element_type3A_111, %cond3A_112 : i32
        scf.if %cond3A_113 {
          %ge3A = arith.constant 1 : i32
          %ge3A_176 = arith.cmpi sge, %add3A_104, %ge3A : i32
          %convert_element_type3A_177 = arith.extui %ge3A_176 : i1 to i32
          %cond3A_178 = arith.constant 0 : i32
          %cond3A_179 = arith.cmpi ne, %convert_element_type3A_177, %cond3A_178 : i32
          scf.if %cond3A_179 {
            %sub3A_190 = arith.constant 1 : i32
            %sub3A_191 = arith.subi %add3A_104, %sub3A_190 : i32
            %dma_wait3A_192 = arith.constant 0 : i32
            %dma_wait3A_193 = tpu.memref_slice %arg8[%sub3A_191, %dma_wait3A_192] : memref<160x128xi32, #tpu.memory_space<vmem>> -> memref<1x128xi32, #tpu.memory_space<vmem>>
            %dma_wait3A_194 = tpu.memref_squeeze %dma_wait3A_193 : memref<1x128xi32, #tpu.memory_space<vmem>> -> memref<128xi32, #tpu.memory_space<vmem>>
            %dma_wait3A_195 = arith.constant 0 : i32
            %dma_wait3A_196 = arith.constant 0 : i32
            %dma_wait3A_197 = tpu.memref_slice %arg14[%dma_wait3A_195, %dma_wait3A_196] : memref<10240x64xf32, #tpu.memory_space<vmem_shared>> -> memref<10240x64xf32, #tpu.memory_space<vmem_shared>>
            tpu.wait_indirect_dma semaphore(%arg19 : memref<!tpu.dma_semaphore, #tpu.memory_space<semaphore_mem>>) src(%arg9 : memref<128x64xf32, #tpu.memory_space<vmem>>) dst(%dma_wait3A_197 : memref<10240x64xf32, #tpu.memory_space<vmem_shared>>)
          } else {
          }
          %add3A_180 = arith.constant 4 : i32
          %add3A_181 = arith.addi %add3A_104, %add3A_180 : i32
          %sub3A_182 = arith.constant 1 : i32
          %sub3A_183 = arith.subi %add3A_181, %sub3A_182 : i32
          %dma_start3A_184 = arith.constant 0 : i32
          %dma_start3A_185 = tpu.memref_slice %arg7[%sub3A_183, %dma_start3A_184] : memref<160x128xi32, #tpu.memory_space<vmem>> -> memref<1x128xi32, #tpu.memory_space<vmem>>
          %dma_start3A_186 = tpu.memref_squeeze %dma_start3A_185 : memref<1x128xi32, #tpu.memory_space<vmem>> -> memref<128xi32, #tpu.memory_space<vmem>>
          %dma_start3A_187 = arith.constant 0 : i32
          %dma_start3A_188 = arith.constant 0 : i32
          %dma_start3A_189 = tpu.memref_slice %arg4[%dma_start3A_187, %dma_start3A_188] : memref<10000x64xf32, #tpu.memory_space<hbm>> -> memref<10000x64xf32, #tpu.memory_space<hbm>>
          tpu.enqueue_indirect_dma source(%dma_start3A_189 : memref<10000x64xf32, #tpu.memory_space<hbm>>) target(%arg9 : memref<128x64xf32, #tpu.memory_space<vmem>>) offsets(%dma_start3A_186 : memref<128xi32, #tpu.memory_space<vmem>>) semaphore(%arg15 : memref<!tpu.dma_semaphore, #tpu.memory_space<semaphore_mem>>)
        } else {
        }
        %dma_wait3A_114 = arith.constant 0 : i32
        %dma_wait3A_115 = tpu.memref_slice %arg7[%add3A_104, %dma_wait3A_114] : memref<160x128xi32, #tpu.memory_space<vmem>> -> memref<1x128xi32, #tpu.memory_space<vmem>>
        %dma_wait3A_116 = tpu.memref_squeeze %dma_wait3A_115 : memref<1x128xi32, #tpu.memory_space<vmem>> -> memref<128xi32, #tpu.memory_space<vmem>>
        %dma_wait3A_117 = arith.constant 0 : i32
        %dma_wait3A_118 = arith.constant 0 : i32
        %dma_wait3A_119 = tpu.memref_slice %arg4[%dma_wait3A_117, %dma_wait3A_118] : memref<10000x64xf32, #tpu.memory_space<hbm>> -> memref<10000x64xf32, #tpu.memory_space<hbm>>
        tpu.wait_indirect_dma semaphore(%arg16 : memref<!tpu.dma_semaphore, #tpu.memory_space<semaphore_mem>>) src(%dma_wait3A_119 : memref<10000x64xf32, #tpu.memory_space<hbm>>) dst(%arg10 : memref<128x64xf32, #tpu.memory_space<vmem>>)
        %dma_start3A_120 = arith.constant 0 : i32
        %dma_start3A_121 = tpu.memref_slice %arg8[%add3A_104, %dma_start3A_120] : memref<160x128xi32, #tpu.memory_space<vmem>> -> memref<1x128xi32, #tpu.memory_space<vmem>>
        %dma_start3A_122 = tpu.memref_squeeze %dma_start3A_121 : memref<1x128xi32, #tpu.memory_space<vmem>> -> memref<128xi32, #tpu.memory_space<vmem>>
        %dma_start3A_123 = arith.constant 0 : i32
        %dma_start3A_124 = arith.constant 0 : i32
        %dma_start3A_125 = tpu.memref_slice %arg14[%dma_start3A_123, %dma_start3A_124] : memref<10240x64xf32, #tpu.memory_space<vmem_shared>> -> memref<10240x64xf32, #tpu.memory_space<vmem_shared>>
        tpu.enqueue_indirect_dma source(%arg10 : memref<128x64xf32, #tpu.memory_space<vmem>>) target(%dma_start3A_125 : memref<10240x64xf32, #tpu.memory_space<vmem_shared>>) offsets(%dma_start3A_122 : memref<128xi32, #tpu.memory_space<vmem>>) semaphore(%arg20 : memref<!tpu.dma_semaphore, #tpu.memory_space<semaphore_mem>>) {add = true}
        %mul3A_126 = arith.constant 4 : i32
        %mul3A_127 = arith.muli %scan3A_78, %mul3A_126 : i32
        %add3A_128 = arith.constant 2 : i32
        %add3A_129 = arith.addi %mul3A_127, %add3A_128 : i32
        %add3A_130 = arith.constant 4 : i32
        %add3A_131 = arith.addi %add3A_129, %add3A_130 : i32
        %sub3A_132 = arith.constant 1 : i32
        %sub3A_133 = arith.subi %add3A_131, %sub3A_132 : i32
        %lt3A_134 = arith.constant 160 : i32
        %lt3A_135 = arith.cmpi slt, %sub3A_133, %lt3A_134 : i32
        %convert_element_type3A_136 = arith.extui %lt3A_135 : i1 to i32
        %cond3A_137 = arith.constant 0 : i32
        %cond3A_138 = arith.cmpi ne, %convert_element_type3A_136, %cond3A_137 : i32
        scf.if %cond3A_138 {
          %ge3A = arith.constant 1 : i32
          %ge3A_176 = arith.cmpi sge, %add3A_129, %ge3A : i32
          %convert_element_type3A_177 = arith.extui %ge3A_176 : i1 to i32
          %cond3A_178 = arith.constant 0 : i32
          %cond3A_179 = arith.cmpi ne, %convert_element_type3A_177, %cond3A_178 : i32
          scf.if %cond3A_179 {
            %sub3A_190 = arith.constant 1 : i32
            %sub3A_191 = arith.subi %add3A_129, %sub3A_190 : i32
            %dma_wait3A_192 = arith.constant 0 : i32
            %dma_wait3A_193 = tpu.memref_slice %arg8[%sub3A_191, %dma_wait3A_192] : memref<160x128xi32, #tpu.memory_space<vmem>> -> memref<1x128xi32, #tpu.memory_space<vmem>>
            %dma_wait3A_194 = tpu.memref_squeeze %dma_wait3A_193 : memref<1x128xi32, #tpu.memory_space<vmem>> -> memref<128xi32, #tpu.memory_space<vmem>>
            %dma_wait3A_195 = arith.constant 0 : i32
            %dma_wait3A_196 = arith.constant 0 : i32
            %dma_wait3A_197 = tpu.memref_slice %arg14[%dma_wait3A_195, %dma_wait3A_196] : memref<10240x64xf32, #tpu.memory_space<vmem_shared>> -> memref<10240x64xf32, #tpu.memory_space<vmem_shared>>
            tpu.wait_indirect_dma semaphore(%arg20 : memref<!tpu.dma_semaphore, #tpu.memory_space<semaphore_mem>>) src(%arg10 : memref<128x64xf32, #tpu.memory_space<vmem>>) dst(%dma_wait3A_197 : memref<10240x64xf32, #tpu.memory_space<vmem_shared>>)
          } else {
          }
          %add3A_180 = arith.constant 4 : i32
          %add3A_181 = arith.addi %add3A_129, %add3A_180 : i32
          %sub3A_182 = arith.constant 1 : i32
          %sub3A_183 = arith.subi %add3A_181, %sub3A_182 : i32
          %dma_start3A_184 = arith.constant 0 : i32
          %dma_start3A_185 = tpu.memref_slice %arg7[%sub3A_183, %dma_start3A_184] : memref<160x128xi32, #tpu.memory_space<vmem>> -> memref<1x128xi32, #tpu.memory_space<vmem>>
          %dma_start3A_186 = tpu.memref_squeeze %dma_start3A_185 : memref<1x128xi32, #tpu.memory_space<vmem>> -> memref<128xi32, #tpu.memory_space<vmem>>
          %dma_start3A_187 = arith.constant 0 : i32
          %dma_start3A_188 = arith.constant 0 : i32
          %dma_start3A_189 = tpu.memref_slice %arg4[%dma_start3A_187, %dma_start3A_188] : memref<10000x64xf32, #tpu.memory_space<hbm>> -> memref<10000x64xf32, #tpu.memory_space<hbm>>
          tpu.enqueue_indirect_dma source(%dma_start3A_189 : memref<10000x64xf32, #tpu.memory_space<hbm>>) target(%arg10 : memref<128x64xf32, #tpu.memory_space<vmem>>) offsets(%dma_start3A_186 : memref<128xi32, #tpu.memory_space<vmem>>) semaphore(%arg16 : memref<!tpu.dma_semaphore, #tpu.memory_space<semaphore_mem>>)
        } else {
        }
        %dma_wait3A_139 = arith.constant 0 : i32
        %dma_wait3A_140 = tpu.memref_slice %arg7[%add3A_129, %dma_wait3A_139] : memref<160x128xi32, #tpu.memory_space<vmem>> -> memref<1x128xi32, #tpu.memory_space<vmem>>
        %dma_wait3A_141 = tpu.memref_squeeze %dma_wait3A_140 : memref<1x128xi32, #tpu.memory_space<vmem>> -> memref<128xi32, #tpu.memory_space<vmem>>
        %dma_wait3A_142 = arith.constant 0 : i32
        %dma_wait3A_143 = arith.constant 0 : i32
        %dma_wait3A_144 = tpu.memref_slice %arg4[%dma_wait3A_142, %dma_wait3A_143] : memref<10000x64xf32, #tpu.memory_space<hbm>> -> memref<10000x64xf32, #tpu.memory_space<hbm>>
        tpu.wait_indirect_dma semaphore(%arg17 : memref<!tpu.dma_semaphore, #tpu.memory_space<semaphore_mem>>) src(%dma_wait3A_144 : memref<10000x64xf32, #tpu.memory_space<hbm>>) dst(%arg11 : memref<128x64xf32, #tpu.memory_space<vmem>>)
        %dma_start3A_145 = arith.constant 0 : i32
        %dma_start3A_146 = tpu.memref_slice %arg8[%add3A_129, %dma_start3A_145] : memref<160x128xi32, #tpu.memory_space<vmem>> -> memref<1x128xi32, #tpu.memory_space<vmem>>
        %dma_start3A_147 = tpu.memref_squeeze %dma_start3A_146 : memref<1x128xi32, #tpu.memory_space<vmem>> -> memref<128xi32, #tpu.memory_space<vmem>>
        %dma_start3A_148 = arith.constant 0 : i32
        %dma_start3A_149 = arith.constant 0 : i32
        %dma_start3A_150 = tpu.memref_slice %arg14[%dma_start3A_148, %dma_start3A_149] : memref<10240x64xf32, #tpu.memory_space<vmem_shared>> -> memref<10240x64xf32, #tpu.memory_space<vmem_shared>>
        tpu.enqueue_indirect_dma source(%arg11 : memref<128x64xf32, #tpu.memory_space<vmem>>) target(%dma_start3A_150 : memref<10240x64xf32, #tpu.memory_space<vmem_shared>>) offsets(%dma_start3A_147 : memref<128xi32, #tpu.memory_space<vmem>>) semaphore(%arg21 : memref<!tpu.dma_semaphore, #tpu.memory_space<semaphore_mem>>) {add = true}
        %mul3A_151 = arith.constant 4 : i32
        %mul3A_152 = arith.muli %scan3A_78, %mul3A_151 : i32
        %add3A_153 = arith.constant 3 : i32
        %add3A_154 = arith.addi %mul3A_152, %add3A_153 : i32
        %add3A_155 = arith.constant 4 : i32
        %add3A_156 = arith.addi %add3A_154, %add3A_155 : i32
        %sub3A_157 = arith.constant 1 : i32
        %sub3A_158 = arith.subi %add3A_156, %sub3A_157 : i32
        %lt3A_159 = arith.constant 160 : i32
        %lt3A_160 = arith.cmpi slt, %sub3A_158, %lt3A_159 : i32
        %convert_element_type3A_161 = arith.extui %lt3A_160 : i1 to i32
        %cond3A_162 = arith.constant 0 : i32
        %cond3A_163 = arith.cmpi ne, %convert_element_type3A_161, %cond3A_162 : i32
        scf.if %cond3A_163 {
          %ge3A = arith.constant 1 : i32
          %ge3A_176 = arith.cmpi sge, %add3A_154, %ge3A : i32
          %convert_element_type3A_177 = arith.extui %ge3A_176 : i1 to i32
          %cond3A_178 = arith.constant 0 : i32
          %cond3A_179 = arith.cmpi ne, %convert_element_type3A_177, %cond3A_178 : i32
          scf.if %cond3A_179 {
            %sub3A_190 = arith.constant 1 : i32
            %sub3A_191 = arith.subi %add3A_154, %sub3A_190 : i32
            %dma_wait3A_192 = arith.constant 0 : i32
            %dma_wait3A_193 = tpu.memref_slice %arg8[%sub3A_191, %dma_wait3A_192] : memref<160x128xi32, #tpu.memory_space<vmem>> -> memref<1x128xi32, #tpu.memory_space<vmem>>
            %dma_wait3A_194 = tpu.memref_squeeze %dma_wait3A_193 : memref<1x128xi32, #tpu.memory_space<vmem>> -> memref<128xi32, #tpu.memory_space<vmem>>
            %dma_wait3A_195 = arith.constant 0 : i32
            %dma_wait3A_196 = arith.constant 0 : i32
            %dma_wait3A_197 = tpu.memref_slice %arg14[%dma_wait3A_195, %dma_wait3A_196] : memref<10240x64xf32, #tpu.memory_space<vmem_shared>> -> memref<10240x64xf32, #tpu.memory_space<vmem_shared>>
            tpu.wait_indirect_dma semaphore(%arg21 : memref<!tpu.dma_semaphore, #tpu.memory_space<semaphore_mem>>) src(%arg11 : memref<128x64xf32, #tpu.memory_space<vmem>>) dst(%dma_wait3A_197 : memref<10240x64xf32, #tpu.memory_space<vmem_shared>>)
          } else {
          }
          %add3A_180 = arith.constant 4 : i32
          %add3A_181 = arith.addi %add3A_154, %add3A_180 : i32
          %sub3A_182 = arith.constant 1 : i32
          %sub3A_183 = arith.subi %add3A_181, %sub3A_182 : i32
          %dma_start3A_184 = arith.constant 0 : i32
          %dma_start3A_185 = tpu.memref_slice %arg7[%sub3A_183, %dma_start3A_184] : memref<160x128xi32, #tpu.memory_space<vmem>> -> memref<1x128xi32, #tpu.memory_space<vmem>>
          %dma_start3A_186 = tpu.memref_squeeze %dma_start3A_185 : memref<1x128xi32, #tpu.memory_space<vmem>> -> memref<128xi32, #tpu.memory_space<vmem>>
          %dma_start3A_187 = arith.constant 0 : i32
          %dma_start3A_188 = arith.constant 0 : i32
          %dma_start3A_189 = tpu.memref_slice %arg4[%dma_start3A_187, %dma_start3A_188] : memref<10000x64xf32, #tpu.memory_space<hbm>> -> memref<10000x64xf32, #tpu.memory_space<hbm>>
          tpu.enqueue_indirect_dma source(%dma_start3A_189 : memref<10000x64xf32, #tpu.memory_space<hbm>>) target(%arg11 : memref<128x64xf32, #tpu.memory_space<vmem>>) offsets(%dma_start3A_186 : memref<128xi32, #tpu.memory_space<vmem>>) semaphore(%arg17 : memref<!tpu.dma_semaphore, #tpu.memory_space<semaphore_mem>>)
        } else {
        }
        %dma_wait3A_164 = arith.constant 0 : i32
        %dma_wait3A_165 = tpu.memref_slice %arg7[%add3A_154, %dma_wait3A_164] : memref<160x128xi32, #tpu.memory_space<vmem>> -> memref<1x128xi32, #tpu.memory_space<vmem>>
        %dma_wait3A_166 = tpu.memref_squeeze %dma_wait3A_165 : memref<1x128xi32, #tpu.memory_space<vmem>> -> memref<128xi32, #tpu.memory_space<vmem>>
        %dma_wait3A_167 = arith.constant 0 : i32
        %dma_wait3A_168 = arith.constant 0 : i32
        %dma_wait3A_169 = tpu.memref_slice %arg4[%dma_wait3A_167, %dma_wait3A_168] : memref<10000x64xf32, #tpu.memory_space<hbm>> -> memref<10000x64xf32, #tpu.memory_space<hbm>>
        tpu.wait_indirect_dma semaphore(%arg18 : memref<!tpu.dma_semaphore, #tpu.memory_space<semaphore_mem>>) src(%dma_wait3A_169 : memref<10000x64xf32, #tpu.memory_space<hbm>>) dst(%arg12 : memref<128x64xf32, #tpu.memory_space<vmem>>)
        %dma_start3A_170 = arith.constant 0 : i32
        %dma_start3A_171 = tpu.memref_slice %arg8[%add3A_154, %dma_start3A_170] : memref<160x128xi32, #tpu.memory_space<vmem>> -> memref<1x128xi32, #tpu.memory_space<vmem>>
        %dma_start3A_172 = tpu.memref_squeeze %dma_start3A_171 : memref<1x128xi32, #tpu.memory_space<vmem>> -> memref<128xi32, #tpu.memory_space<vmem>>
        %dma_start3A_173 = arith.constant 0 : i32
        %dma_start3A_174 = arith.constant 0 : i32
        %dma_start3A_175 = tpu.memref_slice %arg14[%dma_start3A_173, %dma_start3A_174] : memref<10240x64xf32, #tpu.memory_space<vmem_shared>> -> memref<10240x64xf32, #tpu.memory_space<vmem_shared>>
        tpu.enqueue_indirect_dma source(%arg12 : memref<128x64xf32, #tpu.memory_space<vmem>>) target(%dma_start3A_175 : memref<10240x64xf32, #tpu.memory_space<vmem_shared>>) offsets(%dma_start3A_172 : memref<128xi32, #tpu.memory_space<vmem>>) semaphore(%arg22 : memref<!tpu.dma_semaphore, #tpu.memory_space<semaphore_mem>>) {add = true}
      }
      %scan3A_50 = arith.constant 40 : i32
      %dma_wait3A = arith.constant 156 : i32
      %dma_wait3A_51 = arith.constant 0 : i32
      %dma_wait3A_52 = tpu.memref_slice %arg8[%dma_wait3A, %dma_wait3A_51] : memref<160x128xi32, #tpu.memory_space<vmem>> -> memref<1x128xi32, #tpu.memory_space<vmem>>
      %dma_wait3A_53 = tpu.memref_squeeze %dma_wait3A_52 : memref<1x128xi32, #tpu.memory_space<vmem>> -> memref<128xi32, #tpu.memory_space<vmem>>
      %dma_wait3A_54 = arith.constant 0 : i32
      %dma_wait3A_55 = arith.constant 0 : i32
      %dma_wait3A_56 = tpu.memref_slice %arg14[%dma_wait3A_54, %dma_wait3A_55] : memref<10240x64xf32, #tpu.memory_space<vmem_shared>> -> memref<10240x64xf32, #tpu.memory_space<vmem_shared>>
      tpu.wait_indirect_dma semaphore(%arg19 : memref<!tpu.dma_semaphore, #tpu.memory_space<semaphore_mem>>) src(%arg9 : memref<128x64xf32, #tpu.memory_space<vmem>>) dst(%dma_wait3A_56 : memref<10240x64xf32, #tpu.memory_space<vmem_shared>>)
      %dma_wait3A_57 = arith.constant 157 : i32
      %dma_wait3A_58 = arith.constant 0 : i32
      %dma_wait3A_59 = tpu.memref_slice %arg8[%dma_wait3A_57, %dma_wait3A_58] : memref<160x128xi32, #tpu.memory_space<vmem>> -> memref<1x128xi32, #tpu.memory_space<vmem>>
      %dma_wait3A_60 = tpu.memref_squeeze %dma_wait3A_59 : memref<1x128xi32, #tpu.memory_space<vmem>> -> memref<128xi32, #tpu.memory_space<vmem>>
      %dma_wait3A_61 = arith.constant 0 : i32
      %dma_wait3A_62 = arith.constant 0 : i32
      %dma_wait3A_63 = tpu.memref_slice %arg14[%dma_wait3A_61, %dma_wait3A_62] : memref<10240x64xf32, #tpu.memory_space<vmem_shared>> -> memref<10240x64xf32, #tpu.memory_space<vmem_shared>>
      tpu.wait_indirect_dma semaphore(%arg20 : memref<!tpu.dma_semaphore, #tpu.memory_space<semaphore_mem>>) src(%arg10 : memref<128x64xf32, #tpu.memory_space<vmem>>) dst(%dma_wait3A_63 : memref<10240x64xf32, #tpu.memory_space<vmem_shared>>)
      %dma_wait3A_64 = arith.constant 158 : i32
      %dma_wait3A_65 = arith.constant 0 : i32
      %dma_wait3A_66 = tpu.memref_slice %arg8[%dma_wait3A_64, %dma_wait3A_65] : memref<160x128xi32, #tpu.memory_space<vmem>> -> memref<1x128xi32, #tpu.memory_space<vmem>>
      %dma_wait3A_67 = tpu.memref_squeeze %dma_wait3A_66 : memref<1x128xi32, #tpu.memory_space<vmem>> -> memref<128xi32, #tpu.memory_space<vmem>>
      %dma_wait3A_68 = arith.constant 0 : i32
      %dma_wait3A_69 = arith.constant 0 : i32
      %dma_wait3A_70 = tpu.memref_slice %arg14[%dma_wait3A_68, %dma_wait3A_69] : memref<10240x64xf32, #tpu.memory_space<vmem_shared>> -> memref<10240x64xf32, #tpu.memory_space<vmem_shared>>
      tpu.wait_indirect_dma semaphore(%arg21 : memref<!tpu.dma_semaphore, #tpu.memory_space<semaphore_mem>>) src(%arg11 : memref<128x64xf32, #tpu.memory_space<vmem>>) dst(%dma_wait3A_70 : memref<10240x64xf32, #tpu.memory_space<vmem_shared>>)
      %dma_wait3A_71 = arith.constant 159 : i32
      %dma_wait3A_72 = arith.constant 0 : i32
      %dma_wait3A_73 = tpu.memref_slice %arg8[%dma_wait3A_71, %dma_wait3A_72] : memref<160x128xi32, #tpu.memory_space<vmem>> -> memref<1x128xi32, #tpu.memory_space<vmem>>
      %dma_wait3A_74 = tpu.memref_squeeze %dma_wait3A_73 : memref<1x128xi32, #tpu.memory_space<vmem>> -> memref<128xi32, #tpu.memory_space<vmem>>
      %dma_wait3A_75 = arith.constant 0 : i32
      %dma_wait3A_76 = arith.constant 0 : i32
      %dma_wait3A_77 = tpu.memref_slice %arg14[%dma_wait3A_75, %dma_wait3A_76] : memref<10240x64xf32, #tpu.memory_space<vmem_shared>> -> memref<10240x64xf32, #tpu.memory_space<vmem_shared>>
      tpu.wait_indirect_dma semaphore(%arg22 : memref<!tpu.dma_semaphore, #tpu.memory_space<semaphore_mem>>) src(%arg12 : memref<128x64xf32, #tpu.memory_space<vmem>>) dst(%dma_wait3A_77 : memref<10240x64xf32, #tpu.memory_space<vmem_shared>>)
    } else {
    }
    %eq3A_35 = arith.constant 1 : i32
    %eq3A_36 = arith.cmpi eq, %arg0, %eq3A_35 : i32
    %convert_element_type3A_37 = arith.extui %eq3A_36 : i1 to i32
    %cond3A_38 = arith.constant 0 : i32
    %cond3A_39 = arith.cmpi ne, %convert_element_type3A_37, %cond3A_38 : i32
    scf.if %cond3A_39 {
      %scan3A_45 = arith.constant 0 : i32
      %scan3A_46 = arith.constant 0 : i32
      %scan3A_47 = arith.constant 40 : i32
      %scan3A_48 = arith.addi %scan3A_46, %scan3A_47 : i32
      %scan3A_49 = arith.constant 1 : i32
      scf.for %scan3A_78 = %scan3A_46 to %scan3A_48 step %scan3A_49  : i32 {
        %mul3A_79 = arith.constant 4 : i32
        %mul3A_80 = arith.muli %scan3A_78, %mul3A_79 : i32
        %add3A_81 = arith.constant 0 : i32
        %add3A_82 = arith.addi %mul3A_80, %add3A_81 : i32
        %add3A_83 = arith.constant 4 : i32
        %add3A_84 = arith.addi %add3A_82, %add3A_83 : i32
        %sub3A = arith.constant 1 : i32
        %sub3A_85 = arith.subi %add3A_84, %sub3A : i32
        %lt3A = arith.constant 160 : i32
        %lt3A_86 = arith.cmpi slt, %sub3A_85, %lt3A : i32
        %convert_element_type3A_87 = arith.extui %lt3A_86 : i1 to i32
        %cond3A_88 = arith.constant 0 : i32
        %cond3A_89 = arith.cmpi ne, %convert_element_type3A_87, %cond3A_88 : i32
        scf.if %cond3A_89 {
          %ge3A = arith.constant 1 : i32
          %ge3A_176 = arith.cmpi sge, %add3A_82, %ge3A : i32
          %convert_element_type3A_177 = arith.extui %ge3A_176 : i1 to i32
          %cond3A_178 = arith.constant 0 : i32
          %cond3A_179 = arith.cmpi ne, %convert_element_type3A_177, %cond3A_178 : i32
          scf.if %cond3A_179 {
            %sub3A_190 = arith.constant 1 : i32
            %sub3A_191 = arith.subi %add3A_82, %sub3A_190 : i32
            %dma_wait3A_192 = arith.constant 0 : i32
            %dma_wait3A_193 = tpu.memref_slice %arg8[%sub3A_191, %dma_wait3A_192] : memref<160x128xi32, #tpu.memory_space<vmem>> -> memref<1x128xi32, #tpu.memory_space<vmem>>
            %dma_wait3A_194 = tpu.memref_squeeze %dma_wait3A_193 : memref<1x128xi32, #tpu.memory_space<vmem>> -> memref<128xi32, #tpu.memory_space<vmem>>
            %dma_wait3A_195 = arith.constant 0 : i32
            %dma_wait3A_196 = arith.constant 0 : i32
            %dma_wait3A_197 = tpu.memref_slice %arg14[%dma_wait3A_195, %dma_wait3A_196] : memref<10240x64xf32, #tpu.memory_space<vmem_shared>> -> memref<10240x64xf32, #tpu.memory_space<vmem_shared>>
            tpu.wait_indirect_dma semaphore(%arg22 : memref<!tpu.dma_semaphore, #tpu.memory_space<semaphore_mem>>) src(%arg12 : memref<128x64xf32, #tpu.memory_space<vmem>>) dst(%dma_wait3A_197 : memref<10240x64xf32, #tpu.memory_space<vmem_shared>>)
          } else {
          }
          %add3A_180 = arith.constant 4 : i32
          %add3A_181 = arith.addi %add3A_82, %add3A_180 : i32
          %sub3A_182 = arith.constant 1 : i32
          %sub3A_183 = arith.subi %add3A_181, %sub3A_182 : i32
          %dma_start3A_184 = arith.constant 0 : i32
          %dma_start3A_185 = tpu.memref_slice %arg7[%sub3A_183, %dma_start3A_184] : memref<160x128xi32, #tpu.memory_space<vmem>> -> memref<1x128xi32, #tpu.memory_space<vmem>>
          %dma_start3A_186 = tpu.memref_squeeze %dma_start3A_185 : memref<1x128xi32, #tpu.memory_space<vmem>> -> memref<128xi32, #tpu.memory_space<vmem>>
          %dma_start3A_187 = arith.constant 0 : i32
          %dma_start3A_188 = arith.constant 0 : i32
          %dma_start3A_189 = tpu.memref_slice %arg5[%dma_start3A_187, %dma_start3A_188] : memref<10000x64xf32, #tpu.memory_space<hbm>> -> memref<10000x64xf32, #tpu.memory_space<hbm>>
          tpu.enqueue_indirect_dma source(%dma_start3A_189 : memref<10000x64xf32, #tpu.memory_space<hbm>>) target(%arg12 : memref<128x64xf32, #tpu.memory_space<vmem>>) offsets(%dma_start3A_186 : memref<128xi32, #tpu.memory_space<vmem>>) semaphore(%arg18 : memref<!tpu.dma_semaphore, #tpu.memory_space<semaphore_mem>>)
        } else {
        }
        %dma_wait3A_90 = arith.constant 0 : i32
        %dma_wait3A_91 = tpu.memref_slice %arg7[%add3A_82, %dma_wait3A_90] : memref<160x128xi32, #tpu.memory_space<vmem>> -> memref<1x128xi32, #tpu.memory_space<vmem>>
        %dma_wait3A_92 = tpu.memref_squeeze %dma_wait3A_91 : memref<1x128xi32, #tpu.memory_space<vmem>> -> memref<128xi32, #tpu.memory_space<vmem>>
        %dma_wait3A_93 = arith.constant 0 : i32
        %dma_wait3A_94 = arith.constant 0 : i32
        %dma_wait3A_95 = tpu.memref_slice %arg5[%dma_wait3A_93, %dma_wait3A_94] : memref<10000x64xf32, #tpu.memory_space<hbm>> -> memref<10000x64xf32, #tpu.memory_space<hbm>>
        tpu.wait_indirect_dma semaphore(%arg15 : memref<!tpu.dma_semaphore, #tpu.memory_space<semaphore_mem>>) src(%dma_wait3A_95 : memref<10000x64xf32, #tpu.memory_space<hbm>>) dst(%arg9 : memref<128x64xf32, #tpu.memory_space<vmem>>)
        %dma_start3A = arith.constant 0 : i32
        %dma_start3A_96 = tpu.memref_slice %arg8[%add3A_82, %dma_start3A] : memref<160x128xi32, #tpu.memory_space<vmem>> -> memref<1x128xi32, #tpu.memory_space<vmem>>
        %dma_start3A_97 = tpu.memref_squeeze %dma_start3A_96 : memref<1x128xi32, #tpu.memory_space<vmem>> -> memref<128xi32, #tpu.memory_space<vmem>>
        %dma_start3A_98 = arith.constant 0 : i32
        %dma_start3A_99 = arith.constant 0 : i32
        %dma_start3A_100 = tpu.memref_slice %arg14[%dma_start3A_98, %dma_start3A_99] : memref<10240x64xf32, #tpu.memory_space<vmem_shared>> -> memref<10240x64xf32, #tpu.memory_space<vmem_shared>>
        tpu.enqueue_indirect_dma source(%arg9 : memref<128x64xf32, #tpu.memory_space<vmem>>) target(%dma_start3A_100 : memref<10240x64xf32, #tpu.memory_space<vmem_shared>>) offsets(%dma_start3A_97 : memref<128xi32, #tpu.memory_space<vmem>>) semaphore(%arg19 : memref<!tpu.dma_semaphore, #tpu.memory_space<semaphore_mem>>) {add = true}
        %mul3A_101 = arith.constant 4 : i32
        %mul3A_102 = arith.muli %scan3A_78, %mul3A_101 : i32
        %add3A_103 = arith.constant 1 : i32
        %add3A_104 = arith.addi %mul3A_102, %add3A_103 : i32
        %add3A_105 = arith.constant 4 : i32
        %add3A_106 = arith.addi %add3A_104, %add3A_105 : i32
        %sub3A_107 = arith.constant 1 : i32
        %sub3A_108 = arith.subi %add3A_106, %sub3A_107 : i32
        %lt3A_109 = arith.constant 160 : i32
        %lt3A_110 = arith.cmpi slt, %sub3A_108, %lt3A_109 : i32
        %convert_element_type3A_111 = arith.extui %lt3A_110 : i1 to i32
        %cond3A_112 = arith.constant 0 : i32
        %cond3A_113 = arith.cmpi ne, %convert_element_type3A_111, %cond3A_112 : i32
        scf.if %cond3A_113 {
          %ge3A = arith.constant 1 : i32
          %ge3A_176 = arith.cmpi sge, %add3A_104, %ge3A : i32
          %convert_element_type3A_177 = arith.extui %ge3A_176 : i1 to i32
          %cond3A_178 = arith.constant 0 : i32
          %cond3A_179 = arith.cmpi ne, %convert_element_type3A_177, %cond3A_178 : i32
          scf.if %cond3A_179 {
            %sub3A_190 = arith.constant 1 : i32
            %sub3A_191 = arith.subi %add3A_104, %sub3A_190 : i32
            %dma_wait3A_192 = arith.constant 0 : i32
            %dma_wait3A_193 = tpu.memref_slice %arg8[%sub3A_191, %dma_wait3A_192] : memref<160x128xi32, #tpu.memory_space<vmem>> -> memref<1x128xi32, #tpu.memory_space<vmem>>
            %dma_wait3A_194 = tpu.memref_squeeze %dma_wait3A_193 : memref<1x128xi32, #tpu.memory_space<vmem>> -> memref<128xi32, #tpu.memory_space<vmem>>
            %dma_wait3A_195 = arith.constant 0 : i32
            %dma_wait3A_196 = arith.constant 0 : i32
            %dma_wait3A_197 = tpu.memref_slice %arg14[%dma_wait3A_195, %dma_wait3A_196] : memref<10240x64xf32, #tpu.memory_space<vmem_shared>> -> memref<10240x64xf32, #tpu.memory_space<vmem_shared>>
            tpu.wait_indirect_dma semaphore(%arg19 : memref<!tpu.dma_semaphore, #tpu.memory_space<semaphore_mem>>) src(%arg9 : memref<128x64xf32, #tpu.memory_space<vmem>>) dst(%dma_wait3A_197 : memref<10240x64xf32, #tpu.memory_space<vmem_shared>>)
          } else {
          }
          %add3A_180 = arith.constant 4 : i32
          %add3A_181 = arith.addi %add3A_104, %add3A_180 : i32
          %sub3A_182 = arith.constant 1 : i32
          %sub3A_183 = arith.subi %add3A_181, %sub3A_182 : i32
          %dma_start3A_184 = arith.constant 0 : i32
          %dma_start3A_185 = tpu.memref_slice %arg7[%sub3A_183, %dma_start3A_184] : memref<160x128xi32, #tpu.memory_space<vmem>> -> memref<1x128xi32, #tpu.memory_space<vmem>>
          %dma_start3A_186 = tpu.memref_squeeze %dma_start3A_185 : memref<1x128xi32, #tpu.memory_space<vmem>> -> memref<128xi32, #tpu.memory_space<vmem>>
          %dma_start3A_187 = arith.constant 0 : i32
          %dma_start3A_188 = arith.constant 0 : i32
          %dma_start3A_189 = tpu.memref_slice %arg5[%dma_start3A_187, %dma_start3A_188] : memref<10000x64xf32, #tpu.memory_space<hbm>> -> memref<10000x64xf32, #tpu.memory_space<hbm>>
          tpu.enqueue_indirect_dma source(%dma_start3A_189 : memref<10000x64xf32, #tpu.memory_space<hbm>>) target(%arg9 : memref<128x64xf32, #tpu.memory_space<vmem>>) offsets(%dma_start3A_186 : memref<128xi32, #tpu.memory_space<vmem>>) semaphore(%arg15 : memref<!tpu.dma_semaphore, #tpu.memory_space<semaphore_mem>>)
        } else {
        }
        %dma_wait3A_114 = arith.constant 0 : i32
        %dma_wait3A_115 = tpu.memref_slice %arg7[%add3A_104, %dma_wait3A_114] : memref<160x128xi32, #tpu.memory_space<vmem>> -> memref<1x128xi32, #tpu.memory_space<vmem>>
        %dma_wait3A_116 = tpu.memref_squeeze %dma_wait3A_115 : memref<1x128xi32, #tpu.memory_space<vmem>> -> memref<128xi32, #tpu.memory_space<vmem>>
        %dma_wait3A_117 = arith.constant 0 : i32
        %dma_wait3A_118 = arith.constant 0 : i32
        %dma_wait3A_119 = tpu.memref_slice %arg5[%dma_wait3A_117, %dma_wait3A_118] : memref<10000x64xf32, #tpu.memory_space<hbm>> -> memref<10000x64xf32, #tpu.memory_space<hbm>>
        tpu.wait_indirect_dma semaphore(%arg16 : memref<!tpu.dma_semaphore, #tpu.memory_space<semaphore_mem>>) src(%dma_wait3A_119 : memref<10000x64xf32, #tpu.memory_space<hbm>>) dst(%arg10 : memref<128x64xf32, #tpu.memory_space<vmem>>)
        %dma_start3A_120 = arith.constant 0 : i32
        %dma_start3A_121 = tpu.memref_slice %arg8[%add3A_104, %dma_start3A_120] : memref<160x128xi32, #tpu.memory_space<vmem>> -> memref<1x128xi32, #tpu.memory_space<vmem>>
        %dma_start3A_122 = tpu.memref_squeeze %dma_start3A_121 : memref<1x128xi32, #tpu.memory_space<vmem>> -> memref<128xi32, #tpu.memory_space<vmem>>
        %dma_start3A_123 = arith.constant 0 : i32
        %dma_start3A_124 = arith.constant 0 : i32
        %dma_start3A_125 = tpu.memref_slice %arg14[%dma_start3A_123, %dma_start3A_124] : memref<10240x64xf32, #tpu.memory_space<vmem_shared>> -> memref<10240x64xf32, #tpu.memory_space<vmem_shared>>
        tpu.enqueue_indirect_dma source(%arg10 : memref<128x64xf32, #tpu.memory_space<vmem>>) target(%dma_start3A_125 : memref<10240x64xf32, #tpu.memory_space<vmem_shared>>) offsets(%dma_start3A_122 : memref<128xi32, #tpu.memory_space<vmem>>) semaphore(%arg20 : memref<!tpu.dma_semaphore, #tpu.memory_space<semaphore_mem>>) {add = true}
        %mul3A_126 = arith.constant 4 : i32
        %mul3A_127 = arith.muli %scan3A_78, %mul3A_126 : i32
        %add3A_128 = arith.constant 2 : i32
        %add3A_129 = arith.addi %mul3A_127, %add3A_128 : i32
        %add3A_130 = arith.constant 4 : i32
        %add3A_131 = arith.addi %add3A_129, %add3A_130 : i32
        %sub3A_132 = arith.constant 1 : i32
        %sub3A_133 = arith.subi %add3A_131, %sub3A_132 : i32
        %lt3A_134 = arith.constant 160 : i32
        %lt3A_135 = arith.cmpi slt, %sub3A_133, %lt3A_134 : i32
        %convert_element_type3A_136 = arith.extui %lt3A_135 : i1 to i32
        %cond3A_137 = arith.constant 0 : i32
        %cond3A_138 = arith.cmpi ne, %convert_element_type3A_136, %cond3A_137 : i32
        scf.if %cond3A_138 {
          %ge3A = arith.constant 1 : i32
          %ge3A_176 = arith.cmpi sge, %add3A_129, %ge3A : i32
          %convert_element_type3A_177 = arith.extui %ge3A_176 : i1 to i32
          %cond3A_178 = arith.constant 0 : i32
          %cond3A_179 = arith.cmpi ne, %convert_element_type3A_177, %cond3A_178 : i32
          scf.if %cond3A_179 {
            %sub3A_190 = arith.constant 1 : i32
            %sub3A_191 = arith.subi %add3A_129, %sub3A_190 : i32
            %dma_wait3A_192 = arith.constant 0 : i32
            %dma_wait3A_193 = tpu.memref_slice %arg8[%sub3A_191, %dma_wait3A_192] : memref<160x128xi32, #tpu.memory_space<vmem>> -> memref<1x128xi32, #tpu.memory_space<vmem>>
            %dma_wait3A_194 = tpu.memref_squeeze %dma_wait3A_193 : memref<1x128xi32, #tpu.memory_space<vmem>> -> memref<128xi32, #tpu.memory_space<vmem>>
            %dma_wait3A_195 = arith.constant 0 : i32
            %dma_wait3A_196 = arith.constant 0 : i32
            %dma_wait3A_197 = tpu.memref_slice %arg14[%dma_wait3A_195, %dma_wait3A_196] : memref<10240x64xf32, #tpu.memory_space<vmem_shared>> -> memref<10240x64xf32, #tpu.memory_space<vmem_shared>>
            tpu.wait_indirect_dma semaphore(%arg20 : memref<!tpu.dma_semaphore, #tpu.memory_space<semaphore_mem>>) src(%arg10 : memref<128x64xf32, #tpu.memory_space<vmem>>) dst(%dma_wait3A_197 : memref<10240x64xf32, #tpu.memory_space<vmem_shared>>)
          } else {
          }
          %add3A_180 = arith.constant 4 : i32
          %add3A_181 = arith.addi %add3A_129, %add3A_180 : i32
          %sub3A_182 = arith.constant 1 : i32
          %sub3A_183 = arith.subi %add3A_181, %sub3A_182 : i32
          %dma_start3A_184 = arith.constant 0 : i32
          %dma_start3A_185 = tpu.memref_slice %arg7[%sub3A_183, %dma_start3A_184] : memref<160x128xi32, #tpu.memory_space<vmem>> -> memref<1x128xi32, #tpu.memory_space<vmem>>
          %dma_start3A_186 = tpu.memref_squeeze %dma_start3A_185 : memref<1x128xi32, #tpu.memory_space<vmem>> -> memref<128xi32, #tpu.memory_space<vmem>>
          %dma_start3A_187 = arith.constant 0 : i32
          %dma_start3A_188 = arith.constant 0 : i32
          %dma_start3A_189 = tpu.memref_slice %arg5[%dma_start3A_187, %dma_start3A_188] : memref<10000x64xf32, #tpu.memory_space<hbm>> -> memref<10000x64xf32, #tpu.memory_space<hbm>>
          tpu.enqueue_indirect_dma source(%dma_start3A_189 : memref<10000x64xf32, #tpu.memory_space<hbm>>) target(%arg10 : memref<128x64xf32, #tpu.memory_space<vmem>>) offsets(%dma_start3A_186 : memref<128xi32, #tpu.memory_space<vmem>>) semaphore(%arg16 : memref<!tpu.dma_semaphore, #tpu.memory_space<semaphore_mem>>)
        } else {
        }
        %dma_wait3A_139 = arith.constant 0 : i32
        %dma_wait3A_140 = tpu.memref_slice %arg7[%add3A_129, %dma_wait3A_139] : memref<160x128xi32, #tpu.memory_space<vmem>> -> memref<1x128xi32, #tpu.memory_space<vmem>>
        %dma_wait3A_141 = tpu.memref_squeeze %dma_wait3A_140 : memref<1x128xi32, #tpu.memory_space<vmem>> -> memref<128xi32, #tpu.memory_space<vmem>>
        %dma_wait3A_142 = arith.constant 0 : i32
        %dma_wait3A_143 = arith.constant 0 : i32
        %dma_wait3A_144 = tpu.memref_slice %arg5[%dma_wait3A_142, %dma_wait3A_143] : memref<10000x64xf32, #tpu.memory_space<hbm>> -> memref<10000x64xf32, #tpu.memory_space<hbm>>
        tpu.wait_indirect_dma semaphore(%arg17 : memref<!tpu.dma_semaphore, #tpu.memory_space<semaphore_mem>>) src(%dma_wait3A_144 : memref<10000x64xf32, #tpu.memory_space<hbm>>) dst(%arg11 : memref<128x64xf32, #tpu.memory_space<vmem>>)
        %dma_start3A_145 = arith.constant 0 : i32
        %dma_start3A_146 = tpu.memref_slice %arg8[%add3A_129, %dma_start3A_145] : memref<160x128xi32, #tpu.memory_space<vmem>> -> memref<1x128xi32, #tpu.memory_space<vmem>>
        %dma_start3A_147 = tpu.memref_squeeze %dma_start3A_146 : memref<1x128xi32, #tpu.memory_space<vmem>> -> memref<128xi32, #tpu.memory_space<vmem>>
        %dma_start3A_148 = arith.constant 0 : i32
        %dma_start3A_149 = arith.constant 0 : i32
        %dma_start3A_150 = tpu.memref_slice %arg14[%dma_start3A_148, %dma_start3A_149] : memref<10240x64xf32, #tpu.memory_space<vmem_shared>> -> memref<10240x64xf32, #tpu.memory_space<vmem_shared>>
        tpu.enqueue_indirect_dma source(%arg11 : memref<128x64xf32, #tpu.memory_space<vmem>>) target(%dma_start3A_150 : memref<10240x64xf32, #tpu.memory_space<vmem_shared>>) offsets(%dma_start3A_147 : memref<128xi32, #tpu.memory_space<vmem>>) semaphore(%arg21 : memref<!tpu.dma_semaphore, #tpu.memory_space<semaphore_mem>>) {add = true}
        %mul3A_151 = arith.constant 4 : i32
        %mul3A_152 = arith.muli %scan3A_78, %mul3A_151 : i32
        %add3A_153 = arith.constant 3 : i32
        %add3A_154 = arith.addi %mul3A_152, %add3A_153 : i32
        %add3A_155 = arith.constant 4 : i32
        %add3A_156 = arith.addi %add3A_154, %add3A_155 : i32
        %sub3A_157 = arith.constant 1 : i32
        %sub3A_158 = arith.subi %add3A_156, %sub3A_157 : i32
        %lt3A_159 = arith.constant 160 : i32
        %lt3A_160 = arith.cmpi slt, %sub3A_158, %lt3A_159 : i32
        %convert_element_type3A_161 = arith.extui %lt3A_160 : i1 to i32
        %cond3A_162 = arith.constant 0 : i32
        %cond3A_163 = arith.cmpi ne, %convert_element_type3A_161, %cond3A_162 : i32
        scf.if %cond3A_163 {
          %ge3A = arith.constant 1 : i32
          %ge3A_176 = arith.cmpi sge, %add3A_154, %ge3A : i32
          %convert_element_type3A_177 = arith.extui %ge3A_176 : i1 to i32
          %cond3A_178 = arith.constant 0 : i32
          %cond3A_179 = arith.cmpi ne, %convert_element_type3A_177, %cond3A_178 : i32
          scf.if %cond3A_179 {
            %sub3A_190 = arith.constant 1 : i32
            %sub3A_191 = arith.subi %add3A_154, %sub3A_190 : i32
            %dma_wait3A_192 = arith.constant 0 : i32
            %dma_wait3A_193 = tpu.memref_slice %arg8[%sub3A_191, %dma_wait3A_192] : memref<160x128xi32, #tpu.memory_space<vmem>> -> memref<1x128xi32, #tpu.memory_space<vmem>>
            %dma_wait3A_194 = tpu.memref_squeeze %dma_wait3A_193 : memref<1x128xi32, #tpu.memory_space<vmem>> -> memref<128xi32, #tpu.memory_space<vmem>>
            %dma_wait3A_195 = arith.constant 0 : i32
            %dma_wait3A_196 = arith.constant 0 : i32
            %dma_wait3A_197 = tpu.memref_slice %arg14[%dma_wait3A_195, %dma_wait3A_196] : memref<10240x64xf32, #tpu.memory_space<vmem_shared>> -> memref<10240x64xf32, #tpu.memory_space<vmem_shared>>
            tpu.wait_indirect_dma semaphore(%arg21 : memref<!tpu.dma_semaphore, #tpu.memory_space<semaphore_mem>>) src(%arg11 : memref<128x64xf32, #tpu.memory_space<vmem>>) dst(%dma_wait3A_197 : memref<10240x64xf32, #tpu.memory_space<vmem_shared>>)
          } else {
          }
          %add3A_180 = arith.constant 4 : i32
          %add3A_181 = arith.addi %add3A_154, %add3A_180 : i32
          %sub3A_182 = arith.constant 1 : i32
          %sub3A_183 = arith.subi %add3A_181, %sub3A_182 : i32
          %dma_start3A_184 = arith.constant 0 : i32
          %dma_start3A_185 = tpu.memref_slice %arg7[%sub3A_183, %dma_start3A_184] : memref<160x128xi32, #tpu.memory_space<vmem>> -> memref<1x128xi32, #tpu.memory_space<vmem>>
          %dma_start3A_186 = tpu.memref_squeeze %dma_start3A_185 : memref<1x128xi32, #tpu.memory_space<vmem>> -> memref<128xi32, #tpu.memory_space<vmem>>
          %dma_start3A_187 = arith.constant 0 : i32
          %dma_start3A_188 = arith.constant 0 : i32
          %dma_start3A_189 = tpu.memref_slice %arg5[%dma_start3A_187, %dma_start3A_188] : memref<10000x64xf32, #tpu.memory_space<hbm>> -> memref<10000x64xf32, #tpu.memory_space<hbm>>
          tpu.enqueue_indirect_dma source(%dma_start3A_189 : memref<10000x64xf32, #tpu.memory_space<hbm>>) target(%arg11 : memref<128x64xf32, #tpu.memory_space<vmem>>) offsets(%dma_start3A_186 : memref<128xi32, #tpu.memory_space<vmem>>) semaphore(%arg17 : memref<!tpu.dma_semaphore, #tpu.memory_space<semaphore_mem>>)
        } else {
        }
        %dma_wait3A_164 = arith.constant 0 : i32
        %dma_wait3A_165 = tpu.memref_slice %arg7[%add3A_154, %dma_wait3A_164] : memref<160x128xi32, #tpu.memory_space<vmem>> -> memref<1x128xi32, #tpu.memory_space<vmem>>
        %dma_wait3A_166 = tpu.memref_squeeze %dma_wait3A_165 : memref<1x128xi32, #tpu.memory_space<vmem>> -> memref<128xi32, #tpu.memory_space<vmem>>
        %dma_wait3A_167 = arith.constant 0 : i32
        %dma_wait3A_168 = arith.constant 0 : i32
        %dma_wait3A_169 = tpu.memref_slice %arg5[%dma_wait3A_167, %dma_wait3A_168] : memref<10000x64xf32, #tpu.memory_space<hbm>> -> memref<10000x64xf32, #tpu.memory_space<hbm>>
        tpu.wait_indirect_dma semaphore(%arg18 : memref<!tpu.dma_semaphore, #tpu.memory_space<semaphore_mem>>) src(%dma_wait3A_169 : memref<10000x64xf32, #tpu.memory_space<hbm>>) dst(%arg12 : memref<128x64xf32, #tpu.memory_space<vmem>>)
        %dma_start3A_170 = arith.constant 0 : i32
        %dma_start3A_171 = tpu.memref_slice %arg8[%add3A_154, %dma_start3A_170] : memref<160x128xi32, #tpu.memory_space<vmem>> -> memref<1x128xi32, #tpu.memory_space<vmem>>
        %dma_start3A_172 = tpu.memref_squeeze %dma_start3A_171 : memref<1x128xi32, #tpu.memory_space<vmem>> -> memref<128xi32, #tpu.memory_space<vmem>>
        %dma_start3A_173 = arith.constant 0 : i32
        %dma_start3A_174 = arith.constant 0 : i32
        %dma_start3A_175 = tpu.memref_slice %arg14[%dma_start3A_173, %dma_start3A_174] : memref<10240x64xf32, #tpu.memory_space<vmem_shared>> -> memref<10240x64xf32, #tpu.memory_space<vmem_shared>>
        tpu.enqueue_indirect_dma source(%arg12 : memref<128x64xf32, #tpu.memory_space<vmem>>) target(%dma_start3A_175 : memref<10240x64xf32, #tpu.memory_space<vmem_shared>>) offsets(%dma_start3A_172 : memref<128xi32, #tpu.memory_space<vmem>>) semaphore(%arg22 : memref<!tpu.dma_semaphore, #tpu.memory_space<semaphore_mem>>) {add = true}
      }
      %scan3A_50 = arith.constant 40 : i32
      %dma_wait3A = arith.constant 156 : i32
      %dma_wait3A_51 = arith.constant 0 : i32
      %dma_wait3A_52 = tpu.memref_slice %arg8[%dma_wait3A, %dma_wait3A_51] : memref<160x128xi32, #tpu.memory_space<vmem>> -> memref<1x128xi32, #tpu.memory_space<vmem>>
      %dma_wait3A_53 = tpu.memref_squeeze %dma_wait3A_52 : memref<1x128xi32, #tpu.memory_space<vmem>> -> memref<128xi32, #tpu.memory_space<vmem>>
      %dma_wait3A_54 = arith.constant 0 : i32
      %dma_wait3A_55 = arith.constant 0 : i32
      %dma_wait3A_56 = tpu.memref_slice %arg14[%dma_wait3A_54, %dma_wait3A_55] : memref<10240x64xf32, #tpu.memory_space<vmem_shared>> -> memref<10240x64xf32, #tpu.memory_space<vmem_shared>>
      tpu.wait_indirect_dma semaphore(%arg19 : memref<!tpu.dma_semaphore, #tpu.memory_space<semaphore_mem>>) src(%arg9 : memref<128x64xf32, #tpu.memory_space<vmem>>) dst(%dma_wait3A_56 : memref<10240x64xf32, #tpu.memory_space<vmem_shared>>)
      %dma_wait3A_57 = arith.constant 157 : i32
      %dma_wait3A_58 = arith.constant 0 : i32
      %dma_wait3A_59 = tpu.memref_slice %arg8[%dma_wait3A_57, %dma_wait3A_58] : memref<160x128xi32, #tpu.memory_space<vmem>> -> memref<1x128xi32, #tpu.memory_space<vmem>>
      %dma_wait3A_60 = tpu.memref_squeeze %dma_wait3A_59 : memref<1x128xi32, #tpu.memory_space<vmem>> -> memref<128xi32, #tpu.memory_space<vmem>>
      %dma_wait3A_61 = arith.constant 0 : i32
      %dma_wait3A_62 = arith.constant 0 : i32
      %dma_wait3A_63 = tpu.memref_slice %arg14[%dma_wait3A_61, %dma_wait3A_62] : memref<10240x64xf32, #tpu.memory_space<vmem_shared>> -> memref<10240x64xf32, #tpu.memory_space<vmem_shared>>
      tpu.wait_indirect_dma semaphore(%arg20 : memref<!tpu.dma_semaphore, #tpu.memory_space<semaphore_mem>>) src(%arg10 : memref<128x64xf32, #tpu.memory_space<vmem>>) dst(%dma_wait3A_63 : memref<10240x64xf32, #tpu.memory_space<vmem_shared>>)
      %dma_wait3A_64 = arith.constant 158 : i32
      %dma_wait3A_65 = arith.constant 0 : i32
      %dma_wait3A_66 = tpu.memref_slice %arg8[%dma_wait3A_64, %dma_wait3A_65] : memref<160x128xi32, #tpu.memory_space<vmem>> -> memref<1x128xi32, #tpu.memory_space<vmem>>
      %dma_wait3A_67 = tpu.memref_squeeze %dma_wait3A_66 : memref<1x128xi32, #tpu.memory_space<vmem>> -> memref<128xi32, #tpu.memory_space<vmem>>
      %dma_wait3A_68 = arith.constant 0 : i32
      %dma_wait3A_69 = arith.constant 0 : i32
      %dma_wait3A_70 = tpu.memref_slice %arg14[%dma_wait3A_68, %dma_wait3A_69] : memref<10240x64xf32, #tpu.memory_space<vmem_shared>> -> memref<10240x64xf32, #tpu.memory_space<vmem_shared>>
      tpu.wait_indirect_dma semaphore(%arg21 : memref<!tpu.dma_semaphore, #tpu.memory_space<semaphore_mem>>) src(%arg11 : memref<128x64xf32, #tpu.memory_space<vmem>>) dst(%dma_wait3A_70 : memref<10240x64xf32, #tpu.memory_space<vmem_shared>>)
      %dma_wait3A_71 = arith.constant 159 : i32
      %dma_wait3A_72 = arith.constant 0 : i32
      %dma_wait3A_73 = tpu.memref_slice %arg8[%dma_wait3A_71, %dma_wait3A_72] : memref<160x128xi32, #tpu.memory_space<vmem>> -> memref<1x128xi32, #tpu.memory_space<vmem>>
      %dma_wait3A_74 = tpu.memref_squeeze %dma_wait3A_73 : memref<1x128xi32, #tpu.memory_space<vmem>> -> memref<128xi32, #tpu.memory_space<vmem>>
      %dma_wait3A_75 = arith.constant 0 : i32
      %dma_wait3A_76 = arith.constant 0 : i32
      %dma_wait3A_77 = tpu.memref_slice %arg14[%dma_wait3A_75, %dma_wait3A_76] : memref<10240x64xf32, #tpu.memory_space<vmem_shared>> -> memref<10240x64xf32, #tpu.memory_space<vmem_shared>>
      tpu.wait_indirect_dma semaphore(%arg22 : memref<!tpu.dma_semaphore, #tpu.memory_space<semaphore_mem>>) src(%arg12 : memref<128x64xf32, #tpu.memory_space<vmem>>) dst(%dma_wait3A_77 : memref<10240x64xf32, #tpu.memory_space<vmem_shared>>)
    } else {
    }
    %barrier3A_40 = arith.constant 0 : index
    tpu.barrier barrier_id(%barrier3A_40)
    %mul3A_41 = arith.constant 640 : i32
    %mul3A_42 = arith.muli %arg1, %mul3A_41 : i32
    %mul3A_43 = arith.constant 640 : i32
    %mul3A_44 = arith.muli %arg1, %mul3A_43 : i32
    "tpu.region"() ({
      %run_scoped3A = tpu.sem_alloc : memref<!tpu.dma_semaphore, #tpu.memory_space<semaphore_mem>>
      %dma_start3A = arith.constant 0 : i32
      %dma_start3A_45 = tpu.memref_slice %arg6[%arg0, %mul3A_44, %dma_start3A] : memref<2x10240x64xf32, #tpu.memory_space<hbm>> -> memref<1x640x64xf32, #tpu.memory_space<hbm>>
      %dma_start3A_46 = tpu.memref_squeeze %dma_start3A_45 : memref<1x640x64xf32, #tpu.memory_space<hbm>> -> memref<640x64xf32, #tpu.memory_space<hbm>>
      %dma_start3A_47 = arith.constant 0 : i32
      %dma_start3A_48 = tpu.memref_slice %arg14[%mul3A_42, %dma_start3A_47] : memref<10240x64xf32, #tpu.memory_space<vmem_shared>> -> memref<640x64xf32, #tpu.memory_space<vmem_shared>>
      tpu.enqueue_dma source(%dma_start3A_48 : memref<640x64xf32, #tpu.memory_space<vmem_shared>>) target(%dma_start3A_46 : memref<640x64xf32, #tpu.memory_space<hbm>>) target_semaphore(%run_scoped3A : memref<!tpu.dma_semaphore, #tpu.memory_space<semaphore_mem>>)
      %dma_wait3A = arith.constant 0 : i32
      %dma_wait3A_49 = tpu.memref_slice %arg6[%arg0, %mul3A_44, %dma_wait3A] : memref<2x10240x64xf32, #tpu.memory_space<hbm>> -> memref<1x640x64xf32, #tpu.memory_space<hbm>>
      %dma_wait3A_50 = tpu.memref_squeeze %dma_wait3A_49 : memref<1x640x64xf32, #tpu.memory_space<hbm>> -> memref<640x64xf32, #tpu.memory_space<hbm>>
      %dma_wait3A_51 = arith.constant 0 : i32
      %dma_wait3A_52 = tpu.memref_slice %arg14[%mul3A_42, %dma_wait3A_51] : memref<10240x64xf32, #tpu.memory_space<vmem_shared>> -> memref<640x64xf32, #tpu.memory_space<vmem_shared>>
      tpu.wait_dma2 semaphore(%run_scoped3A : memref<!tpu.dma_semaphore, #tpu.memory_space<semaphore_mem>>) src(%dma_wait3A_52 : memref<640x64xf32, #tpu.memory_space<vmem_shared>>) dst(%dma_wait3A_50 : memref<640x64xf32, #tpu.memory_space<hbm>>)
      tpu.yield
    }) : () -> ()
    return
  }
}

#map = affine_map<(d0, d1) -> (0, 0, 0)>
#map1 = affine_map<(d0, d1) -> (0, 0)>
module attributes {stable_mosaic.version = 14 : i64} {
  func.func @body(%arg0: i32, %arg1: i32, %arg2: memref<16x160x128xi32, #tpu.memory_space<hbm>>, %arg3: memref<16x160x128xi32, #tpu.memory_space<hbm>>, %arg4: memref<10000x64xf32, #tpu.memory_space<hbm>>, %arg5: memref<10000x64xf32, #tpu.memory_space<hbm>>, %arg6: memref<2x10240x64xf32, #tpu.memory_space<hbm>>, %arg7: memref<160x128xi32, #tpu.memory_space<vmem>>, %arg8: memref<160x128xi32, #tpu.memory_space<vmem>>, %arg9: memref<128x64xf32, #tpu.memory_space<vmem>>, %arg10: memref<128x64xf32, #tpu.memory_space<vmem>>, %arg11: memref<128x64xf32, #tpu.memory_space<vmem>>, %arg12: memref<128x64xf32, #tpu.memory_space<vmem>>, %arg13: memref<128x64xf32, #tpu.memory_space<vmem>>, %arg14: memref<10240x64xf32, #tpu.memory_space<vmem_shared>>, %arg15: memref<!tpu.dma_semaphore, #tpu.memory_space<semaphore_mem>>, %arg16: memref<!tpu.dma_semaphore, #tpu.memory_space<semaphore_mem>>, %arg17: memref<!tpu.dma_semaphore, #tpu.memory_space<semaphore_mem>>, %arg18: memref<!tpu.dma_semaphore, #tpu.memory_space<semaphore_mem>>, %arg19: memref<!tpu.dma_semaphore, #tpu.memory_space<semaphore_mem>>, %arg20: memref<!tpu.dma_semaphore, #tpu.memory_space<semaphore_mem>>, %arg21: memref<!tpu.dma_semaphore, #tpu.memory_space<semaphore_mem>>, %arg22: memref<!tpu.dma_semaphore, #tpu.memory_space<semaphore_mem>>) attributes {dimension_semantics = [#tpu.dimension_semantics<core_parallel>, #tpu.dimension_semantics<subcore_parallel>], iteration_bounds = array<i64: 2, 16>, scalar_prefetch = 0 : i64, scratch_operands = 16 : i64, tpu.core_type = #tpu.core_type<sc_vector_subcore>, window_params = [{transform_indices = #map}, {transform_indices = #map}, {transform_indices = #map1}, {transform_indices = #map1}, {transform_indices = #map}]} {
    "tpu.region"() ({
      %run_scoped3A = tpu.sem_alloc : memref<!tpu.dma_semaphore, #tpu.memory_space<semaphore_mem>>
      %dma_start3A = arith.constant 0 : i32
      %dma_start3A_45 = arith.constant 0 : i32
      %dma_start3A_46 = tpu.memref_slice %arg2[%arg1, %dma_start3A, %dma_start3A_45] : memref<16x160x128xi32, #tpu.memory_space<hbm>> -> memref<1x160x128xi32, #tpu.memory_space<hbm>>
      %dma_start3A_47 = tpu.memref_squeeze %dma_start3A_46 : memref<1x160x128xi32, #tpu.memory_space<hbm>> -> memref<160x128xi32, #tpu.memory_space<hbm>>
      %dma_start3A_48 = arith.constant 0 : i32
      %dma_start3A_49 = arith.constant 0 : i32
      %dma_start3A_50 = tpu.memref_slice %arg2[%arg1, %dma_start3A_48, %dma_start3A_49] : memref<16x160x128xi32, #tpu.memory_space<hbm>> -> memref<1x160x128xi32, #tpu.memory_space<hbm>>
      %dma_start3A_51 = tpu.memref_squeeze %dma_start3A_50 : memref<1x160x128xi32, #tpu.memory_space<hbm>> -> memref<160x128xi32, #tpu.memory_space<hbm>>
      tpu.enqueue_dma source(%dma_start3A_51 : memref<160x128xi32, #tpu.memory_space<hbm>>) target(%arg7 : memref<160x128xi32, #tpu.memory_space<vmem>>) target_semaphore(%run_scoped3A : memref<!tpu.dma_semaphore, #tpu.memory_space<semaphore_mem>>)
      %dma_wait3A = arith.constant 0 : i32
      %dma_wait3A_52 = arith.constant 0 : i32
      %dma_wait3A_53 = tpu.memref_slice %arg2[%arg1, %dma_wait3A, %dma_wait3A_52] : memref<16x160x128xi32, #tpu.memory_space<hbm>> -> memref<1x160x128xi32, #tpu.memory_space<hbm>>
      %dma_wait3A_54 = tpu.memref_squeeze %dma_wait3A_53 : memref<1x160x128xi32, #tpu.memory_space<hbm>> -> memref<160x128xi32, #tpu.memory_space<hbm>>
      %dma_wait3A_55 = arith.constant 0 : i32
      %dma_wait3A_56 = arith.constant 0 : i32
      %dma_wait3A_57 = tpu.memref_slice %arg2[%arg1, %dma_wait3A_55, %dma_wait3A_56] : memref<16x160x128xi32, #tpu.memory_space<hbm>> -> memref<1x160x128xi32, #tpu.memory_space<hbm>>
      %dma_wait3A_58 = tpu.memref_squeeze %dma_wait3A_57 : memref<1x160x128xi32, #tpu.memory_space<hbm>> -> memref<160x128xi32, #tpu.memory_space<hbm>>
      tpu.wait_dma2 semaphore(%run_scoped3A : memref<!tpu.dma_semaphore, #tpu.memory_space<semaphore_mem>>) src(%dma_wait3A_58 : memref<160x128xi32, #tpu.memory_space<hbm>>) dst(%arg7 : memref<160x128xi32, #tpu.memory_space<vmem>>)
      tpu.yield
    }) : () -> ()
    "tpu.region"() ({
      %run_scoped3A = tpu.sem_alloc : memref<!tpu.dma_semaphore, #tpu.memory_space<semaphore_mem>>
      %dma_start3A = arith.constant 0 : i32
      %dma_start3A_45 = arith.constant 0 : i32
      %dma_start3A_46 = tpu.memref_slice %arg3[%arg1, %dma_start3A, %dma_start3A_45] : memref<16x160x128xi32, #tpu.memory_space<hbm>> -> memref<1x160x128xi32, #tpu.memory_space<hbm>>
      %dma_start3A_47 = tpu.memref_squeeze %dma_start3A_46 : memref<1x160x128xi32, #tpu.memory_space<hbm>> -> memref<160x128xi32, #tpu.memory_space<hbm>>
      %dma_start3A_48 = arith.constant 0 : i32
      %dma_start3A_49 = arith.constant 0 : i32
      %dma_start3A_50 = tpu.memref_slice %arg3[%arg1, %dma_start3A_48, %dma_start3A_49] : memref<16x160x128xi32, #tpu.memory_space<hbm>> -> memref<1x160x128xi32, #tpu.memory_space<hbm>>
      %dma_start3A_51 = tpu.memref_squeeze %dma_start3A_50 : memref<1x160x128xi32, #tpu.memory_space<hbm>> -> memref<160x128xi32, #tpu.memory_space<hbm>>
      tpu.enqueue_dma source(%dma_start3A_51 : memref<160x128xi32, #tpu.memory_space<hbm>>) target(%arg8 : memref<160x128xi32, #tpu.memory_space<vmem>>) target_semaphore(%run_scoped3A : memref<!tpu.dma_semaphore, #tpu.memory_space<semaphore_mem>>)
      %dma_wait3A = arith.constant 0 : i32
      %dma_wait3A_52 = arith.constant 0 : i32
      %dma_wait3A_53 = tpu.memref_slice %arg3[%arg1, %dma_wait3A, %dma_wait3A_52] : memref<16x160x128xi32, #tpu.memory_space<hbm>> -> memref<1x160x128xi32, #tpu.memory_space<hbm>>
      %dma_wait3A_54 = tpu.memref_squeeze %dma_wait3A_53 : memref<1x160x128xi32, #tpu.memory_space<hbm>> -> memref<160x128xi32, #tpu.memory_space<hbm>>
      %dma_wait3A_55 = arith.constant 0 : i32
      %dma_wait3A_56 = arith.constant 0 : i32
      %dma_wait3A_57 = tpu.memref_slice %arg3[%arg1, %dma_wait3A_55, %dma_wait3A_56] : memref<16x160x128xi32, #tpu.memory_space<hbm>> -> memref<1x160x128xi32, #tpu.memory_space<hbm>>
      %dma_wait3A_58 = tpu.memref_squeeze %dma_wait3A_57 : memref<1x160x128xi32, #tpu.memory_space<hbm>> -> memref<160x128xi32, #tpu.memory_space<hbm>>
      tpu.wait_dma2 semaphore(%run_scoped3A : memref<!tpu.dma_semaphore, #tpu.memory_space<semaphore_mem>>) src(%dma_wait3A_58 : memref<160x128xi32, #tpu.memory_space<hbm>>) dst(%arg8 : memref<160x128xi32, #tpu.memory_space<vmem>>)
      tpu.yield
    }) : () -> ()
    %eq3A = arith.constant 0 : i32
    %eq3A_0 = arith.cmpi eq, %arg0, %eq3A : i32
    %convert_element_type3A = arith.extui %eq3A_0 : i1 to i32
    %cond3A = arith.constant 0 : i32
    %cond3A_1 = arith.cmpi ne, %convert_element_type3A, %cond3A : i32
    scf.if %cond3A_1 {
      %dma_start3A = arith.constant 0 : i32
      %dma_start3A_45 = arith.constant 0 : i32
      %dma_start3A_46 = tpu.memref_slice %arg7[%dma_start3A, %dma_start3A_45] : memref<160x128xi32, #tpu.memory_space<vmem>> -> memref<1x128xi32, #tpu.memory_space<vmem>>
      %dma_start3A_47 = tpu.memref_squeeze %dma_start3A_46 : memref<1x128xi32, #tpu.memory_space<vmem>> -> memref<128xi32, #tpu.memory_space<vmem>>
      %dma_start3A_48 = arith.constant 0 : i32
      %dma_start3A_49 = arith.constant 0 : i32
      %dma_start3A_50 = tpu.memref_slice %arg4[%dma_start3A_48, %dma_start3A_49] : memref<10000x64xf32, #tpu.memory_space<hbm>> -> memref<10000x64xf32, #tpu.memory_space<hbm>>
      tpu.enqueue_indirect_dma source(%dma_start3A_50 : memref<10000x64xf32, #tpu.memory_space<hbm>>) target(%arg9 : memref<128x64xf32, #tpu.memory_space<vmem>>) offsets(%dma_start3A_47 : memref<128xi32, #tpu.memory_space<vmem>>) semaphore(%arg15 : memref<!tpu.dma_semaphore, #tpu.memory_space<semaphore_mem>>)
      %dma_start3A_51 = arith.constant 1 : i32
      %dma_start3A_52 = arith.constant 0 : i32
      %dma_start3A_53 = tpu.memref_slice %arg7[%dma_start3A_51, %dma_start3A_52] : memref<160x128xi32, #tpu.memory_space<vmem>> -> memref<1x128xi32, #tpu.memory_space<vmem>>
      %dma_start3A_54 = tpu.memref_squeeze %dma_start3A_53 : memref<1x128xi32, #tpu.memory_space<vmem>> -> memref<128xi32, #tpu.memory_space<vmem>>
      %dma_start3A_55 = arith.constant 0 : i32
      %dma_start3A_56 = arith.constant 0 : i32
      %dma_start3A_57 = tpu.memref_slice %arg4[%dma_start3A_55, %dma_start3A_56] : memref<10000x64xf32, #tpu.memory_space<hbm>> -> memref<10000x64xf32, #tpu.memory_space<hbm>>
      tpu.enqueue_indirect_dma source(%dma_start3A_57 : memref<10000x64xf32, #tpu.memory_space<hbm>>) target(%arg10 : memref<128x64xf32, #tpu.memory_space<vmem>>) offsets(%dma_start3A_54 : memref<128xi32, #tpu.memory_space<vmem>>) semaphore(%arg16 : memref<!tpu.dma_semaphore, #tpu.memory_space<semaphore_mem>>)
      %dma_start3A_58 = arith.constant 2 : i32
      %dma_start3A_59 = arith.constant 0 : i32
      %dma_start3A_60 = tpu.memref_slice %arg7[%dma_start3A_58, %dma_start3A_59] : memref<160x128xi32, #tpu.memory_space<vmem>> -> memref<1x128xi32, #tpu.memory_space<vmem>>
      %dma_start3A_61 = tpu.memref_squeeze %dma_start3A_60 : memref<1x128xi32, #tpu.memory_space<vmem>> -> memref<128xi32, #tpu.memory_space<vmem>>
      %dma_start3A_62 = arith.constant 0 : i32
      %dma_start3A_63 = arith.constant 0 : i32
      %dma_start3A_64 = tpu.memref_slice %arg4[%dma_start3A_62, %dma_start3A_63] : memref<10000x64xf32, #tpu.memory_space<hbm>> -> memref<10000x64xf32, #tpu.memory_space<hbm>>
      tpu.enqueue_indirect_dma source(%dma_start3A_64 : memref<10000x64xf32, #tpu.memory_space<hbm>>) target(%arg11 : memref<128x64xf32, #tpu.memory_space<vmem>>) offsets(%dma_start3A_61 : memref<128xi32, #tpu.memory_space<vmem>>) semaphore(%arg17 : memref<!tpu.dma_semaphore, #tpu.memory_space<semaphore_mem>>)
    } else {
    }
    %eq3A_2 = arith.constant 1 : i32
    %eq3A_3 = arith.cmpi eq, %arg0, %eq3A_2 : i32
    %convert_element_type3A_4 = arith.extui %eq3A_3 : i1 to i32
    %cond3A_5 = arith.constant 0 : i32
    %cond3A_6 = arith.cmpi ne, %convert_element_type3A_4, %cond3A_5 : i32
    scf.if %cond3A_6 {
      %dma_start3A = arith.constant 0 : i32
      %dma_start3A_45 = arith.constant 0 : i32
      %dma_start3A_46 = tpu.memref_slice %arg7[%dma_start3A, %dma_start3A_45] : memref<160x128xi32, #tpu.memory_space<vmem>> -> memref<1x128xi32, #tpu.memory_space<vmem>>
      %dma_start3A_47 = tpu.memref_squeeze %dma_start3A_46 : memref<1x128xi32, #tpu.memory_space<vmem>> -> memref<128xi32, #tpu.memory_space<vmem>>
      %dma_start3A_48 = arith.constant 0 : i32
      %dma_start3A_49 = arith.constant 0 : i32
      %dma_start3A_50 = tpu.memref_slice %arg5[%dma_start3A_48, %dma_start3A_49] : memref<10000x64xf32, #tpu.memory_space<hbm>> -> memref<10000x64xf32, #tpu.memory_space<hbm>>
      tpu.enqueue_indirect_dma source(%dma_start3A_50 : memref<10000x64xf32, #tpu.memory_space<hbm>>) target(%arg9 : memref<128x64xf32, #tpu.memory_space<vmem>>) offsets(%dma_start3A_47 : memref<128xi32, #tpu.memory_space<vmem>>) semaphore(%arg15 : memref<!tpu.dma_semaphore, #tpu.memory_space<semaphore_mem>>)
      %dma_start3A_51 = arith.constant 1 : i32
      %dma_start3A_52 = arith.constant 0 : i32
      %dma_start3A_53 = tpu.memref_slice %arg7[%dma_start3A_51, %dma_start3A_52] : memref<160x128xi32, #tpu.memory_space<vmem>> -> memref<1x128xi32, #tpu.memory_space<vmem>>
      %dma_start3A_54 = tpu.memref_squeeze %dma_start3A_53 : memref<1x128xi32, #tpu.memory_space<vmem>> -> memref<128xi32, #tpu.memory_space<vmem>>
      %dma_start3A_55 = arith.constant 0 : i32
      %dma_start3A_56 = arith.constant 0 : i32
      %dma_start3A_57 = tpu.memref_slice %arg5[%dma_start3A_55, %dma_start3A_56] : memref<10000x64xf32, #tpu.memory_space<hbm>> -> memref<10000x64xf32, #tpu.memory_space<hbm>>
      tpu.enqueue_indirect_dma source(%dma_start3A_57 : memref<10000x64xf32, #tpu.memory_space<hbm>>) target(%arg10 : memref<128x64xf32, #tpu.memory_space<vmem>>) offsets(%dma_start3A_54 : memref<128xi32, #tpu.memory_space<vmem>>) semaphore(%arg16 : memref<!tpu.dma_semaphore, #tpu.memory_space<semaphore_mem>>)
      %dma_start3A_58 = arith.constant 2 : i32
      %dma_start3A_59 = arith.constant 0 : i32
      %dma_start3A_60 = tpu.memref_slice %arg7[%dma_start3A_58, %dma_start3A_59] : memref<160x128xi32, #tpu.memory_space<vmem>> -> memref<1x128xi32, #tpu.memory_space<vmem>>
      %dma_start3A_61 = tpu.memref_squeeze %dma_start3A_60 : memref<1x128xi32, #tpu.memory_space<vmem>> -> memref<128xi32, #tpu.memory_space<vmem>>
      %dma_start3A_62 = arith.constant 0 : i32
      %dma_start3A_63 = arith.constant 0 : i32
      %dma_start3A_64 = tpu.memref_slice %arg5[%dma_start3A_62, %dma_start3A_63] : memref<10000x64xf32, #tpu.memory_space<hbm>> -> memref<10000x64xf32, #tpu.memory_space<hbm>>
      tpu.enqueue_indirect_dma source(%dma_start3A_64 : memref<10000x64xf32, #tpu.memory_space<hbm>>) target(%arg11 : memref<128x64xf32, #tpu.memory_space<vmem>>) offsets(%dma_start3A_61 : memref<128xi32, #tpu.memory_space<vmem>>) semaphore(%arg17 : memref<!tpu.dma_semaphore, #tpu.memory_space<semaphore_mem>>)
    } else {
    }
    %scan3A = arith.constant 0 : i32
    %scan3A_7 = arith.constant 0 : i32
    %scan3A_8 = arith.constant 128 : i32
    %scan3A_9 = arith.addi %scan3A_7, %scan3A_8 : i32
    %scan3A_10 = arith.constant 1 : i32
    scf.for %scan3A_45 = %scan3A_7 to %scan3A_9 step %scan3A_10  : i32 {
      %broadcast_in_dim3A = arith.constant 0.000000e+00 : f32
      %broadcast_in_dim3A_46 = vector.broadcast %broadcast_in_dim3A : f32 to vector<16xf32>
      %swap3A = arith.index_cast %scan3A_45 : i32 to index
      %swap3A_47 = arith.constant 0 : index
      %swap3A_48 = tpu.vector_load %arg13[%swap3A, %swap3A_47] {strides = array<i32>} : memref<128x64xf32, #tpu.memory_space<vmem>>, vector<1x16xf32>,
      %swap3A_49 = vector.shape_cast %swap3A_48 : vector<1x16xf32> to vector<16xf32>
      %swap3A_50 = vector.shape_cast %broadcast_in_dim3A_46 : vector<16xf32> to vector<1x16xf32>
      tpu.vector_store %arg13[%swap3A, %swap3A_47], %swap3A_50 {strides = array<i32>} : memref<128x64xf32, #tpu.memory_space<vmem>>, vector<1x16xf32>,
      %broadcast_in_dim3A_51 = arith.constant 0.000000e+00 : f32
      %broadcast_in_dim3A_52 = vector.broadcast %broadcast_in_dim3A_51 : f32 to vector<16xf32>
      %swap3A_53 = arith.index_cast %scan3A_45 : i32 to index
      %swap3A_54 = arith.constant 16 : index
      %swap3A_55 = tpu.vector_load %arg13[%swap3A_53, %swap3A_54] {strides = array<i32>} : memref<128x64xf32, #tpu.memory_space<vmem>>, vector<1x16xf32>,
      %swap3A_56 = vector.shape_cast %swap3A_55 : vector<1x16xf32> to vector<16xf32>
      %swap3A_57 = vector.shape_cast %broadcast_in_dim3A_52 : vector<16xf32> to vector<1x16xf32>
      tpu.vector_store %arg13[%swap3A_53, %swap3A_54], %swap3A_57 {strides = array<i32>} : memref<128x64xf32, #tpu.memory_space<vmem>>, vector<1x16xf32>,
      %broadcast_in_dim3A_58 = arith.constant 0.000000e+00 : f32
      %broadcast_in_dim3A_59 = vector.broadcast %broadcast_in_dim3A_58 : f32 to vector<16xf32>
      %swap3A_60 = arith.index_cast %scan3A_45 : i32 to index
      %swap3A_61 = arith.constant 32 : index
      %swap3A_62 = tpu.vector_load %arg13[%swap3A_60, %swap3A_61] {strides = array<i32>} : memref<128x64xf32, #tpu.memory_space<vmem>>, vector<1x16xf32>,
      %swap3A_63 = vector.shape_cast %swap3A_62 : vector<1x16xf32> to vector<16xf32>
      %swap3A_64 = vector.shape_cast %broadcast_in_dim3A_59 : vector<16xf32> to vector<1x16xf32>
      tpu.vector_store %arg13[%swap3A_60, %swap3A_61], %swap3A_64 {strides = array<i32>} : memref<128x64xf32, #tpu.memory_space<vmem>>, vector<1x16xf32>,
      %broadcast_in_dim3A_65 = arith.constant 0.000000e+00 : f32
      %broadcast_in_dim3A_66 = vector.broadcast %broadcast_in_dim3A_65 : f32 to vector<16xf32>
      %swap3A_67 = arith.index_cast %scan3A_45 : i32 to index
      %swap3A_68 = arith.constant 48 : index
      %swap3A_69 = tpu.vector_load %arg13[%swap3A_67, %swap3A_68] {strides = array<i32>} : memref<128x64xf32, #tpu.memory_space<vmem>>, vector<1x16xf32>,
      %swap3A_70 = vector.shape_cast %swap3A_69 : vector<1x16xf32> to vector<16xf32>
      %swap3A_71 = vector.shape_cast %broadcast_in_dim3A_66 : vector<16xf32> to vector<1x16xf32>
      tpu.vector_store %arg13[%swap3A_67, %swap3A_68], %swap3A_71 {strides = array<i32>} : memref<128x64xf32, #tpu.memory_space<vmem>>, vector<1x16xf32>,
    }
    %scan3A_11 = arith.constant 128 : i32
    %mul3A = arith.constant 640 : i32
    %mul3A_12 = arith.muli %arg1, %mul3A : i32
    %add3A = arith.constant 0 : i32
    %add3A_13 = arith.addi %mul3A_12, %add3A : i32
    "tpu.region"() ({
      %run_scoped3A = tpu.sem_alloc : memref<!tpu.dma_semaphore, #tpu.memory_space<semaphore_mem>>
      %dma_start3A = arith.constant 0 : i32
      %dma_start3A_45 = tpu.memref_slice %arg14[%add3A_13, %dma_start3A] : memref<10240x64xf32, #tpu.memory_space<vmem_shared>> -> memref<128x64xf32, #tpu.memory_space<vmem_shared>>
      %dma_start3A_46 = arith.constant 0 : i32
      %dma_start3A_47 = tpu.memref_slice %arg14[%add3A_13, %dma_start3A_46] : memref<10240x64xf32, #tpu.memory_space<vmem_shared>> -> memref<128x64xf32, #tpu.memory_space<vmem_shared>>
      tpu.enqueue_dma source(%arg13 : memref<128x64xf32, #tpu.memory_space<vmem>>) target(%dma_start3A_47 : memref<128x64xf32, #tpu.memory_space<vmem_shared>>) target_semaphore(%run_scoped3A : memref<!tpu.dma_semaphore, #tpu.memory_space<semaphore_mem>>)
      %dma_wait3A = arith.constant 0 : i32
      %dma_wait3A_48 = tpu.memref_slice %arg14[%add3A_13, %dma_wait3A] : memref<10240x64xf32, #tpu.memory_space<vmem_shared>> -> memref<128x64xf32, #tpu.memory_space<vmem_shared>>
      %dma_wait3A_49 = arith.constant 0 : i32
      %dma_wait3A_50 = tpu.memref_slice %arg14[%add3A_13, %dma_wait3A_49] : memref<10240x64xf32, #tpu.memory_space<vmem_shared>> -> memref<128x64xf32, #tpu.memory_space<vmem_shared>>
      tpu.wait_dma2 semaphore(%run_scoped3A : memref<!tpu.dma_semaphore, #tpu.memory_space<semaphore_mem>>) src(%arg13 : memref<128x64xf32, #tpu.memory_space<vmem>>) dst(%dma_wait3A_50 : memref<128x64xf32, #tpu.memory_space<vmem_shared>>)
      tpu.yield
    }) : () -> ()
    %mul3A_14 = arith.constant 640 : i32
    %mul3A_15 = arith.muli %arg1, %mul3A_14 : i32
    %add3A_16 = arith.constant 128 : i32
    %add3A_17 = arith.addi %mul3A_15, %add3A_16 : i32
    "tpu.region"() ({
      %run_scoped3A = tpu.sem_alloc : memref<!tpu.dma_semaphore, #tpu.memory_space<semaphore_mem>>
      %dma_start3A = arith.constant 0 : i32
      %dma_start3A_45 = tpu.memref_slice %arg14[%add3A_17, %dma_start3A] : memref<10240x64xf32, #tpu.memory_space<vmem_shared>> -> memref<128x64xf32, #tpu.memory_space<vmem_shared>>
      %dma_start3A_46 = arith.constant 0 : i32
      %dma_start3A_47 = tpu.memref_slice %arg14[%add3A_17, %dma_start3A_46] : memref<10240x64xf32, #tpu.memory_space<vmem_shared>> -> memref<128x64xf32, #tpu.memory_space<vmem_shared>>
      tpu.enqueue_dma source(%arg13 : memref<128x64xf32, #tpu.memory_space<vmem>>) target(%dma_start3A_47 : memref<128x64xf32, #tpu.memory_space<vmem_shared>>) target_semaphore(%run_scoped3A : memref<!tpu.dma_semaphore, #tpu.memory_space<semaphore_mem>>)
      %dma_wait3A = arith.constant 0 : i32
      %dma_wait3A_48 = tpu.memref_slice %arg14[%add3A_17, %dma_wait3A] : memref<10240x64xf32, #tpu.memory_space<vmem_shared>> -> memref<128x64xf32, #tpu.memory_space<vmem_shared>>
      %dma_wait3A_49 = arith.constant 0 : i32
      %dma_wait3A_50 = tpu.memref_slice %arg14[%add3A_17, %dma_wait3A_49] : memref<10240x64xf32, #tpu.memory_space<vmem_shared>> -> memref<128x64xf32, #tpu.memory_space<vmem_shared>>
      tpu.wait_dma2 semaphore(%run_scoped3A : memref<!tpu.dma_semaphore, #tpu.memory_space<semaphore_mem>>) src(%arg13 : memref<128x64xf32, #tpu.memory_space<vmem>>) dst(%dma_wait3A_50 : memref<128x64xf32, #tpu.memory_space<vmem_shared>>)
      tpu.yield
    }) : () -> ()
    %mul3A_18 = arith.constant 640 : i32
    %mul3A_19 = arith.muli %arg1, %mul3A_18 : i32
    %add3A_20 = arith.constant 256 : i32
    %add3A_21 = arith.addi %mul3A_19, %add3A_20 : i32
    "tpu.region"() ({
      %run_scoped3A = tpu.sem_alloc : memref<!tpu.dma_semaphore, #tpu.memory_space<semaphore_mem>>
      %dma_start3A = arith.constant 0 : i32
      %dma_start3A_45 = tpu.memref_slice %arg14[%add3A_21, %dma_start3A] : memref<10240x64xf32, #tpu.memory_space<vmem_shared>> -> memref<128x64xf32, #tpu.memory_space<vmem_shared>>
      %dma_start3A_46 = arith.constant 0 : i32
      %dma_start3A_47 = tpu.memref_slice %arg14[%add3A_21, %dma_start3A_46] : memref<10240x64xf32, #tpu.memory_space<vmem_shared>> -> memref<128x64xf32, #tpu.memory_space<vmem_shared>>
      tpu.enqueue_dma source(%arg13 : memref<128x64xf32, #tpu.memory_space<vmem>>) target(%dma_start3A_47 : memref<128x64xf32, #tpu.memory_space<vmem_shared>>) target_semaphore(%run_scoped3A : memref<!tpu.dma_semaphore, #tpu.memory_space<semaphore_mem>>)
      %dma_wait3A = arith.constant 0 : i32
      %dma_wait3A_48 = tpu.memref_slice %arg14[%add3A_21, %dma_wait3A] : memref<10240x64xf32, #tpu.memory_space<vmem_shared>> -> memref<128x64xf32, #tpu.memory_space<vmem_shared>>
      %dma_wait3A_49 = arith.constant 0 : i32
      %dma_wait3A_50 = tpu.memref_slice %arg14[%add3A_21, %dma_wait3A_49] : memref<10240x64xf32, #tpu.memory_space<vmem_shared>> -> memref<128x64xf32, #tpu.memory_space<vmem_shared>>
      tpu.wait_dma2 semaphore(%run_scoped3A : memref<!tpu.dma_semaphore, #tpu.memory_space<semaphore_mem>>) src(%arg13 : memref<128x64xf32, #tpu.memory_space<vmem>>) dst(%dma_wait3A_50 : memref<128x64xf32, #tpu.memory_space<vmem_shared>>)
      tpu.yield
    }) : () -> ()
    %mul3A_22 = arith.constant 640 : i32
    %mul3A_23 = arith.muli %arg1, %mul3A_22 : i32
    %add3A_24 = arith.constant 384 : i32
    %add3A_25 = arith.addi %mul3A_23, %add3A_24 : i32
    "tpu.region"() ({
      %run_scoped3A = tpu.sem_alloc : memref<!tpu.dma_semaphore, #tpu.memory_space<semaphore_mem>>
      %dma_start3A = arith.constant 0 : i32
      %dma_start3A_45 = tpu.memref_slice %arg14[%add3A_25, %dma_start3A] : memref<10240x64xf32, #tpu.memory_space<vmem_shared>> -> memref<128x64xf32, #tpu.memory_space<vmem_shared>>
      %dma_start3A_46 = arith.constant 0 : i32
      %dma_start3A_47 = tpu.memref_slice %arg14[%add3A_25, %dma_start3A_46] : memref<10240x64xf32, #tpu.memory_space<vmem_shared>> -> memref<128x64xf32, #tpu.memory_space<vmem_shared>>
      tpu.enqueue_dma source(%arg13 : memref<128x64xf32, #tpu.memory_space<vmem>>) target(%dma_start3A_47 : memref<128x64xf32, #tpu.memory_space<vmem_shared>>) target_semaphore(%run_scoped3A : memref<!tpu.dma_semaphore, #tpu.memory_space<semaphore_mem>>)
      %dma_wait3A = arith.constant 0 : i32
      %dma_wait3A_48 = tpu.memref_slice %arg14[%add3A_25, %dma_wait3A] : memref<10240x64xf32, #tpu.memory_space<vmem_shared>> -> memref<128x64xf32, #tpu.memory_space<vmem_shared>>
      %dma_wait3A_49 = arith.constant 0 : i32
      %dma_wait3A_50 = tpu.memref_slice %arg14[%add3A_25, %dma_wait3A_49] : memref<10240x64xf32, #tpu.memory_space<vmem_shared>> -> memref<128x64xf32, #tpu.memory_space<vmem_shared>>
      tpu.wait_dma2 semaphore(%run_scoped3A : memref<!tpu.dma_semaphore, #tpu.memory_space<semaphore_mem>>) src(%arg13 : memref<128x64xf32, #tpu.memory_space<vmem>>) dst(%dma_wait3A_50 : memref<128x64xf32, #tpu.memory_space<vmem_shared>>)
      tpu.yield
    }) : () -> ()
    %mul3A_26 = arith.constant 640 : i32
    %mul3A_27 = arith.muli %arg1, %mul3A_26 : i32
    %add3A_28 = arith.constant 512 : i32
    %add3A_29 = arith.addi %mul3A_27, %add3A_28 : i32
    "tpu.region"() ({
      %run_scoped3A = tpu.sem_alloc : memref<!tpu.dma_semaphore, #tpu.memory_space<semaphore_mem>>
      %dma_start3A = arith.constant 0 : i32
      %dma_start3A_45 = tpu.memref_slice %arg14[%add3A_29, %dma_start3A] : memref<10240x64xf32, #tpu.memory_space<vmem_shared>> -> memref<128x64xf32, #tpu.memory_space<vmem_shared>>
      %dma_start3A_46 = arith.constant 0 : i32
      %dma_start3A_47 = tpu.memref_slice %arg14[%add3A_29, %dma_start3A_46] : memref<10240x64xf32, #tpu.memory_space<vmem_shared>> -> memref<128x64xf32, #tpu.memory_space<vmem_shared>>
      tpu.enqueue_dma source(%arg13 : memref<128x64xf32, #tpu.memory_space<vmem>>) target(%dma_start3A_47 : memref<128x64xf32, #tpu.memory_space<vmem_shared>>) target_semaphore(%run_scoped3A : memref<!tpu.dma_semaphore, #tpu.memory_space<semaphore_mem>>)
      %dma_wait3A = arith.constant 0 : i32
      %dma_wait3A_48 = tpu.memref_slice %arg14[%add3A_29, %dma_wait3A] : memref<10240x64xf32, #tpu.memory_space<vmem_shared>> -> memref<128x64xf32, #tpu.memory_space<vmem_shared>>
      %dma_wait3A_49 = arith.constant 0 : i32
      %dma_wait3A_50 = tpu.memref_slice %arg14[%add3A_29, %dma_wait3A_49] : memref<10240x64xf32, #tpu.memory_space<vmem_shared>> -> memref<128x64xf32, #tpu.memory_space<vmem_shared>>
      tpu.wait_dma2 semaphore(%run_scoped3A : memref<!tpu.dma_semaphore, #tpu.memory_space<semaphore_mem>>) src(%arg13 : memref<128x64xf32, #tpu.memory_space<vmem>>) dst(%dma_wait3A_50 : memref<128x64xf32, #tpu.memory_space<vmem_shared>>)
      tpu.yield
    }) : () -> ()
    %barrier3A = arith.constant 0 : index
    tpu.barrier barrier_id(%barrier3A)
    %eq3A_30 = arith.constant 0 : i32
    %eq3A_31 = arith.cmpi eq, %arg0, %eq3A_30 : i32
    %convert_element_type3A_32 = arith.extui %eq3A_31 : i1 to i32
    %cond3A_33 = arith.constant 0 : i32
    %cond3A_34 = arith.cmpi ne, %convert_element_type3A_32, %cond3A_33 : i32
    scf.if %cond3A_34 {
      %scan3A_45 = arith.constant 0 : i32
      %scan3A_46 = arith.constant 0 : i32
      %scan3A_47 = arith.constant 40 : i32
      %scan3A_48 = arith.addi %scan3A_46, %scan3A_47 : i32
      %scan3A_49 = arith.constant 1 : i32
      scf.for %scan3A_78 = %scan3A_46 to %scan3A_48 step %scan3A_49  : i32 {
        %mul3A_79 = arith.constant 4 : i32
        %mul3A_80 = arith.muli %scan3A_78, %mul3A_79 : i32
        %add3A_81 = arith.constant 0 : i32
        %add3A_82 = arith.addi %mul3A_80, %add3A_81 : i32
        %add3A_83 = arith.constant 4 : i32
        %add3A_84 = arith.addi %add3A_82, %add3A_83 : i32
        %sub3A = arith.constant 1 : i32
        %sub3A_85 = arith.subi %add3A_84, %sub3A : i32
        %lt3A = arith.constant 160 : i32
        %lt3A_86 = arith.cmpi slt, %sub3A_85, %lt3A : i32
        %convert_element_type3A_87 = arith.extui %lt3A_86 : i1 to i32
        %cond3A_88 = arith.constant 0 : i32
        %cond3A_89 = arith.cmpi ne, %convert_element_type3A_87, %cond3A_88 : i32
        scf.if %cond3A_89 {
          %ge3A = arith.constant 1 : i32
          %ge3A_176 = arith.cmpi sge, %add3A_82, %ge3A : i32
          %convert_element_type3A_177 = arith.extui %ge3A_176 : i1 to i32
          %cond3A_178 = arith.constant 0 : i32
          %cond3A_179 = arith.cmpi ne, %convert_element_type3A_177, %cond3A_178 : i32
          scf.if %cond3A_179 {
            %sub3A_190 = arith.constant 1 : i32
            %sub3A_191 = arith.subi %add3A_82, %sub3A_190 : i32
            %dma_wait3A_192 = arith.constant 0 : i32
            %dma_wait3A_193 = tpu.memref_slice %arg8[%sub3A_191, %dma_wait3A_192] : memref<160x128xi32, #tpu.memory_space<vmem>> -> memref<1x128xi32, #tpu.memory_space<vmem>>
            %dma_wait3A_194 = tpu.memref_squeeze %dma_wait3A_193 : memref<1x128xi32, #tpu.memory_space<vmem>> -> memref<128xi32, #tpu.memory_space<vmem>>
            %dma_wait3A_195 = arith.constant 0 : i32
            %dma_wait3A_196 = arith.constant 0 : i32
            %dma_wait3A_197 = tpu.memref_slice %arg14[%dma_wait3A_195, %dma_wait3A_196] : memref<10240x64xf32, #tpu.memory_space<vmem_shared>> -> memref<10240x64xf32, #tpu.memory_space<vmem_shared>>
            tpu.wait_indirect_dma semaphore(%arg22 : memref<!tpu.dma_semaphore, #tpu.memory_space<semaphore_mem>>) src(%arg12 : memref<128x64xf32, #tpu.memory_space<vmem>>) dst(%dma_wait3A_197 : memref<10240x64xf32, #tpu.memory_space<vmem_shared>>)
          } else {
          }
          %add3A_180 = arith.constant 4 : i32
          %add3A_181 = arith.addi %add3A_82, %add3A_180 : i32
          %sub3A_182 = arith.constant 1 : i32
          %sub3A_183 = arith.subi %add3A_181, %sub3A_182 : i32
          %dma_start3A_184 = arith.constant 0 : i32
          %dma_start3A_185 = tpu.memref_slice %arg7[%sub3A_183, %dma_start3A_184] : memref<160x128xi32, #tpu.memory_space<vmem>> -> memref<1x128xi32, #tpu.memory_space<vmem>>
          %dma_start3A_186 = tpu.memref_squeeze %dma_start3A_185 : memref<1x128xi32, #tpu.memory_space<vmem>> -> memref<128xi32, #tpu.memory_space<vmem>>
          %dma_start3A_187 = arith.constant 0 : i32
          %dma_start3A_188 = arith.constant 0 : i32
          %dma_start3A_189 = tpu.memref_slice %arg4[%dma_start3A_187, %dma_start3A_188] : memref<10000x64xf32, #tpu.memory_space<hbm>> -> memref<10000x64xf32, #tpu.memory_space<hbm>>
          tpu.enqueue_indirect_dma source(%dma_start3A_189 : memref<10000x64xf32, #tpu.memory_space<hbm>>) target(%arg12 : memref<128x64xf32, #tpu.memory_space<vmem>>) offsets(%dma_start3A_186 : memref<128xi32, #tpu.memory_space<vmem>>) semaphore(%arg18 : memref<!tpu.dma_semaphore, #tpu.memory_space<semaphore_mem>>)
        } else {
        }
        %dma_wait3A_90 = arith.constant 0 : i32
        %dma_wait3A_91 = tpu.memref_slice %arg7[%add3A_82, %dma_wait3A_90] : memref<160x128xi32, #tpu.memory_space<vmem>> -> memref<1x128xi32, #tpu.memory_space<vmem>>
        %dma_wait3A_92 = tpu.memref_squeeze %dma_wait3A_91 : memref<1x128xi32, #tpu.memory_space<vmem>> -> memref<128xi32, #tpu.memory_space<vmem>>
        %dma_wait3A_93 = arith.constant 0 : i32
        %dma_wait3A_94 = arith.constant 0 : i32
        %dma_wait3A_95 = tpu.memref_slice %arg4[%dma_wait3A_93, %dma_wait3A_94] : memref<10000x64xf32, #tpu.memory_space<hbm>> -> memref<10000x64xf32, #tpu.memory_space<hbm>>
        tpu.wait_indirect_dma semaphore(%arg15 : memref<!tpu.dma_semaphore, #tpu.memory_space<semaphore_mem>>) src(%dma_wait3A_95 : memref<10000x64xf32, #tpu.memory_space<hbm>>) dst(%arg9 : memref<128x64xf32, #tpu.memory_space<vmem>>)
        %dma_start3A = arith.constant 0 : i32
        %dma_start3A_96 = tpu.memref_slice %arg8[%add3A_82, %dma_start3A] : memref<160x128xi32, #tpu.memory_space<vmem>> -> memref<1x128xi32, #tpu.memory_space<vmem>>
        %dma_start3A_97 = tpu.memref_squeeze %dma_start3A_96 : memref<1x128xi32, #tpu.memory_space<vmem>> -> memref<128xi32, #tpu.memory_space<vmem>>
        %dma_start3A_98 = arith.constant 0 : i32
        %dma_start3A_99 = arith.constant 0 : i32
        %dma_start3A_100 = tpu.memref_slice %arg14[%dma_start3A_98, %dma_start3A_99] : memref<10240x64xf32, #tpu.memory_space<vmem_shared>> -> memref<10240x64xf32, #tpu.memory_space<vmem_shared>>
        tpu.enqueue_indirect_dma source(%arg9 : memref<128x64xf32, #tpu.memory_space<vmem>>) target(%dma_start3A_100 : memref<10240x64xf32, #tpu.memory_space<vmem_shared>>) offsets(%dma_start3A_97 : memref<128xi32, #tpu.memory_space<vmem>>) semaphore(%arg19 : memref<!tpu.dma_semaphore, #tpu.memory_space<semaphore_mem>>) {add = true}
        %mul3A_101 = arith.constant 4 : i32
        %mul3A_102 = arith.muli %scan3A_78, %mul3A_101 : i32
        %add3A_103 = arith.constant 1 : i32
        %add3A_104 = arith.addi %mul3A_102, %add3A_103 : i32
        %add3A_105 = arith.constant 4 : i32
        %add3A_106 = arith.addi %add3A_104, %add3A_105 : i32
        %sub3A_107 = arith.constant 1 : i32
        %sub3A_108 = arith.subi %add3A_106, %sub3A_107 : i32
        %lt3A_109 = arith.constant 160 : i32
        %lt3A_110 = arith.cmpi slt, %sub3A_108, %lt3A_109 : i32
        %convert_element_type3A_111 = arith.extui %lt3A_110 : i1 to i32
        %cond3A_112 = arith.constant 0 : i32
        %cond3A_113 = arith.cmpi ne, %convert_element_type3A_111, %cond3A_112 : i32
        scf.if %cond3A_113 {
          %ge3A = arith.constant 1 : i32
          %ge3A_176 = arith.cmpi sge, %add3A_104, %ge3A : i32
          %convert_element_type3A_177 = arith.extui %ge3A_176 : i1 to i32
          %cond3A_178 = arith.constant 0 : i32
          %cond3A_179 = arith.cmpi ne, %convert_element_type3A_177, %cond3A_178 : i32
          scf.if %cond3A_179 {
            %sub3A_190 = arith.constant 1 : i32
            %sub3A_191 = arith.subi %add3A_104, %sub3A_190 : i32
            %dma_wait3A_192 = arith.constant 0 : i32
            %dma_wait3A_193 = tpu.memref_slice %arg8[%sub3A_191, %dma_wait3A_192] : memref<160x128xi32, #tpu.memory_space<vmem>> -> memref<1x128xi32, #tpu.memory_space<vmem>>
            %dma_wait3A_194 = tpu.memref_squeeze %dma_wait3A_193 : memref<1x128xi32, #tpu.memory_space<vmem>> -> memref<128xi32, #tpu.memory_space<vmem>>
            %dma_wait3A_195 = arith.constant 0 : i32
            %dma_wait3A_196 = arith.constant 0 : i32
            %dma_wait3A_197 = tpu.memref_slice %arg14[%dma_wait3A_195, %dma_wait3A_196] : memref<10240x64xf32, #tpu.memory_space<vmem_shared>> -> memref<10240x64xf32, #tpu.memory_space<vmem_shared>>
            tpu.wait_indirect_dma semaphore(%arg19 : memref<!tpu.dma_semaphore, #tpu.memory_space<semaphore_mem>>) src(%arg9 : memref<128x64xf32, #tpu.memory_space<vmem>>) dst(%dma_wait3A_197 : memref<10240x64xf32, #tpu.memory_space<vmem_shared>>)
          } else {
          }
          %add3A_180 = arith.constant 4 : i32
          %add3A_181 = arith.addi %add3A_104, %add3A_180 : i32
          %sub3A_182 = arith.constant 1 : i32
          %sub3A_183 = arith.subi %add3A_181, %sub3A_182 : i32
          %dma_start3A_184 = arith.constant 0 : i32
          %dma_start3A_185 = tpu.memref_slice %arg7[%sub3A_183, %dma_start3A_184] : memref<160x128xi32, #tpu.memory_space<vmem>> -> memref<1x128xi32, #tpu.memory_space<vmem>>
          %dma_start3A_186 = tpu.memref_squeeze %dma_start3A_185 : memref<1x128xi32, #tpu.memory_space<vmem>> -> memref<128xi32, #tpu.memory_space<vmem>>
          %dma_start3A_187 = arith.constant 0 : i32
          %dma_start3A_188 = arith.constant 0 : i32
          %dma_start3A_189 = tpu.memref_slice %arg4[%dma_start3A_187, %dma_start3A_188] : memref<10000x64xf32, #tpu.memory_space<hbm>> -> memref<10000x64xf32, #tpu.memory_space<hbm>>
          tpu.enqueue_indirect_dma source(%dma_start3A_189 : memref<10000x64xf32, #tpu.memory_space<hbm>>) target(%arg9 : memref<128x64xf32, #tpu.memory_space<vmem>>) offsets(%dma_start3A_186 : memref<128xi32, #tpu.memory_space<vmem>>) semaphore(%arg15 : memref<!tpu.dma_semaphore, #tpu.memory_space<semaphore_mem>>)
        } else {
        }
        %dma_wait3A_114 = arith.constant 0 : i32
        %dma_wait3A_115 = tpu.memref_slice %arg7[%add3A_104, %dma_wait3A_114] : memref<160x128xi32, #tpu.memory_space<vmem>> -> memref<1x128xi32, #tpu.memory_space<vmem>>
        %dma_wait3A_116 = tpu.memref_squeeze %dma_wait3A_115 : memref<1x128xi32, #tpu.memory_space<vmem>> -> memref<128xi32, #tpu.memory_space<vmem>>
        %dma_wait3A_117 = arith.constant 0 : i32
        %dma_wait3A_118 = arith.constant 0 : i32
        %dma_wait3A_119 = tpu.memref_slice %arg4[%dma_wait3A_117, %dma_wait3A_118] : memref<10000x64xf32, #tpu.memory_space<hbm>> -> memref<10000x64xf32, #tpu.memory_space<hbm>>
        tpu.wait_indirect_dma semaphore(%arg16 : memref<!tpu.dma_semaphore, #tpu.memory_space<semaphore_mem>>) src(%dma_wait3A_119 : memref<10000x64xf32, #tpu.memory_space<hbm>>) dst(%arg10 : memref<128x64xf32, #tpu.memory_space<vmem>>)
        %dma_start3A_120 = arith.constant 0 : i32
        %dma_start3A_121 = tpu.memref_slice %arg8[%add3A_104, %dma_start3A_120] : memref<160x128xi32, #tpu.memory_space<vmem>> -> memref<1x128xi32, #tpu.memory_space<vmem>>
        %dma_start3A_122 = tpu.memref_squeeze %dma_start3A_121 : memref<1x128xi32, #tpu.memory_space<vmem>> -> memref<128xi32, #tpu.memory_space<vmem>>
        %dma_start3A_123 = arith.constant 0 : i32
        %dma_start3A_124 = arith.constant 0 : i32
        %dma_start3A_125 = tpu.memref_slice %arg14[%dma_start3A_123, %dma_start3A_124] : memref<10240x64xf32, #tpu.memory_space<vmem_shared>> -> memref<10240x64xf32, #tpu.memory_space<vmem_shared>>
        tpu.enqueue_indirect_dma source(%arg10 : memref<128x64xf32, #tpu.memory_space<vmem>>) target(%dma_start3A_125 : memref<10240x64xf32, #tpu.memory_space<vmem_shared>>) offsets(%dma_start3A_122 : memref<128xi32, #tpu.memory_space<vmem>>) semaphore(%arg20 : memref<!tpu.dma_semaphore, #tpu.memory_space<semaphore_mem>>) {add = true}
        %mul3A_126 = arith.constant 4 : i32
        %mul3A_127 = arith.muli %scan3A_78, %mul3A_126 : i32
        %add3A_128 = arith.constant 2 : i32
        %add3A_129 = arith.addi %mul3A_127, %add3A_128 : i32
        %add3A_130 = arith.constant 4 : i32
        %add3A_131 = arith.addi %add3A_129, %add3A_130 : i32
        %sub3A_132 = arith.constant 1 : i32
        %sub3A_133 = arith.subi %add3A_131, %sub3A_132 : i32
        %lt3A_134 = arith.constant 160 : i32
        %lt3A_135 = arith.cmpi slt, %sub3A_133, %lt3A_134 : i32
        %convert_element_type3A_136 = arith.extui %lt3A_135 : i1 to i32
        %cond3A_137 = arith.constant 0 : i32
        %cond3A_138 = arith.cmpi ne, %convert_element_type3A_136, %cond3A_137 : i32
        scf.if %cond3A_138 {
          %ge3A = arith.constant 1 : i32
          %ge3A_176 = arith.cmpi sge, %add3A_129, %ge3A : i32
          %convert_element_type3A_177 = arith.extui %ge3A_176 : i1 to i32
          %cond3A_178 = arith.constant 0 : i32
          %cond3A_179 = arith.cmpi ne, %convert_element_type3A_177, %cond3A_178 : i32
          scf.if %cond3A_179 {
            %sub3A_190 = arith.constant 1 : i32
            %sub3A_191 = arith.subi %add3A_129, %sub3A_190 : i32
            %dma_wait3A_192 = arith.constant 0 : i32
            %dma_wait3A_193 = tpu.memref_slice %arg8[%sub3A_191, %dma_wait3A_192] : memref<160x128xi32, #tpu.memory_space<vmem>> -> memref<1x128xi32, #tpu.memory_space<vmem>>
            %dma_wait3A_194 = tpu.memref_squeeze %dma_wait3A_193 : memref<1x128xi32, #tpu.memory_space<vmem>> -> memref<128xi32, #tpu.memory_space<vmem>>
            %dma_wait3A_195 = arith.constant 0 : i32
            %dma_wait3A_196 = arith.constant 0 : i32
            %dma_wait3A_197 = tpu.memref_slice %arg14[%dma_wait3A_195, %dma_wait3A_196] : memref<10240x64xf32, #tpu.memory_space<vmem_shared>> -> memref<10240x64xf32, #tpu.memory_space<vmem_shared>>
            tpu.wait_indirect_dma semaphore(%arg20 : memref<!tpu.dma_semaphore, #tpu.memory_space<semaphore_mem>>) src(%arg10 : memref<128x64xf32, #tpu.memory_space<vmem>>) dst(%dma_wait3A_197 : memref<10240x64xf32, #tpu.memory_space<vmem_shared>>)
          } else {
          }
          %add3A_180 = arith.constant 4 : i32
          %add3A_181 = arith.addi %add3A_129, %add3A_180 : i32
          %sub3A_182 = arith.constant 1 : i32
          %sub3A_183 = arith.subi %add3A_181, %sub3A_182 : i32
          %dma_start3A_184 = arith.constant 0 : i32
          %dma_start3A_185 = tpu.memref_slice %arg7[%sub3A_183, %dma_start3A_184] : memref<160x128xi32, #tpu.memory_space<vmem>> -> memref<1x128xi32, #tpu.memory_space<vmem>>
          %dma_start3A_186 = tpu.memref_squeeze %dma_start3A_185 : memref<1x128xi32, #tpu.memory_space<vmem>> -> memref<128xi32, #tpu.memory_space<vmem>>
          %dma_start3A_187 = arith.constant 0 : i32
          %dma_start3A_188 = arith.constant 0 : i32
          %dma_start3A_189 = tpu.memref_slice %arg4[%dma_start3A_187, %dma_start3A_188] : memref<10000x64xf32, #tpu.memory_space<hbm>> -> memref<10000x64xf32, #tpu.memory_space<hbm>>
          tpu.enqueue_indirect_dma source(%dma_start3A_189 : memref<10000x64xf32, #tpu.memory_space<hbm>>) target(%arg10 : memref<128x64xf32, #tpu.memory_space<vmem>>) offsets(%dma_start3A_186 : memref<128xi32, #tpu.memory_space<vmem>>) semaphore(%arg16 : memref<!tpu.dma_semaphore, #tpu.memory_space<semaphore_mem>>)
        } else {
        }
        %dma_wait3A_139 = arith.constant 0 : i32
        %dma_wait3A_140 = tpu.memref_slice %arg7[%add3A_129, %dma_wait3A_139] : memref<160x128xi32, #tpu.memory_space<vmem>> -> memref<1x128xi32, #tpu.memory_space<vmem>>
        %dma_wait3A_141 = tpu.memref_squeeze %dma_wait3A_140 : memref<1x128xi32, #tpu.memory_space<vmem>> -> memref<128xi32, #tpu.memory_space<vmem>>
        %dma_wait3A_142 = arith.constant 0 : i32
        %dma_wait3A_143 = arith.constant 0 : i32
        %dma_wait3A_144 = tpu.memref_slice %arg4[%dma_wait3A_142, %dma_wait3A_143] : memref<10000x64xf32, #tpu.memory_space<hbm>> -> memref<10000x64xf32, #tpu.memory_space<hbm>>
        tpu.wait_indirect_dma semaphore(%arg17 : memref<!tpu.dma_semaphore, #tpu.memory_space<semaphore_mem>>) src(%dma_wait3A_144 : memref<10000x64xf32, #tpu.memory_space<hbm>>) dst(%arg11 : memref<128x64xf32, #tpu.memory_space<vmem>>)
        %dma_start3A_145 = arith.constant 0 : i32
        %dma_start3A_146 = tpu.memref_slice %arg8[%add3A_129, %dma_start3A_145] : memref<160x128xi32, #tpu.memory_space<vmem>> -> memref<1x128xi32, #tpu.memory_space<vmem>>
        %dma_start3A_147 = tpu.memref_squeeze %dma_start3A_146 : memref<1x128xi32, #tpu.memory_space<vmem>> -> memref<128xi32, #tpu.memory_space<vmem>>
        %dma_start3A_148 = arith.constant 0 : i32
        %dma_start3A_149 = arith.constant 0 : i32
        %dma_start3A_150 = tpu.memref_slice %arg14[%dma_start3A_148, %dma_start3A_149] : memref<10240x64xf32, #tpu.memory_space<vmem_shared>> -> memref<10240x64xf32, #tpu.memory_space<vmem_shared>>
        tpu.enqueue_indirect_dma source(%arg11 : memref<128x64xf32, #tpu.memory_space<vmem>>) target(%dma_start3A_150 : memref<10240x64xf32, #tpu.memory_space<vmem_shared>>) offsets(%dma_start3A_147 : memref<128xi32, #tpu.memory_space<vmem>>) semaphore(%arg21 : memref<!tpu.dma_semaphore, #tpu.memory_space<semaphore_mem>>) {add = true}
        %mul3A_151 = arith.constant 4 : i32
        %mul3A_152 = arith.muli %scan3A_78, %mul3A_151 : i32
        %add3A_153 = arith.constant 3 : i32
        %add3A_154 = arith.addi %mul3A_152, %add3A_153 : i32
        %add3A_155 = arith.constant 4 : i32
        %add3A_156 = arith.addi %add3A_154, %add3A_155 : i32
        %sub3A_157 = arith.constant 1 : i32
        %sub3A_158 = arith.subi %add3A_156, %sub3A_157 : i32
        %lt3A_159 = arith.constant 160 : i32
        %lt3A_160 = arith.cmpi slt, %sub3A_158, %lt3A_159 : i32
        %convert_element_type3A_161 = arith.extui %lt3A_160 : i1 to i32
        %cond3A_162 = arith.constant 0 : i32
        %cond3A_163 = arith.cmpi ne, %convert_element_type3A_161, %cond3A_162 : i32
        scf.if %cond3A_163 {
          %ge3A = arith.constant 1 : i32
          %ge3A_176 = arith.cmpi sge, %add3A_154, %ge3A : i32
          %convert_element_type3A_177 = arith.extui %ge3A_176 : i1 to i32
          %cond3A_178 = arith.constant 0 : i32
          %cond3A_179 = arith.cmpi ne, %convert_element_type3A_177, %cond3A_178 : i32
          scf.if %cond3A_179 {
            %sub3A_190 = arith.constant 1 : i32
            %sub3A_191 = arith.subi %add3A_154, %sub3A_190 : i32
            %dma_wait3A_192 = arith.constant 0 : i32
            %dma_wait3A_193 = tpu.memref_slice %arg8[%sub3A_191, %dma_wait3A_192] : memref<160x128xi32, #tpu.memory_space<vmem>> -> memref<1x128xi32, #tpu.memory_space<vmem>>
            %dma_wait3A_194 = tpu.memref_squeeze %dma_wait3A_193 : memref<1x128xi32, #tpu.memory_space<vmem>> -> memref<128xi32, #tpu.memory_space<vmem>>
            %dma_wait3A_195 = arith.constant 0 : i32
            %dma_wait3A_196 = arith.constant 0 : i32
            %dma_wait3A_197 = tpu.memref_slice %arg14[%dma_wait3A_195, %dma_wait3A_196] : memref<10240x64xf32, #tpu.memory_space<vmem_shared>> -> memref<10240x64xf32, #tpu.memory_space<vmem_shared>>
            tpu.wait_indirect_dma semaphore(%arg21 : memref<!tpu.dma_semaphore, #tpu.memory_space<semaphore_mem>>) src(%arg11 : memref<128x64xf32, #tpu.memory_space<vmem>>) dst(%dma_wait3A_197 : memref<10240x64xf32, #tpu.memory_space<vmem_shared>>)
          } else {
          }
          %add3A_180 = arith.constant 4 : i32
          %add3A_181 = arith.addi %add3A_154, %add3A_180 : i32
          %sub3A_182 = arith.constant 1 : i32
          %sub3A_183 = arith.subi %add3A_181, %sub3A_182 : i32
          %dma_start3A_184 = arith.constant 0 : i32
          %dma_start3A_185 = tpu.memref_slice %arg7[%sub3A_183, %dma_start3A_184] : memref<160x128xi32, #tpu.memory_space<vmem>> -> memref<1x128xi32, #tpu.memory_space<vmem>>
          %dma_start3A_186 = tpu.memref_squeeze %dma_start3A_185 : memref<1x128xi32, #tpu.memory_space<vmem>> -> memref<128xi32, #tpu.memory_space<vmem>>
          %dma_start3A_187 = arith.constant 0 : i32
          %dma_start3A_188 = arith.constant 0 : i32
          %dma_start3A_189 = tpu.memref_slice %arg4[%dma_start3A_187, %dma_start3A_188] : memref<10000x64xf32, #tpu.memory_space<hbm>> -> memref<10000x64xf32, #tpu.memory_space<hbm>>
          tpu.enqueue_indirect_dma source(%dma_start3A_189 : memref<10000x64xf32, #tpu.memory_space<hbm>>) target(%arg11 : memref<128x64xf32, #tpu.memory_space<vmem>>) offsets(%dma_start3A_186 : memref<128xi32, #tpu.memory_space<vmem>>) semaphore(%arg17 : memref<!tpu.dma_semaphore, #tpu.memory_space<semaphore_mem>>)
        } else {
        }
        %dma_wait3A_164 = arith.constant 0 : i32
        %dma_wait3A_165 = tpu.memref_slice %arg7[%add3A_154, %dma_wait3A_164] : memref<160x128xi32, #tpu.memory_space<vmem>> -> memref<1x128xi32, #tpu.memory_space<vmem>>
        %dma_wait3A_166 = tpu.memref_squeeze %dma_wait3A_165 : memref<1x128xi32, #tpu.memory_space<vmem>> -> memref<128xi32, #tpu.memory_space<vmem>>
        %dma_wait3A_167 = arith.constant 0 : i32
        %dma_wait3A_168 = arith.constant 0 : i32
        %dma_wait3A_169 = tpu.memref_slice %arg4[%dma_wait3A_167, %dma_wait3A_168] : memref<10000x64xf32, #tpu.memory_space<hbm>> -> memref<10000x64xf32, #tpu.memory_space<hbm>>
        tpu.wait_indirect_dma semaphore(%arg18 : memref<!tpu.dma_semaphore, #tpu.memory_space<semaphore_mem>>) src(%dma_wait3A_169 : memref<10000x64xf32, #tpu.memory_space<hbm>>) dst(%arg12 : memref<128x64xf32, #tpu.memory_space<vmem>>)
        %dma_start3A_170 = arith.constant 0 : i32
        %dma_start3A_171 = tpu.memref_slice %arg8[%add3A_154, %dma_start3A_170] : memref<160x128xi32, #tpu.memory_space<vmem>> -> memref<1x128xi32, #tpu.memory_space<vmem>>
        %dma_start3A_172 = tpu.memref_squeeze %dma_start3A_171 : memref<1x128xi32, #tpu.memory_space<vmem>> -> memref<128xi32, #tpu.memory_space<vmem>>
        %dma_start3A_173 = arith.constant 0 : i32
        %dma_start3A_174 = arith.constant 0 : i32
        %dma_start3A_175 = tpu.memref_slice %arg14[%dma_start3A_173, %dma_start3A_174] : memref<10240x64xf32, #tpu.memory_space<vmem_shared>> -> memref<10240x64xf32, #tpu.memory_space<vmem_shared>>
        tpu.enqueue_indirect_dma source(%arg12 : memref<128x64xf32, #tpu.memory_space<vmem>>) target(%dma_start3A_175 : memref<10240x64xf32, #tpu.memory_space<vmem_shared>>) offsets(%dma_start3A_172 : memref<128xi32, #tpu.memory_space<vmem>>) semaphore(%arg22 : memref<!tpu.dma_semaphore, #tpu.memory_space<semaphore_mem>>) {add = true}
      }
      %scan3A_50 = arith.constant 40 : i32
      %dma_wait3A = arith.constant 156 : i32
      %dma_wait3A_51 = arith.constant 0 : i32
      %dma_wait3A_52 = tpu.memref_slice %arg8[%dma_wait3A, %dma_wait3A_51] : memref<160x128xi32, #tpu.memory_space<vmem>> -> memref<1x128xi32, #tpu.memory_space<vmem>>
      %dma_wait3A_53 = tpu.memref_squeeze %dma_wait3A_52 : memref<1x128xi32, #tpu.memory_space<vmem>> -> memref<128xi32, #tpu.memory_space<vmem>>
      %dma_wait3A_54 = arith.constant 0 : i32
      %dma_wait3A_55 = arith.constant 0 : i32
      %dma_wait3A_56 = tpu.memref_slice %arg14[%dma_wait3A_54, %dma_wait3A_55] : memref<10240x64xf32, #tpu.memory_space<vmem_shared>> -> memref<10240x64xf32, #tpu.memory_space<vmem_shared>>
      tpu.wait_indirect_dma semaphore(%arg19 : memref<!tpu.dma_semaphore, #tpu.memory_space<semaphore_mem>>) src(%arg9 : memref<128x64xf32, #tpu.memory_space<vmem>>) dst(%dma_wait3A_56 : memref<10240x64xf32, #tpu.memory_space<vmem_shared>>)
      %dma_wait3A_57 = arith.constant 157 : i32
      %dma_wait3A_58 = arith.constant 0 : i32
      %dma_wait3A_59 = tpu.memref_slice %arg8[%dma_wait3A_57, %dma_wait3A_58] : memref<160x128xi32, #tpu.memory_space<vmem>> -> memref<1x128xi32, #tpu.memory_space<vmem>>
      %dma_wait3A_60 = tpu.memref_squeeze %dma_wait3A_59 : memref<1x128xi32, #tpu.memory_space<vmem>> -> memref<128xi32, #tpu.memory_space<vmem>>
      %dma_wait3A_61 = arith.constant 0 : i32
      %dma_wait3A_62 = arith.constant 0 : i32
      %dma_wait3A_63 = tpu.memref_slice %arg14[%dma_wait3A_61, %dma_wait3A_62] : memref<10240x64xf32, #tpu.memory_space<vmem_shared>> -> memref<10240x64xf32, #tpu.memory_space<vmem_shared>>
      tpu.wait_indirect_dma semaphore(%arg20 : memref<!tpu.dma_semaphore, #tpu.memory_space<semaphore_mem>>) src(%arg10 : memref<128x64xf32, #tpu.memory_space<vmem>>) dst(%dma_wait3A_63 : memref<10240x64xf32, #tpu.memory_space<vmem_shared>>)
      %dma_wait3A_64 = arith.constant 158 : i32
      %dma_wait3A_65 = arith.constant 0 : i32
      %dma_wait3A_66 = tpu.memref_slice %arg8[%dma_wait3A_64, %dma_wait3A_65] : memref<160x128xi32, #tpu.memory_space<vmem>> -> memref<1x128xi32, #tpu.memory_space<vmem>>
      %dma_wait3A_67 = tpu.memref_squeeze %dma_wait3A_66 : memref<1x128xi32, #tpu.memory_space<vmem>> -> memref<128xi32, #tpu.memory_space<vmem>>
      %dma_wait3A_68 = arith.constant 0 : i32
      %dma_wait3A_69 = arith.constant 0 : i32
      %dma_wait3A_70 = tpu.memref_slice %arg14[%dma_wait3A_68, %dma_wait3A_69] : memref<10240x64xf32, #tpu.memory_space<vmem_shared>> -> memref<10240x64xf32, #tpu.memory_space<vmem_shared>>
      tpu.wait_indirect_dma semaphore(%arg21 : memref<!tpu.dma_semaphore, #tpu.memory_space<semaphore_mem>>) src(%arg11 : memref<128x64xf32, #tpu.memory_space<vmem>>) dst(%dma_wait3A_70 : memref<10240x64xf32, #tpu.memory_space<vmem_shared>>)
      %dma_wait3A_71 = arith.constant 159 : i32
      %dma_wait3A_72 = arith.constant 0 : i32
      %dma_wait3A_73 = tpu.memref_slice %arg8[%dma_wait3A_71, %dma_wait3A_72] : memref<160x128xi32, #tpu.memory_space<vmem>> -> memref<1x128xi32, #tpu.memory_space<vmem>>
      %dma_wait3A_74 = tpu.memref_squeeze %dma_wait3A_73 : memref<1x128xi32, #tpu.memory_space<vmem>> -> memref<128xi32, #tpu.memory_space<vmem>>
      %dma_wait3A_75 = arith.constant 0 : i32
      %dma_wait3A_76 = arith.constant 0 : i32
      %dma_wait3A_77 = tpu.memref_slice %arg14[%dma_wait3A_75, %dma_wait3A_76] : memref<10240x64xf32, #tpu.memory_space<vmem_shared>> -> memref<10240x64xf32, #tpu.memory_space<vmem_shared>>
      tpu.wait_indirect_dma semaphore(%arg22 : memref<!tpu.dma_semaphore, #tpu.memory_space<semaphore_mem>>) src(%arg12 : memref<128x64xf32, #tpu.memory_space<vmem>>) dst(%dma_wait3A_77 : memref<10240x64xf32, #tpu.memory_space<vmem_shared>>)
    } else {
    }
    %eq3A_35 = arith.constant 1 : i32
    %eq3A_36 = arith.cmpi eq, %arg0, %eq3A_35 : i32
    %convert_element_type3A_37 = arith.extui %eq3A_36 : i1 to i32
    %cond3A_38 = arith.constant 0 : i32
    %cond3A_39 = arith.cmpi ne, %convert_element_type3A_37, %cond3A_38 : i32
    scf.if %cond3A_39 {
      %scan3A_45 = arith.constant 0 : i32
      %scan3A_46 = arith.constant 0 : i32
      %scan3A_47 = arith.constant 40 : i32
      %scan3A_48 = arith.addi %scan3A_46, %scan3A_47 : i32
      %scan3A_49 = arith.constant 1 : i32
      scf.for %scan3A_78 = %scan3A_46 to %scan3A_48 step %scan3A_49  : i32 {
        %mul3A_79 = arith.constant 4 : i32
        %mul3A_80 = arith.muli %scan3A_78, %mul3A_79 : i32
        %add3A_81 = arith.constant 0 : i32
        %add3A_82 = arith.addi %mul3A_80, %add3A_81 : i32
        %add3A_83 = arith.constant 4 : i32
        %add3A_84 = arith.addi %add3A_82, %add3A_83 : i32
        %sub3A = arith.constant 1 : i32
        %sub3A_85 = arith.subi %add3A_84, %sub3A : i32
        %lt3A = arith.constant 160 : i32
        %lt3A_86 = arith.cmpi slt, %sub3A_85, %lt3A : i32
        %convert_element_type3A_87 = arith.extui %lt3A_86 : i1 to i32
        %cond3A_88 = arith.constant 0 : i32
        %cond3A_89 = arith.cmpi ne, %convert_element_type3A_87, %cond3A_88 : i32
        scf.if %cond3A_89 {
          %ge3A = arith.constant 1 : i32
          %ge3A_176 = arith.cmpi sge, %add3A_82, %ge3A : i32
          %convert_element_type3A_177 = arith.extui %ge3A_176 : i1 to i32
          %cond3A_178 = arith.constant 0 : i32
          %cond3A_179 = arith.cmpi ne, %convert_element_type3A_177, %cond3A_178 : i32
          scf.if %cond3A_179 {
            %sub3A_190 = arith.constant 1 : i32
            %sub3A_191 = arith.subi %add3A_82, %sub3A_190 : i32
            %dma_wait3A_192 = arith.constant 0 : i32
            %dma_wait3A_193 = tpu.memref_slice %arg8[%sub3A_191, %dma_wait3A_192] : memref<160x128xi32, #tpu.memory_space<vmem>> -> memref<1x128xi32, #tpu.memory_space<vmem>>
            %dma_wait3A_194 = tpu.memref_squeeze %dma_wait3A_193 : memref<1x128xi32, #tpu.memory_space<vmem>> -> memref<128xi32, #tpu.memory_space<vmem>>
            %dma_wait3A_195 = arith.constant 0 : i32
            %dma_wait3A_196 = arith.constant 0 : i32
            %dma_wait3A_197 = tpu.memref_slice %arg14[%dma_wait3A_195, %dma_wait3A_196] : memref<10240x64xf32, #tpu.memory_space<vmem_shared>> -> memref<10240x64xf32, #tpu.memory_space<vmem_shared>>
            tpu.wait_indirect_dma semaphore(%arg22 : memref<!tpu.dma_semaphore, #tpu.memory_space<semaphore_mem>>) src(%arg12 : memref<128x64xf32, #tpu.memory_space<vmem>>) dst(%dma_wait3A_197 : memref<10240x64xf32, #tpu.memory_space<vmem_shared>>)
          } else {
          }
          %add3A_180 = arith.constant 4 : i32
          %add3A_181 = arith.addi %add3A_82, %add3A_180 : i32
          %sub3A_182 = arith.constant 1 : i32
          %sub3A_183 = arith.subi %add3A_181, %sub3A_182 : i32
          %dma_start3A_184 = arith.constant 0 : i32
          %dma_start3A_185 = tpu.memref_slice %arg7[%sub3A_183, %dma_start3A_184] : memref<160x128xi32, #tpu.memory_space<vmem>> -> memref<1x128xi32, #tpu.memory_space<vmem>>
          %dma_start3A_186 = tpu.memref_squeeze %dma_start3A_185 : memref<1x128xi32, #tpu.memory_space<vmem>> -> memref<128xi32, #tpu.memory_space<vmem>>
          %dma_start3A_187 = arith.constant 0 : i32
          %dma_start3A_188 = arith.constant 0 : i32
          %dma_start3A_189 = tpu.memref_slice %arg5[%dma_start3A_187, %dma_start3A_188] : memref<10000x64xf32, #tpu.memory_space<hbm>> -> memref<10000x64xf32, #tpu.memory_space<hbm>>
          tpu.enqueue_indirect_dma source(%dma_start3A_189 : memref<10000x64xf32, #tpu.memory_space<hbm>>) target(%arg12 : memref<128x64xf32, #tpu.memory_space<vmem>>) offsets(%dma_start3A_186 : memref<128xi32, #tpu.memory_space<vmem>>) semaphore(%arg18 : memref<!tpu.dma_semaphore, #tpu.memory_space<semaphore_mem>>)
        } else {
        }
        %dma_wait3A_90 = arith.constant 0 : i32
        %dma_wait3A_91 = tpu.memref_slice %arg7[%add3A_82, %dma_wait3A_90] : memref<160x128xi32, #tpu.memory_space<vmem>> -> memref<1x128xi32, #tpu.memory_space<vmem>>
        %dma_wait3A_92 = tpu.memref_squeeze %dma_wait3A_91 : memref<1x128xi32, #tpu.memory_space<vmem>> -> memref<128xi32, #tpu.memory_space<vmem>>
        %dma_wait3A_93 = arith.constant 0 : i32
        %dma_wait3A_94 = arith.constant 0 : i32
        %dma_wait3A_95 = tpu.memref_slice %arg5[%dma_wait3A_93, %dma_wait3A_94] : memref<10000x64xf32, #tpu.memory_space<hbm>> -> memref<10000x64xf32, #tpu.memory_space<hbm>>
        tpu.wait_indirect_dma semaphore(%arg15 : memref<!tpu.dma_semaphore, #tpu.memory_space<semaphore_mem>>) src(%dma_wait3A_95 : memref<10000x64xf32, #tpu.memory_space<hbm>>) dst(%arg9 : memref<128x64xf32, #tpu.memory_space<vmem>>)
        %dma_start3A = arith.constant 0 : i32
        %dma_start3A_96 = tpu.memref_slice %arg8[%add3A_82, %dma_start3A] : memref<160x128xi32, #tpu.memory_space<vmem>> -> memref<1x128xi32, #tpu.memory_space<vmem>>
        %dma_start3A_97 = tpu.memref_squeeze %dma_start3A_96 : memref<1x128xi32, #tpu.memory_space<vmem>> -> memref<128xi32, #tpu.memory_space<vmem>>
        %dma_start3A_98 = arith.constant 0 : i32
        %dma_start3A_99 = arith.constant 0 : i32
        %dma_start3A_100 = tpu.memref_slice %arg14[%dma_start3A_98, %dma_start3A_99] : memref<10240x64xf32, #tpu.memory_space<vmem_shared>> -> memref<10240x64xf32, #tpu.memory_space<vmem_shared>>
        tpu.enqueue_indirect_dma source(%arg9 : memref<128x64xf32, #tpu.memory_space<vmem>>) target(%dma_start3A_100 : memref<10240x64xf32, #tpu.memory_space<vmem_shared>>) offsets(%dma_start3A_97 : memref<128xi32, #tpu.memory_space<vmem>>) semaphore(%arg19 : memref<!tpu.dma_semaphore, #tpu.memory_space<semaphore_mem>>) {add = true}
        %mul3A_101 = arith.constant 4 : i32
        %mul3A_102 = arith.muli %scan3A_78, %mul3A_101 : i32
        %add3A_103 = arith.constant 1 : i32
        %add3A_104 = arith.addi %mul3A_102, %add3A_103 : i32
        %add3A_105 = arith.constant 4 : i32
        %add3A_106 = arith.addi %add3A_104, %add3A_105 : i32
        %sub3A_107 = arith.constant 1 : i32
        %sub3A_108 = arith.subi %add3A_106, %sub3A_107 : i32
        %lt3A_109 = arith.constant 160 : i32
        %lt3A_110 = arith.cmpi slt, %sub3A_108, %lt3A_109 : i32
        %convert_element_type3A_111 = arith.extui %lt3A_110 : i1 to i32
        %cond3A_112 = arith.constant 0 : i32
        %cond3A_113 = arith.cmpi ne, %convert_element_type3A_111, %cond3A_112 : i32
        scf.if %cond3A_113 {
          %ge3A = arith.constant 1 : i32
          %ge3A_176 = arith.cmpi sge, %add3A_104, %ge3A : i32
          %convert_element_type3A_177 = arith.extui %ge3A_176 : i1 to i32
          %cond3A_178 = arith.constant 0 : i32
          %cond3A_179 = arith.cmpi ne, %convert_element_type3A_177, %cond3A_178 : i32
          scf.if %cond3A_179 {
            %sub3A_190 = arith.constant 1 : i32
            %sub3A_191 = arith.subi %add3A_104, %sub3A_190 : i32
            %dma_wait3A_192 = arith.constant 0 : i32
            %dma_wait3A_193 = tpu.memref_slice %arg8[%sub3A_191, %dma_wait3A_192] : memref<160x128xi32, #tpu.memory_space<vmem>> -> memref<1x128xi32, #tpu.memory_space<vmem>>
            %dma_wait3A_194 = tpu.memref_squeeze %dma_wait3A_193 : memref<1x128xi32, #tpu.memory_space<vmem>> -> memref<128xi32, #tpu.memory_space<vmem>>
            %dma_wait3A_195 = arith.constant 0 : i32
            %dma_wait3A_196 = arith.constant 0 : i32
            %dma_wait3A_197 = tpu.memref_slice %arg14[%dma_wait3A_195, %dma_wait3A_196] : memref<10240x64xf32, #tpu.memory_space<vmem_shared>> -> memref<10240x64xf32, #tpu.memory_space<vmem_shared>>
            tpu.wait_indirect_dma semaphore(%arg19 : memref<!tpu.dma_semaphore, #tpu.memory_space<semaphore_mem>>) src(%arg9 : memref<128x64xf32, #tpu.memory_space<vmem>>) dst(%dma_wait3A_197 : memref<10240x64xf32, #tpu.memory_space<vmem_shared>>)
          } else {
          }
          %add3A_180 = arith.constant 4 : i32
          %add3A_181 = arith.addi %add3A_104, %add3A_180 : i32
          %sub3A_182 = arith.constant 1 : i32
          %sub3A_183 = arith.subi %add3A_181, %sub3A_182 : i32
          %dma_start3A_184 = arith.constant 0 : i32
          %dma_start3A_185 = tpu.memref_slice %arg7[%sub3A_183, %dma_start3A_184] : memref<160x128xi32, #tpu.memory_space<vmem>> -> memref<1x128xi32, #tpu.memory_space<vmem>>
          %dma_start3A_186 = tpu.memref_squeeze %dma_start3A_185 : memref<1x128xi32, #tpu.memory_space<vmem>> -> memref<128xi32, #tpu.memory_space<vmem>>
          %dma_start3A_187 = arith.constant 0 : i32
          %dma_start3A_188 = arith.constant 0 : i32
          %dma_start3A_189 = tpu.memref_slice %arg5[%dma_start3A_187, %dma_start3A_188] : memref<10000x64xf32, #tpu.memory_space<hbm>> -> memref<10000x64xf32, #tpu.memory_space<hbm>>
          tpu.enqueue_indirect_dma source(%dma_start3A_189 : memref<10000x64xf32, #tpu.memory_space<hbm>>) target(%arg9 : memref<128x64xf32, #tpu.memory_space<vmem>>) offsets(%dma_start3A_186 : memref<128xi32, #tpu.memory_space<vmem>>) semaphore(%arg15 : memref<!tpu.dma_semaphore, #tpu.memory_space<semaphore_mem>>)
        } else {
        }
        %dma_wait3A_114 = arith.constant 0 : i32
        %dma_wait3A_115 = tpu.memref_slice %arg7[%add3A_104, %dma_wait3A_114] : memref<160x128xi32, #tpu.memory_space<vmem>> -> memref<1x128xi32, #tpu.memory_space<vmem>>
        %dma_wait3A_116 = tpu.memref_squeeze %dma_wait3A_115 : memref<1x128xi32, #tpu.memory_space<vmem>> -> memref<128xi32, #tpu.memory_space<vmem>>
        %dma_wait3A_117 = arith.constant 0 : i32
        %dma_wait3A_118 = arith.constant 0 : i32
        %dma_wait3A_119 = tpu.memref_slice %arg5[%dma_wait3A_117, %dma_wait3A_118] : memref<10000x64xf32, #tpu.memory_space<hbm>> -> memref<10000x64xf32, #tpu.memory_space<hbm>>
        tpu.wait_indirect_dma semaphore(%arg16 : memref<!tpu.dma_semaphore, #tpu.memory_space<semaphore_mem>>) src(%dma_wait3A_119 : memref<10000x64xf32, #tpu.memory_space<hbm>>) dst(%arg10 : memref<128x64xf32, #tpu.memory_space<vmem>>)
        %dma_start3A_120 = arith.constant 0 : i32
        %dma_start3A_121 = tpu.memref_slice %arg8[%add3A_104, %dma_start3A_120] : memref<160x128xi32, #tpu.memory_space<vmem>> -> memref<1x128xi32, #tpu.memory_space<vmem>>
        %dma_start3A_122 = tpu.memref_squeeze %dma_start3A_121 : memref<1x128xi32, #tpu.memory_space<vmem>> -> memref<128xi32, #tpu.memory_space<vmem>>
        %dma_start3A_123 = arith.constant 0 : i32
        %dma_start3A_124 = arith.constant 0 : i32
        %dma_start3A_125 = tpu.memref_slice %arg14[%dma_start3A_123, %dma_start3A_124] : memref<10240x64xf32, #tpu.memory_space<vmem_shared>> -> memref<10240x64xf32, #tpu.memory_space<vmem_shared>>
        tpu.enqueue_indirect_dma source(%arg10 : memref<128x64xf32, #tpu.memory_space<vmem>>) target(%dma_start3A_125 : memref<10240x64xf32, #tpu.memory_space<vmem_shared>>) offsets(%dma_start3A_122 : memref<128xi32, #tpu.memory_space<vmem>>) semaphore(%arg20 : memref<!tpu.dma_semaphore, #tpu.memory_space<semaphore_mem>>) {add = true}
        %mul3A_126 = arith.constant 4 : i32
        %mul3A_127 = arith.muli %scan3A_78, %mul3A_126 : i32
        %add3A_128 = arith.constant 2 : i32
        %add3A_129 = arith.addi %mul3A_127, %add3A_128 : i32
        %add3A_130 = arith.constant 4 : i32
        %add3A_131 = arith.addi %add3A_129, %add3A_130 : i32
        %sub3A_132 = arith.constant 1 : i32
        %sub3A_133 = arith.subi %add3A_131, %sub3A_132 : i32
        %lt3A_134 = arith.constant 160 : i32
        %lt3A_135 = arith.cmpi slt, %sub3A_133, %lt3A_134 : i32
        %convert_element_type3A_136 = arith.extui %lt3A_135 : i1 to i32
        %cond3A_137 = arith.constant 0 : i32
        %cond3A_138 = arith.cmpi ne, %convert_element_type3A_136, %cond3A_137 : i32
        scf.if %cond3A_138 {
          %ge3A = arith.constant 1 : i32
          %ge3A_176 = arith.cmpi sge, %add3A_129, %ge3A : i32
          %convert_element_type3A_177 = arith.extui %ge3A_176 : i1 to i32
          %cond3A_178 = arith.constant 0 : i32
          %cond3A_179 = arith.cmpi ne, %convert_element_type3A_177, %cond3A_178 : i32
          scf.if %cond3A_179 {
            %sub3A_190 = arith.constant 1 : i32
            %sub3A_191 = arith.subi %add3A_129, %sub3A_190 : i32
            %dma_wait3A_192 = arith.constant 0 : i32
            %dma_wait3A_193 = tpu.memref_slice %arg8[%sub3A_191, %dma_wait3A_192] : memref<160x128xi32, #tpu.memory_space<vmem>> -> memref<1x128xi32, #tpu.memory_space<vmem>>
            %dma_wait3A_194 = tpu.memref_squeeze %dma_wait3A_193 : memref<1x128xi32, #tpu.memory_space<vmem>> -> memref<128xi32, #tpu.memory_space<vmem>>
            %dma_wait3A_195 = arith.constant 0 : i32
            %dma_wait3A_196 = arith.constant 0 : i32
            %dma_wait3A_197 = tpu.memref_slice %arg14[%dma_wait3A_195, %dma_wait3A_196] : memref<10240x64xf32, #tpu.memory_space<vmem_shared>> -> memref<10240x64xf32, #tpu.memory_space<vmem_shared>>
            tpu.wait_indirect_dma semaphore(%arg20 : memref<!tpu.dma_semaphore, #tpu.memory_space<semaphore_mem>>) src(%arg10 : memref<128x64xf32, #tpu.memory_space<vmem>>) dst(%dma_wait3A_197 : memref<10240x64xf32, #tpu.memory_space<vmem_shared>>)
          } else {
          }
          %add3A_180 = arith.constant 4 : i32
          %add3A_181 = arith.addi %add3A_129, %add3A_180 : i32
          %sub3A_182 = arith.constant 1 : i32
          %sub3A_183 = arith.subi %add3A_181, %sub3A_182 : i32
          %dma_start3A_184 = arith.constant 0 : i32
          %dma_start3A_185 = tpu.memref_slice %arg7[%sub3A_183, %dma_start3A_184] : memref<160x128xi32, #tpu.memory_space<vmem>> -> memref<1x128xi32, #tpu.memory_space<vmem>>
          %dma_start3A_186 = tpu.memref_squeeze %dma_start3A_185 : memref<1x128xi32, #tpu.memory_space<vmem>> -> memref<128xi32, #tpu.memory_space<vmem>>
          %dma_start3A_187 = arith.constant 0 : i32
          %dma_start3A_188 = arith.constant 0 : i32
          %dma_start3A_189 = tpu.memref_slice %arg5[%dma_start3A_187, %dma_start3A_188] : memref<10000x64xf32, #tpu.memory_space<hbm>> -> memref<10000x64xf32, #tpu.memory_space<hbm>>
          tpu.enqueue_indirect_dma source(%dma_start3A_189 : memref<10000x64xf32, #tpu.memory_space<hbm>>) target(%arg10 : memref<128x64xf32, #tpu.memory_space<vmem>>) offsets(%dma_start3A_186 : memref<128xi32, #tpu.memory_space<vmem>>) semaphore(%arg16 : memref<!tpu.dma_semaphore, #tpu.memory_space<semaphore_mem>>)
        } else {
        }
        %dma_wait3A_139 = arith.constant 0 : i32
        %dma_wait3A_140 = tpu.memref_slice %arg7[%add3A_129, %dma_wait3A_139] : memref<160x128xi32, #tpu.memory_space<vmem>> -> memref<1x128xi32, #tpu.memory_space<vmem>>
        %dma_wait3A_141 = tpu.memref_squeeze %dma_wait3A_140 : memref<1x128xi32, #tpu.memory_space<vmem>> -> memref<128xi32, #tpu.memory_space<vmem>>
        %dma_wait3A_142 = arith.constant 0 : i32
        %dma_wait3A_143 = arith.constant 0 : i32
        %dma_wait3A_144 = tpu.memref_slice %arg5[%dma_wait3A_142, %dma_wait3A_143] : memref<10000x64xf32, #tpu.memory_space<hbm>> -> memref<10000x64xf32, #tpu.memory_space<hbm>>
        tpu.wait_indirect_dma semaphore(%arg17 : memref<!tpu.dma_semaphore, #tpu.memory_space<semaphore_mem>>) src(%dma_wait3A_144 : memref<10000x64xf32, #tpu.memory_space<hbm>>) dst(%arg11 : memref<128x64xf32, #tpu.memory_space<vmem>>)
        %dma_start3A_145 = arith.constant 0 : i32
        %dma_start3A_146 = tpu.memref_slice %arg8[%add3A_129, %dma_start3A_145] : memref<160x128xi32, #tpu.memory_space<vmem>> -> memref<1x128xi32, #tpu.memory_space<vmem>>
        %dma_start3A_147 = tpu.memref_squeeze %dma_start3A_146 : memref<1x128xi32, #tpu.memory_space<vmem>> -> memref<128xi32, #tpu.memory_space<vmem>>
        %dma_start3A_148 = arith.constant 0 : i32
        %dma_start3A_149 = arith.constant 0 : i32
        %dma_start3A_150 = tpu.memref_slice %arg14[%dma_start3A_148, %dma_start3A_149] : memref<10240x64xf32, #tpu.memory_space<vmem_shared>> -> memref<10240x64xf32, #tpu.memory_space<vmem_shared>>
        tpu.enqueue_indirect_dma source(%arg11 : memref<128x64xf32, #tpu.memory_space<vmem>>) target(%dma_start3A_150 : memref<10240x64xf32, #tpu.memory_space<vmem_shared>>) offsets(%dma_start3A_147 : memref<128xi32, #tpu.memory_space<vmem>>) semaphore(%arg21 : memref<!tpu.dma_semaphore, #tpu.memory_space<semaphore_mem>>) {add = true}
        %mul3A_151 = arith.constant 4 : i32
        %mul3A_152 = arith.muli %scan3A_78, %mul3A_151 : i32
        %add3A_153 = arith.constant 3 : i32
        %add3A_154 = arith.addi %mul3A_152, %add3A_153 : i32
        %add3A_155 = arith.constant 4 : i32
        %add3A_156 = arith.addi %add3A_154, %add3A_155 : i32
        %sub3A_157 = arith.constant 1 : i32
        %sub3A_158 = arith.subi %add3A_156, %sub3A_157 : i32
        %lt3A_159 = arith.constant 160 : i32
        %lt3A_160 = arith.cmpi slt, %sub3A_158, %lt3A_159 : i32
        %convert_element_type3A_161 = arith.extui %lt3A_160 : i1 to i32
        %cond3A_162 = arith.constant 0 : i32
        %cond3A_163 = arith.cmpi ne, %convert_element_type3A_161, %cond3A_162 : i32
        scf.if %cond3A_163 {
          %ge3A = arith.constant 1 : i32
          %ge3A_176 = arith.cmpi sge, %add3A_154, %ge3A : i32
          %convert_element_type3A_177 = arith.extui %ge3A_176 : i1 to i32
          %cond3A_178 = arith.constant 0 : i32
          %cond3A_179 = arith.cmpi ne, %convert_element_type3A_177, %cond3A_178 : i32
          scf.if %cond3A_179 {
            %sub3A_190 = arith.constant 1 : i32
            %sub3A_191 = arith.subi %add3A_154, %sub3A_190 : i32
            %dma_wait3A_192 = arith.constant 0 : i32
            %dma_wait3A_193 = tpu.memref_slice %arg8[%sub3A_191, %dma_wait3A_192] : memref<160x128xi32, #tpu.memory_space<vmem>> -> memref<1x128xi32, #tpu.memory_space<vmem>>
            %dma_wait3A_194 = tpu.memref_squeeze %dma_wait3A_193 : memref<1x128xi32, #tpu.memory_space<vmem>> -> memref<128xi32, #tpu.memory_space<vmem>>
            %dma_wait3A_195 = arith.constant 0 : i32
            %dma_wait3A_196 = arith.constant 0 : i32
            %dma_wait3A_197 = tpu.memref_slice %arg14[%dma_wait3A_195, %dma_wait3A_196] : memref<10240x64xf32, #tpu.memory_space<vmem_shared>> -> memref<10240x64xf32, #tpu.memory_space<vmem_shared>>
            tpu.wait_indirect_dma semaphore(%arg21 : memref<!tpu.dma_semaphore, #tpu.memory_space<semaphore_mem>>) src(%arg11 : memref<128x64xf32, #tpu.memory_space<vmem>>) dst(%dma_wait3A_197 : memref<10240x64xf32, #tpu.memory_space<vmem_shared>>)
          } else {
          }
          %add3A_180 = arith.constant 4 : i32
          %add3A_181 = arith.addi %add3A_154, %add3A_180 : i32
          %sub3A_182 = arith.constant 1 : i32
          %sub3A_183 = arith.subi %add3A_181, %sub3A_182 : i32
          %dma_start3A_184 = arith.constant 0 : i32
          %dma_start3A_185 = tpu.memref_slice %arg7[%sub3A_183, %dma_start3A_184] : memref<160x128xi32, #tpu.memory_space<vmem>> -> memref<1x128xi32, #tpu.memory_space<vmem>>
          %dma_start3A_186 = tpu.memref_squeeze %dma_start3A_185 : memref<1x128xi32, #tpu.memory_space<vmem>> -> memref<128xi32, #tpu.memory_space<vmem>>
          %dma_start3A_187 = arith.constant 0 : i32
          %dma_start3A_188 = arith.constant 0 : i32
          %dma_start3A_189 = tpu.memref_slice %arg5[%dma_start3A_187, %dma_start3A_188] : memref<10000x64xf32, #tpu.memory_space<hbm>> -> memref<10000x64xf32, #tpu.memory_space<hbm>>
          tpu.enqueue_indirect_dma source(%dma_start3A_189 : memref<10000x64xf32, #tpu.memory_space<hbm>>) target(%arg11 : memref<128x64xf32, #tpu.memory_space<vmem>>) offsets(%dma_start3A_186 : memref<128xi32, #tpu.memory_space<vmem>>) semaphore(%arg17 : memref<!tpu.dma_semaphore, #tpu.memory_space<semaphore_mem>>)
        } else {
        }
        %dma_wait3A_164 = arith.constant 0 : i32
        %dma_wait3A_165 = tpu.memref_slice %arg7[%add3A_154, %dma_wait3A_164] : memref<160x128xi32, #tpu.memory_space<vmem>> -> memref<1x128xi32, #tpu.memory_space<vmem>>
        %dma_wait3A_166 = tpu.memref_squeeze %dma_wait3A_165 : memref<1x128xi32, #tpu.memory_space<vmem>> -> memref<128xi32, #tpu.memory_space<vmem>>
        %dma_wait3A_167 = arith.constant 0 : i32
        %dma_wait3A_168 = arith.constant 0 : i32
        %dma_wait3A_169 = tpu.memref_slice %arg5[%dma_wait3A_167, %dma_wait3A_168] : memref<10000x64xf32, #tpu.memory_space<hbm>> -> memref<10000x64xf32, #tpu.memory_space<hbm>>
        tpu.wait_indirect_dma semaphore(%arg18 : memref<!tpu.dma_semaphore, #tpu.memory_space<semaphore_mem>>) src(%dma_wait3A_169 : memref<10000x64xf32, #tpu.memory_space<hbm>>) dst(%arg12 : memref<128x64xf32, #tpu.memory_space<vmem>>)
        %dma_start3A_170 = arith.constant 0 : i32
        %dma_start3A_171 = tpu.memref_slice %arg8[%add3A_154, %dma_start3A_170] : memref<160x128xi32, #tpu.memory_space<vmem>> -> memref<1x128xi32, #tpu.memory_space<vmem>>
        %dma_start3A_172 = tpu.memref_squeeze %dma_start3A_171 : memref<1x128xi32, #tpu.memory_space<vmem>> -> memref<128xi32, #tpu.memory_space<vmem>>
        %dma_start3A_173 = arith.constant 0 : i32
        %dma_start3A_174 = arith.constant 0 : i32
        %dma_start3A_175 = tpu.memref_slice %arg14[%dma_start3A_173, %dma_start3A_174] : memref<10240x64xf32, #tpu.memory_space<vmem_shared>> -> memref<10240x64xf32, #tpu.memory_space<vmem_shared>>
        tpu.enqueue_indirect_dma source(%arg12 : memref<128x64xf32, #tpu.memory_space<vmem>>) target(%dma_start3A_175 : memref<10240x64xf32, #tpu.memory_space<vmem_shared>>) offsets(%dma_start3A_172 : memref<128xi32, #tpu.memory_space<vmem>>) semaphore(%arg22 : memref<!tpu.dma_semaphore, #tpu.memory_space<semaphore_mem>>) {add = true}
      }
      %scan3A_50 = arith.constant 40 : i32
      %dma_wait3A = arith.constant 156 : i32
      %dma_wait3A_51 = arith.constant 0 : i32
      %dma_wait3A_52 = tpu.memref_slice %arg8[%dma_wait3A, %dma_wait3A_51] : memref<160x128xi32, #tpu.memory_space<vmem>> -> memref<1x128xi32, #tpu.memory_space<vmem>>
      %dma_wait3A_53 = tpu.memref_squeeze %dma_wait3A_52 : memref<1x128xi32, #tpu.memory_space<vmem>> -> memref<128xi32, #tpu.memory_space<vmem>>
      %dma_wait3A_54 = arith.constant 0 : i32
      %dma_wait3A_55 = arith.constant 0 : i32
      %dma_wait3A_56 = tpu.memref_slice %arg14[%dma_wait3A_54, %dma_wait3A_55] : memref<10240x64xf32, #tpu.memory_space<vmem_shared>> -> memref<10240x64xf32, #tpu.memory_space<vmem_shared>>
      tpu.wait_indirect_dma semaphore(%arg19 : memref<!tpu.dma_semaphore, #tpu.memory_space<semaphore_mem>>) src(%arg9 : memref<128x64xf32, #tpu.memory_space<vmem>>) dst(%dma_wait3A_56 : memref<10240x64xf32, #tpu.memory_space<vmem_shared>>)
      %dma_wait3A_57 = arith.constant 157 : i32
      %dma_wait3A_58 = arith.constant 0 : i32
      %dma_wait3A_59 = tpu.memref_slice %arg8[%dma_wait3A_57, %dma_wait3A_58] : memref<160x128xi32, #tpu.memory_space<vmem>> -> memref<1x128xi32, #tpu.memory_space<vmem>>
      %dma_wait3A_60 = tpu.memref_squeeze %dma_wait3A_59 : memref<1x128xi32, #tpu.memory_space<vmem>> -> memref<128xi32, #tpu.memory_space<vmem>>
      %dma_wait3A_61 = arith.constant 0 : i32
      %dma_wait3A_62 = arith.constant 0 : i32
      %dma_wait3A_63 = tpu.memref_slice %arg14[%dma_wait3A_61, %dma_wait3A_62] : memref<10240x64xf32, #tpu.memory_space<vmem_shared>> -> memref<10240x64xf32, #tpu.memory_space<vmem_shared>>
      tpu.wait_indirect_dma semaphore(%arg20 : memref<!tpu.dma_semaphore, #tpu.memory_space<semaphore_mem>>) src(%arg10 : memref<128x64xf32, #tpu.memory_space<vmem>>) dst(%dma_wait3A_63 : memref<10240x64xf32, #tpu.memory_space<vmem_shared>>)
      %dma_wait3A_64 = arith.constant 158 : i32
      %dma_wait3A_65 = arith.constant 0 : i32
      %dma_wait3A_66 = tpu.memref_slice %arg8[%dma_wait3A_64, %dma_wait3A_65] : memref<160x128xi32, #tpu.memory_space<vmem>> -> memref<1x128xi32, #tpu.memory_space<vmem>>
      %dma_wait3A_67 = tpu.memref_squeeze %dma_wait3A_66 : memref<1x128xi32, #tpu.memory_space<vmem>> -> memref<128xi32, #tpu.memory_space<vmem>>
      %dma_wait3A_68 = arith.constant 0 : i32
      %dma_wait3A_69 = arith.constant 0 : i32
      %dma_wait3A_70 = tpu.memref_slice %arg14[%dma_wait3A_68, %dma_wait3A_69] : memref<10240x64xf32, #tpu.memory_space<vmem_shared>> -> memref<10240x64xf32, #tpu.memory_space<vmem_shared>>
      tpu.wait_indirect_dma semaphore(%arg21 : memref<!tpu.dma_semaphore, #tpu.memory_space<semaphore_mem>>) src(%arg11 : memref<128x64xf32, #tpu.memory_space<vmem>>) dst(%dma_wait3A_70 : memref<10240x64xf32, #tpu.memory_space<vmem_shared>>)
      %dma_wait3A_71 = arith.constant 159 : i32
      %dma_wait3A_72 = arith.constant 0 : i32
      %dma_wait3A_73 = tpu.memref_slice %arg8[%dma_wait3A_71, %dma_wait3A_72] : memref<160x128xi32, #tpu.memory_space<vmem>> -> memref<1x128xi32, #tpu.memory_space<vmem>>
      %dma_wait3A_74 = tpu.memref_squeeze %dma_wait3A_73 : memref<1x128xi32, #tpu.memory_space<vmem>> -> memref<128xi32, #tpu.memory_space<vmem>>
      %dma_wait3A_75 = arith.constant 0 : i32
      %dma_wait3A_76 = arith.constant 0 : i32
      %dma_wait3A_77 = tpu.memref_slice %arg14[%dma_wait3A_75, %dma_wait3A_76] : memref<10240x64xf32, #tpu.memory_space<vmem_shared>> -> memref<10240x64xf32, #tpu.memory_space<vmem_shared>>
      tpu.wait_indirect_dma semaphore(%arg22 : memref<!tpu.dma_semaphore, #tpu.memory_space<semaphore_mem>>) src(%arg12 : memref<128x64xf32, #tpu.memory_space<vmem>>) dst(%dma_wait3A_77 : memref<10240x64xf32, #tpu.memory_space<vmem_shared>>)
    } else {
    }
    %barrier3A_40 = arith.constant 0 : index
    tpu.barrier barrier_id(%barrier3A_40)
    %mul3A_41 = arith.constant 640 : i32
    %mul3A_42 = arith.muli %arg1, %mul3A_41 : i32
    %mul3A_43 = arith.constant 640 : i32
    %mul3A_44 = arith.muli %arg1, %mul3A_43 : i32
    "tpu.region"() ({
      %run_scoped3A = tpu.sem_alloc : memref<!tpu.dma_semaphore, #tpu.memory_space<semaphore_mem>>
      %dma_start3A = arith.constant 0 : i32
      %dma_start3A_45 = tpu.memref_slice %arg6[%arg0, %mul3A_44, %dma_start3A] : memref<2x10240x64xf32, #tpu.memory_space<hbm>> -> memref<1x640x64xf32, #tpu.memory_space<hbm>>
      %dma_start3A_46 = tpu.memref_squeeze %dma_start3A_45 : memref<1x640x64xf32, #tpu.memory_space<hbm>> -> memref<640x64xf32, #tpu.memory_space<hbm>>
      %dma_start3A_47 = arith.constant 0 : i32
      %dma_start3A_48 = tpu.memref_slice %arg14[%mul3A_42, %dma_start3A_47] : memref<10240x64xf32, #tpu.memory_space<vmem_shared>> -> memref<640x64xf32, #tpu.memory_space<vmem_shared>>
      tpu.enqueue_dma source(%dma_start3A_48 : memref<640x64xf32, #tpu.memory_space<vmem_shared>>) target(%dma_start3A_46 : memref<640x64xf32, #tpu.memory_space<hbm>>) target_semaphore(%run_scoped3A : memref<!tpu.dma_semaphore, #tpu.memory_space<semaphore_mem>>)
      %dma_wait3A = arith.constant 0 : i32
      %dma_wait3A_49 = tpu.memref_slice %arg6[%arg0, %mul3A_44, %dma_wait3A] : memref<2x10240x64xf32, #tpu.memory_space<hbm>> -> memref<1x640x64xf32, #tpu.memory_space<hbm>>
      %dma_wait3A_50 = tpu.memref_squeeze %dma_wait3A_49 : memref<1x640x64xf32, #tpu.memory_space<hbm>> -> memref<640x64xf32, #tpu.memory_space<hbm>>
      %dma_wait3A_51 = arith.constant 0 : i32
      %dma_wait3A_52 = tpu.memref_slice %arg14[%mul3A_42, %dma_wait3A_51] : memref<10240x64xf32, #tpu.memory_space<vmem_shared>> -> memref<640x64xf32, #tpu.memory_space<vmem_shared>>
      tpu.wait_dma2 semaphore(%run_scoped3A : memref<!tpu.dma_semaphore, #tpu.memory_space<semaphore_mem>>) src(%dma_wait3A_52 : memref<640x64xf32, #tpu.memory_space<vmem_shared>>) dst(%dma_wait3A_50 : memref<640x64xf32, #tpu.memory_space<hbm>>)
      tpu.yield
    }) : () -> ()
    return
  }
}

module attributes {stable_mosaic.version = 14 : i64} {
  func.func @body(%arg0: i32, %arg1: memref<2000x128xf32, #tpu.memory_space<vmem>>, %arg2: memref<128x128xf32, #tpu.memory_space<vmem>>, %arg3: memref<2x2000x16xf32, #tpu.memory_space<vmem>>, %arg4: memref<2000x64xf32, #tpu.memory_space<vmem>>, %arg5: memref<2000x64xf32, #tpu.memory_space<vmem>>) attributes {dimension_semantics = [#tpu.dimension_semantics<arbitrary>], iteration_bounds = array<i64: 5>, scalar_prefetch = 0 : i64, scratch_operands = 0 : i64, tpu.core_type = #tpu.core_type<tc>, window_params = [{transform_indices = @transform_0, window_bounds = array<i64: 2000, 128>}, {pipeline_mode = #tpu.pipeline_mode<synchronous>, transform_indices = @transform_1, window_bounds = array<i64: 128, 128>}, {transform_indices = @transform_2, window_bounds = array<i64: 2, 2000, 16>}, {transform_indices = @transform_3, window_bounds = array<i64: 2000, 64>}, {transform_indices = @transform_4, window_bounds = array<i64: 2000, 64>}]} {
    %get3A = arith.constant 0 : index
    %get3A_0 = arith.constant 0 : index
    %get3A_1 = arith.constant 0 : index
    %get3A_2 = vector.load %arg3[%get3A, %get3A_0, %get3A_1] : memref<2x2000x16xf32, #tpu.memory_space<vmem>>, vector<2x2000x16xf32>
    %slice3A = vector.extract_strided_slice %get3A_2 {offsets = [0, 0, 0], sizes = [1, 2000, 1], strides = [1, 1, 1]} : vector<2x2000x16xf32> to vector<1x2000x1xf32>
    %squeeze3A = vector.shape_cast %slice3A : vector<1x2000x1xf32> to vector<2000x1xf32>
    %slice3A_3 = vector.extract_strided_slice %get3A_2 {offsets = [1, 0, 0], sizes = [1, 2000, 1], strides = [1, 1, 1]} : vector<2x2000x16xf32> to vector<1x2000x1xf32>
    %squeeze3A_4 = vector.shape_cast %slice3A_3 : vector<1x2000x1xf32> to vector<2000x1xf32>
    %add3A = arith.addf %squeeze3A, %squeeze3A_4 : vector<2000x1xf32>
    %add3A_5 = arith.constant 1.000000e+00 : f32
    %add3A_6 = vector.broadcast %add3A_5 : f32 to vector<2000x1xf32>
    %add3A_7 = arith.addf %add3A, %add3A_6 : vector<2000x1xf32>
    %rsqrt3A = math.rsqrt %add3A_7 : vector<2000x1xf32>
    %get3A_8 = arith.constant 0 : index
    %get3A_9 = arith.constant 0 : index
    %get3A_10 = vector.load %arg1[%get3A_8, %get3A_9] : memref<2000x128xf32, #tpu.memory_space<vmem>>, vector<2000x128xf32>
    %get3A_11 = arith.constant 0 : index
    %get3A_12 = arith.constant 0 : index
    %get3A_13 = vector.load %arg2[%get3A_11, %get3A_12] : memref<128x128xf32, #tpu.memory_space<vmem>>, vector<128x128xf32>
    %dot_general3A = arith.constant dense<0.000000e+00> : vector<2000x128xf32>
    %dot_general3A_14 = tpu.matmul %get3A_10, %get3A_13, %dot_general3A {dimension_numbers = #tpu.dot_dimension_numbers<[1], [0], [0], [1], [0, 0, 1, 1], [], []>, precision = #tpu.contract_precision<fp32>, transpose_lhs_hint = false} : vector<2000x128xf32>, vector<128x128xf32>, vector<2000x128xf32> -> vector<2000x128xf32>
    %mul3A = vector.broadcast %rsqrt3A : vector<2000x1xf32> to vector<2000x128xf32>
    %mul3A_15 = arith.mulf %dot_general3A_14, %mul3A : vector<2000x128xf32>
    %slice3A_16 = vector.extract_strided_slice %mul3A_15 {offsets = [0, 0], sizes = [2000, 64], strides = [1, 1]} : vector<2000x128xf32> to vector<2000x64xf32>
    %swap3A = arith.constant 0 : index
    %swap3A_17 = arith.constant 0 : index
    %swap3A_18 = vector.load %arg4[%swap3A, %swap3A_17] : memref<2000x64xf32, #tpu.memory_space<vmem>>, vector<2000x64xf32>
    tpu.vector_store %arg4[%swap3A, %swap3A_17], %slice3A_16 {strides = array<i32>} : memref<2000x64xf32, #tpu.memory_space<vmem>>, vector<2000x64xf32>,
    %slice3A_19 = vector.extract_strided_slice %mul3A_15 {offsets = [0, 64], sizes = [2000, 64], strides = [1, 1]} : vector<2000x128xf32> to vector<2000x64xf32>
    %swap3A_20 = arith.constant 0 : index
    %swap3A_21 = arith.constant 0 : index
    %swap3A_22 = vector.load %arg5[%swap3A_20, %swap3A_21] : memref<2000x64xf32, #tpu.memory_space<vmem>>, vector<2000x64xf32>
    tpu.vector_store %arg5[%swap3A_20, %swap3A_21], %slice3A_19 {strides = array<i32>} : memref<2000x64xf32, #tpu.memory_space<vmem>>, vector<2000x64xf32>,
    return
  }
  func.func @transform_0(%arg0: i32) -> (i32, i32) {
    %c0_i32 = arith.constant 0 : i32
    %c0_i32_0 = arith.constant 0 : i32
    return %arg0, %c0_i32 : i32, i32
  }
  func.func @transform_1(%arg0: i32) -> (i32, i32) {
    %c0_i32 = arith.constant 0 : i32
    %c0_i32_0 = arith.constant 0 : i32
    %c0_i32_1 = arith.constant 0 : i32
    return %c0_i32, %c0_i32_0 : i32, i32
  }
  func.func @transform_2(%arg0: i32) -> (i32, i32, i32) {
    %c0_i32 = arith.constant 0 : i32
    %c0_i32_0 = arith.constant 0 : i32
    %c0_i32_1 = arith.constant 0 : i32
    return %c0_i32, %arg0, %c0_i32_0 : i32, i32, i32
  }
  func.func @transform_3(%arg0: i32) -> (i32, i32) {
    %c0_i32 = arith.constant 0 : i32
    %c0_i32_0 = arith.constant 0 : i32
    return %arg0, %c0_i32 : i32, i32
  }
  func.func @transform_4(%arg0: i32) -> (i32, i32) {
    %c0_i32 = arith.constant 0 : i32
    %c0_i32_0 = arith.constant 0 : i32
    return %arg0, %c0_i32 : i32, i32
  }
}

module attributes {stable_mosaic.version = 14 : i64} {
  func.func @body(%arg0: i32, %arg1: memref<2x2000x64xf32, #tpu.memory_space<vmem>>, %arg2: memref<2000x64xf32, #tpu.memory_space<vmem>>, %arg3: memref<2000x64xf32, #tpu.memory_space<vmem>>, %arg4: memref<2x2000x16xf32, #tpu.memory_space<vmem>>, %arg5: memref<1x128xf32, #tpu.memory_space<vmem>>, %arg6: memref<128x128xf32, #tpu.memory_space<vmem>>, %arg7: memref<2000x64xf32, #tpu.memory_space<vmem>>, %arg8: memref<2000x64xf32, #tpu.memory_space<vmem>>) attributes {dimension_semantics = [#tpu.dimension_semantics<arbitrary>], iteration_bounds = array<i64: 5>, scalar_prefetch = 0 : i64, scratch_operands = 0 : i64, tpu.core_type = #tpu.core_type<tc>, window_params = [{transform_indices = @transform_0, window_bounds = array<i64: 2, 2000, 64>}, {transform_indices = @transform_1, window_bounds = array<i64: 2000, 64>}, {transform_indices = @transform_2, window_bounds = array<i64: 2000, 64>}, {transform_indices = @transform_3, window_bounds = array<i64: 2, 2000, 16>}, {pipeline_mode = #tpu.pipeline_mode<synchronous>, transform_indices = @transform_4, window_bounds = array<i64: 1, 128>}, {pipeline_mode = #tpu.pipeline_mode<synchronous>, transform_indices = @transform_5, window_bounds = array<i64: 128, 128>}, {transform_indices = @transform_6, window_bounds = array<i64: 2000, 64>}, {transform_indices = @transform_7, window_bounds = array<i64: 2000, 64>}]} {
    %get3A = arith.constant 0 : index
    %get3A_0 = arith.constant 0 : index
    %get3A_1 = arith.constant 0 : index
    %get3A_2 = vector.load %arg4[%get3A, %get3A_0, %get3A_1] : memref<2x2000x16xf32, #tpu.memory_space<vmem>>, vector<2x2000x16xf32>
    %slice3A = vector.extract_strided_slice %get3A_2 {offsets = [0, 0, 0], sizes = [1, 2000, 1], strides = [1, 1, 1]} : vector<2x2000x16xf32> to vector<1x2000x1xf32>
    %squeeze3A = vector.shape_cast %slice3A : vector<1x2000x1xf32> to vector<2000x1xf32>
    %slice3A_3 = vector.extract_strided_slice %get3A_2 {offsets = [1, 0, 0], sizes = [1, 2000, 1], strides = [1, 1, 1]} : vector<2x2000x16xf32> to vector<1x2000x1xf32>
    %squeeze3A_4 = vector.shape_cast %slice3A_3 : vector<1x2000x1xf32> to vector<2000x1xf32>
    %add3A = arith.addf %squeeze3A, %squeeze3A_4 : vector<2000x1xf32>
    %add3A_5 = arith.constant 1.000000e+00 : f32
    %add3A_6 = vector.broadcast %add3A_5 : f32 to vector<2000x1xf32>
    %add3A_7 = arith.addf %add3A, %add3A_6 : vector<2000x1xf32>
    %rsqrt3A = math.rsqrt %add3A_7 : vector<2000x1xf32>
    %get3A_8 = arith.constant 0 : index
    %get3A_9 = arith.constant 0 : index
    %get3A_10 = arith.constant 0 : index
    %get3A_11 = vector.load %arg1[%get3A_8, %get3A_9, %get3A_10] : memref<2x2000x64xf32, #tpu.memory_space<vmem>>, vector<2x2000x64xf32>
    %slice3A_12 = vector.extract_strided_slice %get3A_11 {offsets = [0, 0, 0], sizes = [1, 2000, 64], strides = [1, 1, 1]} : vector<2x2000x64xf32> to vector<1x2000x64xf32>
    %squeeze3A_13 = vector.shape_cast %slice3A_12 : vector<1x2000x64xf32> to vector<2000x64xf32>
    %slice3A_14 = vector.extract_strided_slice %get3A_11 {offsets = [1, 0, 0], sizes = [1, 2000, 64], strides = [1, 1, 1]} : vector<2x2000x64xf32> to vector<1x2000x64xf32>
    %squeeze3A_15 = vector.shape_cast %slice3A_14 : vector<1x2000x64xf32> to vector<2000x64xf32>
    %concatenate3A = tpu.concatenate %squeeze3A_13, %squeeze3A_15 in 1 : vector<2000x64xf32>, vector<2000x64xf32> -> vector<2000x128xf32>
    %get3A_16 = arith.constant 0 : index
    %get3A_17 = arith.constant 0 : index
    %get3A_18 = vector.load %arg2[%get3A_16, %get3A_17] : memref<2000x64xf32, #tpu.memory_space<vmem>>, vector<2000x64xf32>
    %get3A_19 = arith.constant 0 : index
    %get3A_20 = arith.constant 0 : index
    %get3A_21 = vector.load %arg3[%get3A_19, %get3A_20] : memref<2000x64xf32, #tpu.memory_space<vmem>>, vector<2000x64xf32>
    %concatenate3A_22 = tpu.concatenate %get3A_18, %get3A_21 in 1 : vector<2000x64xf32>, vector<2000x64xf32> -> vector<2000x128xf32>
    %add3A_23 = arith.addf %concatenate3A, %concatenate3A_22 : vector<2000x128xf32>
    %mul3A = vector.broadcast %rsqrt3A : vector<2000x1xf32> to vector<2000x128xf32>
    %mul3A_24 = arith.mulf %mul3A, %add3A_23 : vector<2000x128xf32>
    %get3A_25 = arith.constant 0 : index
    %get3A_26 = arith.constant 0 : index
    %get3A_27 = vector.load %arg5[%get3A_25, %get3A_26] : memref<1x128xf32, #tpu.memory_space<vmem>>, vector<1x128xf32>
    %add3A_28 = vector.broadcast %get3A_27 : vector<1x128xf32> to vector<2000x128xf32>
    %add3A_29 = arith.addf %mul3A_24, %add3A_28 : vector<2000x128xf32>
    %max3A = arith.constant 0.000000e+00 : f32
    %max3A_30 = vector.broadcast %max3A : f32 to vector<2000x128xf32>
    %max3A_31 = arith.maximumf %add3A_29, %max3A_30 : vector<2000x128xf32>
    %get3A_32 = arith.constant 0 : index
    %get3A_33 = arith.constant 0 : index
    %get3A_34 = vector.load %arg6[%get3A_32, %get3A_33] : memref<128x128xf32, #tpu.memory_space<vmem>>, vector<128x128xf32>
    %dot_general3A = arith.constant dense<0.000000e+00> : vector<2000x128xf32>
    %dot_general3A_35 = tpu.matmul %max3A_31, %get3A_34, %dot_general3A {dimension_numbers = #tpu.dot_dimension_numbers<[1], [0], [0], [1], [0, 0, 1, 1], [], []>, precision = #tpu.contract_precision<fp32>, transpose_lhs_hint = false} : vector<2000x128xf32>, vector<128x128xf32>, vector<2000x128xf32> -> vector<2000x128xf32>
    %mul3A_36 = vector.broadcast %rsqrt3A : vector<2000x1xf32> to vector<2000x128xf32>
    %mul3A_37 = arith.mulf %dot_general3A_35, %mul3A_36 : vector<2000x128xf32>
    %slice3A_38 = vector.extract_strided_slice %mul3A_37 {offsets = [0, 0], sizes = [2000, 64], strides = [1, 1]} : vector<2000x128xf32> to vector<2000x64xf32>
    %swap3A = arith.constant 0 : index
    %swap3A_39 = arith.constant 0 : index
    %swap3A_40 = vector.load %arg7[%swap3A, %swap3A_39] : memref<2000x64xf32, #tpu.memory_space<vmem>>, vector<2000x64xf32>
    tpu.vector_store %arg7[%swap3A, %swap3A_39], %slice3A_38 {strides = array<i32>} : memref<2000x64xf32, #tpu.memory_space<vmem>>, vector<2000x64xf32>,
    %slice3A_41 = vector.extract_strided_slice %mul3A_37 {offsets = [0, 64], sizes = [2000, 64], strides = [1, 1]} : vector<2000x128xf32> to vector<2000x64xf32>
    %swap3A_42 = arith.constant 0 : index
    %swap3A_43 = arith.constant 0 : index
    %swap3A_44 = vector.load %arg8[%swap3A_42, %swap3A_43] : memref<2000x64xf32, #tpu.memory_space<vmem>>, vector<2000x64xf32>
    tpu.vector_store %arg8[%swap3A_42, %swap3A_43], %slice3A_41 {strides = array<i32>} : memref<2000x64xf32, #tpu.memory_space<vmem>>, vector<2000x64xf32>,
    return
  }
  func.func @transform_0(%arg0: i32) -> (i32, i32, i32) {
    %c0_i32 = arith.constant 0 : i32
    %c0_i32_0 = arith.constant 0 : i32
    %c0_i32_1 = arith.constant 0 : i32
    return %c0_i32, %arg0, %c0_i32_0 : i32, i32, i32
  }
  func.func @transform_1(%arg0: i32) -> (i32, i32) {
    %c0_i32 = arith.constant 0 : i32
    %c0_i32_0 = arith.constant 0 : i32
    return %arg0, %c0_i32 : i32, i32
  }
  func.func @transform_2(%arg0: i32) -> (i32, i32) {
    %c0_i32 = arith.constant 0 : i32
    %c0_i32_0 = arith.constant 0 : i32
    return %arg0, %c0_i32 : i32, i32
  }
  func.func @transform_3(%arg0: i32) -> (i32, i32, i32) {
    %c0_i32 = arith.constant 0 : i32
    %c0_i32_0 = arith.constant 0 : i32
    %c0_i32_1 = arith.constant 0 : i32
    return %c0_i32, %arg0, %c0_i32_0 : i32, i32, i32
  }
  func.func @transform_4(%arg0: i32) -> (i32, i32) {
    %c0_i32 = arith.constant 0 : i32
    %c0_i32_0 = arith.constant 0 : i32
    %c0_i32_1 = arith.constant 0 : i32
    return %c0_i32, %c0_i32_0 : i32, i32
  }
  func.func @transform_5(%arg0: i32) -> (i32, i32) {
    %c0_i32 = arith.constant 0 : i32
    %c0_i32_0 = arith.constant 0 : i32
    %c0_i32_1 = arith.constant 0 : i32
    return %c0_i32, %c0_i32_0 : i32, i32
  }
  func.func @transform_6(%arg0: i32) -> (i32, i32) {
    %c0_i32 = arith.constant 0 : i32
    %c0_i32_0 = arith.constant 0 : i32
    return %arg0, %c0_i32 : i32, i32
  }
  func.func @transform_7(%arg0: i32) -> (i32, i32) {
    %c0_i32 = arith.constant 0 : i32
    %c0_i32_0 = arith.constant 0 : i32
    return %arg0, %c0_i32 : i32, i32
  }
}

module attributes {stable_mosaic.version = 14 : i64} {
  func.func @body(%arg0: i32, %arg1: memref<2x2000x64xf32, #tpu.memory_space<vmem>>, %arg2: memref<2000x64xf32, #tpu.memory_space<vmem>>, %arg3: memref<2000x64xf32, #tpu.memory_space<vmem>>, %arg4: memref<2x2000x16xf32, #tpu.memory_space<vmem>>, %arg5: memref<1x128xf32, #tpu.memory_space<vmem>>, %arg6: memref<2000x1xi32, #tpu.memory_space<vmem>>, %arg7: memref<128x10xf32, #tpu.memory_space<vmem>>, %arg8: memref<1x10xf32, #tpu.memory_space<vmem>>, %arg9: memref<64x10xf32, #tpu.memory_space<vmem>>, %arg10: memref<64x128xf32, #tpu.memory_space<vmem>>, %arg11: memref<64x1xf32, #tpu.memory_space<vmem>>) attributes {dimension_semantics = [#tpu.dimension_semantics<arbitrary>], iteration_bounds = array<i64: 5>, scalar_prefetch = 0 : i64, scratch_operands = 2 : i64, tpu.core_type = #tpu.core_type<tc>, window_params = [{transform_indices = @transform_0, window_bounds = array<i64: 2, 2000, 64>}, {transform_indices = @transform_1, window_bounds = array<i64: 2000, 64>}, {transform_indices = @transform_2, window_bounds = array<i64: 2000, 64>}, {transform_indices = @transform_3, window_bounds = array<i64: 2, 2000, 16>}, {pipeline_mode = #tpu.pipeline_mode<synchronous>, transform_indices = @transform_4, window_bounds = array<i64: 1, 128>}, {transform_indices = @transform_5, window_bounds = array<i64: 2000, 1>}, {pipeline_mode = #tpu.pipeline_mode<synchronous>, transform_indices = @transform_6, window_bounds = array<i64: 128, 10>}, {pipeline_mode = #tpu.pipeline_mode<synchronous>, transform_indices = @transform_7, window_bounds = array<i64: 1, 10>}, {pipeline_mode = #tpu.pipeline_mode<synchronous>, transform_indices = @transform_8, window_bounds = array<i64: 64, 10>}]} {
    %get3A = arith.constant 0 : index
    %get3A_0 = arith.constant 0 : index
    %get3A_1 = arith.constant 0 : index
    %get3A_2 = vector.load %arg4[%get3A, %get3A_0, %get3A_1] : memref<2x2000x16xf32, #tpu.memory_space<vmem>>, vector<2x2000x16xf32>
    %slice3A = vector.extract_strided_slice %get3A_2 {offsets = [0, 0, 0], sizes = [1, 2000, 1], strides = [1, 1, 1]} : vector<2x2000x16xf32> to vector<1x2000x1xf32>
    %squeeze3A = vector.shape_cast %slice3A : vector<1x2000x1xf32> to vector<2000x1xf32>
    %slice3A_3 = vector.extract_strided_slice %get3A_2 {offsets = [1, 0, 0], sizes = [1, 2000, 1], strides = [1, 1, 1]} : vector<2x2000x16xf32> to vector<1x2000x1xf32>
    %squeeze3A_4 = vector.shape_cast %slice3A_3 : vector<1x2000x1xf32> to vector<2000x1xf32>
    %add3A = arith.addf %squeeze3A, %squeeze3A_4 : vector<2000x1xf32>
    %add3A_5 = arith.constant 1.000000e+00 : f32
    %add3A_6 = vector.broadcast %add3A_5 : f32 to vector<2000x1xf32>
    %add3A_7 = arith.addf %add3A, %add3A_6 : vector<2000x1xf32>
    %rsqrt3A = math.rsqrt %add3A_7 : vector<2000x1xf32>
    %get3A_8 = arith.constant 0 : index
    %get3A_9 = arith.constant 0 : index
    %get3A_10 = arith.constant 0 : index
    %get3A_11 = vector.load %arg1[%get3A_8, %get3A_9, %get3A_10] : memref<2x2000x64xf32, #tpu.memory_space<vmem>>, vector<2x2000x64xf32>
    %slice3A_12 = vector.extract_strided_slice %get3A_11 {offsets = [0, 0, 0], sizes = [1, 2000, 64], strides = [1, 1, 1]} : vector<2x2000x64xf32> to vector<1x2000x64xf32>
    %squeeze3A_13 = vector.shape_cast %slice3A_12 : vector<1x2000x64xf32> to vector<2000x64xf32>
    %slice3A_14 = vector.extract_strided_slice %get3A_11 {offsets = [1, 0, 0], sizes = [1, 2000, 64], strides = [1, 1, 1]} : vector<2x2000x64xf32> to vector<1x2000x64xf32>
    %squeeze3A_15 = vector.shape_cast %slice3A_14 : vector<1x2000x64xf32> to vector<2000x64xf32>
    %concatenate3A = tpu.concatenate %squeeze3A_13, %squeeze3A_15 in 1 : vector<2000x64xf32>, vector<2000x64xf32> -> vector<2000x128xf32>
    %get3A_16 = arith.constant 0 : index
    %get3A_17 = arith.constant 0 : index
    %get3A_18 = vector.load %arg2[%get3A_16, %get3A_17] : memref<2000x64xf32, #tpu.memory_space<vmem>>, vector<2000x64xf32>
    %get3A_19 = arith.constant 0 : index
    %get3A_20 = arith.constant 0 : index
    %get3A_21 = vector.load %arg3[%get3A_19, %get3A_20] : memref<2000x64xf32, #tpu.memory_space<vmem>>, vector<2000x64xf32>
    %concatenate3A_22 = tpu.concatenate %get3A_18, %get3A_21 in 1 : vector<2000x64xf32>, vector<2000x64xf32> -> vector<2000x128xf32>
    %add3A_23 = arith.addf %concatenate3A, %concatenate3A_22 : vector<2000x128xf32>
    %mul3A = vector.broadcast %rsqrt3A : vector<2000x1xf32> to vector<2000x128xf32>
    %mul3A_24 = arith.mulf %mul3A, %add3A_23 : vector<2000x128xf32>
    %get3A_25 = arith.constant 0 : index
    %get3A_26 = arith.constant 0 : index
    %get3A_27 = vector.load %arg5[%get3A_25, %get3A_26] : memref<1x128xf32, #tpu.memory_space<vmem>>, vector<1x128xf32>
    %add3A_28 = vector.broadcast %get3A_27 : vector<1x128xf32> to vector<2000x128xf32>
    %add3A_29 = arith.addf %mul3A_24, %add3A_28 : vector<2000x128xf32>
    %iota3A = tpu.iota {dimensions = array<i32: 1>} : vector<2000x64xi32>
    %get3A_30 = arith.constant 0 : index
    %get3A_31 = arith.constant 0 : index
    %get3A_32 = vector.load %arg6[%get3A_30, %get3A_31] : memref<2000x1xi32, #tpu.memory_space<vmem>>, vector<2000x1xi32>
    %eq3A = vector.broadcast %get3A_32 : vector<2000x1xi32> to vector<2000x64xi32>
    %eq3A_33 = arith.cmpi eq, %eq3A, %iota3A : vector<2000x64xi32>
    %convert_element_type3A = arith.extui %eq3A_33 : vector<2000x64xi1> to vector<2000x64xi32>
    %convert_element_type3A_34 = arith.sitofp %convert_element_type3A : vector<2000x64xi32> to vector<2000x64xf32>
    %dot_general3A = arith.constant dense<0.000000e+00> : vector<64x128xf32>
    %dot_general3A_35 = tpu.matmul %convert_element_type3A_34, %add3A_29, %dot_general3A {dimension_numbers = #tpu.dot_dimension_numbers<[0], [0], [1], [1], [0, 1, 1, 1], [], []>, precision = #tpu.contract_precision<fp32>, transpose_lhs_hint = false} : vector<2000x64xf32>, vector<2000x128xf32>, vector<64x128xf32> -> vector<64x128xf32>
    %broadcast_in_dim3A = arith.constant 1.000000e+00 : f32
    %broadcast_in_dim3A_36 = vector.broadcast %broadcast_in_dim3A : f32 to vector<2000x1xf32>
    %dot_general3A_37 = arith.constant dense<0.000000e+00> : vector<64x1xf32>
    %dot_general3A_38 = tpu.matmul %convert_element_type3A_34, %broadcast_in_dim3A_36, %dot_general3A_37 {dimension_numbers = #tpu.dot_dimension_numbers<[0], [0], [1], [1], [0, 1, 1, 1], [], []>, precision = #tpu.contract_precision<fp32>, transpose_lhs_hint = false} : vector<2000x64xf32>, vector<2000x1xf32>, vector<64x1xf32> -> vector<64x1xf32>
    %eq3A_39 = arith.constant 0 : i32
    %eq3A_40 = arith.cmpi eq, %arg0, %eq3A_39 : i32
    %convert_element_type3A_41 = arith.extui %eq3A_40 : i1 to i32
    %cond3A = arith.constant 0 : i32
    %cond3A_42 = arith.cmpi ne, %convert_element_type3A_41, %cond3A : i32
    scf.if %cond3A_42 {
      %swap3A = arith.constant 0 : index
      %swap3A_52 = arith.constant 0 : index
      %swap3A_53 = vector.load %arg10[%swap3A, %swap3A_52] : memref<64x128xf32, #tpu.memory_space<vmem>>, vector<64x128xf32>
      tpu.vector_store %arg10[%swap3A, %swap3A_52], %dot_general3A_35 {strides = array<i32>} : memref<64x128xf32, #tpu.memory_space<vmem>>, vector<64x128xf32>,
      %swap3A_54 = arith.constant 0 : index
      %swap3A_55 = arith.constant 0 : index
      %swap3A_56 = vector.load %arg11[%swap3A_54, %swap3A_55] : memref<64x1xf32, #tpu.memory_space<vmem>>, vector<64x1xf32>
      tpu.vector_store %arg11[%swap3A_54, %swap3A_55], %dot_general3A_38 {strides = array<i32>} : memref<64x1xf32, #tpu.memory_space<vmem>>, vector<64x1xf32>,
    } else {
    }
    %gt3A = arith.constant 0 : i32
    %gt3A_43 = arith.cmpi sgt, %arg0, %gt3A : i32
    %convert_element_type3A_44 = arith.extui %gt3A_43 : i1 to i32
    %cond3A_45 = arith.constant 0 : i32
    %cond3A_46 = arith.cmpi ne, %convert_element_type3A_44, %cond3A_45 : i32
    scf.if %cond3A_46 {
      %get3A_52 = arith.constant 0 : index
      %get3A_53 = arith.constant 0 : index
      %get3A_54 = vector.load %arg10[%get3A_52, %get3A_53] : memref<64x128xf32, #tpu.memory_space<vmem>>, vector<64x128xf32>
      %add3A_55 = arith.addf %get3A_54, %dot_general3A_35 : vector<64x128xf32>
      %swap3A = arith.constant 0 : index
      %swap3A_56 = arith.constant 0 : index
      %swap3A_57 = vector.load %arg10[%swap3A, %swap3A_56] : memref<64x128xf32, #tpu.memory_space<vmem>>, vector<64x128xf32>
      tpu.vector_store %arg10[%swap3A, %swap3A_56], %add3A_55 {strides = array<i32>} : memref<64x128xf32, #tpu.memory_space<vmem>>, vector<64x128xf32>,
      %get3A_58 = arith.constant 0 : index
      %get3A_59 = arith.constant 0 : index
      %get3A_60 = vector.load %arg11[%get3A_58, %get3A_59] : memref<64x1xf32, #tpu.memory_space<vmem>>, vector<64x1xf32>
      %add3A_61 = arith.addf %get3A_60, %dot_general3A_38 : vector<64x1xf32>
      %swap3A_62 = arith.constant 0 : index
      %swap3A_63 = arith.constant 0 : index
      %swap3A_64 = vector.load %arg11[%swap3A_62, %swap3A_63] : memref<64x1xf32, #tpu.memory_space<vmem>>, vector<64x1xf32>
      tpu.vector_store %arg11[%swap3A_62, %swap3A_63], %add3A_61 {strides = array<i32>} : memref<64x1xf32, #tpu.memory_space<vmem>>, vector<64x1xf32>,
    } else {
    }
    %eq3A_47 = arith.constant 4 : i32
    %eq3A_48 = arith.cmpi eq, %arg0, %eq3A_47 : i32
    %convert_element_type3A_49 = arith.extui %eq3A_48 : i1 to i32
    %cond3A_50 = arith.constant 0 : i32
    %cond3A_51 = arith.cmpi ne, %convert_element_type3A_49, %cond3A_50 : i32
    scf.if %cond3A_51 {
      %get3A_52 = arith.constant 0 : index
      %get3A_53 = arith.constant 0 : index
      %get3A_54 = vector.load %arg10[%get3A_52, %get3A_53] : memref<64x128xf32, #tpu.memory_space<vmem>>, vector<64x128xf32>
      %get3A_55 = arith.constant 0 : index
      %get3A_56 = arith.constant 0 : index
      %get3A_57 = vector.load %arg11[%get3A_55, %get3A_56] : memref<64x1xf32, #tpu.memory_space<vmem>>, vector<64x1xf32>
      %max3A = arith.constant 1.000000e+00 : f32
      %max3A_58 = vector.broadcast %max3A : f32 to vector<64x1xf32>
      %max3A_59 = arith.maximumf %get3A_57, %max3A_58 : vector<64x1xf32>
      %div3A = vector.broadcast %max3A_59 : vector<64x1xf32> to vector<64x128xf32>
      %div3A_60 = arith.divf %get3A_54, %div3A : vector<64x128xf32>
      %get3A_61 = arith.constant 0 : index
      %get3A_62 = arith.constant 0 : index
      %get3A_63 = vector.load %arg7[%get3A_61, %get3A_62] : memref<128x10xf32, #tpu.memory_space<vmem>>, vector<128x10xf32>
      %dot_general3A_64 = arith.constant dense<0.000000e+00> : vector<64x10xf32>
      %dot_general3A_65 = tpu.matmul %div3A_60, %get3A_63, %dot_general3A_64 {dimension_numbers = #tpu.dot_dimension_numbers<[1], [0], [0], [1], [0, 0, 1, 1], [], []>, precision = #tpu.contract_precision<fp32>, transpose_lhs_hint = false} : vector<64x128xf32>, vector<128x10xf32>, vector<64x10xf32> -> vector<64x10xf32>
      %get3A_66 = arith.constant 0 : index
      %get3A_67 = arith.constant 0 : index
      %get3A_68 = vector.load %arg8[%get3A_66, %get3A_67] : memref<1x10xf32, #tpu.memory_space<vmem>>, vector<1x10xf32>
      %add3A_69 = vector.broadcast %get3A_68 : vector<1x10xf32> to vector<64x10xf32>
      %add3A_70 = arith.addf %dot_general3A_65, %add3A_69 : vector<64x10xf32>
      %swap3A = arith.constant 0 : index
      %swap3A_71 = arith.constant 0 : index
      %swap3A_72 = vector.load %arg9[%swap3A, %swap3A_71] : memref<64x10xf32, #tpu.memory_space<vmem>>, vector<64x10xf32>
      tpu.vector_store %arg9[%swap3A, %swap3A_71], %add3A_70 {strides = array<i32>} : memref<64x10xf32, #tpu.memory_space<vmem>>, vector<64x10xf32>,
    } else {
    }
    return
  }
  func.func @transform_0(%arg0: i32) -> (i32, i32, i32) {
    %c0_i32 = arith.constant 0 : i32
    %c0_i32_0 = arith.constant 0 : i32
    %c0_i32_1 = arith.constant 0 : i32
    return %c0_i32, %arg0, %c0_i32_0 : i32, i32, i32
  }
  func.func @transform_1(%arg0: i32) -> (i32, i32) {
    %c0_i32 = arith.constant 0 : i32
    %c0_i32_0 = arith.constant 0 : i32
    return %arg0, %c0_i32 : i32, i32
  }
  func.func @transform_2(%arg0: i32) -> (i32, i32) {
    %c0_i32 = arith.constant 0 : i32
    %c0_i32_0 = arith.constant 0 : i32
    return %arg0, %c0_i32 : i32, i32
  }
  func.func @transform_3(%arg0: i32) -> (i32, i32, i32) {
    %c0_i32 = arith.constant 0 : i32
    %c0_i32_0 = arith.constant 0 : i32
    %c0_i32_1 = arith.constant 0 : i32
    return %c0_i32, %arg0, %c0_i32_0 : i32, i32, i32
  }
  func.func @transform_4(%arg0: i32) -> (i32, i32) {
    %c0_i32 = arith.constant 0 : i32
    %c0_i32_0 = arith.constant 0 : i32
    %c0_i32_1 = arith.constant 0 : i32
    return %c0_i32, %c0_i32_0 : i32, i32
  }
  func.func @transform_5(%arg0: i32) -> (i32, i32) {
    %c0_i32 = arith.constant 0 : i32
    %c0_i32_0 = arith.constant 0 : i32
    return %arg0, %c0_i32 : i32, i32
  }
  func.func @transform_6(%arg0: i32) -> (i32, i32) {
    %c0_i32 = arith.constant 0 : i32
    %c0_i32_0 = arith.constant 0 : i32
    %c0_i32_1 = arith.constant 0 : i32
    return %c0_i32, %c0_i32_0 : i32, i32
  }
  func.func @transform_7(%arg0: i32) -> (i32, i32) {
    %c0_i32 = arith.constant 0 : i32
    %c0_i32_0 = arith.constant 0 : i32
    %c0_i32_1 = arith.constant 0 : i32
    return %c0_i32, %c0_i32_0 : i32, i32
  }
  func.func @transform_8(%arg0: i32) -> (i32, i32) {
    %c0_i32 = arith.constant 0 : i32
    %c0_i32_0 = arith.constant 0 : i32
    %c0_i32_1 = arith.constant 0 : i32
    return %c0_i32, %c0_i32_0 : i32, i32
  }
}

</mosaic_0001>

<sc_bundles>
// kernel: kernel.10.cloned.1.call-start
scs
__scs_entry_jumppad:
0x0: {  	(pc) =	sbr.rel $0x88, $3  }
0x1: {  	(tag) =	ssettag $0x0;
	lr =	simm.s32 $0x1  }
0x2: {  	[smem:$0x3F96] =	sst lr;
	_ =	strace $0xD0000000  }
0x3: {  	_ = 	snop  }
0x4: {  	_ = 	snop  }
0x5: {  	_ = 	snop  }
0x6: {  	_ = 	snop  }
0x7: {  	_ = 	snop  }
__scs_overlays_trampoline_lowered:
0x8: {  	[smem:$0x3FA5] =	sst s0  }
0x9: {  	[smem:$0x3FA6] =	sst s1  }
0xa: {  	[smem:$0x3FA7] =	sst s2  }
0xb: {  	[smem:$0x3FA8] =	sst s3  }
0xc: {  	[smem:$0x3FA9] =	sst s4  }
0xd: {  	[smem:$0x3FAA] =	sst s5  }
0xe: {  	[smem:$0x3FAB] =	sst s6  }
0xf: {  	[smem:$0x3FAC] =	sst s7  }
0x10: {  	[smem:$0x3FAD] =	sst s8  }
0x11: {  	[smem:$0x3FAE] =	sst s9;
	s0 =	simm.s32 @!p0 $0x0  }
0x12: {  	s1 =	sld [smem:$0x3F94];
	s0 =	simm.s32 @p0 $0x1  }
0x13: {  	[smem:$0x3FAF] =	sst s0;
	s0 =	simm.s32 @!p1 $0x0  }
0x14: {  	s2 =	sld [smem:$0x3F93];
	s0 =	simm.s32 @p1 $0x1  }
0x15: {  	[smem:$0x3FB0] =	sst s0;
	s0 =	simm.s32 @!p2 $0x0  }
0x16: {  	s3 =	sld [smem:$0x3FDB];
	s0 =	simm.s32 @p2 $0x1  }
0x17: {  	s4 =	simm.s32 $0x1BF5;
	[smem:$0x3FB2] =	sst s0  }
0x18: {  	s0 =	sld [smem:$0x3F95];
	_ =	swait.ge [sflag:s4], $0x0  }
0x19: {  	s7 =	sld [smem:$0x3F96]  }
0x1a: {  	s8 =	sadd.s32 $0xFFFFE003, lr  }
0x1b: {  	s9 =	sadd.s32 $0xFFFFFEF7, lr;
	s5 =	simm.s32 $0xFFFFFFFF;
	p2 =	slt.u32 s8, $0xFFFFF086  }
0x1c: {  	p1 =	slt.u32 s9, $0xF7A;
	s5 =	simm.s32 @!p2 $0x0  }
0x1d: {  	s5 =	simm.s32 @p1 $0x1;
	p0 =	seq.s32 s7, s2  }
0x1e: {  	s7 =	smul.u32 @!p0 $0xF7A, s2;
	p2 =	seq.s32 @!p0 s5, $0x0  }
0x1f: {  	s9 =	smul.u32 $0xF7A, s1;
	s8 =	simm.s32 @!p0 $0x1BF5;
	p2 =	por !p2, p0  }
0x20: {  	[sflag:s8] =	ssyncset.s32 @!p0 $0xFFFFF086;
	s6 =	sadd.s32 @!p0 s3, s7;
	s7 =	simm.s32 @!p0 $0x108  }
0x21: {  	s3 =	sadd.s32 s3, s9;
	s6 =	sadd.s32 @!p0 $0x88, s6;
	s7 =	simm.s32 @p2 $0x1082  }
0x22: {  	[simem:s7], [sflag:s8] =	dma.local @!p0 [hbm:s6], $0xF7A  }
0x23: {  	s9 =	sor.u32 $0xD0000000, s2;
	s6 =	simm.s32 $0x108;
	_ =	swait.ge @!p0 [sflag:s8], $0x0  }
0x24: {  	s3 =	sadd.s32 $0x88, s3;
	s6 =	simm.s32 @!p1 $0x1082;
	[sflag:s4] =	ssyncset.s32 $0xFFFFF086  }
0x25: {  	[simem:s6], [sflag:s4] =	dma.local [hbm:s3], $0xF7A  }
0x26: {  	[smem:$0x3F96] =	sst s1;
	(tag) =	ssettag s2;
	_ =	strace s9  }
0x27: {  	s1 =	sld [smem:$0x3FA6]  }
0x28: {  	s2 =	sld [smem:$0x3FA7]  }
0x29: {  	s4 =	sld [smem:$0x3FA9]  }
0x2a: {  	p0 =	seq.s32 s5, $0x0;
	s5 =	sld [smem:$0x3FAA]  }
0x2b: {  	s6 =	sld [smem:$0x3FAB]  }
0x2c: {  	s7 =	sld [smem:$0x3FAC]  }
0x2d: {  	s3 =	simm.s32 $0x108;
	s8 =	sld [smem:$0x3FAD]  }
0x2e: {  	s3 =	simm.s32 @!p0 $0x1082;
	s9 =	sld [smem:$0x3FAE]  }
0x2f: {  	lr =	sadd.s32 s0, s3;
	s0 =	sld [smem:$0x3FA5]  }
0x30: {  	s3 =	sld [smem:$0x3FA8]  }
0x31: {  	[smem:$0x3FB1] =	sst s10  }
0x32: {  	s10 =	sld [smem:$0x3FAF];
	_ =	sdelay $0x3  }
0x33: {  	p0 =	seq.s32 s10, $0x1;
	s10 =	sld [smem:$0x3FB1];
	_ =	sdelay $0x3  }
0x34: {  	[smem:$0x3FB1] =	sst s10  }
0x35: {  	s10 =	sld [smem:$0x3FB0];
	_ =	sdelay $0x3  }
0x36: {  	p1 =	seq.s32 s10, $0x1;
	s10 =	sld [smem:$0x3FB1];
	_ =	sdelay $0x3  }
0x37: {  	[smem:$0x3FB1] =	sst s10  }
0x38: {  	s10 =	sld [smem:$0x3FB2]  }
0x39: {  	_ = 	snop;
	(pc) =	sbr.ind lr, $3  }
0x3a: {  	_ = 	snop  }
0x3b: {  	_ = 	snop  }
0x3c: {  	p2 =	seq.s32 s10, $0x1;
	s10 =	sld [smem:$0x3FB1]  }
0x3d: {  	_ =	shalt  }
0x3e: {  	_ =	shalt  }
0x3f: {  	_ =	shalt  }
0x40: {  	_ =	shalt  }
0x41: {  	_ =	shalt  }
0x42: {  	_ =	shalt  }
0x43: {  	_ =	shalt  }
0x44: {  	_ =	shalt  }
0x45: {  	_ =	shalt  }
0x46: {  	_ =	shalt  }
0x47: {  	_ =	shalt  }
0x48: {  	_ =	shalt  }
0x49: {  	_ =	shalt  }
0x4a: {  	_ =	shalt  }
0x4b: {  	_ =	shalt  }
0x4c: {  	_ =	shalt  }
0x4d: {  	_ =	shalt  }
0x4e: {  	_ =	shalt  }
0x4f: {  	_ =	shalt  }
0x50: {  	_ =	shalt  }
0x51: {  	_ =	shalt  }
0x52: {  	_ =	shalt  }
0x53: {  	_ =	shalt  }
0x54: {  	_ =	shalt  }
0x55: {  	_ =	shalt  }
0x56: {  	_ =	shalt  }
0x57: {  	_ =	shalt  }
0x58: {  	_ =	shalt  }
0x59: {  	_ =	shalt  }
0x5a: {  	_ =	shalt  }
0x5b: {  	_ =	shalt  }
0x5c: {  	_ =	shalt  }
0x5d: {  	_ =	shalt  }
0x5e: {  	_ =	shalt  }
0x5f: {  	_ =	shalt  }
0x60: {  	_ =	shalt  }
0x61: {  	_ =	shalt  }
0x62: {  	_ =	shalt  }
0x63: {  	_ =	shalt  }
0x64: {  	_ =	shalt  }
0x65: {  	_ =	shalt  }
0x66: {  	_ =	shalt  }
0x67: {  	_ =	shalt  }
0x68: {  	_ =	shalt  }
0x69: {  	_ =	shalt  }
0x6a: {  	_ =	shalt  }
0x6b: {  	_ =	shalt  }
0x6c: {  	_ =	shalt  }
0x6d: {  	_ =	shalt  }
0x6e: {  	_ =	shalt  }
0x6f: {  	_ =	shalt  }
0x70: {  	_ =	shalt  }
0x71: {  	_ =	shalt  }
0x72: {  	_ =	shalt  }
0x73: {  	_ =	shalt  }
0x74: {  	_ =	shalt  }
0x75: {  	_ =	shalt  }
0x76: {  	_ =	shalt  }
0x77: {  	_ =	shalt  }
0x78: {  	_ =	shalt  }
0x79: {  	_ =	shalt  }
0x7a: {  	_ =	shalt  }
0x7b: {  	_ =	shalt  }
0x7c: {  	_ =	shalt  }
0x7d: {  	_ =	shalt  }
0x7e: {  	_ =	shalt  }
0x7f: {  	_ =	shalt  }
0x80: {  	_ =	shalt  }
0x81: {  	_ =	shalt  }
0x82: {  	_ =	shalt  }
0x83: {  	_ =	shalt  }
0x84: {  	_ =	shalt  }
0x85: {  	_ =	shalt  }
0x86: {  	_ =	shalt  }
0x87: {  	_ =	shalt  }
.Lfunc_end0:
.L_simem_size_0:
called_computation_lowered:
.L_overlay_start_0:
0x88: {  	s2 =	sld [smem:$0x3FD9]  }
0x89: {  	s3 =	sld [smem:$0x3FFE];
	_ =	sdelay $0x1  }
0x8a: {  	s1 =	srdreg.scid  }
0x8b: {  	s0 =	sand.u32 $0x1, s1  }
0x8c: {  	s16 =	sshll.u32 s0, $0xA;
	s2 =	sadd.s32 s3, s2  }
0x8d: {  	s2 =	sadd.s32 s2, s16  }
0x8e: {  	[smem:$0x3FBD] =	sst s2  }
0x8f: {  	_ = 	snop  }
0x90: {  	(tm) =	ssettm $0x1  }
0x91: {  	s17 =	sld [smem:$0x3FFB];
	_ =	sdelay $0x3  }
0x92: {  	_ =	strace s17  }
0x93: {  	s2 =	sld [smem:$0x3FFC];
	_ =	sdelay $0x3  }
0x94: {  	_ =	strace s2  }
0x95: {  	s2 =	sld [smem:$0x3FFD];
	_ =	sdelay $0x3  }
0x96: {  	_ =	strace s2  }
0x97: {  	_ =	strace $0x8FFFFFFF  }
0x98: {  	s18 =	sld [smem:$0x3FDB];
	_ =	sdelay $0x1  }
0x99: {  	s19 =	simm.s32 $_scs_section_size  }
0x9a: {  	s4 =	simm.s32 $_size__tile_overlayer_lowered;
	s5 =	simm.s32 $_tile_overlayer_lowered  }
0x9b: {  	s22 =	simm.s32 $0x1BFF;
	s21 =	sshll.u32 s5, $0x1;
	s2 =	sadd.s32 s19, s18  }
0x9c: {  	s6 =	simm.s32 $0x0;
	s20 =	sshll.u32 s4, $0x1;
	s4 =	sadd.s32 s21, s2  }
0x9d: {  	[timem:s6], [sflag:s22] =	dma.local [hbm:s4], s20  }
0x9e: {  	_ =	swait.ge [sflag:s22], s20  }
0x9f: {  	s3 =	ssub.s32 $0x0, s20;
	[sflag:s22] =	ssyncset.done $0x0  }
0xa0: {  	[sflag:s22] =	ssyncadd.s32 s3;
	_ =	sdelay $0x1  }
0xa1: {  	s23 =	simm.s32 $0x1B8B  }
0xa2: {  	_ =	swait.ge [sflag:s23], $0x1  }
0xa3: {  	[sflag:s23] =	ssyncset.done $0x0  }
0xa4: {  	s25 =	simm.s32 $0x1B8E;
	s24 =	sld [smem:$0x3FFE];
	[sflag:s23] =	ssyncadd.s32 $0xFFFFFFFF  }
0xa5: {  	s26 =	simm.s32 $execute0_lowered;
	[smem:$0x3FD2] =	sst s25  }
0xa6: {  	s4 =	sshll.u32 s26, $0x1;
	_ =	strace $0x80000046;
	[dreg:$0x1] =	wrdreg $0xFFFFFFFF  }
0xa7: {  	s28 =	simm.s32 $_size_execute0_lowered;
	s2 =	sadd.s32 s2, s4;
	[dreg:$0x0] =	wrdreg $0x0  }
0xa8: {  	s4 =	sshll.u32 s28, $0x1;
	[dreg:$0x2] =	wrdreg s2  }
0xa9: {  	[dreg:$0x3] =	wrdreg s4  }
0xaa: {  	[dreg:$0x4] =	wrdreg $0xC0  }
0xab: {  	_ =	task [dreg:s6], $0x5FFFF  }
0xac: {  	[dreg:$0x1] =	wrdreg $0xFFFFFFFF  }
0xad: {  	[dreg:$0x0] =	wrdreg $0x60  }
0xae: {  	[dreg:$0x2] =	wrdreg s24  }
0xaf: {  	[dreg:$0x3] =	wrdreg $0x38000  }
0xb0: {  	[dreg:$0x4] =	wrdreg $0x9  }
0xb1: {  	_ =	task.clear_ibuf [dreg:s6], $0x5FFFF;
	_ =	strace $0x90000046  }
0xb2: {  	s29 =	simm.s32 $0x9;
	_ =	strace $0x80000048  }
0xb3: {  	_ =	swait.ge [sflag:s29], $0x1  }
0xb4: {  	[sflag:s29] =	ssyncadd.s32 $0xFFFFFFFF  }
0xb5: {  	_ =	strace $0x90000048  }
0xb6: {  	_ =	sfence  }
0xb7: {  	s30 =	sld [smem:$0x0];
	_ =	sdelay $0x2  }
0xb8: {  	s31 =	sshll.u32 s1, $0xD;
	s1 =	sshrl.u32 s1, $0x2  }
0xb9: {  	s3 =	sand.u32 $0x4000, s31;
	s1 =	sadd.s32 s1, s30  }
0xba: {  	s0 =	sor.u32 s3, s0;
	s1 =	sshll.u32 s1, $0x11  }
0xbb: {  	s0 =	sor.u32 s1, s0  }
0xbc: {  	s0 =	sadd.s32 $0x8F2B, s0  }
0xbd: {  	[sflag:s0] =	ssyncadd.remote.s32 $0x1  }
0xbe: {  	_ =	sfence.sel $0xFFFF  }
0xbf: {  	[dreg:$0x0] =	wrdreg $0xFFFFFFFF;
	(pc) =	sbr.abs _section_cstart, $3  }
0xc0: {  	[dreg:$0x1] =	wrdreg $0xFFFFFFFF  }
0xc1: {  	_ =	task.clear_ibuf [dreg:s6], $0x2FFFF;
	_ =	strace $0x9FFFFFFF  }
0xc2: {  	(tm) =	ssettm $0x7FFFFFFF  }
0xc3: {  	_ =	shalt  }
tec
execute0_lowered:
.L_overlay_start_1:
0x0: {  	(tag) =	ssettag $0x1  }
0x1: {  	s1 =	srdreg.scid;
	s4 =	rddreg [dreg:$0x0]  }
0x2: {  	s0 =	stileid.u32;
	s2 =	rddreg [dreg:$0x1];
	s3 =	simm.s32 $0x0  }
0x3: {  	s12 =	simm.s32 $0x1;
	s13 =	simm.s32 $0x3000;
	s6 =	smul.u32 $0x5000, s0  }
0x4: {  	s14 =	simm.s32 $0x80;
	s15 =	simm.s32 $0x2800;
	s8 =	smul.u32 $0x2800, s0  }
0x5: {  	s5 =	sand.u32 $0x1, s1;
	s1 =	rddreg [dreg:$0x2];
	s29 =	smul.u32 $0xA000, s0  }
0x6: {  	s18 =	simm.s32 $0x0;
	[smem:$0x7FF] =	sst s3;
	s7 =	smul.u32 $0x2800, s5  }
0x7: {  	s16 =	sshll.u32 s0, $0x6;
	s9 =	smul.u32 $0x28000, s5;
	s5 =	ssub.s32 $0x2, s5  }
0x8: {  	_ =	strace $0x80000047;
	s16 =	sor.u32 $0x1C01, s16;
	s30 =	sshrl.u32 s5, $0x1  }
0x9: {  	s31 =	sshrl.u32 s29, $0x2;
	s6 =	sadd.s32 s7, s6;
	s28 =	sadd.s32 s8, s9  }
0xa: {  	s11 =	ssub.s32 s5, s30;
	s9 =	sadd.s32 s31, s2;
	s5 =	sadd.s32 s8, s2  }
0xb: {  	s6 =	sshrl.u32 s6, $0x3;
	s7 =	sshrl.u32 s28, $0x3;
	s8 =	sadd.s32 $0x1800, s9  }
0xc: {  	s11 =	smax.u32 s11, $0x1;
	s17 =	sshrl.u32 s5, $0x3;
	s6 =	sadd.s32 s6, s4  }
0xd: {  	s10 =	sadd.s32 s7, s4;
	s7 =	sadd.s32 $0x1000, s9;
	s4 =	sadd.s32 $0x2800, s6  }
0xe: {  	v0 =	vimm.f32 $0.0e+00;
	v1 =	vimm.f32 $1.000000000e+00;
	s6 =	sadd.s32 $0x800, s9;
	s9 =	sadd.s32 $0x2000, s9;
	s10 =	sadd.s32 $0xC800, s10  }
.LBB2_1:
0xf: {  	[tilespmem:s3], [sflag:$0x1] =	stream.linear.gather [hbm4b:s4+s3], $0x2800, $0x38;
	[tilespmem:$0x6000] =	vst v63  }
0x10: {  	_ =	swait.ge [sflag:s12], $0x2800  }
0x11: {  	[sflag:s12] =	ssyncset.done $0x0  }
0x12: {  	s19 =	simm.s32 $0x0;
	[sflag:s12] =	ssyncadd.s32 $0xFFFFD800  }
.LBB2_2:
0x13: {  	p0 =	sne.s32 s19, $0x1FC0  }
.Ltmp0:
0x14: {  	_ = 	snop;
	(pc) =	sbr.rel @p0 .LBB2_2-.Ltmp0, $3  }
0x15: {  	_ =	sdelay $0x1  }
0x16: {  	s20 =	sshra.s32 s19, $0x2  }
0x17: {  	s19 =	sadd.s32 $0x40, s19;
	[tilespmem:s20+$0x3000] =	vst v0  }
0x18: {  	s19 =	simm.s32 $0x40;
	s20 =	simm.s32 $0x0  }
.LBB2_4:
0x19: {  	p0 =	sne.s32 s19, $0x1FC0;
	[tilespmem:s20+$0x2800] =	vst v1;
	s20 =	smov.u32 s19;
	s19 =	sadd.s32 $0x40, s19  }
.Ltmp1:
0x1a: {  	(pc) =	sbr.rel @p0 .LBB2_4-.Ltmp1, $2  }
0x1b: {  	_ =	sdelay $0x2  }
0x1c: {  	s20 =	sshra.s32 s20, $0x2  }
0x1d: {  	[tilespmem:s20+$0x2800] =	vst v1  }
0x1e: {  	[spmem:s5] =	stream.linear.scatter [tilespmem:s13], [sflag:$0x1], $0x800, $0x38;
	[tilespmem:$0x6000] =	vst v63  }
0x1f: {  	_ =	swait.ge [sflag:s12], $0x800  }
0x20: {  	[sflag:s12] =	ssyncset.done $0x0  }
0x21: {  	[sflag:s12] =	ssyncadd.s32 $0xFFFFF800  }
0x22: {  	[spmem:s6] =	stream.linear.scatter [tilespmem:s13], [sflag:$0x1], $0x800, $0x38;
	[tilespmem:$0x6000] =	vst v63  }
0x23: {  	_ =	swait.ge [sflag:s12], $0x800  }
0x24: {  	[sflag:s12] =	ssyncset.done $0x0  }
0x25: {  	[sflag:s12] =	ssyncadd.s32 $0xFFFFF800  }
0x26: {  	[spmem:s7] =	stream.linear.scatter [tilespmem:s13], [sflag:$0x1], $0x800, $0x38;
	[tilespmem:$0x6000] =	vst v63  }
0x27: {  	_ =	swait.ge [sflag:s12], $0x800  }
0x28: {  	[sflag:s12] =	ssyncset.done $0x0  }
0x29: {  	[sflag:s12] =	ssyncadd.s32 $0xFFFFF800  }
0x2a: {  	[spmem:s8] =	stream.linear.scatter [tilespmem:s13], [sflag:$0x1], $0x800, $0x38;
	[tilespmem:$0x6000] =	vst v63  }
0x2b: {  	_ =	swait.ge [sflag:s12], $0x800  }
0x2c: {  	[sflag:s12] =	ssyncset.done $0x0  }
0x2d: {  	[sflag:s12] =	ssyncadd.s32 $0xFFFFF800  }
0x2e: {  	[spmem:s9] =	stream.linear.scatter [tilespmem:s13], [sflag:$0x1], $0x800, $0x38;
	[tilespmem:$0x6000] =	vst v63  }
0x2f: {  	_ =	swait.ge [sflag:s12], $0x800  }
0x30: {  	[sflag:s12] =	ssyncset.done $0x0  }
0x31: {  	[sflag:s12] =	ssyncadd.s32 $0xFFFFF800  }
0x32: {  	s19 =	simm.s32 $0x0;
	[bflag:$0x0] =	sbarrier.arrive $0xFFFF  }
0x33: {  	[spmem:s2] =	stream.indirect.scatter.add.f32 [tilespmem:s15], [sflag:$0x1], $0x10, s19, s14, $0xb8;
	[tilespmem:$0x6000] =	vst v63  }
0x34: {  	_ =	swait.ge [sflag:s12], $0x800  }
0x35: {  	s19 =	simm.s32 $0x200;
	[sflag:s12] =	ssyncset.done $0x0  }
.LBB2_6:
0x36: {  	s20 =	sshra.s32 s19, $0x2;
	[sflag:s12] =	ssyncadd.s32 $0xFFFFF800;
	p0 =	sne.s32 s19, $0x9E00  }
0x37: {  	[spmem:s2] =	stream.indirect.scatter.add.f32 [tilespmem:s15], [sflag:$0x1], $0x10, s20, s14, $0xb8;
	[tilespmem:$0x6000] =	vst v63  }
.Ltmp2:
0x38: {  	_ = 	snop;
	(pc) =	sbr.rel @p0 .LBB2_6-.Ltmp2, $4  }
0x39: {  	_ = 	snop  }
0x3a: {  	s19 =	sadd.s32 $0x200, s19  }
0x3b: {  	_ =	swait.ge [sflag:s12], $0x800  }
0x3c: {  	[sflag:s12] =	ssyncset.done $0x0  }
0x3d: {  	s18 =	sadd.s32 $0x1, s18  }
0x3e: {  	[sflag:s12] =	ssyncadd.s32 $0xFFFFF800;
	p0 =	sne.s32 s18, s11  }
.Ltmp3:
0x3f: {  	[bflag:$0x0] =	sbarrier.arrive $0xFFFF;
	(pc) =	sbr.rel @p0 .LBB2_1-.Ltmp3, $4  }
0x40: {  	[hbm:s10], [sflag:s16] =	dma.local [spmem:s17], $0x500  }
0x41: {  	_ =	swait.ge [sflag:s12], $0x500  }
0x42: {  	[sflag:s12] =	ssyncset.done $0x0  }
0x43: {  	[sflag:s12] =	ssyncadd.s32 $0xFFFFFB00  }
0x44: {  	_ =	sfence.sel $0x180000  }
0x45: {  	[bflag:$0x0] =	sbarrier.arrive $0xFFFF  }
0x46: {  	p0 =	sne.s32 s0, $0x0;
	_ =	strace $0x90000047  }
0x47: {  	s0 =	sadd.s32 @!p0 $0x100000, s1;
	[bflag:$0x2] =	sbarrier.arrive $0xFFFF  }
0x48: {  	[sflag:s0] =	ssyncadd.tile.s32 @!p0 $0x1;
	_ =	shalt  }
.Lfunc_end2:
_tile_overlayer_lowered:
.L_overlay_start_2:
0x49: {  	(tag) =	ssettag $0x2  }
0x4a: {  	s0 =	rddreg [dreg:$0x0];
	s2 =	stileid.u32  }
0x4b: {  	s1 =	rddreg [dreg:$0x1];
	p0 =	sne.s32 s2, $0x0  }
0x4c: {  	s3 =	rddreg [dreg:$0x2];
	[bflag:$0x3] =	sbarrier.arrive $0xFFFF;
	s2 =	simm.s32 @!p0 $0x1C01  }
0x4d: {  	[timem:s3], [sflag:s2] =	dma.local @!p0 [hbm:s0], s1  }
0x4e: {  	s0 =	simm.s32 @!p0 $0x1  }
0x4f: {  	_ =	swait.ge @!p0 [sflag:s0], s1  }
0x50: {  	s1 =	ssub.s32 @!p0 $0x0, s1;
	[sflag:s0] =	ssyncset.done @!p0 $0x0  }
0x51: {  	[sflag:s0] =	ssyncadd.s32 @!p0 s1  }
0x52: {  	[bflag:$0x3] =	sbarrier.arrive $0xFFFF  }
0x53: {  	_ =	shalt  }

// kernel: kernel.13.cloned.1.call-start
scs
__scs_entry_jumppad:
0x0: {  	(pc) =	sbr.rel $0x88, $3  }
0x1: {  	(tag) =	ssettag $0x0;
	lr =	simm.s32 $0x1  }
0x2: {  	[smem:$0x3F96] =	sst lr;
	_ =	strace $0xD0000000  }
0x3: {  	_ = 	snop  }
0x4: {  	_ = 	snop  }
0x5: {  	_ = 	snop  }
0x6: {  	_ = 	snop  }
0x7: {  	_ = 	snop  }
__scs_overlays_trampoline_lowered:
0x8: {  	[smem:$0x3FA5] =	sst s0  }
0x9: {  	[smem:$0x3FA6] =	sst s1  }
0xa: {  	[smem:$0x3FA7] =	sst s2  }
0xb: {  	[smem:$0x3FA8] =	sst s3  }
0xc: {  	[smem:$0x3FA9] =	sst s4  }
0xd: {  	[smem:$0x3FAA] =	sst s5  }
0xe: {  	[smem:$0x3FAB] =	sst s6  }
0xf: {  	[smem:$0x3FAC] =	sst s7  }
0x10: {  	[smem:$0x3FAD] =	sst s8  }
0x11: {  	[smem:$0x3FAE] =	sst s9;
	s0 =	simm.s32 @!p0 $0x0  }
0x12: {  	s1 =	sld [smem:$0x3F94];
	s0 =	simm.s32 @p0 $0x1  }
0x13: {  	[smem:$0x3FAF] =	sst s0;
	s0 =	simm.s32 @!p1 $0x0  }
0x14: {  	s2 =	sld [smem:$0x3F93];
	s0 =	simm.s32 @p1 $0x1  }
0x15: {  	[smem:$0x3FB0] =	sst s0;
	s0 =	simm.s32 @!p2 $0x0  }
0x16: {  	s3 =	sld [smem:$0x3FDB];
	s0 =	simm.s32 @p2 $0x1  }
0x17: {  	s4 =	simm.s32 $0x1BF5;
	[smem:$0x3FB2] =	sst s0  }
0x18: {  	s0 =	sld [smem:$0x3F95];
	_ =	swait.ge [sflag:s4], $0x0  }
0x19: {  	s7 =	sld [smem:$0x3F96]  }
0x1a: {  	s8 =	sadd.s32 $0xFFFFE003, lr  }
0x1b: {  	s9 =	sadd.s32 $0xFFFFFEF7, lr;
	s5 =	simm.s32 $0xFFFFFFFF;
	p2 =	slt.u32 s8, $0xFFFFF086  }
0x1c: {  	p1 =	slt.u32 s9, $0xF7A;
	s5 =	simm.s32 @!p2 $0x0  }
0x1d: {  	s5 =	simm.s32 @p1 $0x1;
	p0 =	seq.s32 s7, s2  }
0x1e: {  	s7 =	smul.u32 @!p0 $0xF7A, s2;
	p2 =	seq.s32 @!p0 s5, $0x0  }
0x1f: {  	s9 =	smul.u32 $0xF7A, s1;
	s8 =	simm.s32 @!p0 $0x1BF5;
	p2 =	por !p2, p0  }
0x20: {  	[sflag:s8] =	ssyncset.s32 @!p0 $0xFFFFF086;
	s6 =	sadd.s32 @!p0 s3, s7;
	s7 =	simm.s32 @!p0 $0x108  }
0x21: {  	s3 =	sadd.s32 s3, s9;
	s6 =	sadd.s32 @!p0 $0x88, s6;
	s7 =	simm.s32 @p2 $0x1082  }
0x22: {  	[simem:s7], [sflag:s8] =	dma.local @!p0 [hbm:s6], $0xF7A  }
0x23: {  	s9 =	sor.u32 $0xD0000000, s2;
	s6 =	simm.s32 $0x108;
	_ =	swait.ge @!p0 [sflag:s8], $0x0  }
0x24: {  	s3 =	sadd.s32 $0x88, s3;
	s6 =	simm.s32 @!p1 $0x1082;
	[sflag:s4] =	ssyncset.s32 $0xFFFFF086  }
0x25: {  	[simem:s6], [sflag:s4] =	dma.local [hbm:s3], $0xF7A  }
0x26: {  	[smem:$0x3F96] =	sst s1;
	(tag) =	ssettag s2;
	_ =	strace s9  }
0x27: {  	s1 =	sld [smem:$0x3FA6]  }
0x28: {  	s2 =	sld [smem:$0x3FA7]  }
0x29: {  	s4 =	sld [smem:$0x3FA9]  }
0x2a: {  	p0 =	seq.s32 s5, $0x0;
	s5 =	sld [smem:$0x3FAA]  }
0x2b: {  	s6 =	sld [smem:$0x3FAB]  }
0x2c: {  	s7 =	sld [smem:$0x3FAC]  }
0x2d: {  	s3 =	simm.s32 $0x108;
	s8 =	sld [smem:$0x3FAD]  }
0x2e: {  	s3 =	simm.s32 @!p0 $0x1082;
	s9 =	sld [smem:$0x3FAE]  }
0x2f: {  	lr =	sadd.s32 s0, s3;
	s0 =	sld [smem:$0x3FA5]  }
0x30: {  	s3 =	sld [smem:$0x3FA8]  }
0x31: {  	[smem:$0x3FB1] =	sst s10  }
0x32: {  	s10 =	sld [smem:$0x3FAF];
	_ =	sdelay $0x3  }
0x33: {  	p0 =	seq.s32 s10, $0x1;
	s10 =	sld [smem:$0x3FB1];
	_ =	sdelay $0x3  }
0x34: {  	[smem:$0x3FB1] =	sst s10  }
0x35: {  	s10 =	sld [smem:$0x3FB0];
	_ =	sdelay $0x3  }
0x36: {  	p1 =	seq.s32 s10, $0x1;
	s10 =	sld [smem:$0x3FB1];
	_ =	sdelay $0x3  }
0x37: {  	[smem:$0x3FB1] =	sst s10  }
0x38: {  	s10 =	sld [smem:$0x3FB2]  }
0x39: {  	_ = 	snop;
	(pc) =	sbr.ind lr, $3  }
0x3a: {  	_ = 	snop  }
0x3b: {  	_ = 	snop  }
0x3c: {  	p2 =	seq.s32 s10, $0x1;
	s10 =	sld [smem:$0x3FB1]  }
0x3d: {  	_ =	shalt  }
0x3e: {  	_ =	shalt  }
0x3f: {  	_ =	shalt  }
0x40: {  	_ =	shalt  }
0x41: {  	_ =	shalt  }
0x42: {  	_ =	shalt  }
0x43: {  	_ =	shalt  }
0x44: {  	_ =	shalt  }
0x45: {  	_ =	shalt  }
0x46: {  	_ =	shalt  }
0x47: {  	_ =	shalt  }
0x48: {  	_ =	shalt  }
0x49: {  	_ =	shalt  }
0x4a: {  	_ =	shalt  }
0x4b: {  	_ =	shalt  }
0x4c: {  	_ =	shalt  }
0x4d: {  	_ =	shalt  }
0x4e: {  	_ =	shalt  }
0x4f: {  	_ =	shalt  }
0x50: {  	_ =	shalt  }
0x51: {  	_ =	shalt  }
0x52: {  	_ =	shalt  }
0x53: {  	_ =	shalt  }
0x54: {  	_ =	shalt  }
0x55: {  	_ =	shalt  }
0x56: {  	_ =	shalt  }
0x57: {  	_ =	shalt  }
0x58: {  	_ =	shalt  }
0x59: {  	_ =	shalt  }
0x5a: {  	_ =	shalt  }
0x5b: {  	_ =	shalt  }
0x5c: {  	_ =	shalt  }
0x5d: {  	_ =	shalt  }
0x5e: {  	_ =	shalt  }
0x5f: {  	_ =	shalt  }
0x60: {  	_ =	shalt  }
0x61: {  	_ =	shalt  }
0x62: {  	_ =	shalt  }
0x63: {  	_ =	shalt  }
0x64: {  	_ =	shalt  }
0x65: {  	_ =	shalt  }
0x66: {  	_ =	shalt  }
0x67: {  	_ =	shalt  }
0x68: {  	_ =	shalt  }
0x69: {  	_ =	shalt  }
0x6a: {  	_ =	shalt  }
0x6b: {  	_ =	shalt  }
0x6c: {  	_ =	shalt  }
0x6d: {  	_ =	shalt  }
0x6e: {  	_ =	shalt  }
0x6f: {  	_ =	shalt  }
0x70: {  	_ =	shalt  }
0x71: {  	_ =	shalt  }
0x72: {  	_ =	shalt  }
0x73: {  	_ =	shalt  }
0x74: {  	_ =	shalt  }
0x75: {  	_ =	shalt  }
0x76: {  	_ =	shalt  }
0x77: {  	_ =	shalt  }
0x78: {  	_ =	shalt  }
0x79: {  	_ =	shalt  }
0x7a: {  	_ =	shalt  }
0x7b: {  	_ =	shalt  }
0x7c: {  	_ =	shalt  }
0x7d: {  	_ =	shalt  }
0x7e: {  	_ =	shalt  }
0x7f: {  	_ =	shalt  }
0x80: {  	_ =	shalt  }
0x81: {  	_ =	shalt  }
0x82: {  	_ =	shalt  }
0x83: {  	_ =	shalt  }
0x84: {  	_ =	shalt  }
0x85: {  	_ =	shalt  }
0x86: {  	_ =	shalt  }
0x87: {  	_ =	shalt  }
.Lfunc_end0:
.L_simem_size_0:
called_computation.1_lowered:
.L_overlay_start_0:
0x88: {  	s2 =	sld [smem:$0x3FD9]  }
0x89: {  	s3 =	sld [smem:$0x3FFE];
	_ =	sdelay $0x1  }
0x8a: {  	s1 =	srdreg.scid  }
0x8b: {  	s0 =	sand.u32 $0x1, s1  }
0x8c: {  	s16 =	sshll.u32 s0, $0xA;
	s2 =	sadd.s32 s3, s2  }
0x8d: {  	s2 =	sadd.s32 s2, s16  }
0x8e: {  	[smem:$0x3FBD] =	sst s2  }
0x8f: {  	_ = 	snop  }
0x90: {  	(tm) =	ssettm $0x1  }
0x91: {  	s17 =	sld [smem:$0x3FFB];
	_ =	sdelay $0x3  }
0x92: {  	_ =	strace s17  }
0x93: {  	s2 =	sld [smem:$0x3FFC];
	_ =	sdelay $0x3  }
0x94: {  	_ =	strace s2  }
0x95: {  	s2 =	sld [smem:$0x3FFD];
	_ =	sdelay $0x3  }
0x96: {  	_ =	strace s2  }
0x97: {  	_ =	strace $0x8FFFFFFF  }
0x98: {  	s18 =	sld [smem:$0x3FDB];
	_ =	sdelay $0x1  }
0x99: {  	s19 =	simm.s32 $_scs_section_size  }
0x9a: {  	s4 =	simm.s32 $_size__tile_overlayer_lowered;
	s5 =	simm.s32 $_tile_overlayer_lowered  }
0x9b: {  	s22 =	simm.s32 $0x1BFF;
	s21 =	sshll.u32 s5, $0x1;
	s2 =	sadd.s32 s19, s18  }
0x9c: {  	s6 =	simm.s32 $0x0;
	s20 =	sshll.u32 s4, $0x1;
	s4 =	sadd.s32 s21, s2  }
0x9d: {  	[timem:s6], [sflag:s22] =	dma.local [hbm:s4], s20  }
0x9e: {  	_ =	swait.ge [sflag:s22], s20  }
0x9f: {  	s3 =	ssub.s32 $0x0, s20;
	[sflag:s22] =	ssyncset.done $0x0  }
0xa0: {  	[sflag:s22] =	ssyncadd.s32 s3;
	_ =	sdelay $0x1  }
0xa1: {  	s23 =	simm.s32 $0x1B8B  }
0xa2: {  	_ =	swait.ge [sflag:s23], $0x1  }
0xa3: {  	[sflag:s23] =	ssyncset.done $0x0  }
0xa4: {  	s25 =	simm.s32 $0x1B8E;
	s24 =	sld [smem:$0x3FFE];
	[sflag:s23] =	ssyncadd.s32 $0xFFFFFFFF  }
0xa5: {  	s26 =	simm.s32 $execute0_lowered;
	[smem:$0x3FD2] =	sst s25  }
0xa6: {  	s4 =	sshll.u32 s26, $0x1;
	_ =	strace $0x80000049;
	[dreg:$0x1] =	wrdreg $0xFFFFFFFF  }
0xa7: {  	s28 =	simm.s32 $_size_execute0_lowered;
	s2 =	sadd.s32 s2, s4;
	[dreg:$0x0] =	wrdreg $0x0  }
0xa8: {  	s4 =	sshll.u32 s28, $0x1;
	[dreg:$0x2] =	wrdreg s2  }
0xa9: {  	[dreg:$0x3] =	wrdreg s4  }
0xaa: {  	[dreg:$0x4] =	wrdreg $0xC0  }
0xab: {  	_ =	task [dreg:s6], $0x5FFFF  }
0xac: {  	[dreg:$0x1] =	wrdreg $0xFFFFFFFF  }
0xad: {  	[dreg:$0x0] =	wrdreg $0x60  }
0xae: {  	[dreg:$0x2] =	wrdreg s24  }
0xaf: {  	[dreg:$0x3] =	wrdreg $0x140000  }
0xb0: {  	[dreg:$0x4] =	wrdreg $0x9  }
0xb1: {  	_ =	task.clear_ibuf [dreg:s6], $0x5FFFF;
	_ =	strace $0x90000049  }
0xb2: {  	s29 =	simm.s32 $0x9;
	_ =	strace $0x8000004B  }
0xb3: {  	_ =	swait.ge [sflag:s29], $0x1  }
0xb4: {  	[sflag:s29] =	ssyncadd.s32 $0xFFFFFFFF  }
0xb5: {  	_ =	strace $0x9000004B  }
0xb6: {  	_ =	sfence  }
0xb7: {  	s30 =	sld [smem:$0x0];
	_ =	sdelay $0x2  }
0xb8: {  	s31 =	sshll.u32 s1, $0xD;
	s1 =	sshrl.u32 s1, $0x2  }
0xb9: {  	s3 =	sand.u32 $0x4000, s31;
	s1 =	sadd.s32 s1, s30  }
0xba: {  	s0 =	sor.u32 s3, s0;
	s1 =	sshll.u32 s1, $0x11  }
0xbb: {  	s0 =	sor.u32 s1, s0  }
0xbc: {  	s0 =	sadd.s32 $0x8F2B, s0  }
0xbd: {  	[sflag:s0] =	ssyncadd.remote.s32 $0x1  }
0xbe: {  	_ =	sfence.sel $0xFFFF  }
0xbf: {  	[dreg:$0x0] =	wrdreg $0xFFFFFFFF;
	(pc) =	sbr.abs _section_cstart, $3  }
0xc0: {  	[dreg:$0x1] =	wrdreg $0xFFFFFFFF  }
0xc1: {  	_ =	task.clear_ibuf [dreg:s6], $0x2FFFF;
	_ =	strace $0x9FFFFFFF  }
0xc2: {  	(tm) =	ssettm $0x7FFFFFFF  }
0xc3: {  	_ =	shalt  }
tec
execute0_lowered:
.L_overlay_start_1:
0x0: {  	(tag) =	ssettag $0x1  }
0x1: {  	s0 =	rddreg [dreg:$0x0]  }
0x2: {  	s2 =	rddreg [dreg:$0x1]  }
0x3: {  	s10 =	stileid.u32;
	s4 =	srdreg.scid;
	s3 =	simm.s32 $0x0  }
0x4: {  	s16 =	simm.s32 $0x9;
	s17 =	simm.s32 $0x5000;
	s18 =	simm.s32 $0x80  }
0x5: {  	s19 =	simm.s32 $0xA000;
	s20 =	simm.s32 $0xC000;
	s22 =	simm.s32 $0xE000  }
0x6: {  	s28 =	simm.s32 $0x5;
	s30 =	simm.s32 $0x2;
	s1 =	smul.u32 $0xA00, s10  }
0x7: {  	s31 =	simm.s32 $0x7;
	s29 =	simm.s32 $0x4;
	s7 =	smul.u32 $0xA000, s10  }
0x8: {  	s21 =	simm.s32 $0x8;
	s6 =	sand.u32 $0x1, s4;
	s10 =	smul.u32 $0x28000, s10  }
0x9: {  	[smem:$0x7FF] =	sst s3;
	s4 =	sadd.s32 $0x84200, s0;
	s5 =	smul.u32 $0xA0000, s6  }
0xa: {  	_ =	strace $0x8000004A;
	s9 =	ssub.s32 $0x2, s6;
	p0 =	seq.s32 s6, $0x0  }
0xb: {  	s1 =	sadd.s32 s1, s0;
	s11 =	sshrl.u32 s9, $0x1;
	s23 =	sshrl.u32 s10, $0x2  }
0xc: {  	s8 =	sadd.s32 s7, s5;
	s5 =	sadd.s32 $0x70800, s0;
	s15 =	ssub.s32 s9, s11  }
0xd: {  	s24 =	sadd.s32 $0x16800, s1;
	s1 =	sadd.s32 $0x2800, s1;
	s25 =	sadd.s32 s23, s2  }
0xe: {  	s23 =	simm.s32 $0x12000;
	s8 =	sshrl.u32 s8, $0x3;
	[dreg:$0x3] =	wrdreg s24  }
0xf: {  	[dreg:$0x4] =	wrdreg s1;
	s26 =	sadd.s32 $0x2000, s25;
	s10 =	sadd.s32 $0x4000, s25  }
.Ltmp0:
0x10: {  	s11 =	sadd.s32 $0x6000, s25;
	s12 =	sadd.s32 $0x8000, s25;
	(pc) =	sbr.rel .LBB2_1-.Ltmp0, $4  }
0x11: {  	s13 =	smov.u32 s5;
	s15 =	smax.u32 s15, $0x1;
	s25 =	simm.s32 $0x10000  }
0x12: {  	s24 =	simm.s32 $0x3;
	s1 =	simm.s32 $0x0;
	s0 =	sadd.s32 s8, s0  }
0x13: {  	s8 =	sadd.s32 s7, s2;
	[dreg:$0x5] =	wrdreg s26;
	s13 =	smov.u32 @p0 s4  }
0x14: {  	v0 =	vimm.f32 $0.0e+00;
	s26 =	simm.s32 $0x1;
	s14 =	sadd.s32 $0x97C00, s0;
	s0 =	simm.s32 $0x6  }
.LBB2_6:
0x15: {  	[spmem:s2] =	stream.indirect.scatter.add.f32 [tilespmem:s25], [sflag:$0x8], $0x40, s7, s18, $0xb8;
	[tilespmem:$0x1E000] =	vst v63  }
0x16: {  	_ =	swait.ge [sflag:s21], $0x2000  }
0x17: {  	[sflag:s21] =	ssyncset.done $0x0  }
0x18: {  	s6 =	simm.s32 $0x4F80;
	[sflag:s21] =	ssyncadd.s32 $0xFFFFE000  }
0x19: {  	[tilespmem:s25], [sflag:$0x4] =	stream.indirect.gather [hbm4b:s5+s18], $0x40, s6, s18, $0xb8;
	[tilespmem:$0x1E000] =	vst v63  }
0x1a: {  	_ =	swait.ge [sflag:s26], $0x2000  }
0x1b: {  	[sflag:s26] =	ssyncset.done $0x0  }
0x1c: {  	s7 =	simm.s32 $0x9E00;
	[sflag:s26] =	ssyncadd.s32 $0xFFFFE000  }
0x1d: {  	[spmem:s2] =	stream.indirect.scatter.add.f32 [tilespmem:s19], [sflag:$0x5], $0x40, s7, s18, $0xb8;
	[tilespmem:$0x1E000] =	vst v63  }
0x1e: {  	_ =	swait.ge [sflag:s30], $0x2000  }
0x1f: {  	[sflag:s30] =	ssyncset.done $0x0  }
0x20: {  	s9 =	simm.s32 $0x9E80;
	[sflag:s30] =	ssyncadd.s32 $0xFFFFE000  }
0x21: {  	[spmem:s2] =	stream.indirect.scatter.add.f32 [tilespmem:s20], [sflag:$0x6], $0x40, s9, s18, $0xb8;
	[tilespmem:$0x1E000] =	vst v63  }
0x22: {  	_ =	swait.ge [sflag:s24], $0x2000  }
0x23: {  	[sflag:s24] =	ssyncset.done $0x0  }
0x24: {  	s7 =	simm.s32 $0x9F00;
	[sflag:s24] =	ssyncadd.s32 $0xFFFFE000  }
0x25: {  	[spmem:s2] =	stream.indirect.scatter.add.f32 [tilespmem:s22], [sflag:$0x7], $0x40, s7, s18, $0xb8;
	[tilespmem:$0x1E000] =	vst v63  }
0x26: {  	_ =	swait.ge [sflag:s29], $0x2000  }
0x27: {  	[sflag:s29] =	ssyncset.done $0x0  }
0x28: {  	s9 =	simm.s32 $0x9F80;
	[sflag:s29] =	ssyncadd.s32 $0xFFFFE000  }
0x29: {  	[spmem:s2] =	stream.indirect.scatter.add.f32 [tilespmem:s25], [sflag:$0x8], $0x40, s9, s18, $0xb8;
	[tilespmem:$0x1E000] =	vst v63  }
.LBB2_10:
0x2a: {  	_ =	swait.ge [sflag:s28], $0x2000  }
0x2b: {  	[sflag:s28] =	ssyncset.done $0x0  }
0x2c: {  	[sflag:s28] =	ssyncadd.s32 $0xFFFFE000  }
0x2d: {  	_ =	swait.ge [sflag:s0], $0x2000  }
0x2e: {  	[sflag:s0] =	ssyncset.done $0x0  }
0x2f: {  	[sflag:s0] =	ssyncadd.s32 $0xFFFFE000  }
0x30: {  	_ =	swait.ge [sflag:s31], $0x2000  }
0x31: {  	[sflag:s31] =	ssyncset.done $0x0  }
0x32: {  	[sflag:s31] =	ssyncadd.s32 $0xFFFFE000  }
0x33: {  	s6 =	stileid.u32;
	_ =	swait.ge [sflag:s21], $0x2000  }
0x34: {  	s7 =	sshrl.u32 s8, $0x3;
	s1 =	sadd.s32 $0x1, s1;
	[sflag:s21] =	ssyncset.done $0x0  }
0x35: {  	s6 =	sshll.u32 s6, $0x6;
	p1 =	sne.s32 s1, s15;
	[sflag:s21] =	ssyncadd.s32 $0xFFFFE000  }
.Ltmp1:
0x36: {  	s6 =	sor.u32 $0x1C09, s6;
	[bflag:$0x0] =	sbarrier.arrive $0xFFFF;
	(pc) =	sbr.rel @!p1 .LBB2_11-.Ltmp1, $4  }
0x37: {  	[hbm:s14], [sflag:s6] =	dma.local [spmem:s7], $0x1400  }
0x38: {  	_ =	swait.ge [sflag:s16], $0x1400  }
0x39: {  	[sflag:s16] =	ssyncset.done $0x0  }
0x3a: {  	[sflag:s16] =	ssyncadd.s32 $0xFFFFEC00  }
.LBB2_1:
0x3b: {  	s6 =	rddreg [dreg:$0x3]  }
0x3c: {  	[tilespmem:s3], [sflag:$0x9] =	stream.linear.gather [hbm4b:s6+s3], $0x5000, $0x38;
	[tilespmem:$0x1E000] =	vst v63  }
0x3d: {  	_ =	swait.ge [sflag:s16], $0x5000  }
0x3e: {  	[sflag:s16] =	ssyncset.done $0x0  }
0x3f: {  	s7 =	rddreg [dreg:$0x4];
	[sflag:s16] =	ssyncadd.s32 $0xFFFFB000  }
0x40: {  	[tilespmem:s17], [sflag:$0x9] =	stream.linear.gather [hbm4b:s7+s3], $0x5000, $0x38;
	[tilespmem:$0x1E000] =	vst v63  }
0x41: {  	_ =	swait.ge [sflag:s16], $0x5000  }
0x42: {  	[sflag:s16] =	ssyncset.done $0x0  }
0x43: {  	[sflag:s16] =	ssyncadd.s32 $0xFFFFB000  }
0x44: {  	[tilespmem:s19], [sflag:$0x1] =	stream.indirect.gather [hbm4b:s13+s18], $0x40, s3, s18, $0xb8;
	[tilespmem:$0x1E000] =	vst v63  }
0x45: {  	_ = 	snop  }
0x46: {  	[tilespmem:s20], [sflag:$0x2] =	stream.indirect.gather [hbm4b:s13+s18], $0x40, s18, s18, $0xb8;
	[tilespmem:$0x1E000] =	vst v63  }
0x47: {  	s9 =	simm.s32 $0x100;
	s6 =	simm.s32 $0x0;
	s7 =	simm.s32 $0x100  }
0x48: {  	[tilespmem:s22], [sflag:$0x3] =	stream.indirect.gather [hbm4b:s13+s18], $0x40, s9, s18, $0xb8;
	[tilespmem:$0x1E000] =	vst v63  }
.LBB2_2:
0x49: {  	p1 =	sne.s32 s7, $0x7F00;
	[tilespmem:s6+$0x12030] =	vst v0;
	s9 =	smov.u32 s7;
	s7 =	sadd.s32 $0x100, s7  }
.Ltmp2:
0x4a: {  	[tilespmem:s6+$0x12020] =	vst v0;
	(pc) =	sbr.rel @p1 .LBB2_2-.Ltmp2, $3  }
0x4b: {  	[tilespmem:s6+$0x12000] =	vst v0  }
0x4c: {  	[tilespmem:s6+$0x12010] =	vst v0;
	_ =	sdelay $0x1  }
0x4d: {  	s6 =	sshra.s32 s9, $0x2  }
0x4e: {  	[tilespmem:s6+$0x12030] =	vst v0  }
0x4f: {  	[tilespmem:s6+$0x12020] =	vst v0  }
0x50: {  	[tilespmem:s6+$0x12000] =	vst v0  }
0x51: {  	[tilespmem:s6+$0x12010] =	vst v0  }
0x52: {  	[spmem:s8] =	stream.linear.scatter [tilespmem:s23], [sflag:$0x9], $0x2000, $0x38;
	[tilespmem:$0x1E000] =	vst v63  }
0x53: {  	_ =	swait.ge [sflag:s16], $0x2000  }
0x54: {  	[sflag:s16] =	ssyncset.done $0x0  }
0x55: {  	s9 =	rddreg [dreg:$0x5];
	[sflag:s16] =	ssyncadd.s32 $0xFFFFE000  }
0x56: {  	[spmem:s9] =	stream.linear.scatter [tilespmem:s23], [sflag:$0x9], $0x2000, $0x38;
	[tilespmem:$0x1E000] =	vst v63  }
0x57: {  	_ =	swait.ge [sflag:s16], $0x2000  }
0x58: {  	[sflag:s16] =	ssyncset.done $0x0  }
0x59: {  	[sflag:s16] =	ssyncadd.s32 $0xFFFFE000  }
0x5a: {  	[spmem:s10] =	stream.linear.scatter [tilespmem:s23], [sflag:$0x9], $0x2000, $0x38;
	[tilespmem:$0x1E000] =	vst v63  }
0x5b: {  	_ =	swait.ge [sflag:s16], $0x2000  }
0x5c: {  	[sflag:s16] =	ssyncset.done $0x0  }
0x5d: {  	[sflag:s16] =	ssyncadd.s32 $0xFFFFE000  }
0x5e: {  	[spmem:s11] =	stream.linear.scatter [tilespmem:s23], [sflag:$0x9], $0x2000, $0x38;
	[tilespmem:$0x1E000] =	vst v63  }
0x5f: {  	_ =	swait.ge [sflag:s16], $0x2000  }
0x60: {  	[sflag:s16] =	ssyncset.done $0x0  }
0x61: {  	[sflag:s16] =	ssyncadd.s32 $0xFFFFE000  }
0x62: {  	[spmem:s12] =	stream.linear.scatter [tilespmem:s23], [sflag:$0x9], $0x2000, $0x38;
	[tilespmem:$0x1E000] =	vst v63  }
.Ltmp3:
0x63: {  	_ =	swait.ge [sflag:s16], $0x2000;
	(pc) =	sbr.rel @!p0 .LBB2_4-.Ltmp3, $4  }
0x64: {  	[sflag:s16] =	ssyncset.done $0x0  }
0x65: {  	[sflag:s16] =	ssyncadd.s32 $0xFFFFE000  }
0x66: {  	[bflag:$0x0] =	sbarrier.arrive $0xFFFF  }
0x67: {  	s6 =	simm.s32 $0x180  }
0x68: {  	[tilespmem:s25], [sflag:$0x4] =	stream.indirect.gather [hbm4b:s4+s18], $0x40, s6, s18, $0xb8;
	[tilespmem:$0x1E000] =	vst v63  }
0x69: {  	_ =	swait.ge [sflag:s26], $0x2000  }
0x6a: {  	[sflag:s26] =	ssyncset.done $0x0  }
0x6b: {  	[sflag:s26] =	ssyncadd.s32 $0xFFFFE000  }
0x6c: {  	[spmem:s2] =	stream.indirect.scatter.add.f32 [tilespmem:s19], [sflag:$0x5], $0x40, s17, s18, $0xb8;
	[tilespmem:$0x1E000] =	vst v63  }
0x6d: {  	_ =	swait.ge [sflag:s28], $0x2000  }
0x6e: {  	[sflag:s28] =	ssyncset.done $0x0  }
0x6f: {  	s9 =	simm.s32 $0x200;
	[sflag:s28] =	ssyncadd.s32 $0xFFFFE000  }
0x70: {  	[tilespmem:s19], [sflag:$0x1] =	stream.indirect.gather [hbm4b:s4+s18], $0x40, s9, s18, $0xb8;
	[tilespmem:$0x1E000] =	vst v63  }
0x71: {  	_ =	swait.ge [sflag:s30], $0x2000  }
0x72: {  	[sflag:s30] =	ssyncset.done $0x0  }
0x73: {  	s7 =	simm.s32 $0x5080;
	[sflag:s30] =	ssyncadd.s32 $0xFFFFE000  }
0x74: {  	[spmem:s2] =	stream.indirect.scatter.add.f32 [tilespmem:s20], [sflag:$0x6], $0x40, s7, s18, $0xb8;
	[tilespmem:$0x1E000] =	vst v63  }
0x75: {  	_ =	swait.ge [sflag:s0], $0x2000  }
0x76: {  	[sflag:s0] =	ssyncset.done $0x0  }
0x77: {  	s9 =	simm.s32 $0x280;
	[sflag:s0] =	ssyncadd.s32 $0xFFFFE000  }
0x78: {  	[tilespmem:s20], [sflag:$0x2] =	stream.indirect.gather [hbm4b:s4+s18], $0x40, s9, s18, $0xb8;
	[tilespmem:$0x1E000] =	vst v63  }
0x79: {  	_ =	swait.ge [sflag:s24], $0x2000  }
0x7a: {  	[sflag:s24] =	ssyncset.done $0x0  }
0x7b: {  	s7 =	simm.s32 $0x5100;
	[sflag:s24] =	ssyncadd.s32 $0xFFFFE000  }
0x7c: {  	[spmem:s2] =	stream.indirect.scatter.add.f32 [tilespmem:s22], [sflag:$0x7], $0x40, s7, s18, $0xb8;
	[tilespmem:$0x1E000] =	vst v63  }
0x7d: {  	_ =	swait.ge [sflag:s31], $0x2000  }
0x7e: {  	[sflag:s31] =	ssyncset.done $0x0  }
0x7f: {  	s9 =	simm.s32 $0x300;
	[sflag:s31] =	ssyncadd.s32 $0xFFFFE000  }
0x80: {  	[tilespmem:s22], [sflag:$0x3] =	stream.indirect.gather [hbm4b:s4+s18], $0x40, s9, s18, $0xb8;
	[tilespmem:$0x1E000] =	vst v63  }
0x81: {  	_ =	swait.ge [sflag:s29], $0x2000  }
0x82: {  	[sflag:s29] =	ssyncset.done $0x0  }
0x83: {  	s7 =	simm.s32 $0x5180;
	[sflag:s29] =	ssyncadd.s32 $0xFFFFE000  }
0x84: {  	[spmem:s2] =	stream.indirect.scatter.add.f32 [tilespmem:s25], [sflag:$0x8], $0x40, s7, s18, $0xb8;
	[tilespmem:$0x1E000] =	vst v63  }
0x85: {  	_ =	swait.ge [sflag:s21], $0x2000  }
0x86: {  	[sflag:s21] =	ssyncset.done $0x0  }
0x87: {  	s9 =	simm.s32 $0x380;
	[sflag:s21] =	ssyncadd.s32 $0xFFFFE000  }
0x88: {  	[tilespmem:s25], [sflag:$0x4] =	stream.indirect.gather [hbm4b:s4+s18], $0x40, s9, s18, $0xb8;
	[tilespmem:$0x1E000] =	vst v63  }
0x89: {  	_ =	swait.ge [sflag:s26], $0x2000  }
0x8a: {  	[sflag:s26] =	ssyncset.done $0x0  }
0x8b: {  	s7 =	simm.s32 $0x5200;
	[sflag:s26] =	ssyncadd.s32 $0xFFFFE000  }
0x8c: {  	[spmem:s2] =	stream.indirect.scatter.add.f32 [tilespmem:s19], [sflag:$0x5], $0x40, s7, s18, $0xb8;
	[tilespmem:$0x1E000] =	vst v63  }
0x8d: {  	_ =	swait.ge [sflag:s28], $0x2000  }
0x8e: {  	[sflag:s28] =	ssyncset.done $0x0  }
0x8f: {  	s9 =	simm.s32 $0x400;
	[sflag:s28] =	ssyncadd.s32 $0xFFFFE000  }
0x90: {  	[tilespmem:s19], [sflag:$0x1] =	stream.indirect.gather [hbm4b:s4+s18], $0x40, s9, s18, $0xb8;
	[tilespmem:$0x1E000] =	vst v63  }
0x91: {  	_ =	swait.ge [sflag:s30], $0x2000  }
0x92: {  	[sflag:s30] =	ssyncset.done $0x0  }
0x93: {  	s7 =	simm.s32 $0x5280;
	[sflag:s30] =	ssyncadd.s32 $0xFFFFE000  }
0x94: {  	[spmem:s2] =	stream.indirect.scatter.add.f32 [tilespmem:s20], [sflag:$0x6], $0x40, s7, s18, $0xb8;
	[tilespmem:$0x1E000] =	vst v63  }
0x95: {  	_ =	swait.ge [sflag:s0], $0x2000  }
0x96: {  	[sflag:s0] =	ssyncset.done $0x0  }
0x97: {  	s9 =	simm.s32 $0x480;
	[sflag:s0] =	ssyncadd.s32 $0xFFFFE000  }
0x98: {  	[tilespmem:s20], [sflag:$0x2] =	stream.indirect.gather [hbm4b:s4+s18], $0x40, s9, s18, $0xb8;
	[tilespmem:$0x1E000] =	vst v63  }
0x99: {  	_ =	swait.ge [sflag:s24], $0x2000  }
0x9a: {  	[sflag:s24] =	ssyncset.done $0x0  }
0x9b: {  	s7 =	simm.s32 $0x5300;
	[sflag:s24] =	ssyncadd.s32 $0xFFFFE000  }
0x9c: {  	[spmem:s2] =	stream.indirect.scatter.add.f32 [tilespmem:s22], [sflag:$0x7], $0x40, s7, s18, $0xb8;
	[tilespmem:$0x1E000] =	vst v63  }
0x9d: {  	_ =	swait.ge [sflag:s31], $0x2000  }
0x9e: {  	[sflag:s31] =	ssyncset.done $0x0  }
0x9f: {  	s9 =	simm.s32 $0x500;
	[sflag:s31] =	ssyncadd.s32 $0xFFFFE000  }
0xa0: {  	[tilespmem:s22], [sflag:$0x3] =	stream.indirect.gather [hbm4b:s4+s18], $0x40, s9, s18, $0xb8;
	[tilespmem:$0x1E000] =	vst v63  }
0xa1: {  	_ =	swait.ge [sflag:s29], $0x2000  }
0xa2: {  	[sflag:s29] =	ssyncset.done $0x0  }
0xa3: {  	s6 =	simm.s32 $0x800;
	s7 =	simm.s32 $0x5380;
	[sflag:s29] =	ssyncadd.s32 $0xFFFFE000  }
.LBB2_8:
0xa4: {  	[spmem:s2] =	stream.indirect.scatter.add.f32 [tilespmem:s25], [sflag:$0x8], $0x40, s7, s18, $0xb8;
	[tilespmem:$0x1E000] =	vst v63  }
0xa5: {  	s7 =	smov.u32 s6  }
0xa6: {  	p1 =	seq.s32 s6, $0x12800;
	s6 =	sadd.s32 $0x800, s6;
	_ =	swait.ge [sflag:s21], $0x2000  }
0xa7: {  	s7 =	sshra.s32 s7, $0x2;
	[sflag:s21] =	ssyncset.done $0x0  }
0xa8: {  	s9 =	sadd.s32 $0x380, s7;
	[sflag:s21] =	ssyncadd.s32 $0xFFFFE000  }
0xa9: {  	[tilespmem:s25], [sflag:$0x4] =	stream.indirect.gather [hbm4b:s4+s18], $0x40, s9, s18, $0xb8;
	[tilespmem:$0x1E000] =	vst v63  }
0xaa: {  	_ =	swait.ge [sflag:s26], $0x2000  }
0xab: {  	[sflag:s26] =	ssyncset.done $0x0  }
0xac: {  	s9 =	sadd.s32 $0x5200, s7;
	[sflag:s26] =	ssyncadd.s32 $0xFFFFE000  }
0xad: {  	[spmem:s2] =	stream.indirect.scatter.add.f32 [tilespmem:s19], [sflag:$0x5], $0x40, s9, s18, $0xb8;
	[tilespmem:$0x1E000] =	vst v63  }
0xae: {  	_ =	swait.ge [sflag:s28], $0x2000  }
0xaf: {  	[sflag:s28] =	ssyncset.done $0x0  }
0xb0: {  	s9 =	sadd.s32 $0x400, s7;
	[sflag:s28] =	ssyncadd.s32 $0xFFFFE000  }
0xb1: {  	[tilespmem:s19], [sflag:$0x1] =	stream.indirect.gather [hbm4b:s4+s18], $0x40, s9, s18, $0xb8;
	[tilespmem:$0x1E000] =	vst v63  }
0xb2: {  	_ =	swait.ge [sflag:s30], $0x2000  }
0xb3: {  	[sflag:s30] =	ssyncset.done $0x0  }
0xb4: {  	s9 =	sadd.s32 $0x5280, s7;
	[sflag:s30] =	ssyncadd.s32 $0xFFFFE000  }
0xb5: {  	[spmem:s2] =	stream.indirect.scatter.add.f32 [tilespmem:s20], [sflag:$0x6], $0x40, s9, s18, $0xb8;
	[tilespmem:$0x1E000] =	vst v63  }
0xb6: {  	_ =	swait.ge [sflag:s0], $0x2000  }
0xb7: {  	[sflag:s0] =	ssyncset.done $0x0  }
0xb8: {  	s9 =	sadd.s32 $0x480, s7;
	[sflag:s0] =	ssyncadd.s32 $0xFFFFE000  }
0xb9: {  	[tilespmem:s20], [sflag:$0x2] =	stream.indirect.gather [hbm4b:s4+s18], $0x40, s9, s18, $0xb8;
	[tilespmem:$0x1E000] =	vst v63  }
0xba: {  	_ =	swait.ge [sflag:s24], $0x2000  }
0xbb: {  	[sflag:s24] =	ssyncset.done $0x0  }
0xbc: {  	s9 =	sadd.s32 $0x5300, s7;
	[sflag:s24] =	ssyncadd.s32 $0xFFFFE000  }
0xbd: {  	[spmem:s2] =	stream.indirect.scatter.add.f32 [tilespmem:s22], [sflag:$0x7], $0x40, s9, s18, $0xb8;
	[tilespmem:$0x1E000] =	vst v63  }
0xbe: {  	_ =	swait.ge [sflag:s31], $0x2000  }
0xbf: {  	[sflag:s31] =	ssyncset.done $0x0  }
.Ltmp4:
0xc0: {  	s9 =	sadd.s32 $0x500, s7;
	[sflag:s31] =	ssyncadd.s32 $0xFFFFE000;
	(pc) =	sbr.rel @!p1 .LBB2_8-.Ltmp4, $4  }
0xc1: {  	[tilespmem:s22], [sflag:$0x3] =	stream.indirect.gather [hbm4b:s4+s18], $0x40, s9, s18, $0xb8;
	[tilespmem:$0x1E000] =	vst v63  }
0xc2: {  	_ =	swait.ge [sflag:s29], $0x2000  }
0xc3: {  	[sflag:s29] =	ssyncset.done $0x0  }
0xc4: {  	s7 =	sadd.s32 $0x5380, s7;
	[sflag:s29] =	ssyncadd.s32 $0xFFFFE000  }
0xc5: {  	[spmem:s2] =	stream.indirect.scatter.add.f32 [tilespmem:s25], [sflag:$0x8], $0x40, s7, s18, $0xb8;
	[tilespmem:$0x1E000] =	vst v63  }
0xc6: {  	_ =	swait.ge [sflag:s21], $0x2000  }
0xc7: {  	[sflag:s21] =	ssyncset.done $0x0  }
0xc8: {  	s6 =	simm.s32 $0x4F80;
	[sflag:s21] =	ssyncadd.s32 $0xFFFFE000  }
0xc9: {  	[tilespmem:s25], [sflag:$0x4] =	stream.indirect.gather [hbm4b:s4+s18], $0x40, s6, s18, $0xb8;
	[tilespmem:$0x1E000] =	vst v63  }
0xca: {  	_ =	swait.ge [sflag:s26], $0x2000  }
0xcb: {  	[sflag:s26] =	ssyncset.done $0x0  }
0xcc: {  	s7 =	simm.s32 $0x9E00;
	[sflag:s26] =	ssyncadd.s32 $0xFFFFE000  }
0xcd: {  	[spmem:s2] =	stream.indirect.scatter.add.f32 [tilespmem:s19], [sflag:$0x5], $0x40, s7, s18, $0xb8;
	[tilespmem:$0x1E000] =	vst v63  }
0xce: {  	_ =	swait.ge [sflag:s30], $0x2000  }
0xcf: {  	[sflag:s30] =	ssyncset.done $0x0  }
0xd0: {  	s9 =	simm.s32 $0x9E80;
	[sflag:s30] =	ssyncadd.s32 $0xFFFFE000  }
0xd1: {  	[spmem:s2] =	stream.indirect.scatter.add.f32 [tilespmem:s20], [sflag:$0x6], $0x40, s9, s18, $0xb8;
	[tilespmem:$0x1E000] =	vst v63  }
0xd2: {  	_ =	swait.ge [sflag:s24], $0x2000  }
0xd3: {  	[sflag:s24] =	ssyncset.done $0x0  }
0xd4: {  	s7 =	simm.s32 $0x9F00;
	[sflag:s24] =	ssyncadd.s32 $0xFFFFE000  }
0xd5: {  	[spmem:s2] =	stream.indirect.scatter.add.f32 [tilespmem:s22], [sflag:$0x7], $0x40, s7, s18, $0xb8;
	[tilespmem:$0x1E000] =	vst v63  }
.Ltmp5:
0xd6: {  	_ = 	snop;
	(pc) =	sbr.rel .LBB2_10-.Ltmp5, $4  }
0xd7: {  	_ =	swait.ge [sflag:s29], $0x2000  }
0xd8: {  	[sflag:s29] =	ssyncset.done $0x0  }
0xd9: {  	s9 =	simm.s32 $0x9F80;
	[sflag:s29] =	ssyncadd.s32 $0xFFFFE000  }
0xda: {  	[spmem:s2] =	stream.indirect.scatter.add.f32 [tilespmem:s25], [sflag:$0x8], $0x40, s9, s18, $0xb8;
	[tilespmem:$0x1E000] =	vst v63  }
.LBB2_4:
0xdb: {  	[tilespmem:s25], [sflag:$0x4] =	stream.indirect.gather [hbm4b:s5+s18], $0x40, s6, s18, $0xb8;
	[tilespmem:$0x1E000] =	vst v63  }
0xdc: {  	_ =	swait.ge [sflag:s26], $0x2000  }
0xdd: {  	[sflag:s26] =	ssyncset.done $0x0  }
0xde: {  	[sflag:s26] =	ssyncadd.s32 $0xFFFFE000  }
0xdf: {  	[spmem:s2] =	stream.indirect.scatter.add.f32 [tilespmem:s19], [sflag:$0x5], $0x40, s17, s18, $0xb8;
	[tilespmem:$0x1E000] =	vst v63  }
0xe0: {  	_ =	swait.ge [sflag:s28], $0x2000  }
0xe1: {  	[sflag:s28] =	ssyncset.done $0x0  }
0xe2: {  	s9 =	simm.s32 $0x200;
	[sflag:s28] =	ssyncadd.s32 $0xFFFFE000  }
0xe3: {  	[tilespmem:s19], [sflag:$0x1] =	stream.indirect.gather [hbm4b:s5+s18], $0x40, s9, s18, $0xb8;
	[tilespmem:$0x1E000] =	vst v63  }
0xe4: {  	_ =	swait.ge [sflag:s30], $0x2000  }
0xe5: {  	[sflag:s30] =	ssyncset.done $0x0  }
0xe6: {  	s7 =	simm.s32 $0x5080;
	[sflag:s30] =	ssyncadd.s32 $0xFFFFE000  }
0xe7: {  	[spmem:s2] =	stream.indirect.scatter.add.f32 [tilespmem:s20], [sflag:$0x6], $0x40, s7, s18, $0xb8;
	[tilespmem:$0x1E000] =	vst v63  }
0xe8: {  	_ =	swait.ge [sflag:s0], $0x2000  }
0xe9: {  	[sflag:s0] =	ssyncset.done $0x0  }
0xea: {  	s9 =	simm.s32 $0x280;
	[sflag:s0] =	ssyncadd.s32 $0xFFFFE000  }
0xeb: {  	[tilespmem:s20], [sflag:$0x2] =	stream.indirect.gather [hbm4b:s5+s18], $0x40, s9, s18, $0xb8;
	[tilespmem:$0x1E000] =	vst v63  }
0xec: {  	_ =	swait.ge [sflag:s24], $0x2000  }
0xed: {  	[sflag:s24] =	ssyncset.done $0x0  }
0xee: {  	s7 =	simm.s32 $0x5100;
	[sflag:s24] =	ssyncadd.s32 $0xFFFFE000  }
0xef: {  	[spmem:s2] =	stream.indirect.scatter.add.f32 [tilespmem:s22], [sflag:$0x7], $0x40, s7, s18, $0xb8;
	[tilespmem:$0x1E000] =	vst v63  }
0xf0: {  	_ =	swait.ge [sflag:s31], $0x2000  }
0xf1: {  	[sflag:s31] =	ssyncset.done $0x0  }
0xf2: {  	s9 =	simm.s32 $0x300;
	[sflag:s31] =	ssyncadd.s32 $0xFFFFE000  }
0xf3: {  	[tilespmem:s22], [sflag:$0x3] =	stream.indirect.gather [hbm4b:s5+s18], $0x40, s9, s18, $0xb8;
	[tilespmem:$0x1E000] =	vst v63  }
0xf4: {  	_ =	swait.ge [sflag:s29], $0x2000  }
0xf5: {  	[sflag:s29] =	ssyncset.done $0x0  }
0xf6: {  	s7 =	simm.s32 $0x5180;
	[sflag:s29] =	ssyncadd.s32 $0xFFFFE000  }
0xf7: {  	[spmem:s2] =	stream.indirect.scatter.add.f32 [tilespmem:s25], [sflag:$0x8], $0x40, s7, s18, $0xb8;
	[tilespmem:$0x1E000] =	vst v63  }
0xf8: {  	_ =	swait.ge [sflag:s21], $0x2000  }
0xf9: {  	[sflag:s21] =	ssyncset.done $0x0  }
0xfa: {  	s9 =	simm.s32 $0x380;
	[sflag:s21] =	ssyncadd.s32 $0xFFFFE000  }
0xfb: {  	[tilespmem:s25], [sflag:$0x4] =	stream.indirect.gather [hbm4b:s5+s18], $0x40, s9, s18, $0xb8;
	[tilespmem:$0x1E000] =	vst v63  }
0xfc: {  	_ =	swait.ge [sflag:s26], $0x2000  }
0xfd: {  	[sflag:s26] =	ssyncset.done $0x0  }
0xfe: {  	s7 =	simm.s32 $0x5200;
	[sflag:s26] =	ssyncadd.s32 $0xFFFFE000  }
0xff: {  	[spmem:s2] =	stream.indirect.scatter.add.f32 [tilespmem:s19], [sflag:$0x5], $0x40, s7, s18, $0xb8;
	[tilespmem:$0x1E000] =	vst v63  }
0x100: {  	_ =	swait.ge [sflag:s28], $0x2000  }
0x101: {  	[sflag:s28] =	ssyncset.done $0x0  }
0x102: {  	s9 =	simm.s32 $0x400;
	[sflag:s28] =	ssyncadd.s32 $0xFFFFE000  }
0x103: {  	[tilespmem:s19], [sflag:$0x1] =	stream.indirect.gather [hbm4b:s5+s18], $0x40, s9, s18, $0xb8;
	[tilespmem:$0x1E000] =	vst v63  }
0x104: {  	_ =	swait.ge [sflag:s30], $0x2000  }
0x105: {  	[sflag:s30] =	ssyncset.done $0x0  }
0x106: {  	s7 =	simm.s32 $0x5280;
	[sflag:s30] =	ssyncadd.s32 $0xFFFFE000  }
0x107: {  	[spmem:s2] =	stream.indirect.scatter.add.f32 [tilespmem:s20], [sflag:$0x6], $0x40, s7, s18, $0xb8;
	[tilespmem:$0x1E000] =	vst v63  }
0x108: {  	_ =	swait.ge [sflag:s0], $0x2000  }
0x109: {  	[sflag:s0] =	ssyncset.done $0x0  }
0x10a: {  	s9 =	simm.s32 $0x480;
	[sflag:s0] =	ssyncadd.s32 $0xFFFFE000  }
0x10b: {  	[tilespmem:s20], [sflag:$0x2] =	stream.indirect.gather [hbm4b:s5+s18], $0x40, s9, s18, $0xb8;
	[tilespmem:$0x1E000] =	vst v63  }
0x10c: {  	_ =	swait.ge [sflag:s24], $0x2000  }
0x10d: {  	[sflag:s24] =	ssyncset.done $0x0  }
0x10e: {  	s7 =	simm.s32 $0x5300;
	[sflag:s24] =	ssyncadd.s32 $0xFFFFE000  }
0x10f: {  	[spmem:s2] =	stream.indirect.scatter.add.f32 [tilespmem:s22], [sflag:$0x7], $0x40, s7, s18, $0xb8;
	[tilespmem:$0x1E000] =	vst v63  }
0x110: {  	_ =	swait.ge [sflag:s31], $0x2000  }
0x111: {  	[sflag:s31] =	ssyncset.done $0x0  }
0x112: {  	s9 =	simm.s32 $0x500;
	[sflag:s31] =	ssyncadd.s32 $0xFFFFE000  }
0x113: {  	[tilespmem:s22], [sflag:$0x3] =	stream.indirect.gather [hbm4b:s5+s18], $0x40, s9, s18, $0xb8;
	[tilespmem:$0x1E000] =	vst v63  }
0x114: {  	_ =	swait.ge [sflag:s29], $0x2000  }
0x115: {  	[sflag:s29] =	ssyncset.done $0x0  }
0x116: {  	s6 =	simm.s32 $0x800;
	s7 =	simm.s32 $0x5380;
	[sflag:s29] =	ssyncadd.s32 $0xFFFFE000  }
.LBB2_5:
0x117: {  	[spmem:s2] =	stream.indirect.scatter.add.f32 [tilespmem:s25], [sflag:$0x8], $0x40, s7, s18, $0xb8;
	[tilespmem:$0x1E000] =	vst v63  }
0x118: {  	s7 =	smov.u32 s6  }
0x119: {  	p1 =	seq.s32 s6, $0x12800;
	s6 =	sadd.s32 $0x800, s6;
	_ =	swait.ge [sflag:s21], $0x2000  }
0x11a: {  	s7 =	sshra.s32 s7, $0x2;
	[sflag:s21] =	ssyncset.done $0x0  }
0x11b: {  	s9 =	sadd.s32 $0x380, s7;
	[sflag:s21] =	ssyncadd.s32 $0xFFFFE000  }
0x11c: {  	[tilespmem:s25], [sflag:$0x4] =	stream.indirect.gather [hbm4b:s5+s18], $0x40, s9, s18, $0xb8;
	[tilespmem:$0x1E000] =	vst v63  }
0x11d: {  	_ =	swait.ge [sflag:s26], $0x2000  }
0x11e: {  	[sflag:s26] =	ssyncset.done $0x0  }
0x11f: {  	s9 =	sadd.s32 $0x5200, s7;
	[sflag:s26] =	ssyncadd.s32 $0xFFFFE000  }
0x120: {  	[spmem:s2] =	stream.indirect.scatter.add.f32 [tilespmem:s19], [sflag:$0x5], $0x40, s9, s18, $0xb8;
	[tilespmem:$0x1E000] =	vst v63  }
0x121: {  	_ =	swait.ge [sflag:s28], $0x2000  }
0x122: {  	[sflag:s28] =	ssyncset.done $0x0  }
0x123: {  	s9 =	sadd.s32 $0x400, s7;
	[sflag:s28] =	ssyncadd.s32 $0xFFFFE000  }
0x124: {  	[tilespmem:s19], [sflag:$0x1] =	stream.indirect.gather [hbm4b:s5+s18], $0x40, s9, s18, $0xb8;
	[tilespmem:$0x1E000] =	vst v63  }
0x125: {  	_ =	swait.ge [sflag:s30], $0x2000  }
0x126: {  	[sflag:s30] =	ssyncset.done $0x0  }
0x127: {  	s9 =	sadd.s32 $0x5280, s7;
	[sflag:s30] =	ssyncadd.s32 $0xFFFFE000  }
0x128: {  	[spmem:s2] =	stream.indirect.scatter.add.f32 [tilespmem:s20], [sflag:$0x6], $0x40, s9, s18, $0xb8;
	[tilespmem:$0x1E000] =	vst v63  }
0x129: {  	_ =	swait.ge [sflag:s0], $0x2000  }
0x12a: {  	[sflag:s0] =	ssyncset.done $0x0  }
0x12b: {  	s9 =	sadd.s32 $0x480, s7;
	[sflag:s0] =	ssyncadd.s32 $0xFFFFE000  }
0x12c: {  	[tilespmem:s20], [sflag:$0x2] =	stream.indirect.gather [hbm4b:s5+s18], $0x40, s9, s18, $0xb8;
	[tilespmem:$0x1E000] =	vst v63  }
0x12d: {  	_ =	swait.ge [sflag:s24], $0x2000  }
0x12e: {  	[sflag:s24] =	ssyncset.done $0x0  }
0x12f: {  	s9 =	sadd.s32 $0x5300, s7;
	[sflag:s24] =	ssyncadd.s32 $0xFFFFE000  }
0x130: {  	[spmem:s2] =	stream.indirect.scatter.add.f32 [tilespmem:s22], [sflag:$0x7], $0x40, s9, s18, $0xb8;
	[tilespmem:$0x1E000] =	vst v63  }
0x131: {  	_ =	swait.ge [sflag:s31], $0x2000  }
0x132: {  	[sflag:s31] =	ssyncset.done $0x0  }
.Ltmp6:
0x133: {  	s9 =	sadd.s32 $0x500, s7;
	[sflag:s31] =	ssyncadd.s32 $0xFFFFE000;
	(pc) =	sbr.rel @!p1 .LBB2_5-.Ltmp6, $4  }
0x134: {  	[tilespmem:s22], [sflag:$0x3] =	stream.indirect.gather [hbm4b:s5+s18], $0x40, s9, s18, $0xb8;
	[tilespmem:$0x1E000] =	vst v63  }
0x135: {  	_ =	swait.ge [sflag:s29], $0x2000  }
0x136: {  	[sflag:s29] =	ssyncset.done $0x0  }
0x137: {  	s7 =	sadd.s32 $0x5380, s7;
	[sflag:s29] =	ssyncadd.s32 $0xFFFFE000  }
.Ltmp7:
0x138: {  	_ = 	snop;
	(pc) =	sbr.rel .LBB2_6-.Ltmp7, $1  }
0x139: {  	_ =	sdelay $0x3  }
.LBB2_11:
0x13a: {  	_ =	sfence.sel $0x180000  }
0x13b: {  	[bflag:$0x0] =	sbarrier.arrive $0xFFFF  }
0x13c: {  	_ =	strace $0x9000004A  }
0x13d: {  	s0 =	stileid.u32;
	[bflag:$0x2] =	sbarrier.arrive $0xFFFF  }
0x13e: {  	p0 =	sne.s32 s0, $0x0;
	s0 =	rddreg [dreg:$0x2]  }
0x13f: {  	s0 =	sadd.s32 @!p0 $0x100000, s0  }
0x140: {  	[sflag:s0] =	ssyncadd.tile.s32 @!p0 $0x1;
	_ =	shalt  }
.Lfunc_end2:
_tile_overlayer_lowered:
.L_overlay_start_2:
0x141: {  	(tag) =	ssettag $0x2  }
0x142: {  	s0 =	rddreg [dreg:$0x0];
	s2 =	stileid.u32  }
0x143: {  	s1 =	rddreg [dreg:$0x1];
	p0 =	sne.s32 s2, $0x0  }
0x144: {  	s3 =	rddreg [dreg:$0x2];
	[bflag:$0x3] =	sbarrier.arrive $0xFFFF;
	s2 =	simm.s32 @!p0 $0x1C09  }
0x145: {  	[timem:s3], [sflag:s2] =	dma.local @!p0 [hbm:s0], s1  }
0x146: {  	s0 =	simm.s32 @!p0 $0x9  }
0x147: {  	_ =	swait.ge @!p0 [sflag:s0], s1  }
0x148: {  	s1 =	ssub.s32 @!p0 $0x0, s1;
	[sflag:s0] =	ssyncset.done @!p0 $0x0  }
0x149: {  	[sflag:s0] =	ssyncadd.s32 @!p0 s1  }
0x14a: {  	[bflag:$0x3] =	sbarrier.arrive $0xFFFF  }
0x14b: {  	_ =	shalt  }

// kernel: kernel.16.cloned.1.call-start
scs
__scs_entry_jumppad:
0x0: {  	(pc) =	sbr.rel $0x88, $3  }
0x1: {  	(tag) =	ssettag $0x0;
	lr =	simm.s32 $0x1  }
0x2: {  	[smem:$0x3F96] =	sst lr;
	_ =	strace $0xD0000000  }
0x3: {  	_ = 	snop  }
0x4: {  	_ = 	snop  }
0x5: {  	_ = 	snop  }
0x6: {  	_ = 	snop  }
0x7: {  	_ = 	snop  }
__scs_overlays_trampoline_lowered:
0x8: {  	[smem:$0x3FA5] =	sst s0  }
0x9: {  	[smem:$0x3FA6] =	sst s1  }
0xa: {  	[smem:$0x3FA7] =	sst s2  }
0xb: {  	[smem:$0x3FA8] =	sst s3  }
0xc: {  	[smem:$0x3FA9] =	sst s4  }
0xd: {  	[smem:$0x3FAA] =	sst s5  }
0xe: {  	[smem:$0x3FAB] =	sst s6  }
0xf: {  	[smem:$0x3FAC] =	sst s7  }
0x10: {  	[smem:$0x3FAD] =	sst s8  }
0x11: {  	[smem:$0x3FAE] =	sst s9;
	s0 =	simm.s32 @!p0 $0x0  }
0x12: {  	s1 =	sld [smem:$0x3F94];
	s0 =	simm.s32 @p0 $0x1  }
0x13: {  	[smem:$0x3FAF] =	sst s0;
	s0 =	simm.s32 @!p1 $0x0  }
0x14: {  	s2 =	sld [smem:$0x3F93];
	s0 =	simm.s32 @p1 $0x1  }
0x15: {  	[smem:$0x3FB0] =	sst s0;
	s0 =	simm.s32 @!p2 $0x0  }
0x16: {  	s3 =	sld [smem:$0x3FDB];
	s0 =	simm.s32 @p2 $0x1  }
0x17: {  	s4 =	simm.s32 $0x1BF5;
	[smem:$0x3FB2] =	sst s0  }
0x18: {  	s0 =	sld [smem:$0x3F95];
	_ =	swait.ge [sflag:s4], $0x0  }
0x19: {  	s7 =	sld [smem:$0x3F96]  }
0x1a: {  	s8 =	sadd.s32 $0xFFFFE003, lr  }
0x1b: {  	s9 =	sadd.s32 $0xFFFFFEF7, lr;
	s5 =	simm.s32 $0xFFFFFFFF;
	p2 =	slt.u32 s8, $0xFFFFF086  }
0x1c: {  	p1 =	slt.u32 s9, $0xF7A;
	s5 =	simm.s32 @!p2 $0x0  }
0x1d: {  	s5 =	simm.s32 @p1 $0x1;
	p0 =	seq.s32 s7, s2  }
0x1e: {  	s7 =	smul.u32 @!p0 $0xF7A, s2;
	p2 =	seq.s32 @!p0 s5, $0x0  }
0x1f: {  	s9 =	smul.u32 $0xF7A, s1;
	s8 =	simm.s32 @!p0 $0x1BF5;
	p2 =	por !p2, p0  }
0x20: {  	[sflag:s8] =	ssyncset.s32 @!p0 $0xFFFFF086;
	s6 =	sadd.s32 @!p0 s3, s7;
	s7 =	simm.s32 @!p0 $0x108  }
0x21: {  	s3 =	sadd.s32 s3, s9;
	s6 =	sadd.s32 @!p0 $0x88, s6;
	s7 =	simm.s32 @p2 $0x1082  }
0x22: {  	[simem:s7], [sflag:s8] =	dma.local @!p0 [hbm:s6], $0xF7A  }
0x23: {  	s9 =	sor.u32 $0xD0000000, s2;
	s6 =	simm.s32 $0x108;
	_ =	swait.ge @!p0 [sflag:s8], $0x0  }
0x24: {  	s3 =	sadd.s32 $0x88, s3;
	s6 =	simm.s32 @!p1 $0x1082;
	[sflag:s4] =	ssyncset.s32 $0xFFFFF086  }
0x25: {  	[simem:s6], [sflag:s4] =	dma.local [hbm:s3], $0xF7A  }
0x26: {  	[smem:$0x3F96] =	sst s1;
	(tag) =	ssettag s2;
	_ =	strace s9  }
0x27: {  	s1 =	sld [smem:$0x3FA6]  }
0x28: {  	s2 =	sld [smem:$0x3FA7]  }
0x29: {  	s4 =	sld [smem:$0x3FA9]  }
0x2a: {  	p0 =	seq.s32 s5, $0x0;
	s5 =	sld [smem:$0x3FAA]  }
0x2b: {  	s6 =	sld [smem:$0x3FAB]  }
0x2c: {  	s7 =	sld [smem:$0x3FAC]  }
0x2d: {  	s3 =	simm.s32 $0x108;
	s8 =	sld [smem:$0x3FAD]  }
0x2e: {  	s3 =	simm.s32 @!p0 $0x1082;
	s9 =	sld [smem:$0x3FAE]  }
0x2f: {  	lr =	sadd.s32 s0, s3;
	s0 =	sld [smem:$0x3FA5]  }
0x30: {  	s3 =	sld [smem:$0x3FA8]  }
0x31: {  	[smem:$0x3FB1] =	sst s10  }
0x32: {  	s10 =	sld [smem:$0x3FAF];
	_ =	sdelay $0x3  }
0x33: {  	p0 =	seq.s32 s10, $0x1;
	s10 =	sld [smem:$0x3FB1];
	_ =	sdelay $0x3  }
0x34: {  	[smem:$0x3FB1] =	sst s10  }
0x35: {  	s10 =	sld [smem:$0x3FB0];
	_ =	sdelay $0x3  }
0x36: {  	p1 =	seq.s32 s10, $0x1;
	s10 =	sld [smem:$0x3FB1];
	_ =	sdelay $0x3  }
0x37: {  	[smem:$0x3FB1] =	sst s10  }
0x38: {  	s10 =	sld [smem:$0x3FB2]  }
0x39: {  	_ = 	snop;
	(pc) =	sbr.ind lr, $3  }
0x3a: {  	_ = 	snop  }
0x3b: {  	_ = 	snop  }
0x3c: {  	p2 =	seq.s32 s10, $0x1;
	s10 =	sld [smem:$0x3FB1]  }
0x3d: {  	_ =	shalt  }
0x3e: {  	_ =	shalt  }
0x3f: {  	_ =	shalt  }
0x40: {  	_ =	shalt  }
0x41: {  	_ =	shalt  }
0x42: {  	_ =	shalt  }
0x43: {  	_ =	shalt  }
0x44: {  	_ =	shalt  }
0x45: {  	_ =	shalt  }
0x46: {  	_ =	shalt  }
0x47: {  	_ =	shalt  }
0x48: {  	_ =	shalt  }
0x49: {  	_ =	shalt  }
0x4a: {  	_ =	shalt  }
0x4b: {  	_ =	shalt  }
0x4c: {  	_ =	shalt  }
0x4d: {  	_ =	shalt  }
0x4e: {  	_ =	shalt  }
0x4f: {  	_ =	shalt  }
0x50: {  	_ =	shalt  }
0x51: {  	_ =	shalt  }
0x52: {  	_ =	shalt  }
0x53: {  	_ =	shalt  }
0x54: {  	_ =	shalt  }
0x55: {  	_ =	shalt  }
0x56: {  	_ =	shalt  }
0x57: {  	_ =	shalt  }
0x58: {  	_ =	shalt  }
0x59: {  	_ =	shalt  }
0x5a: {  	_ =	shalt  }
0x5b: {  	_ =	shalt  }
0x5c: {  	_ =	shalt  }
0x5d: {  	_ =	shalt  }
0x5e: {  	_ =	shalt  }
0x5f: {  	_ =	shalt  }
0x60: {  	_ =	shalt  }
0x61: {  	_ =	shalt  }
0x62: {  	_ =	shalt  }
0x63: {  	_ =	shalt  }
0x64: {  	_ =	shalt  }
0x65: {  	_ =	shalt  }
0x66: {  	_ =	shalt  }
0x67: {  	_ =	shalt  }
0x68: {  	_ =	shalt  }
0x69: {  	_ =	shalt  }
0x6a: {  	_ =	shalt  }
0x6b: {  	_ =	shalt  }
0x6c: {  	_ =	shalt  }
0x6d: {  	_ =	shalt  }
0x6e: {  	_ =	shalt  }
0x6f: {  	_ =	shalt  }
0x70: {  	_ =	shalt  }
0x71: {  	_ =	shalt  }
0x72: {  	_ =	shalt  }
0x73: {  	_ =	shalt  }
0x74: {  	_ =	shalt  }
0x75: {  	_ =	shalt  }
0x76: {  	_ =	shalt  }
0x77: {  	_ =	shalt  }
0x78: {  	_ =	shalt  }
0x79: {  	_ =	shalt  }
0x7a: {  	_ =	shalt  }
0x7b: {  	_ =	shalt  }
0x7c: {  	_ =	shalt  }
0x7d: {  	_ =	shalt  }
0x7e: {  	_ =	shalt  }
0x7f: {  	_ =	shalt  }
0x80: {  	_ =	shalt  }
0x81: {  	_ =	shalt  }
0x82: {  	_ =	shalt  }
0x83: {  	_ =	shalt  }
0x84: {  	_ =	shalt  }
0x85: {  	_ =	shalt  }
0x86: {  	_ =	shalt  }
0x87: {  	_ =	shalt  }
.Lfunc_end0:
.L_simem_size_0:
called_computation.2_lowered:
.L_overlay_start_0:
0x88: {  	s2 =	sld [smem:$0x3FD9]  }
0x89: {  	s3 =	sld [smem:$0x3FFE];
	_ =	sdelay $0x1  }
0x8a: {  	s1 =	srdreg.scid  }
0x8b: {  	s0 =	sand.u32 $0x1, s1  }
0x8c: {  	s16 =	sshll.u32 s0, $0xA;
	s2 =	sadd.s32 s3, s2  }
0x8d: {  	s2 =	sadd.s32 s2, s16  }
0x8e: {  	[smem:$0x3FBD] =	sst s2  }
0x8f: {  	_ = 	snop  }
0x90: {  	(tm) =	ssettm $0x1  }
0x91: {  	s17 =	sld [smem:$0x3FFB];
	_ =	sdelay $0x3  }
0x92: {  	_ =	strace s17  }
0x93: {  	s2 =	sld [smem:$0x3FFC];
	_ =	sdelay $0x3  }
0x94: {  	_ =	strace s2  }
0x95: {  	s2 =	sld [smem:$0x3FFD];
	_ =	sdelay $0x3  }
0x96: {  	_ =	strace s2  }
0x97: {  	_ =	strace $0x8FFFFFFF  }
0x98: {  	s18 =	sld [smem:$0x3FDB];
	_ =	sdelay $0x1  }
0x99: {  	s19 =	simm.s32 $_scs_section_size  }
0x9a: {  	s4 =	simm.s32 $_size__tile_overlayer_lowered;
	s5 =	simm.s32 $_tile_overlayer_lowered  }
0x9b: {  	s22 =	simm.s32 $0x1BFF;
	s21 =	sshll.u32 s5, $0x1;
	s2 =	sadd.s32 s19, s18  }
0x9c: {  	s6 =	simm.s32 $0x0;
	s20 =	sshll.u32 s4, $0x1;
	s4 =	sadd.s32 s21, s2  }
0x9d: {  	[timem:s6], [sflag:s22] =	dma.local [hbm:s4], s20  }
0x9e: {  	_ =	swait.ge [sflag:s22], s20  }
0x9f: {  	s3 =	ssub.s32 $0x0, s20;
	[sflag:s22] =	ssyncset.done $0x0  }
0xa0: {  	[sflag:s22] =	ssyncadd.s32 s3;
	_ =	sdelay $0x1  }
0xa1: {  	s23 =	simm.s32 $0x1B8B  }
0xa2: {  	_ =	swait.ge [sflag:s23], $0x1  }
0xa3: {  	[sflag:s23] =	ssyncset.done $0x0  }
0xa4: {  	s25 =	simm.s32 $0x1B8E;
	s24 =	sld [smem:$0x3FFE];
	[sflag:s23] =	ssyncadd.s32 $0xFFFFFFFF  }
0xa5: {  	s26 =	simm.s32 $execute0_lowered;
	[smem:$0x3FD2] =	sst s25  }
0xa6: {  	s4 =	sshll.u32 s26, $0x1;
	_ =	strace $0x8000004C;
	[dreg:$0x1] =	wrdreg $0xFFFFFFFF  }
0xa7: {  	s28 =	simm.s32 $_size_execute0_lowered;
	s2 =	sadd.s32 s2, s4;
	[dreg:$0x0] =	wrdreg $0x0  }
0xa8: {  	s4 =	sshll.u32 s28, $0x1;
	[dreg:$0x2] =	wrdreg s2  }
0xa9: {  	[dreg:$0x3] =	wrdreg s4  }
0xaa: {  	[dreg:$0x4] =	wrdreg $0xC0  }
0xab: {  	_ =	task [dreg:s6], $0x5FFFF  }
0xac: {  	[dreg:$0x1] =	wrdreg $0xFFFFFFFF  }
0xad: {  	[dreg:$0x0] =	wrdreg $0x60  }
0xae: {  	[dreg:$0x2] =	wrdreg s24  }
0xaf: {  	[dreg:$0x3] =	wrdreg $0x140000  }
0xb0: {  	[dreg:$0x4] =	wrdreg $0x9  }
0xb1: {  	_ =	task.clear_ibuf [dreg:s6], $0x5FFFF;
	_ =	strace $0x9000004C  }
0xb2: {  	s29 =	simm.s32 $0x9;
	_ =	strace $0x8000004E  }
0xb3: {  	_ =	swait.ge [sflag:s29], $0x1  }
0xb4: {  	[sflag:s29] =	ssyncadd.s32 $0xFFFFFFFF  }
0xb5: {  	_ =	strace $0x9000004E  }
0xb6: {  	_ =	sfence  }
0xb7: {  	s30 =	sld [smem:$0x0];
	_ =	sdelay $0x2  }
0xb8: {  	s31 =	sshll.u32 s1, $0xD;
	s1 =	sshrl.u32 s1, $0x2  }
0xb9: {  	s3 =	sand.u32 $0x4000, s31;
	s1 =	sadd.s32 s1, s30  }
0xba: {  	s0 =	sor.u32 s3, s0;
	s1 =	sshll.u32 s1, $0x11  }
0xbb: {  	s0 =	sor.u32 s1, s0  }
0xbc: {  	s0 =	sadd.s32 $0x8F2B, s0  }
0xbd: {  	[sflag:s0] =	ssyncadd.remote.s32 $0x1  }
0xbe: {  	_ =	sfence.sel $0xFFFF  }
0xbf: {  	[dreg:$0x0] =	wrdreg $0xFFFFFFFF;
	(pc) =	sbr.abs _section_cstart, $3  }
0xc0: {  	[dreg:$0x1] =	wrdreg $0xFFFFFFFF  }
0xc1: {  	_ =	task.clear_ibuf [dreg:s6], $0x2FFFF;
	_ =	strace $0x9FFFFFFF  }
0xc2: {  	(tm) =	ssettm $0x7FFFFFFF  }
0xc3: {  	_ =	shalt  }
tec
execute0_lowered:
.L_overlay_start_1:
0x0: {  	(tag) =	ssettag $0x1  }
0x1: {  	s0 =	rddreg [dreg:$0x0]  }
0x2: {  	s2 =	rddreg [dreg:$0x1]  }
0x3: {  	s10 =	stileid.u32;
	s4 =	srdreg.scid;
	s3 =	simm.s32 $0x0  }
0x4: {  	s16 =	simm.s32 $0x9;
	s17 =	simm.s32 $0x5000;
	s18 =	simm.s32 $0x80  }
0x5: {  	s19 =	simm.s32 $0xA000;
	s20 =	simm.s32 $0xC000;
	s22 =	simm.s32 $0xE000  }
0x6: {  	s28 =	simm.s32 $0x5;
	s30 =	simm.s32 $0x2;
	s1 =	smul.u32 $0xA00, s10  }
0x7: {  	s31 =	simm.s32 $0x7;
	s29 =	simm.s32 $0x4;
	s7 =	smul.u32 $0xA000, s10  }
0x8: {  	s21 =	simm.s32 $0x8;
	s6 =	sand.u32 $0x1, s4;
	s10 =	smul.u32 $0x28000, s10  }
0x9: {  	[smem:$0x7FF] =	sst s3;
	s4 =	sadd.s32 $0x84200, s0;
	s5 =	smul.u32 $0xA0000, s6  }
0xa: {  	_ =	strace $0x8000004D;
	s9 =	ssub.s32 $0x2, s6;
	p0 =	seq.s32 s6, $0x0  }
0xb: {  	s1 =	sadd.s32 s1, s0;
	s11 =	sshrl.u32 s9, $0x1;
	s23 =	sshrl.u32 s10, $0x2  }
0xc: {  	s8 =	sadd.s32 s7, s5;
	s5 =	sadd.s32 $0x70800, s0;
	s15 =	ssub.s32 s9, s11  }
0xd: {  	s24 =	sadd.s32 $0x16800, s1;
	s1 =	sadd.s32 $0x2800, s1;
	s25 =	sadd.s32 s23, s2  }
0xe: {  	s23 =	simm.s32 $0x12000;
	s8 =	sshrl.u32 s8, $0x3;
	[dreg:$0x3] =	wrdreg s24  }
0xf: {  	[dreg:$0x4] =	wrdreg s1;
	s26 =	sadd.s32 $0x2000, s25;
	s10 =	sadd.s32 $0x4000, s25  }
.Ltmp0:
0x10: {  	s11 =	sadd.s32 $0x6000, s25;
	s12 =	sadd.s32 $0x8000, s25;
	(pc) =	sbr.rel .LBB2_1-.Ltmp0, $4  }
0x11: {  	s13 =	smov.u32 s5;
	s15 =	smax.u32 s15, $0x1;
	s25 =	simm.s32 $0x10000  }
0x12: {  	s24 =	simm.s32 $0x3;
	s1 =	simm.s32 $0x0;
	s0 =	sadd.s32 s8, s0  }
0x13: {  	s8 =	sadd.s32 s7, s2;
	[dreg:$0x5] =	wrdreg s26;
	s13 =	smov.u32 @p0 s4  }
0x14: {  	v0 =	vimm.f32 $0.0e+00;
	s26 =	simm.s32 $0x1;
	s14 =	sadd.s32 $0x97C00, s0;
	s0 =	simm.s32 $0x6  }
.LBB2_6:
0x15: {  	[spmem:s2] =	stream.indirect.scatter.add.f32 [tilespmem:s25], [sflag:$0x8], $0x40, s7, s18, $0xb8;
	[tilespmem:$0x1E000] =	vst v63  }
0x16: {  	_ =	swait.ge [sflag:s21], $0x2000  }
0x17: {  	[sflag:s21] =	ssyncset.done $0x0  }
0x18: {  	s6 =	simm.s32 $0x4F80;
	[sflag:s21] =	ssyncadd.s32 $0xFFFFE000  }
0x19: {  	[tilespmem:s25], [sflag:$0x4] =	stream.indirect.gather [hbm4b:s5+s18], $0x40, s6, s18, $0xb8;
	[tilespmem:$0x1E000] =	vst v63  }
0x1a: {  	_ =	swait.ge [sflag:s26], $0x2000  }
0x1b: {  	[sflag:s26] =	ssyncset.done $0x0  }
0x1c: {  	s7 =	simm.s32 $0x9E00;
	[sflag:s26] =	ssyncadd.s32 $0xFFFFE000  }
0x1d: {  	[spmem:s2] =	stream.indirect.scatter.add.f32 [tilespmem:s19], [sflag:$0x5], $0x40, s7, s18, $0xb8;
	[tilespmem:$0x1E000] =	vst v63  }
0x1e: {  	_ =	swait.ge [sflag:s30], $0x2000  }
0x1f: {  	[sflag:s30] =	ssyncset.done $0x0  }
0x20: {  	s9 =	simm.s32 $0x9E80;
	[sflag:s30] =	ssyncadd.s32 $0xFFFFE000  }
0x21: {  	[spmem:s2] =	stream.indirect.scatter.add.f32 [tilespmem:s20], [sflag:$0x6], $0x40, s9, s18, $0xb8;
	[tilespmem:$0x1E000] =	vst v63  }
0x22: {  	_ =	swait.ge [sflag:s24], $0x2000  }
0x23: {  	[sflag:s24] =	ssyncset.done $0x0  }
0x24: {  	s7 =	simm.s32 $0x9F00;
	[sflag:s24] =	ssyncadd.s32 $0xFFFFE000  }
0x25: {  	[spmem:s2] =	stream.indirect.scatter.add.f32 [tilespmem:s22], [sflag:$0x7], $0x40, s7, s18, $0xb8;
	[tilespmem:$0x1E000] =	vst v63  }
0x26: {  	_ =	swait.ge [sflag:s29], $0x2000  }
0x27: {  	[sflag:s29] =	ssyncset.done $0x0  }
0x28: {  	s9 =	simm.s32 $0x9F80;
	[sflag:s29] =	ssyncadd.s32 $0xFFFFE000  }
0x29: {  	[spmem:s2] =	stream.indirect.scatter.add.f32 [tilespmem:s25], [sflag:$0x8], $0x40, s9, s18, $0xb8;
	[tilespmem:$0x1E000] =	vst v63  }
.LBB2_10:
0x2a: {  	_ =	swait.ge [sflag:s28], $0x2000  }
0x2b: {  	[sflag:s28] =	ssyncset.done $0x0  }
0x2c: {  	[sflag:s28] =	ssyncadd.s32 $0xFFFFE000  }
0x2d: {  	_ =	swait.ge [sflag:s0], $0x2000  }
0x2e: {  	[sflag:s0] =	ssyncset.done $0x0  }
0x2f: {  	[sflag:s0] =	ssyncadd.s32 $0xFFFFE000  }
0x30: {  	_ =	swait.ge [sflag:s31], $0x2000  }
0x31: {  	[sflag:s31] =	ssyncset.done $0x0  }
0x32: {  	[sflag:s31] =	ssyncadd.s32 $0xFFFFE000  }
0x33: {  	s6 =	stileid.u32;
	_ =	swait.ge [sflag:s21], $0x2000  }
0x34: {  	s7 =	sshrl.u32 s8, $0x3;
	s1 =	sadd.s32 $0x1, s1;
	[sflag:s21] =	ssyncset.done $0x0  }
0x35: {  	s6 =	sshll.u32 s6, $0x6;
	p1 =	sne.s32 s1, s15;
	[sflag:s21] =	ssyncadd.s32 $0xFFFFE000  }
.Ltmp1:
0x36: {  	s6 =	sor.u32 $0x1C09, s6;
	[bflag:$0x0] =	sbarrier.arrive $0xFFFF;
	(pc) =	sbr.rel @!p1 .LBB2_11-.Ltmp1, $4  }
0x37: {  	[hbm:s14], [sflag:s6] =	dma.local [spmem:s7], $0x1400  }
0x38: {  	_ =	swait.ge [sflag:s16], $0x1400  }
0x39: {  	[sflag:s16] =	ssyncset.done $0x0  }
0x3a: {  	[sflag:s16] =	ssyncadd.s32 $0xFFFFEC00  }
.LBB2_1:
0x3b: {  	s6 =	rddreg [dreg:$0x3]  }
0x3c: {  	[tilespmem:s3], [sflag:$0x9] =	stream.linear.gather [hbm4b:s6+s3], $0x5000, $0x38;
	[tilespmem:$0x1E000] =	vst v63  }
0x3d: {  	_ =	swait.ge [sflag:s16], $0x5000  }
0x3e: {  	[sflag:s16] =	ssyncset.done $0x0  }
0x3f: {  	s7 =	rddreg [dreg:$0x4];
	[sflag:s16] =	ssyncadd.s32 $0xFFFFB000  }
0x40: {  	[tilespmem:s17], [sflag:$0x9] =	stream.linear.gather [hbm4b:s7+s3], $0x5000, $0x38;
	[tilespmem:$0x1E000] =	vst v63  }
0x41: {  	_ =	swait.ge [sflag:s16], $0x5000  }
0x42: {  	[sflag:s16] =	ssyncset.done $0x0  }
0x43: {  	[sflag:s16] =	ssyncadd.s32 $0xFFFFB000  }
0x44: {  	[tilespmem:s19], [sflag:$0x1] =	stream.indirect.gather [hbm4b:s13+s18], $0x40, s3, s18, $0xb8;
	[tilespmem:$0x1E000] =	vst v63  }
0x45: {  	_ = 	snop  }
0x46: {  	[tilespmem:s20], [sflag:$0x2] =	stream.indirect.gather [hbm4b:s13+s18], $0x40, s18, s18, $0xb8;
	[tilespmem:$0x1E000] =	vst v63  }
0x47: {  	s9 =	simm.s32 $0x100;
	s6 =	simm.s32 $0x0;
	s7 =	simm.s32 $0x100  }
0x48: {  	[tilespmem:s22], [sflag:$0x3] =	stream.indirect.gather [hbm4b:s13+s18], $0x40, s9, s18, $0xb8;
	[tilespmem:$0x1E000] =	vst v63  }
.LBB2_2:
0x49: {  	p1 =	sne.s32 s7, $0x7F00;
	[tilespmem:s6+$0x12030] =	vst v0;
	s9 =	smov.u32 s7;
	s7 =	sadd.s32 $0x100, s7  }
.Ltmp2:
0x4a: {  	[tilespmem:s6+$0x12020] =	vst v0;
	(pc) =	sbr.rel @p1 .LBB2_2-.Ltmp2, $3  }
0x4b: {  	[tilespmem:s6+$0x12000] =	vst v0  }
0x4c: {  	[tilespmem:s6+$0x12010] =	vst v0;
	_ =	sdelay $0x1  }
0x4d: {  	s6 =	sshra.s32 s9, $0x2  }
0x4e: {  	[tilespmem:s6+$0x12030] =	vst v0  }
0x4f: {  	[tilespmem:s6+$0x12020] =	vst v0  }
0x50: {  	[tilespmem:s6+$0x12000] =	vst v0  }
0x51: {  	[tilespmem:s6+$0x12010] =	vst v0  }
0x52: {  	[spmem:s8] =	stream.linear.scatter [tilespmem:s23], [sflag:$0x9], $0x2000, $0x38;
	[tilespmem:$0x1E000] =	vst v63  }
0x53: {  	_ =	swait.ge [sflag:s16], $0x2000  }
0x54: {  	[sflag:s16] =	ssyncset.done $0x0  }
0x55: {  	s9 =	rddreg [dreg:$0x5];
	[sflag:s16] =	ssyncadd.s32 $0xFFFFE000  }
0x56: {  	[spmem:s9] =	stream.linear.scatter [tilespmem:s23], [sflag:$0x9], $0x2000, $0x38;
	[tilespmem:$0x1E000] =	vst v63  }
0x57: {  	_ =	swait.ge [sflag:s16], $0x2000  }
0x58: {  	[sflag:s16] =	ssyncset.done $0x0  }
0x59: {  	[sflag:s16] =	ssyncadd.s32 $0xFFFFE000  }
0x5a: {  	[spmem:s10] =	stream.linear.scatter [tilespmem:s23], [sflag:$0x9], $0x2000, $0x38;
	[tilespmem:$0x1E000] =	vst v63  }
0x5b: {  	_ =	swait.ge [sflag:s16], $0x2000  }
0x5c: {  	[sflag:s16] =	ssyncset.done $0x0  }
0x5d: {  	[sflag:s16] =	ssyncadd.s32 $0xFFFFE000  }
0x5e: {  	[spmem:s11] =	stream.linear.scatter [tilespmem:s23], [sflag:$0x9], $0x2000, $0x38;
	[tilespmem:$0x1E000] =	vst v63  }
0x5f: {  	_ =	swait.ge [sflag:s16], $0x2000  }
0x60: {  	[sflag:s16] =	ssyncset.done $0x0  }
0x61: {  	[sflag:s16] =	ssyncadd.s32 $0xFFFFE000  }
0x62: {  	[spmem:s12] =	stream.linear.scatter [tilespmem:s23], [sflag:$0x9], $0x2000, $0x38;
	[tilespmem:$0x1E000] =	vst v63  }
.Ltmp3:
0x63: {  	_ =	swait.ge [sflag:s16], $0x2000;
	(pc) =	sbr.rel @!p0 .LBB2_4-.Ltmp3, $4  }
0x64: {  	[sflag:s16] =	ssyncset.done $0x0  }
0x65: {  	[sflag:s16] =	ssyncadd.s32 $0xFFFFE000  }
0x66: {  	[bflag:$0x0] =	sbarrier.arrive $0xFFFF  }
0x67: {  	s6 =	simm.s32 $0x180  }
0x68: {  	[tilespmem:s25], [sflag:$0x4] =	stream.indirect.gather [hbm4b:s4+s18], $0x40, s6, s18, $0xb8;
	[tilespmem:$0x1E000] =	vst v63  }
0x69: {  	_ =	swait.ge [sflag:s26], $0x2000  }
0x6a: {  	[sflag:s26] =	ssyncset.done $0x0  }
0x6b: {  	[sflag:s26] =	ssyncadd.s32 $0xFFFFE000  }
0x6c: {  	[spmem:s2] =	stream.indirect.scatter.add.f32 [tilespmem:s19], [sflag:$0x5], $0x40, s17, s18, $0xb8;
	[tilespmem:$0x1E000] =	vst v63  }
0x6d: {  	_ =	swait.ge [sflag:s28], $0x2000  }
0x6e: {  	[sflag:s28] =	ssyncset.done $0x0  }
0x6f: {  	s9 =	simm.s32 $0x200;
	[sflag:s28] =	ssyncadd.s32 $0xFFFFE000  }
0x70: {  	[tilespmem:s19], [sflag:$0x1] =	stream.indirect.gather [hbm4b:s4+s18], $0x40, s9, s18, $0xb8;
	[tilespmem:$0x1E000] =	vst v63  }
0x71: {  	_ =	swait.ge [sflag:s30], $0x2000  }
0x72: {  	[sflag:s30] =	ssyncset.done $0x0  }
0x73: {  	s7 =	simm.s32 $0x5080;
	[sflag:s30] =	ssyncadd.s32 $0xFFFFE000  }
0x74: {  	[spmem:s2] =	stream.indirect.scatter.add.f32 [tilespmem:s20], [sflag:$0x6], $0x40, s7, s18, $0xb8;
	[tilespmem:$0x1E000] =	vst v63  }
0x75: {  	_ =	swait.ge [sflag:s0], $0x2000  }
0x76: {  	[sflag:s0] =	ssyncset.done $0x0  }
0x77: {  	s9 =	simm.s32 $0x280;
	[sflag:s0] =	ssyncadd.s32 $0xFFFFE000  }
0x78: {  	[tilespmem:s20], [sflag:$0x2] =	stream.indirect.gather [hbm4b:s4+s18], $0x40, s9, s18, $0xb8;
	[tilespmem:$0x1E000] =	vst v63  }
0x79: {  	_ =	swait.ge [sflag:s24], $0x2000  }
0x7a: {  	[sflag:s24] =	ssyncset.done $0x0  }
0x7b: {  	s7 =	simm.s32 $0x5100;
	[sflag:s24] =	ssyncadd.s32 $0xFFFFE000  }
0x7c: {  	[spmem:s2] =	stream.indirect.scatter.add.f32 [tilespmem:s22], [sflag:$0x7], $0x40, s7, s18, $0xb8;
	[tilespmem:$0x1E000] =	vst v63  }
0x7d: {  	_ =	swait.ge [sflag:s31], $0x2000  }
0x7e: {  	[sflag:s31] =	ssyncset.done $0x0  }
0x7f: {  	s9 =	simm.s32 $0x300;
	[sflag:s31] =	ssyncadd.s32 $0xFFFFE000  }
0x80: {  	[tilespmem:s22], [sflag:$0x3] =	stream.indirect.gather [hbm4b:s4+s18], $0x40, s9, s18, $0xb8;
	[tilespmem:$0x1E000] =	vst v63  }
0x81: {  	_ =	swait.ge [sflag:s29], $0x2000  }
0x82: {  	[sflag:s29] =	ssyncset.done $0x0  }
0x83: {  	s7 =	simm.s32 $0x5180;
	[sflag:s29] =	ssyncadd.s32 $0xFFFFE000  }
0x84: {  	[spmem:s2] =	stream.indirect.scatter.add.f32 [tilespmem:s25], [sflag:$0x8], $0x40, s7, s18, $0xb8;
	[tilespmem:$0x1E000] =	vst v63  }
0x85: {  	_ =	swait.ge [sflag:s21], $0x2000  }
0x86: {  	[sflag:s21] =	ssyncset.done $0x0  }
0x87: {  	s9 =	simm.s32 $0x380;
	[sflag:s21] =	ssyncadd.s32 $0xFFFFE000  }
0x88: {  	[tilespmem:s25], [sflag:$0x4] =	stream.indirect.gather [hbm4b:s4+s18], $0x40, s9, s18, $0xb8;
	[tilespmem:$0x1E000] =	vst v63  }
0x89: {  	_ =	swait.ge [sflag:s26], $0x2000  }
0x8a: {  	[sflag:s26] =	ssyncset.done $0x0  }
0x8b: {  	s7 =	simm.s32 $0x5200;
	[sflag:s26] =	ssyncadd.s32 $0xFFFFE000  }
0x8c: {  	[spmem:s2] =	stream.indirect.scatter.add.f32 [tilespmem:s19], [sflag:$0x5], $0x40, s7, s18, $0xb8;
	[tilespmem:$0x1E000] =	vst v63  }
0x8d: {  	_ =	swait.ge [sflag:s28], $0x2000  }
0x8e: {  	[sflag:s28] =	ssyncset.done $0x0  }
0x8f: {  	s9 =	simm.s32 $0x400;
	[sflag:s28] =	ssyncadd.s32 $0xFFFFE000  }
0x90: {  	[tilespmem:s19], [sflag:$0x1] =	stream.indirect.gather [hbm4b:s4+s18], $0x40, s9, s18, $0xb8;
	[tilespmem:$0x1E000] =	vst v63  }
0x91: {  	_ =	swait.ge [sflag:s30], $0x2000  }
0x92: {  	[sflag:s30] =	ssyncset.done $0x0  }
0x93: {  	s7 =	simm.s32 $0x5280;
	[sflag:s30] =	ssyncadd.s32 $0xFFFFE000  }
0x94: {  	[spmem:s2] =	stream.indirect.scatter.add.f32 [tilespmem:s20], [sflag:$0x6], $0x40, s7, s18, $0xb8;
	[tilespmem:$0x1E000] =	vst v63  }
0x95: {  	_ =	swait.ge [sflag:s0], $0x2000  }
0x96: {  	[sflag:s0] =	ssyncset.done $0x0  }
0x97: {  	s9 =	simm.s32 $0x480;
	[sflag:s0] =	ssyncadd.s32 $0xFFFFE000  }
0x98: {  	[tilespmem:s20], [sflag:$0x2] =	stream.indirect.gather [hbm4b:s4+s18], $0x40, s9, s18, $0xb8;
	[tilespmem:$0x1E000] =	vst v63  }
0x99: {  	_ =	swait.ge [sflag:s24], $0x2000  }
0x9a: {  	[sflag:s24] =	ssyncset.done $0x0  }
0x9b: {  	s7 =	simm.s32 $0x5300;
	[sflag:s24] =	ssyncadd.s32 $0xFFFFE000  }
0x9c: {  	[spmem:s2] =	stream.indirect.scatter.add.f32 [tilespmem:s22], [sflag:$0x7], $0x40, s7, s18, $0xb8;
	[tilespmem:$0x1E000] =	vst v63  }
0x9d: {  	_ =	swait.ge [sflag:s31], $0x2000  }
0x9e: {  	[sflag:s31] =	ssyncset.done $0x0  }
0x9f: {  	s9 =	simm.s32 $0x500;
	[sflag:s31] =	ssyncadd.s32 $0xFFFFE000  }
0xa0: {  	[tilespmem:s22], [sflag:$0x3] =	stream.indirect.gather [hbm4b:s4+s18], $0x40, s9, s18, $0xb8;
	[tilespmem:$0x1E000] =	vst v63  }
0xa1: {  	_ =	swait.ge [sflag:s29], $0x2000  }
0xa2: {  	[sflag:s29] =	ssyncset.done $0x0  }
0xa3: {  	s6 =	simm.s32 $0x800;
	s7 =	simm.s32 $0x5380;
	[sflag:s29] =	ssyncadd.s32 $0xFFFFE000  }
.LBB2_8:
0xa4: {  	[spmem:s2] =	stream.indirect.scatter.add.f32 [tilespmem:s25], [sflag:$0x8], $0x40, s7, s18, $0xb8;
	[tilespmem:$0x1E000] =	vst v63  }
0xa5: {  	s7 =	smov.u32 s6  }
0xa6: {  	p1 =	seq.s32 s6, $0x12800;
	s6 =	sadd.s32 $0x800, s6;
	_ =	swait.ge [sflag:s21], $0x2000  }
0xa7: {  	s7 =	sshra.s32 s7, $0x2;
	[sflag:s21] =	ssyncset.done $0x0  }
0xa8: {  	s9 =	sadd.s32 $0x380, s7;
	[sflag:s21] =	ssyncadd.s32 $0xFFFFE000  }
0xa9: {  	[tilespmem:s25], [sflag:$0x4] =	stream.indirect.gather [hbm4b:s4+s18], $0x40, s9, s18, $0xb8;
	[tilespmem:$0x1E000] =	vst v63  }
0xaa: {  	_ =	swait.ge [sflag:s26], $0x2000  }
0xab: {  	[sflag:s26] =	ssyncset.done $0x0  }
0xac: {  	s9 =	sadd.s32 $0x5200, s7;
	[sflag:s26] =	ssyncadd.s32 $0xFFFFE000  }
0xad: {  	[spmem:s2] =	stream.indirect.scatter.add.f32 [tilespmem:s19], [sflag:$0x5], $0x40, s9, s18, $0xb8;
	[tilespmem:$0x1E000] =	vst v63  }
0xae: {  	_ =	swait.ge [sflag:s28], $0x2000  }
0xaf: {  	[sflag:s28] =	ssyncset.done $0x0  }
0xb0: {  	s9 =	sadd.s32 $0x400, s7;
	[sflag:s28] =	ssyncadd.s32 $0xFFFFE000  }
0xb1: {  	[tilespmem:s19], [sflag:$0x1] =	stream.indirect.gather [hbm4b:s4+s18], $0x40, s9, s18, $0xb8;
	[tilespmem:$0x1E000] =	vst v63  }
0xb2: {  	_ =	swait.ge [sflag:s30], $0x2000  }
0xb3: {  	[sflag:s30] =	ssyncset.done $0x0  }
0xb4: {  	s9 =	sadd.s32 $0x5280, s7;
	[sflag:s30] =	ssyncadd.s32 $0xFFFFE000  }
0xb5: {  	[spmem:s2] =	stream.indirect.scatter.add.f32 [tilespmem:s20], [sflag:$0x6], $0x40, s9, s18, $0xb8;
	[tilespmem:$0x1E000] =	vst v63  }
0xb6: {  	_ =	swait.ge [sflag:s0], $0x2000  }
0xb7: {  	[sflag:s0] =	ssyncset.done $0x0  }
0xb8: {  	s9 =	sadd.s32 $0x480, s7;
	[sflag:s0] =	ssyncadd.s32 $0xFFFFE000  }
0xb9: {  	[tilespmem:s20], [sflag:$0x2] =	stream.indirect.gather [hbm4b:s4+s18], $0x40, s9, s18, $0xb8;
	[tilespmem:$0x1E000] =	vst v63  }
0xba: {  	_ =	swait.ge [sflag:s24], $0x2000  }
0xbb: {  	[sflag:s24] =	ssyncset.done $0x0  }
0xbc: {  	s9 =	sadd.s32 $0x5300, s7;
	[sflag:s24] =	ssyncadd.s32 $0xFFFFE000  }
0xbd: {  	[spmem:s2] =	stream.indirect.scatter.add.f32 [tilespmem:s22], [sflag:$0x7], $0x40, s9, s18, $0xb8;
	[tilespmem:$0x1E000] =	vst v63  }
0xbe: {  	_ =	swait.ge [sflag:s31], $0x2000  }
0xbf: {  	[sflag:s31] =	ssyncset.done $0x0  }
.Ltmp4:
0xc0: {  	s9 =	sadd.s32 $0x500, s7;
	[sflag:s31] =	ssyncadd.s32 $0xFFFFE000;
	(pc) =	sbr.rel @!p1 .LBB2_8-.Ltmp4, $4  }
0xc1: {  	[tilespmem:s22], [sflag:$0x3] =	stream.indirect.gather [hbm4b:s4+s18], $0x40, s9, s18, $0xb8;
	[tilespmem:$0x1E000] =	vst v63  }
0xc2: {  	_ =	swait.ge [sflag:s29], $0x2000  }
0xc3: {  	[sflag:s29] =	ssyncset.done $0x0  }
0xc4: {  	s7 =	sadd.s32 $0x5380, s7;
	[sflag:s29] =	ssyncadd.s32 $0xFFFFE000  }
0xc5: {  	[spmem:s2] =	stream.indirect.scatter.add.f32 [tilespmem:s25], [sflag:$0x8], $0x40, s7, s18, $0xb8;
	[tilespmem:$0x1E000] =	vst v63  }
0xc6: {  	_ =	swait.ge [sflag:s21], $0x2000  }
0xc7: {  	[sflag:s21] =	ssyncset.done $0x0  }
0xc8: {  	s6 =	simm.s32 $0x4F80;
	[sflag:s21] =	ssyncadd.s32 $0xFFFFE000  }
0xc9: {  	[tilespmem:s25], [sflag:$0x4] =	stream.indirect.gather [hbm4b:s4+s18], $0x40, s6, s18, $0xb8;
	[tilespmem:$0x1E000] =	vst v63  }
0xca: {  	_ =	swait.ge [sflag:s26], $0x2000  }
0xcb: {  	[sflag:s26] =	ssyncset.done $0x0  }
0xcc: {  	s7 =	simm.s32 $0x9E00;
	[sflag:s26] =	ssyncadd.s32 $0xFFFFE000  }
0xcd: {  	[spmem:s2] =	stream.indirect.scatter.add.f32 [tilespmem:s19], [sflag:$0x5], $0x40, s7, s18, $0xb8;
	[tilespmem:$0x1E000] =	vst v63  }
0xce: {  	_ =	swait.ge [sflag:s30], $0x2000  }
0xcf: {  	[sflag:s30] =	ssyncset.done $0x0  }
0xd0: {  	s9 =	simm.s32 $0x9E80;
	[sflag:s30] =	ssyncadd.s32 $0xFFFFE000  }
0xd1: {  	[spmem:s2] =	stream.indirect.scatter.add.f32 [tilespmem:s20], [sflag:$0x6], $0x40, s9, s18, $0xb8;
	[tilespmem:$0x1E000] =	vst v63  }
0xd2: {  	_ =	swait.ge [sflag:s24], $0x2000  }
0xd3: {  	[sflag:s24] =	ssyncset.done $0x0  }
0xd4: {  	s7 =	simm.s32 $0x9F00;
	[sflag:s24] =	ssyncadd.s32 $0xFFFFE000  }
0xd5: {  	[spmem:s2] =	stream.indirect.scatter.add.f32 [tilespmem:s22], [sflag:$0x7], $0x40, s7, s18, $0xb8;
	[tilespmem:$0x1E000] =	vst v63  }
.Ltmp5:
0xd6: {  	_ = 	snop;
	(pc) =	sbr.rel .LBB2_10-.Ltmp5, $4  }
0xd7: {  	_ =	swait.ge [sflag:s29], $0x2000  }
0xd8: {  	[sflag:s29] =	ssyncset.done $0x0  }
0xd9: {  	s9 =	simm.s32 $0x9F80;
	[sflag:s29] =	ssyncadd.s32 $0xFFFFE000  }
0xda: {  	[spmem:s2] =	stream.indirect.scatter.add.f32 [tilespmem:s25], [sflag:$0x8], $0x40, s9, s18, $0xb8;
	[tilespmem:$0x1E000] =	vst v63  }
.LBB2_4:
0xdb: {  	[tilespmem:s25], [sflag:$0x4] =	stream.indirect.gather [hbm4b:s5+s18], $0x40, s6, s18, $0xb8;
	[tilespmem:$0x1E000] =	vst v63  }
0xdc: {  	_ =	swait.ge [sflag:s26], $0x2000  }
0xdd: {  	[sflag:s26] =	ssyncset.done $0x0  }
0xde: {  	[sflag:s26] =	ssyncadd.s32 $0xFFFFE000  }
0xdf: {  	[spmem:s2] =	stream.indirect.scatter.add.f32 [tilespmem:s19], [sflag:$0x5], $0x40, s17, s18, $0xb8;
	[tilespmem:$0x1E000] =	vst v63  }
0xe0: {  	_ =	swait.ge [sflag:s28], $0x2000  }
0xe1: {  	[sflag:s28] =	ssyncset.done $0x0  }
0xe2: {  	s9 =	simm.s32 $0x200;
	[sflag:s28] =	ssyncadd.s32 $0xFFFFE000  }
0xe3: {  	[tilespmem:s19], [sflag:$0x1] =	stream.indirect.gather [hbm4b:s5+s18], $0x40, s9, s18, $0xb8;
	[tilespmem:$0x1E000] =	vst v63  }
0xe4: {  	_ =	swait.ge [sflag:s30], $0x2000  }
0xe5: {  	[sflag:s30] =	ssyncset.done $0x0  }
0xe6: {  	s7 =	simm.s32 $0x5080;
	[sflag:s30] =	ssyncadd.s32 $0xFFFFE000  }
0xe7: {  	[spmem:s2] =	stream.indirect.scatter.add.f32 [tilespmem:s20], [sflag:$0x6], $0x40, s7, s18, $0xb8;
	[tilespmem:$0x1E000] =	vst v63  }
0xe8: {  	_ =	swait.ge [sflag:s0], $0x2000  }
0xe9: {  	[sflag:s0] =	ssyncset.done $0x0  }
0xea: {  	s9 =	simm.s32 $0x280;
	[sflag:s0] =	ssyncadd.s32 $0xFFFFE000  }
0xeb: {  	[tilespmem:s20], [sflag:$0x2] =	stream.indirect.gather [hbm4b:s5+s18], $0x40, s9, s18, $0xb8;
	[tilespmem:$0x1E000] =	vst v63  }
0xec: {  	_ =	swait.ge [sflag:s24], $0x2000  }
0xed: {  	[sflag:s24] =	ssyncset.done $0x0  }
0xee: {  	s7 =	simm.s32 $0x5100;
	[sflag:s24] =	ssyncadd.s32 $0xFFFFE000  }
0xef: {  	[spmem:s2] =	stream.indirect.scatter.add.f32 [tilespmem:s22], [sflag:$0x7], $0x40, s7, s18, $0xb8;
	[tilespmem:$0x1E000] =	vst v63  }
0xf0: {  	_ =	swait.ge [sflag:s31], $0x2000  }
0xf1: {  	[sflag:s31] =	ssyncset.done $0x0  }
0xf2: {  	s9 =	simm.s32 $0x300;
	[sflag:s31] =	ssyncadd.s32 $0xFFFFE000  }
0xf3: {  	[tilespmem:s22], [sflag:$0x3] =	stream.indirect.gather [hbm4b:s5+s18], $0x40, s9, s18, $0xb8;
	[tilespmem:$0x1E000] =	vst v63  }
0xf4: {  	_ =	swait.ge [sflag:s29], $0x2000  }
0xf5: {  	[sflag:s29] =	ssyncset.done $0x0  }
0xf6: {  	s7 =	simm.s32 $0x5180;
	[sflag:s29] =	ssyncadd.s32 $0xFFFFE000  }
0xf7: {  	[spmem:s2] =	stream.indirect.scatter.add.f32 [tilespmem:s25], [sflag:$0x8], $0x40, s7, s18, $0xb8;
	[tilespmem:$0x1E000] =	vst v63  }
0xf8: {  	_ =	swait.ge [sflag:s21], $0x2000  }
0xf9: {  	[sflag:s21] =	ssyncset.done $0x0  }
0xfa: {  	s9 =	simm.s32 $0x380;
	[sflag:s21] =	ssyncadd.s32 $0xFFFFE000  }
0xfb: {  	[tilespmem:s25], [sflag:$0x4] =	stream.indirect.gather [hbm4b:s5+s18], $0x40, s9, s18, $0xb8;
	[tilespmem:$0x1E000] =	vst v63  }
0xfc: {  	_ =	swait.ge [sflag:s26], $0x2000  }
0xfd: {  	[sflag:s26] =	ssyncset.done $0x0  }
0xfe: {  	s7 =	simm.s32 $0x5200;
	[sflag:s26] =	ssyncadd.s32 $0xFFFFE000  }
0xff: {  	[spmem:s2] =	stream.indirect.scatter.add.f32 [tilespmem:s19], [sflag:$0x5], $0x40, s7, s18, $0xb8;
	[tilespmem:$0x1E000] =	vst v63  }
0x100: {  	_ =	swait.ge [sflag:s28], $0x2000  }
0x101: {  	[sflag:s28] =	ssyncset.done $0x0  }
0x102: {  	s9 =	simm.s32 $0x400;
	[sflag:s28] =	ssyncadd.s32 $0xFFFFE000  }
0x103: {  	[tilespmem:s19], [sflag:$0x1] =	stream.indirect.gather [hbm4b:s5+s18], $0x40, s9, s18, $0xb8;
	[tilespmem:$0x1E000] =	vst v63  }
0x104: {  	_ =	swait.ge [sflag:s30], $0x2000  }
0x105: {  	[sflag:s30] =	ssyncset.done $0x0  }
0x106: {  	s7 =	simm.s32 $0x5280;
	[sflag:s30] =	ssyncadd.s32 $0xFFFFE000  }
0x107: {  	[spmem:s2] =	stream.indirect.scatter.add.f32 [tilespmem:s20], [sflag:$0x6], $0x40, s7, s18, $0xb8;
	[tilespmem:$0x1E000] =	vst v63  }
0x108: {  	_ =	swait.ge [sflag:s0], $0x2000  }
0x109: {  	[sflag:s0] =	ssyncset.done $0x0  }
0x10a: {  	s9 =	simm.s32 $0x480;
	[sflag:s0] =	ssyncadd.s32 $0xFFFFE000  }
0x10b: {  	[tilespmem:s20], [sflag:$0x2] =	stream.indirect.gather [hbm4b:s5+s18], $0x40, s9, s18, $0xb8;
	[tilespmem:$0x1E000] =	vst v63  }
0x10c: {  	_ =	swait.ge [sflag:s24], $0x2000  }
0x10d: {  	[sflag:s24] =	ssyncset.done $0x0  }
0x10e: {  	s7 =	simm.s32 $0x5300;
	[sflag:s24] =	ssyncadd.s32 $0xFFFFE000  }
0x10f: {  	[spmem:s2] =	stream.indirect.scatter.add.f32 [tilespmem:s22], [sflag:$0x7], $0x40, s7, s18, $0xb8;
	[tilespmem:$0x1E000] =	vst v63  }
0x110: {  	_ =	swait.ge [sflag:s31], $0x2000  }
0x111: {  	[sflag:s31] =	ssyncset.done $0x0  }
0x112: {  	s9 =	simm.s32 $0x500;
	[sflag:s31] =	ssyncadd.s32 $0xFFFFE000  }
0x113: {  	[tilespmem:s22], [sflag:$0x3] =	stream.indirect.gather [hbm4b:s5+s18], $0x40, s9, s18, $0xb8;
	[tilespmem:$0x1E000] =	vst v63  }
0x114: {  	_ =	swait.ge [sflag:s29], $0x2000  }
0x115: {  	[sflag:s29] =	ssyncset.done $0x0  }
0x116: {  	s6 =	simm.s32 $0x800;
	s7 =	simm.s32 $0x5380;
	[sflag:s29] =	ssyncadd.s32 $0xFFFFE000  }
.LBB2_5:
0x117: {  	[spmem:s2] =	stream.indirect.scatter.add.f32 [tilespmem:s25], [sflag:$0x8], $0x40, s7, s18, $0xb8;
	[tilespmem:$0x1E000] =	vst v63  }
0x118: {  	s7 =	smov.u32 s6  }
0x119: {  	p1 =	seq.s32 s6, $0x12800;
	s6 =	sadd.s32 $0x800, s6;
	_ =	swait.ge [sflag:s21], $0x2000  }
0x11a: {  	s7 =	sshra.s32 s7, $0x2;
	[sflag:s21] =	ssyncset.done $0x0  }
0x11b: {  	s9 =	sadd.s32 $0x380, s7;
	[sflag:s21] =	ssyncadd.s32 $0xFFFFE000  }
0x11c: {  	[tilespmem:s25], [sflag:$0x4] =	stream.indirect.gather [hbm4b:s5+s18], $0x40, s9, s18, $0xb8;
	[tilespmem:$0x1E000] =	vst v63  }
0x11d: {  	_ =	swait.ge [sflag:s26], $0x2000  }
0x11e: {  	[sflag:s26] =	ssyncset.done $0x0  }
0x11f: {  	s9 =	sadd.s32 $0x5200, s7;
	[sflag:s26] =	ssyncadd.s32 $0xFFFFE000  }
0x120: {  	[spmem:s2] =	stream.indirect.scatter.add.f32 [tilespmem:s19], [sflag:$0x5], $0x40, s9, s18, $0xb8;
	[tilespmem:$0x1E000] =	vst v63  }
0x121: {  	_ =	swait.ge [sflag:s28], $0x2000  }
0x122: {  	[sflag:s28] =	ssyncset.done $0x0  }
0x123: {  	s9 =	sadd.s32 $0x400, s7;
	[sflag:s28] =	ssyncadd.s32 $0xFFFFE000  }
0x124: {  	[tilespmem:s19], [sflag:$0x1] =	stream.indirect.gather [hbm4b:s5+s18], $0x40, s9, s18, $0xb8;
	[tilespmem:$0x1E000] =	vst v63  }
0x125: {  	_ =	swait.ge [sflag:s30], $0x2000  }
0x126: {  	[sflag:s30] =	ssyncset.done $0x0  }
0x127: {  	s9 =	sadd.s32 $0x5280, s7;
	[sflag:s30] =	ssyncadd.s32 $0xFFFFE000  }
0x128: {  	[spmem:s2] =	stream.indirect.scatter.add.f32 [tilespmem:s20], [sflag:$0x6], $0x40, s9, s18, $0xb8;
	[tilespmem:$0x1E000] =	vst v63  }
0x129: {  	_ =	swait.ge [sflag:s0], $0x2000  }
0x12a: {  	[sflag:s0] =	ssyncset.done $0x0  }
0x12b: {  	s9 =	sadd.s32 $0x480, s7;
	[sflag:s0] =	ssyncadd.s32 $0xFFFFE000  }
0x12c: {  	[tilespmem:s20], [sflag:$0x2] =	stream.indirect.gather [hbm4b:s5+s18], $0x40, s9, s18, $0xb8;
	[tilespmem:$0x1E000] =	vst v63  }
0x12d: {  	_ =	swait.ge [sflag:s24], $0x2000  }
0x12e: {  	[sflag:s24] =	ssyncset.done $0x0  }
0x12f: {  	s9 =	sadd.s32 $0x5300, s7;
	[sflag:s24] =	ssyncadd.s32 $0xFFFFE000  }
0x130: {  	[spmem:s2] =	stream.indirect.scatter.add.f32 [tilespmem:s22], [sflag:$0x7], $0x40, s9, s18, $0xb8;
	[tilespmem:$0x1E000] =	vst v63  }
0x131: {  	_ =	swait.ge [sflag:s31], $0x2000  }
0x132: {  	[sflag:s31] =	ssyncset.done $0x0  }
.Ltmp6:
0x133: {  	s9 =	sadd.s32 $0x500, s7;
	[sflag:s31] =	ssyncadd.s32 $0xFFFFE000;
	(pc) =	sbr.rel @!p1 .LBB2_5-.Ltmp6, $4  }
0x134: {  	[tilespmem:s22], [sflag:$0x3] =	stream.indirect.gather [hbm4b:s5+s18], $0x40, s9, s18, $0xb8;
	[tilespmem:$0x1E000] =	vst v63  }
0x135: {  	_ =	swait.ge [sflag:s29], $0x2000  }
0x136: {  	[sflag:s29] =	ssyncset.done $0x0  }
0x137: {  	s7 =	sadd.s32 $0x5380, s7;
	[sflag:s29] =	ssyncadd.s32 $0xFFFFE000  }
.Ltmp7:
0x138: {  	_ = 	snop;
	(pc) =	sbr.rel .LBB2_6-.Ltmp7, $1  }
0x139: {  	_ =	sdelay $0x3  }
.LBB2_11:
0x13a: {  	_ =	sfence.sel $0x180000  }
0x13b: {  	[bflag:$0x0] =	sbarrier.arrive $0xFFFF  }
0x13c: {  	_ =	strace $0x9000004D  }
0x13d: {  	s0 =	stileid.u32;
	[bflag:$0x2] =	sbarrier.arrive $0xFFFF  }
0x13e: {  	p0 =	sne.s32 s0, $0x0;
	s0 =	rddreg [dreg:$0x2]  }
0x13f: {  	s0 =	sadd.s32 @!p0 $0x100000, s0  }
0x140: {  	[sflag:s0] =	ssyncadd.tile.s32 @!p0 $0x1;
	_ =	shalt  }
.Lfunc_end2:
_tile_overlayer_lowered:
.L_overlay_start_2:
0x141: {  	(tag) =	ssettag $0x2  }
0x142: {  	s0 =	rddreg [dreg:$0x0];
	s2 =	stileid.u32  }
0x143: {  	s1 =	rddreg [dreg:$0x1];
	p0 =	sne.s32 s2, $0x0  }
0x144: {  	s3 =	rddreg [dreg:$0x2];
	[bflag:$0x3] =	sbarrier.arrive $0xFFFF;
	s2 =	simm.s32 @!p0 $0x1C09  }
0x145: {  	[timem:s3], [sflag:s2] =	dma.local @!p0 [hbm:s0], s1  }
0x146: {  	s0 =	simm.s32 @!p0 $0x9  }
0x147: {  	_ =	swait.ge @!p0 [sflag:s0], s1  }
0x148: {  	s1 =	ssub.s32 @!p0 $0x0, s1;
	[sflag:s0] =	ssyncset.done @!p0 $0x0  }
0x149: {  	[sflag:s0] =	ssyncadd.s32 @!p0 s1  }
0x14a: {  	[bflag:$0x3] =	sbarrier.arrive $0xFFFF  }
0x14b: {  	_ =	shalt  }

// kernel: kernel.19.cloned.1.call-start
scs
__scs_entry_jumppad:
0x0: {  	(pc) =	sbr.rel $0x88, $3  }
0x1: {  	(tag) =	ssettag $0x0;
	lr =	simm.s32 $0x1  }
0x2: {  	[smem:$0x3F96] =	sst lr;
	_ =	strace $0xD0000000  }
0x3: {  	_ = 	snop  }
0x4: {  	_ = 	snop  }
0x5: {  	_ = 	snop  }
0x6: {  	_ = 	snop  }
0x7: {  	_ = 	snop  }
__scs_overlays_trampoline_lowered:
0x8: {  	[smem:$0x3FA5] =	sst s0  }
0x9: {  	[smem:$0x3FA6] =	sst s1  }
0xa: {  	[smem:$0x3FA7] =	sst s2  }
0xb: {  	[smem:$0x3FA8] =	sst s3  }
0xc: {  	[smem:$0x3FA9] =	sst s4  }
0xd: {  	[smem:$0x3FAA] =	sst s5  }
0xe: {  	[smem:$0x3FAB] =	sst s6  }
0xf: {  	[smem:$0x3FAC] =	sst s7  }
0x10: {  	[smem:$0x3FAD] =	sst s8  }
0x11: {  	[smem:$0x3FAE] =	sst s9;
	s0 =	simm.s32 @!p0 $0x0  }
0x12: {  	s1 =	sld [smem:$0x3F94];
	s0 =	simm.s32 @p0 $0x1  }
0x13: {  	[smem:$0x3FAF] =	sst s0;
	s0 =	simm.s32 @!p1 $0x0  }
0x14: {  	s2 =	sld [smem:$0x3F93];
	s0 =	simm.s32 @p1 $0x1  }
0x15: {  	[smem:$0x3FB0] =	sst s0;
	s0 =	simm.s32 @!p2 $0x0  }
0x16: {  	s3 =	sld [smem:$0x3FDB];
	s0 =	simm.s32 @p2 $0x1  }
0x17: {  	s4 =	simm.s32 $0x1BF5;
	[smem:$0x3FB2] =	sst s0  }
0x18: {  	s0 =	sld [smem:$0x3F95];
	_ =	swait.ge [sflag:s4], $0x0  }
0x19: {  	s7 =	sld [smem:$0x3F96]  }
0x1a: {  	s8 =	sadd.s32 $0xFFFFE003, lr  }
0x1b: {  	s9 =	sadd.s32 $0xFFFFFEF7, lr;
	s5 =	simm.s32 $0xFFFFFFFF;
	p2 =	slt.u32 s8, $0xFFFFF086  }
0x1c: {  	p1 =	slt.u32 s9, $0xF7A;
	s5 =	simm.s32 @!p2 $0x0  }
0x1d: {  	s5 =	simm.s32 @p1 $0x1;
	p0 =	seq.s32 s7, s2  }
0x1e: {  	s7 =	smul.u32 @!p0 $0xF7A, s2;
	p2 =	seq.s32 @!p0 s5, $0x0  }
0x1f: {  	s9 =	smul.u32 $0xF7A, s1;
	s8 =	simm.s32 @!p0 $0x1BF5;
	p2 =	por !p2, p0  }
0x20: {  	[sflag:s8] =	ssyncset.s32 @!p0 $0xFFFFF086;
	s6 =	sadd.s32 @!p0 s3, s7;
	s7 =	simm.s32 @!p0 $0x108  }
0x21: {  	s3 =	sadd.s32 s3, s9;
	s6 =	sadd.s32 @!p0 $0x88, s6;
	s7 =	simm.s32 @p2 $0x1082  }
0x22: {  	[simem:s7], [sflag:s8] =	dma.local @!p0 [hbm:s6], $0xF7A  }
0x23: {  	s9 =	sor.u32 $0xD0000000, s2;
	s6 =	simm.s32 $0x108;
	_ =	swait.ge @!p0 [sflag:s8], $0x0  }
0x24: {  	s3 =	sadd.s32 $0x88, s3;
	s6 =	simm.s32 @!p1 $0x1082;
	[sflag:s4] =	ssyncset.s32 $0xFFFFF086  }
0x25: {  	[simem:s6], [sflag:s4] =	dma.local [hbm:s3], $0xF7A  }
0x26: {  	[smem:$0x3F96] =	sst s1;
	(tag) =	ssettag s2;
	_ =	strace s9  }
0x27: {  	s1 =	sld [smem:$0x3FA6]  }
0x28: {  	s2 =	sld [smem:$0x3FA7]  }
0x29: {  	s4 =	sld [smem:$0x3FA9]  }
0x2a: {  	p0 =	seq.s32 s5, $0x0;
	s5 =	sld [smem:$0x3FAA]  }
0x2b: {  	s6 =	sld [smem:$0x3FAB]  }
0x2c: {  	s7 =	sld [smem:$0x3FAC]  }
0x2d: {  	s3 =	simm.s32 $0x108;
	s8 =	sld [smem:$0x3FAD]  }
0x2e: {  	s3 =	simm.s32 @!p0 $0x1082;
	s9 =	sld [smem:$0x3FAE]  }
0x2f: {  	lr =	sadd.s32 s0, s3;
	s0 =	sld [smem:$0x3FA5]  }
0x30: {  	s3 =	sld [smem:$0x3FA8]  }
0x31: {  	[smem:$0x3FB1] =	sst s10  }
0x32: {  	s10 =	sld [smem:$0x3FAF];
	_ =	sdelay $0x3  }
0x33: {  	p0 =	seq.s32 s10, $0x1;
	s10 =	sld [smem:$0x3FB1];
	_ =	sdelay $0x3  }
0x34: {  	[smem:$0x3FB1] =	sst s10  }
0x35: {  	s10 =	sld [smem:$0x3FB0];
	_ =	sdelay $0x3  }
0x36: {  	p1 =	seq.s32 s10, $0x1;
	s10 =	sld [smem:$0x3FB1];
	_ =	sdelay $0x3  }
0x37: {  	[smem:$0x3FB1] =	sst s10  }
0x38: {  	s10 =	sld [smem:$0x3FB2]  }
0x39: {  	_ = 	snop;
	(pc) =	sbr.ind lr, $3  }
0x3a: {  	_ = 	snop  }
0x3b: {  	_ = 	snop  }
0x3c: {  	p2 =	seq.s32 s10, $0x1;
	s10 =	sld [smem:$0x3FB1]  }
0x3d: {  	_ =	shalt  }
0x3e: {  	_ =	shalt  }
0x3f: {  	_ =	shalt  }
0x40: {  	_ =	shalt  }
0x41: {  	_ =	shalt  }
0x42: {  	_ =	shalt  }
0x43: {  	_ =	shalt  }
0x44: {  	_ =	shalt  }
0x45: {  	_ =	shalt  }
0x46: {  	_ =	shalt  }
0x47: {  	_ =	shalt  }
0x48: {  	_ =	shalt  }
0x49: {  	_ =	shalt  }
0x4a: {  	_ =	shalt  }
0x4b: {  	_ =	shalt  }
0x4c: {  	_ =	shalt  }
0x4d: {  	_ =	shalt  }
0x4e: {  	_ =	shalt  }
0x4f: {  	_ =	shalt  }
0x50: {  	_ =	shalt  }
0x51: {  	_ =	shalt  }
0x52: {  	_ =	shalt  }
0x53: {  	_ =	shalt  }
0x54: {  	_ =	shalt  }
0x55: {  	_ =	shalt  }
0x56: {  	_ =	shalt  }
0x57: {  	_ =	shalt  }
0x58: {  	_ =	shalt  }
0x59: {  	_ =	shalt  }
0x5a: {  	_ =	shalt  }
0x5b: {  	_ =	shalt  }
0x5c: {  	_ =	shalt  }
0x5d: {  	_ =	shalt  }
0x5e: {  	_ =	shalt  }
0x5f: {  	_ =	shalt  }
0x60: {  	_ =	shalt  }
0x61: {  	_ =	shalt  }
0x62: {  	_ =	shalt  }
0x63: {  	_ =	shalt  }
0x64: {  	_ =	shalt  }
0x65: {  	_ =	shalt  }
0x66: {  	_ =	shalt  }
0x67: {  	_ =	shalt  }
0x68: {  	_ =	shalt  }
0x69: {  	_ =	shalt  }
0x6a: {  	_ =	shalt  }
0x6b: {  	_ =	shalt  }
0x6c: {  	_ =	shalt  }
0x6d: {  	_ =	shalt  }
0x6e: {  	_ =	shalt  }
0x6f: {  	_ =	shalt  }
0x70: {  	_ =	shalt  }
0x71: {  	_ =	shalt  }
0x72: {  	_ =	shalt  }
0x73: {  	_ =	shalt  }
0x74: {  	_ =	shalt  }
0x75: {  	_ =	shalt  }
0x76: {  	_ =	shalt  }
0x77: {  	_ =	shalt  }
0x78: {  	_ =	shalt  }
0x79: {  	_ =	shalt  }
0x7a: {  	_ =	shalt  }
0x7b: {  	_ =	shalt  }
0x7c: {  	_ =	shalt  }
0x7d: {  	_ =	shalt  }
0x7e: {  	_ =	shalt  }
0x7f: {  	_ =	shalt  }
0x80: {  	_ =	shalt  }
0x81: {  	_ =	shalt  }
0x82: {  	_ =	shalt  }
0x83: {  	_ =	shalt  }
0x84: {  	_ =	shalt  }
0x85: {  	_ =	shalt  }
0x86: {  	_ =	shalt  }
0x87: {  	_ =	shalt  }
.Lfunc_end0:
.L_simem_size_0:
called_computation.3_lowered:
.L_overlay_start_0:
0x88: {  	s2 =	sld [smem:$0x3FD9]  }
0x89: {  	s3 =	sld [smem:$0x3FFE];
	_ =	sdelay $0x1  }
0x8a: {  	s1 =	srdreg.scid  }
0x8b: {  	s0 =	sand.u32 $0x1, s1  }
0x8c: {  	s16 =	sshll.u32 s0, $0xA;
	s2 =	sadd.s32 s3, s2  }
0x8d: {  	s2 =	sadd.s32 s2, s16  }
0x8e: {  	[smem:$0x3FBD] =	sst s2  }
0x8f: {  	_ = 	snop  }
0x90: {  	(tm) =	ssettm $0x1  }
0x91: {  	s17 =	sld [smem:$0x3FFB];
	_ =	sdelay $0x3  }
0x92: {  	_ =	strace s17  }
0x93: {  	s2 =	sld [smem:$0x3FFC];
	_ =	sdelay $0x3  }
0x94: {  	_ =	strace s2  }
0x95: {  	s2 =	sld [smem:$0x3FFD];
	_ =	sdelay $0x3  }
0x96: {  	_ =	strace s2  }
0x97: {  	_ =	strace $0x8FFFFFFF  }
0x98: {  	s18 =	sld [smem:$0x3FDB];
	_ =	sdelay $0x1  }
0x99: {  	s19 =	simm.s32 $_scs_section_size  }
0x9a: {  	s4 =	simm.s32 $_size__tile_overlayer_lowered;
	s5 =	simm.s32 $_tile_overlayer_lowered  }
0x9b: {  	s22 =	simm.s32 $0x1BFF;
	s21 =	sshll.u32 s5, $0x1;
	s2 =	sadd.s32 s19, s18  }
0x9c: {  	s6 =	simm.s32 $0x0;
	s20 =	sshll.u32 s4, $0x1;
	s4 =	sadd.s32 s21, s2  }
0x9d: {  	[timem:s6], [sflag:s22] =	dma.local [hbm:s4], s20  }
0x9e: {  	_ =	swait.ge [sflag:s22], s20  }
0x9f: {  	s3 =	ssub.s32 $0x0, s20;
	[sflag:s22] =	ssyncset.done $0x0  }
0xa0: {  	[sflag:s22] =	ssyncadd.s32 s3;
	_ =	sdelay $0x1  }
0xa1: {  	s23 =	simm.s32 $0x1B8B  }
0xa2: {  	_ =	swait.ge [sflag:s23], $0x1  }
0xa3: {  	[sflag:s23] =	ssyncset.done $0x0  }
0xa4: {  	s25 =	simm.s32 $0x1B8E;
	s24 =	sld [smem:$0x3FFE];
	[sflag:s23] =	ssyncadd.s32 $0xFFFFFFFF  }
0xa5: {  	s26 =	simm.s32 $execute0_lowered;
	[smem:$0x3FD2] =	sst s25  }
0xa6: {  	s4 =	sshll.u32 s26, $0x1;
	_ =	strace $0x8000004F;
	[dreg:$0x1] =	wrdreg $0xFFFFFFFF  }
0xa7: {  	s28 =	simm.s32 $_size_execute0_lowered;
	s2 =	sadd.s32 s2, s4;
	[dreg:$0x0] =	wrdreg $0x0  }
0xa8: {  	s4 =	sshll.u32 s28, $0x1;
	[dreg:$0x2] =	wrdreg s2  }
0xa9: {  	[dreg:$0x3] =	wrdreg s4  }
0xaa: {  	[dreg:$0x4] =	wrdreg $0xC0  }
0xab: {  	_ =	task [dreg:s6], $0x5FFFF  }
0xac: {  	[dreg:$0x1] =	wrdreg $0xFFFFFFFF  }
0xad: {  	[dreg:$0x0] =	wrdreg $0x60  }
0xae: {  	[dreg:$0x2] =	wrdreg s24  }
0xaf: {  	[dreg:$0x3] =	wrdreg $0x140000  }
0xb0: {  	[dreg:$0x4] =	wrdreg $0x9  }
0xb1: {  	_ =	task.clear_ibuf [dreg:s6], $0x5FFFF;
	_ =	strace $0x9000004F  }
0xb2: {  	s29 =	simm.s32 $0x9;
	_ =	strace $0x80000051  }
0xb3: {  	_ =	swait.ge [sflag:s29], $0x1  }
0xb4: {  	[sflag:s29] =	ssyncadd.s32 $0xFFFFFFFF  }
0xb5: {  	_ =	strace $0x90000051  }
0xb6: {  	_ =	sfence  }
0xb7: {  	s30 =	sld [smem:$0x0];
	_ =	sdelay $0x2  }
0xb8: {  	s31 =	sshll.u32 s1, $0xD;
	s1 =	sshrl.u32 s1, $0x2  }
0xb9: {  	s3 =	sand.u32 $0x4000, s31;
	s1 =	sadd.s32 s1, s30  }
0xba: {  	s0 =	sor.u32 s3, s0;
	s1 =	sshll.u32 s1, $0x11  }
0xbb: {  	s0 =	sor.u32 s1, s0  }
0xbc: {  	s0 =	sadd.s32 $0x8F2B, s0  }
0xbd: {  	[sflag:s0] =	ssyncadd.remote.s32 $0x1  }
0xbe: {  	_ =	sfence.sel $0xFFFF  }
0xbf: {  	[dreg:$0x0] =	wrdreg $0xFFFFFFFF;
	(pc) =	sbr.abs _section_cstart, $3  }
0xc0: {  	[dreg:$0x1] =	wrdreg $0xFFFFFFFF  }
0xc1: {  	_ =	task.clear_ibuf [dreg:s6], $0x2FFFF;
	_ =	strace $0x9FFFFFFF  }
0xc2: {  	(tm) =	ssettm $0x7FFFFFFF  }
0xc3: {  	_ =	shalt  }
tec
execute0_lowered:
.L_overlay_start_1:
0x0: {  	(tag) =	ssettag $0x1  }
0x1: {  	s0 =	rddreg [dreg:$0x0]  }
0x2: {  	s2 =	rddreg [dreg:$0x1]  }
0x3: {  	s10 =	stileid.u32;
	s4 =	srdreg.scid;
	s3 =	simm.s32 $0x0  }
0x4: {  	s16 =	simm.s32 $0x9;
	s17 =	simm.s32 $0x5000;
	s18 =	simm.s32 $0x80  }
0x5: {  	s19 =	simm.s32 $0xA000;
	s20 =	simm.s32 $0xC000;
	s22 =	simm.s32 $0xE000  }
0x6: {  	s28 =	simm.s32 $0x5;
	s30 =	simm.s32 $0x2;
	s1 =	smul.u32 $0xA00, s10  }
0x7: {  	s31 =	simm.s32 $0x7;
	s29 =	simm.s32 $0x4;
	s7 =	smul.u32 $0xA000, s10  }
0x8: {  	s21 =	simm.s32 $0x8;
	s6 =	sand.u32 $0x1, s4;
	s10 =	smul.u32 $0x28000, s10  }
0x9: {  	[smem:$0x7FF] =	sst s3;
	s4 =	sadd.s32 $0x84200, s0;
	s5 =	smul.u32 $0xA0000, s6  }
0xa: {  	_ =	strace $0x80000050;
	s9 =	ssub.s32 $0x2, s6;
	p0 =	seq.s32 s6, $0x0  }
0xb: {  	s1 =	sadd.s32 s1, s0;
	s11 =	sshrl.u32 s9, $0x1;
	s23 =	sshrl.u32 s10, $0x2  }
0xc: {  	s8 =	sadd.s32 s7, s5;
	s5 =	sadd.s32 $0x70800, s0;
	s15 =	ssub.s32 s9, s11  }
0xd: {  	s24 =	sadd.s32 $0x16800, s1;
	s1 =	sadd.s32 $0x2800, s1;
	s25 =	sadd.s32 s23, s2  }
0xe: {  	s23 =	simm.s32 $0x12000;
	s8 =	sshrl.u32 s8, $0x3;
	[dreg:$0x3] =	wrdreg s24  }
0xf: {  	[dreg:$0x4] =	wrdreg s1;
	s26 =	sadd.s32 $0x2000, s25;
	s10 =	sadd.s32 $0x4000, s25  }
.Ltmp0:
0x10: {  	s11 =	sadd.s32 $0x6000, s25;
	s12 =	sadd.s32 $0x8000, s25;
	(pc) =	sbr.rel .LBB2_1-.Ltmp0, $4  }
0x11: {  	s13 =	smov.u32 s5;
	s15 =	smax.u32 s15, $0x1;
	s25 =	simm.s32 $0x10000  }
0x12: {  	s24 =	simm.s32 $0x3;
	s1 =	simm.s32 $0x0;
	s0 =	sadd.s32 s8, s0  }
0x13: {  	s8 =	sadd.s32 s7, s2;
	[dreg:$0x5] =	wrdreg s26;
	s13 =	smov.u32 @p0 s4  }
0x14: {  	v0 =	vimm.f32 $0.0e+00;
	s26 =	simm.s32 $0x1;
	s14 =	sadd.s32 $0x97C00, s0;
	s0 =	simm.s32 $0x6  }
.LBB2_6:
0x15: {  	[spmem:s2] =	stream.indirect.scatter.add.f32 [tilespmem:s25], [sflag:$0x8], $0x40, s7, s18, $0xb8;
	[tilespmem:$0x1E000] =	vst v63  }
0x16: {  	_ =	swait.ge [sflag:s21], $0x2000  }
0x17: {  	[sflag:s21] =	ssyncset.done $0x0  }
0x18: {  	s6 =	simm.s32 $0x4F80;
	[sflag:s21] =	ssyncadd.s32 $0xFFFFE000  }
0x19: {  	[tilespmem:s25], [sflag:$0x4] =	stream.indirect.gather [hbm4b:s5+s18], $0x40, s6, s18, $0xb8;
	[tilespmem:$0x1E000] =	vst v63  }
0x1a: {  	_ =	swait.ge [sflag:s26], $0x2000  }
0x1b: {  	[sflag:s26] =	ssyncset.done $0x0  }
0x1c: {  	s7 =	simm.s32 $0x9E00;
	[sflag:s26] =	ssyncadd.s32 $0xFFFFE000  }
0x1d: {  	[spmem:s2] =	stream.indirect.scatter.add.f32 [tilespmem:s19], [sflag:$0x5], $0x40, s7, s18, $0xb8;
	[tilespmem:$0x1E000] =	vst v63  }
0x1e: {  	_ =	swait.ge [sflag:s30], $0x2000  }
0x1f: {  	[sflag:s30] =	ssyncset.done $0x0  }
0x20: {  	s9 =	simm.s32 $0x9E80;
	[sflag:s30] =	ssyncadd.s32 $0xFFFFE000  }
0x21: {  	[spmem:s2] =	stream.indirect.scatter.add.f32 [tilespmem:s20], [sflag:$0x6], $0x40, s9, s18, $0xb8;
	[tilespmem:$0x1E000] =	vst v63  }
0x22: {  	_ =	swait.ge [sflag:s24], $0x2000  }
0x23: {  	[sflag:s24] =	ssyncset.done $0x0  }
0x24: {  	s7 =	simm.s32 $0x9F00;
	[sflag:s24] =	ssyncadd.s32 $0xFFFFE000  }
0x25: {  	[spmem:s2] =	stream.indirect.scatter.add.f32 [tilespmem:s22], [sflag:$0x7], $0x40, s7, s18, $0xb8;
	[tilespmem:$0x1E000] =	vst v63  }
0x26: {  	_ =	swait.ge [sflag:s29], $0x2000  }
0x27: {  	[sflag:s29] =	ssyncset.done $0x0  }
0x28: {  	s9 =	simm.s32 $0x9F80;
	[sflag:s29] =	ssyncadd.s32 $0xFFFFE000  }
0x29: {  	[spmem:s2] =	stream.indirect.scatter.add.f32 [tilespmem:s25], [sflag:$0x8], $0x40, s9, s18, $0xb8;
	[tilespmem:$0x1E000] =	vst v63  }
.LBB2_10:
0x2a: {  	_ =	swait.ge [sflag:s28], $0x2000  }
0x2b: {  	[sflag:s28] =	ssyncset.done $0x0  }
0x2c: {  	[sflag:s28] =	ssyncadd.s32 $0xFFFFE000  }
0x2d: {  	_ =	swait.ge [sflag:s0], $0x2000  }
0x2e: {  	[sflag:s0] =	ssyncset.done $0x0  }
0x2f: {  	[sflag:s0] =	ssyncadd.s32 $0xFFFFE000  }
0x30: {  	_ =	swait.ge [sflag:s31], $0x2000  }
0x31: {  	[sflag:s31] =	ssyncset.done $0x0  }
0x32: {  	[sflag:s31] =	ssyncadd.s32 $0xFFFFE000  }
0x33: {  	s6 =	stileid.u32;
	_ =	swait.ge [sflag:s21], $0x2000  }
0x34: {  	s7 =	sshrl.u32 s8, $0x3;
	s1 =	sadd.s32 $0x1, s1;
	[sflag:s21] =	ssyncset.done $0x0  }
0x35: {  	s6 =	sshll.u32 s6, $0x6;
	p1 =	sne.s32 s1, s15;
	[sflag:s21] =	ssyncadd.s32 $0xFFFFE000  }
.Ltmp1:
0x36: {  	s6 =	sor.u32 $0x1C09, s6;
	[bflag:$0x0] =	sbarrier.arrive $0xFFFF;
	(pc) =	sbr.rel @!p1 .LBB2_11-.Ltmp1, $4  }
0x37: {  	[hbm:s14], [sflag:s6] =	dma.local [spmem:s7], $0x1400  }
0x38: {  	_ =	swait.ge [sflag:s16], $0x1400  }
0x39: {  	[sflag:s16] =	ssyncset.done $0x0  }
0x3a: {  	[sflag:s16] =	ssyncadd.s32 $0xFFFFEC00  }
.LBB2_1:
0x3b: {  	s6 =	rddreg [dreg:$0x3]  }
0x3c: {  	[tilespmem:s3], [sflag:$0x9] =	stream.linear.gather [hbm4b:s6+s3], $0x5000, $0x38;
	[tilespmem:$0x1E000] =	vst v63  }
0x3d: {  	_ =	swait.ge [sflag:s16], $0x5000  }
0x3e: {  	[sflag:s16] =	ssyncset.done $0x0  }
0x3f: {  	s7 =	rddreg [dreg:$0x4];
	[sflag:s16] =	ssyncadd.s32 $0xFFFFB000  }
0x40: {  	[tilespmem:s17], [sflag:$0x9] =	stream.linear.gather [hbm4b:s7+s3], $0x5000, $0x38;
	[tilespmem:$0x1E000] =	vst v63  }
0x41: {  	_ =	swait.ge [sflag:s16], $0x5000  }
0x42: {  	[sflag:s16] =	ssyncset.done $0x0  }
0x43: {  	[sflag:s16] =	ssyncadd.s32 $0xFFFFB000  }
0x44: {  	[tilespmem:s19], [sflag:$0x1] =	stream.indirect.gather [hbm4b:s13+s18], $0x40, s3, s18, $0xb8;
	[tilespmem:$0x1E000] =	vst v63  }
0x45: {  	_ = 	snop  }
0x46: {  	[tilespmem:s20], [sflag:$0x2] =	stream.indirect.gather [hbm4b:s13+s18], $0x40, s18, s18, $0xb8;
	[tilespmem:$0x1E000] =	vst v63  }
0x47: {  	s9 =	simm.s32 $0x100;
	s6 =	simm.s32 $0x0;
	s7 =	simm.s32 $0x100  }
0x48: {  	[tilespmem:s22], [sflag:$0x3] =	stream.indirect.gather [hbm4b:s13+s18], $0x40, s9, s18, $0xb8;
	[tilespmem:$0x1E000] =	vst v63  }
.LBB2_2:
0x49: {  	p1 =	sne.s32 s7, $0x7F00;
	[tilespmem:s6+$0x12030] =	vst v0;
	s9 =	smov.u32 s7;
	s7 =	sadd.s32 $0x100, s7  }
.Ltmp2:
0x4a: {  	[tilespmem:s6+$0x12020] =	vst v0;
	(pc) =	sbr.rel @p1 .LBB2_2-.Ltmp2, $3  }
0x4b: {  	[tilespmem:s6+$0x12000] =	vst v0  }
0x4c: {  	[tilespmem:s6+$0x12010] =	vst v0;
	_ =	sdelay $0x1  }
0x4d: {  	s6 =	sshra.s32 s9, $0x2  }
0x4e: {  	[tilespmem:s6+$0x12030] =	vst v0  }
0x4f: {  	[tilespmem:s6+$0x12020] =	vst v0  }
0x50: {  	[tilespmem:s6+$0x12000] =	vst v0  }
0x51: {  	[tilespmem:s6+$0x12010] =	vst v0  }
0x52: {  	[spmem:s8] =	stream.linear.scatter [tilespmem:s23], [sflag:$0x9], $0x2000, $0x38;
	[tilespmem:$0x1E000] =	vst v63  }
0x53: {  	_ =	swait.ge [sflag:s16], $0x2000  }
0x54: {  	[sflag:s16] =	ssyncset.done $0x0  }
0x55: {  	s9 =	rddreg [dreg:$0x5];
	[sflag:s16] =	ssyncadd.s32 $0xFFFFE000  }
0x56: {  	[spmem:s9] =	stream.linear.scatter [tilespmem:s23], [sflag:$0x9], $0x2000, $0x38;
	[tilespmem:$0x1E000] =	vst v63  }
0x57: {  	_ =	swait.ge [sflag:s16], $0x2000  }
0x58: {  	[sflag:s16] =	ssyncset.done $0x0  }
0x59: {  	[sflag:s16] =	ssyncadd.s32 $0xFFFFE000  }
0x5a: {  	[spmem:s10] =	stream.linear.scatter [tilespmem:s23], [sflag:$0x9], $0x2000, $0x38;
	[tilespmem:$0x1E000] =	vst v63  }
0x5b: {  	_ =	swait.ge [sflag:s16], $0x2000  }
0x5c: {  	[sflag:s16] =	ssyncset.done $0x0  }
0x5d: {  	[sflag:s16] =	ssyncadd.s32 $0xFFFFE000  }
0x5e: {  	[spmem:s11] =	stream.linear.scatter [tilespmem:s23], [sflag:$0x9], $0x2000, $0x38;
	[tilespmem:$0x1E000] =	vst v63  }
0x5f: {  	_ =	swait.ge [sflag:s16], $0x2000  }
0x60: {  	[sflag:s16] =	ssyncset.done $0x0  }
0x61: {  	[sflag:s16] =	ssyncadd.s32 $0xFFFFE000  }
0x62: {  	[spmem:s12] =	stream.linear.scatter [tilespmem:s23], [sflag:$0x9], $0x2000, $0x38;
	[tilespmem:$0x1E000] =	vst v63  }
.Ltmp3:
0x63: {  	_ =	swait.ge [sflag:s16], $0x2000;
	(pc) =	sbr.rel @!p0 .LBB2_4-.Ltmp3, $4  }
0x64: {  	[sflag:s16] =	ssyncset.done $0x0  }
0x65: {  	[sflag:s16] =	ssyncadd.s32 $0xFFFFE000  }
0x66: {  	[bflag:$0x0] =	sbarrier.arrive $0xFFFF  }
0x67: {  	s6 =	simm.s32 $0x180  }
0x68: {  	[tilespmem:s25], [sflag:$0x4] =	stream.indirect.gather [hbm4b:s4+s18], $0x40, s6, s18, $0xb8;
	[tilespmem:$0x1E000] =	vst v63  }
0x69: {  	_ =	swait.ge [sflag:s26], $0x2000  }
0x6a: {  	[sflag:s26] =	ssyncset.done $0x0  }
0x6b: {  	[sflag:s26] =	ssyncadd.s32 $0xFFFFE000  }
0x6c: {  	[spmem:s2] =	stream.indirect.scatter.add.f32 [tilespmem:s19], [sflag:$0x5], $0x40, s17, s18, $0xb8;
	[tilespmem:$0x1E000] =	vst v63  }
0x6d: {  	_ =	swait.ge [sflag:s28], $0x2000  }
0x6e: {  	[sflag:s28] =	ssyncset.done $0x0  }
0x6f: {  	s9 =	simm.s32 $0x200;
	[sflag:s28] =	ssyncadd.s32 $0xFFFFE000  }
0x70: {  	[tilespmem:s19], [sflag:$0x1] =	stream.indirect.gather [hbm4b:s4+s18], $0x40, s9, s18, $0xb8;
	[tilespmem:$0x1E000] =	vst v63  }
0x71: {  	_ =	swait.ge [sflag:s30], $0x2000  }
0x72: {  	[sflag:s30] =	ssyncset.done $0x0  }
0x73: {  	s7 =	simm.s32 $0x5080;
	[sflag:s30] =	ssyncadd.s32 $0xFFFFE000  }
0x74: {  	[spmem:s2] =	stream.indirect.scatter.add.f32 [tilespmem:s20], [sflag:$0x6], $0x40, s7, s18, $0xb8;
	[tilespmem:$0x1E000] =	vst v63  }
0x75: {  	_ =	swait.ge [sflag:s0], $0x2000  }
0x76: {  	[sflag:s0] =	ssyncset.done $0x0  }
0x77: {  	s9 =	simm.s32 $0x280;
	[sflag:s0] =	ssyncadd.s32 $0xFFFFE000  }
0x78: {  	[tilespmem:s20], [sflag:$0x2] =	stream.indirect.gather [hbm4b:s4+s18], $0x40, s9, s18, $0xb8;
	[tilespmem:$0x1E000] =	vst v63  }
0x79: {  	_ =	swait.ge [sflag:s24], $0x2000  }
0x7a: {  	[sflag:s24] =	ssyncset.done $0x0  }
0x7b: {  	s7 =	simm.s32 $0x5100;
	[sflag:s24] =	ssyncadd.s32 $0xFFFFE000  }
0x7c: {  	[spmem:s2] =	stream.indirect.scatter.add.f32 [tilespmem:s22], [sflag:$0x7], $0x40, s7, s18, $0xb8;
	[tilespmem:$0x1E000] =	vst v63  }
0x7d: {  	_ =	swait.ge [sflag:s31], $0x2000  }
0x7e: {  	[sflag:s31] =	ssyncset.done $0x0  }
0x7f: {  	s9 =	simm.s32 $0x300;
	[sflag:s31] =	ssyncadd.s32 $0xFFFFE000  }
0x80: {  	[tilespmem:s22], [sflag:$0x3] =	stream.indirect.gather [hbm4b:s4+s18], $0x40, s9, s18, $0xb8;
	[tilespmem:$0x1E000] =	vst v63  }
0x81: {  	_ =	swait.ge [sflag:s29], $0x2000  }
0x82: {  	[sflag:s29] =	ssyncset.done $0x0  }
0x83: {  	s7 =	simm.s32 $0x5180;
	[sflag:s29] =	ssyncadd.s32 $0xFFFFE000  }
0x84: {  	[spmem:s2] =	stream.indirect.scatter.add.f32 [tilespmem:s25], [sflag:$0x8], $0x40, s7, s18, $0xb8;
	[tilespmem:$0x1E000] =	vst v63  }
0x85: {  	_ =	swait.ge [sflag:s21], $0x2000  }
0x86: {  	[sflag:s21] =	ssyncset.done $0x0  }
0x87: {  	s9 =	simm.s32 $0x380;
	[sflag:s21] =	ssyncadd.s32 $0xFFFFE000  }
0x88: {  	[tilespmem:s25], [sflag:$0x4] =	stream.indirect.gather [hbm4b:s4+s18], $0x40, s9, s18, $0xb8;
	[tilespmem:$0x1E000] =	vst v63  }
0x89: {  	_ =	swait.ge [sflag:s26], $0x2000  }
0x8a: {  	[sflag:s26] =	ssyncset.done $0x0  }
0x8b: {  	s7 =	simm.s32 $0x5200;
	[sflag:s26] =	ssyncadd.s32 $0xFFFFE000  }
0x8c: {  	[spmem:s2] =	stream.indirect.scatter.add.f32 [tilespmem:s19], [sflag:$0x5], $0x40, s7, s18, $0xb8;
	[tilespmem:$0x1E000] =	vst v63  }
0x8d: {  	_ =	swait.ge [sflag:s28], $0x2000  }
0x8e: {  	[sflag:s28] =	ssyncset.done $0x0  }
0x8f: {  	s9 =	simm.s32 $0x400;
	[sflag:s28] =	ssyncadd.s32 $0xFFFFE000  }
0x90: {  	[tilespmem:s19], [sflag:$0x1] =	stream.indirect.gather [hbm4b:s4+s18], $0x40, s9, s18, $0xb8;
	[tilespmem:$0x1E000] =	vst v63  }
0x91: {  	_ =	swait.ge [sflag:s30], $0x2000  }
0x92: {  	[sflag:s30] =	ssyncset.done $0x0  }
0x93: {  	s7 =	simm.s32 $0x5280;
	[sflag:s30] =	ssyncadd.s32 $0xFFFFE000  }
0x94: {  	[spmem:s2] =	stream.indirect.scatter.add.f32 [tilespmem:s20], [sflag:$0x6], $0x40, s7, s18, $0xb8;
	[tilespmem:$0x1E000] =	vst v63  }
0x95: {  	_ =	swait.ge [sflag:s0], $0x2000  }
0x96: {  	[sflag:s0] =	ssyncset.done $0x0  }
0x97: {  	s9 =	simm.s32 $0x480;
	[sflag:s0] =	ssyncadd.s32 $0xFFFFE000  }
0x98: {  	[tilespmem:s20], [sflag:$0x2] =	stream.indirect.gather [hbm4b:s4+s18], $0x40, s9, s18, $0xb8;
	[tilespmem:$0x1E000] =	vst v63  }
0x99: {  	_ =	swait.ge [sflag:s24], $0x2000  }
0x9a: {  	[sflag:s24] =	ssyncset.done $0x0  }
0x9b: {  	s7 =	simm.s32 $0x5300;
	[sflag:s24] =	ssyncadd.s32 $0xFFFFE000  }
0x9c: {  	[spmem:s2] =	stream.indirect.scatter.add.f32 [tilespmem:s22], [sflag:$0x7], $0x40, s7, s18, $0xb8;
	[tilespmem:$0x1E000] =	vst v63  }
0x9d: {  	_ =	swait.ge [sflag:s31], $0x2000  }
0x9e: {  	[sflag:s31] =	ssyncset.done $0x0  }
0x9f: {  	s9 =	simm.s32 $0x500;
	[sflag:s31] =	ssyncadd.s32 $0xFFFFE000  }
0xa0: {  	[tilespmem:s22], [sflag:$0x3] =	stream.indirect.gather [hbm4b:s4+s18], $0x40, s9, s18, $0xb8;
	[tilespmem:$0x1E000] =	vst v63  }
0xa1: {  	_ =	swait.ge [sflag:s29], $0x2000  }
0xa2: {  	[sflag:s29] =	ssyncset.done $0x0  }
0xa3: {  	s6 =	simm.s32 $0x800;
	s7 =	simm.s32 $0x5380;
	[sflag:s29] =	ssyncadd.s32 $0xFFFFE000  }
.LBB2_8:
0xa4: {  	[spmem:s2] =	stream.indirect.scatter.add.f32 [tilespmem:s25], [sflag:$0x8], $0x40, s7, s18, $0xb8;
	[tilespmem:$0x1E000] =	vst v63  }
0xa5: {  	s7 =	smov.u32 s6  }
0xa6: {  	p1 =	seq.s32 s6, $0x12800;
	s6 =	sadd.s32 $0x800, s6;
	_ =	swait.ge [sflag:s21], $0x2000  }
0xa7: {  	s7 =	sshra.s32 s7, $0x2;
	[sflag:s21] =	ssyncset.done $0x0  }
0xa8: {  	s9 =	sadd.s32 $0x380, s7;
	[sflag:s21] =	ssyncadd.s32 $0xFFFFE000  }
0xa9: {  	[tilespmem:s25], [sflag:$0x4] =	stream.indirect.gather [hbm4b:s4+s18], $0x40, s9, s18, $0xb8;
	[tilespmem:$0x1E000] =	vst v63  }
0xaa: {  	_ =	swait.ge [sflag:s26], $0x2000  }
0xab: {  	[sflag:s26] =	ssyncset.done $0x0  }
0xac: {  	s9 =	sadd.s32 $0x5200, s7;
	[sflag:s26] =	ssyncadd.s32 $0xFFFFE000  }
0xad: {  	[spmem:s2] =	stream.indirect.scatter.add.f32 [tilespmem:s19], [sflag:$0x5], $0x40, s9, s18, $0xb8;
	[tilespmem:$0x1E000] =	vst v63  }
0xae: {  	_ =	swait.ge [sflag:s28], $0x2000  }
0xaf: {  	[sflag:s28] =	ssyncset.done $0x0  }
0xb0: {  	s9 =	sadd.s32 $0x400, s7;
	[sflag:s28] =	ssyncadd.s32 $0xFFFFE000  }
0xb1: {  	[tilespmem:s19], [sflag:$0x1] =	stream.indirect.gather [hbm4b:s4+s18], $0x40, s9, s18, $0xb8;
	[tilespmem:$0x1E000] =	vst v63  }
0xb2: {  	_ =	swait.ge [sflag:s30], $0x2000  }
0xb3: {  	[sflag:s30] =	ssyncset.done $0x0  }
0xb4: {  	s9 =	sadd.s32 $0x5280, s7;
	[sflag:s30] =	ssyncadd.s32 $0xFFFFE000  }
0xb5: {  	[spmem:s2] =	stream.indirect.scatter.add.f32 [tilespmem:s20], [sflag:$0x6], $0x40, s9, s18, $0xb8;
	[tilespmem:$0x1E000] =	vst v63  }
0xb6: {  	_ =	swait.ge [sflag:s0], $0x2000  }
0xb7: {  	[sflag:s0] =	ssyncset.done $0x0  }
0xb8: {  	s9 =	sadd.s32 $0x480, s7;
	[sflag:s0] =	ssyncadd.s32 $0xFFFFE000  }
0xb9: {  	[tilespmem:s20], [sflag:$0x2] =	stream.indirect.gather [hbm4b:s4+s18], $0x40, s9, s18, $0xb8;
	[tilespmem:$0x1E000] =	vst v63  }
0xba: {  	_ =	swait.ge [sflag:s24], $0x2000  }
0xbb: {  	[sflag:s24] =	ssyncset.done $0x0  }
0xbc: {  	s9 =	sadd.s32 $0x5300, s7;
	[sflag:s24] =	ssyncadd.s32 $0xFFFFE000  }
0xbd: {  	[spmem:s2] =	stream.indirect.scatter.add.f32 [tilespmem:s22], [sflag:$0x7], $0x40, s9, s18, $0xb8;
	[tilespmem:$0x1E000] =	vst v63  }
0xbe: {  	_ =	swait.ge [sflag:s31], $0x2000  }
0xbf: {  	[sflag:s31] =	ssyncset.done $0x0  }
.Ltmp4:
0xc0: {  	s9 =	sadd.s32 $0x500, s7;
	[sflag:s31] =	ssyncadd.s32 $0xFFFFE000;
	(pc) =	sbr.rel @!p1 .LBB2_8-.Ltmp4, $4  }
0xc1: {  	[tilespmem:s22], [sflag:$0x3] =	stream.indirect.gather [hbm4b:s4+s18], $0x40, s9, s18, $0xb8;
	[tilespmem:$0x1E000] =	vst v63  }
0xc2: {  	_ =	swait.ge [sflag:s29], $0x2000  }
0xc3: {  	[sflag:s29] =	ssyncset.done $0x0  }
0xc4: {  	s7 =	sadd.s32 $0x5380, s7;
	[sflag:s29] =	ssyncadd.s32 $0xFFFFE000  }
0xc5: {  	[spmem:s2] =	stream.indirect.scatter.add.f32 [tilespmem:s25], [sflag:$0x8], $0x40, s7, s18, $0xb8;
	[tilespmem:$0x1E000] =	vst v63  }
0xc6: {  	_ =	swait.ge [sflag:s21], $0x2000  }
0xc7: {  	[sflag:s21] =	ssyncset.done $0x0  }
0xc8: {  	s6 =	simm.s32 $0x4F80;
	[sflag:s21] =	ssyncadd.s32 $0xFFFFE000  }
0xc9: {  	[tilespmem:s25], [sflag:$0x4] =	stream.indirect.gather [hbm4b:s4+s18], $0x40, s6, s18, $0xb8;
	[tilespmem:$0x1E000] =	vst v63  }
0xca: {  	_ =	swait.ge [sflag:s26], $0x2000  }
0xcb: {  	[sflag:s26] =	ssyncset.done $0x0  }
0xcc: {  	s7 =	simm.s32 $0x9E00;
	[sflag:s26] =	ssyncadd.s32 $0xFFFFE000  }
0xcd: {  	[spmem:s2] =	stream.indirect.scatter.add.f32 [tilespmem:s19], [sflag:$0x5], $0x40, s7, s18, $0xb8;
	[tilespmem:$0x1E000] =	vst v63  }
0xce: {  	_ =	swait.ge [sflag:s30], $0x2000  }
0xcf: {  	[sflag:s30] =	ssyncset.done $0x0  }
0xd0: {  	s9 =	simm.s32 $0x9E80;
	[sflag:s30] =	ssyncadd.s32 $0xFFFFE000  }
0xd1: {  	[spmem:s2] =	stream.indirect.scatter.add.f32 [tilespmem:s20], [sflag:$0x6], $0x40, s9, s18, $0xb8;
	[tilespmem:$0x1E000] =	vst v63  }
0xd2: {  	_ =	swait.ge [sflag:s24], $0x2000  }
0xd3: {  	[sflag:s24] =	ssyncset.done $0x0  }
0xd4: {  	s7 =	simm.s32 $0x9F00;
	[sflag:s24] =	ssyncadd.s32 $0xFFFFE000  }
0xd5: {  	[spmem:s2] =	stream.indirect.scatter.add.f32 [tilespmem:s22], [sflag:$0x7], $0x40, s7, s18, $0xb8;
	[tilespmem:$0x1E000] =	vst v63  }
.Ltmp5:
0xd6: {  	_ = 	snop;
	(pc) =	sbr.rel .LBB2_10-.Ltmp5, $4  }
0xd7: {  	_ =	swait.ge [sflag:s29], $0x2000  }
0xd8: {  	[sflag:s29] =	ssyncset.done $0x0  }
0xd9: {  	s9 =	simm.s32 $0x9F80;
	[sflag:s29] =	ssyncadd.s32 $0xFFFFE000  }
0xda: {  	[spmem:s2] =	stream.indirect.scatter.add.f32 [tilespmem:s25], [sflag:$0x8], $0x40, s9, s18, $0xb8;
	[tilespmem:$0x1E000] =	vst v63  }
.LBB2_4:
0xdb: {  	[tilespmem:s25], [sflag:$0x4] =	stream.indirect.gather [hbm4b:s5+s18], $0x40, s6, s18, $0xb8;
	[tilespmem:$0x1E000] =	vst v63  }
0xdc: {  	_ =	swait.ge [sflag:s26], $0x2000  }
0xdd: {  	[sflag:s26] =	ssyncset.done $0x0  }
0xde: {  	[sflag:s26] =	ssyncadd.s32 $0xFFFFE000  }
0xdf: {  	[spmem:s2] =	stream.indirect.scatter.add.f32 [tilespmem:s19], [sflag:$0x5], $0x40, s17, s18, $0xb8;
	[tilespmem:$0x1E000] =	vst v63  }
0xe0: {  	_ =	swait.ge [sflag:s28], $0x2000  }
0xe1: {  	[sflag:s28] =	ssyncset.done $0x0  }
0xe2: {  	s9 =	simm.s32 $0x200;
	[sflag:s28] =	ssyncadd.s32 $0xFFFFE000  }
0xe3: {  	[tilespmem:s19], [sflag:$0x1] =	stream.indirect.gather [hbm4b:s5+s18], $0x40, s9, s18, $0xb8;
	[tilespmem:$0x1E000] =	vst v63  }
0xe4: {  	_ =	swait.ge [sflag:s30], $0x2000  }
0xe5: {  	[sflag:s30] =	ssyncset.done $0x0  }
0xe6: {  	s7 =	simm.s32 $0x5080;
	[sflag:s30] =	ssyncadd.s32 $0xFFFFE000  }
0xe7: {  	[spmem:s2] =	stream.indirect.scatter.add.f32 [tilespmem:s20], [sflag:$0x6], $0x40, s7, s18, $0xb8;
	[tilespmem:$0x1E000] =	vst v63  }
0xe8: {  	_ =	swait.ge [sflag:s0], $0x2000  }
0xe9: {  	[sflag:s0] =	ssyncset.done $0x0  }
0xea: {  	s9 =	simm.s32 $0x280;
	[sflag:s0] =	ssyncadd.s32 $0xFFFFE000  }
0xeb: {  	[tilespmem:s20], [sflag:$0x2] =	stream.indirect.gather [hbm4b:s5+s18], $0x40, s9, s18, $0xb8;
	[tilespmem:$0x1E000] =	vst v63  }
0xec: {  	_ =	swait.ge [sflag:s24], $0x2000  }
0xed: {  	[sflag:s24] =	ssyncset.done $0x0  }
0xee: {  	s7 =	simm.s32 $0x5100;
	[sflag:s24] =	ssyncadd.s32 $0xFFFFE000  }
0xef: {  	[spmem:s2] =	stream.indirect.scatter.add.f32 [tilespmem:s22], [sflag:$0x7], $0x40, s7, s18, $0xb8;
	[tilespmem:$0x1E000] =	vst v63  }
0xf0: {  	_ =	swait.ge [sflag:s31], $0x2000  }
0xf1: {  	[sflag:s31] =	ssyncset.done $0x0  }
0xf2: {  	s9 =	simm.s32 $0x300;
	[sflag:s31] =	ssyncadd.s32 $0xFFFFE000  }
0xf3: {  	[tilespmem:s22], [sflag:$0x3] =	stream.indirect.gather [hbm4b:s5+s18], $0x40, s9, s18, $0xb8;
	[tilespmem:$0x1E000] =	vst v63  }
0xf4: {  	_ =	swait.ge [sflag:s29], $0x2000  }
0xf5: {  	[sflag:s29] =	ssyncset.done $0x0  }
0xf6: {  	s7 =	simm.s32 $0x5180;
	[sflag:s29] =	ssyncadd.s32 $0xFFFFE000  }
0xf7: {  	[spmem:s2] =	stream.indirect.scatter.add.f32 [tilespmem:s25], [sflag:$0x8], $0x40, s7, s18, $0xb8;
	[tilespmem:$0x1E000] =	vst v63  }
0xf8: {  	_ =	swait.ge [sflag:s21], $0x2000  }
0xf9: {  	[sflag:s21] =	ssyncset.done $0x0  }
0xfa: {  	s9 =	simm.s32 $0x380;
	[sflag:s21] =	ssyncadd.s32 $0xFFFFE000  }
0xfb: {  	[tilespmem:s25], [sflag:$0x4] =	stream.indirect.gather [hbm4b:s5+s18], $0x40, s9, s18, $0xb8;
	[tilespmem:$0x1E000] =	vst v63  }
0xfc: {  	_ =	swait.ge [sflag:s26], $0x2000  }
0xfd: {  	[sflag:s26] =	ssyncset.done $0x0  }
0xfe: {  	s7 =	simm.s32 $0x5200;
	[sflag:s26] =	ssyncadd.s32 $0xFFFFE000  }
0xff: {  	[spmem:s2] =	stream.indirect.scatter.add.f32 [tilespmem:s19], [sflag:$0x5], $0x40, s7, s18, $0xb8;
	[tilespmem:$0x1E000] =	vst v63  }
0x100: {  	_ =	swait.ge [sflag:s28], $0x2000  }
0x101: {  	[sflag:s28] =	ssyncset.done $0x0  }
0x102: {  	s9 =	simm.s32 $0x400;
	[sflag:s28] =	ssyncadd.s32 $0xFFFFE000  }
0x103: {  	[tilespmem:s19], [sflag:$0x1] =	stream.indirect.gather [hbm4b:s5+s18], $0x40, s9, s18, $0xb8;
	[tilespmem:$0x1E000] =	vst v63  }
0x104: {  	_ =	swait.ge [sflag:s30], $0x2000  }
0x105: {  	[sflag:s30] =	ssyncset.done $0x0  }
0x106: {  	s7 =	simm.s32 $0x5280;
	[sflag:s30] =	ssyncadd.s32 $0xFFFFE000  }
0x107: {  	[spmem:s2] =	stream.indirect.scatter.add.f32 [tilespmem:s20], [sflag:$0x6], $0x40, s7, s18, $0xb8;
	[tilespmem:$0x1E000] =	vst v63  }
0x108: {  	_ =	swait.ge [sflag:s0], $0x2000  }
0x109: {  	[sflag:s0] =	ssyncset.done $0x0  }
0x10a: {  	s9 =	simm.s32 $0x480;
	[sflag:s0] =	ssyncadd.s32 $0xFFFFE000  }
0x10b: {  	[tilespmem:s20], [sflag:$0x2] =	stream.indirect.gather [hbm4b:s5+s18], $0x40, s9, s18, $0xb8;
	[tilespmem:$0x1E000] =	vst v63  }
0x10c: {  	_ =	swait.ge [sflag:s24], $0x2000  }
0x10d: {  	[sflag:s24] =	ssyncset.done $0x0  }
0x10e: {  	s7 =	simm.s32 $0x5300;
	[sflag:s24] =	ssyncadd.s32 $0xFFFFE000  }
0x10f: {  	[spmem:s2] =	stream.indirect.scatter.add.f32 [tilespmem:s22], [sflag:$0x7], $0x40, s7, s18, $0xb8;
	[tilespmem:$0x1E000] =	vst v63  }
0x110: {  	_ =	swait.ge [sflag:s31], $0x2000  }
0x111: {  	[sflag:s31] =	ssyncset.done $0x0  }
0x112: {  	s9 =	simm.s32 $0x500;
	[sflag:s31] =	ssyncadd.s32 $0xFFFFE000  }
0x113: {  	[tilespmem:s22], [sflag:$0x3] =	stream.indirect.gather [hbm4b:s5+s18], $0x40, s9, s18, $0xb8;
	[tilespmem:$0x1E000] =	vst v63  }
0x114: {  	_ =	swait.ge [sflag:s29], $0x2000  }
0x115: {  	[sflag:s29] =	ssyncset.done $0x0  }
0x116: {  	s6 =	simm.s32 $0x800;
	s7 =	simm.s32 $0x5380;
	[sflag:s29] =	ssyncadd.s32 $0xFFFFE000  }
.LBB2_5:
0x117: {  	[spmem:s2] =	stream.indirect.scatter.add.f32 [tilespmem:s25], [sflag:$0x8], $0x40, s7, s18, $0xb8;
	[tilespmem:$0x1E000] =	vst v63  }
0x118: {  	s7 =	smov.u32 s6  }
0x119: {  	p1 =	seq.s32 s6, $0x12800;
	s6 =	sadd.s32 $0x800, s6;
	_ =	swait.ge [sflag:s21], $0x2000  }
0x11a: {  	s7 =	sshra.s32 s7, $0x2;
	[sflag:s21] =	ssyncset.done $0x0  }
0x11b: {  	s9 =	sadd.s32 $0x380, s7;
	[sflag:s21] =	ssyncadd.s32 $0xFFFFE000  }
0x11c: {  	[tilespmem:s25], [sflag:$0x4] =	stream.indirect.gather [hbm4b:s5+s18], $0x40, s9, s18, $0xb8;
	[tilespmem:$0x1E000] =	vst v63  }
0x11d: {  	_ =	swait.ge [sflag:s26], $0x2000  }
0x11e: {  	[sflag:s26] =	ssyncset.done $0x0  }
0x11f: {  	s9 =	sadd.s32 $0x5200, s7;
	[sflag:s26] =	ssyncadd.s32 $0xFFFFE000  }
0x120: {  	[spmem:s2] =	stream.indirect.scatter.add.f32 [tilespmem:s19], [sflag:$0x5], $0x40, s9, s18, $0xb8;
	[tilespmem:$0x1E000] =	vst v63  }
0x121: {  	_ =	swait.ge [sflag:s28], $0x2000  }
0x122: {  	[sflag:s28] =	ssyncset.done $0x0  }
0x123: {  	s9 =	sadd.s32 $0x400, s7;
	[sflag:s28] =	ssyncadd.s32 $0xFFFFE000  }
0x124: {  	[tilespmem:s19], [sflag:$0x1] =	stream.indirect.gather [hbm4b:s5+s18], $0x40, s9, s18, $0xb8;
	[tilespmem:$0x1E000] =	vst v63  }
0x125: {  	_ =	swait.ge [sflag:s30], $0x2000  }
0x126: {  	[sflag:s30] =	ssyncset.done $0x0  }
0x127: {  	s9 =	sadd.s32 $0x5280, s7;
	[sflag:s30] =	ssyncadd.s32 $0xFFFFE000  }
0x128: {  	[spmem:s2] =	stream.indirect.scatter.add.f32 [tilespmem:s20], [sflag:$0x6], $0x40, s9, s18, $0xb8;
	[tilespmem:$0x1E000] =	vst v63  }
0x129: {  	_ =	swait.ge [sflag:s0], $0x2000  }
0x12a: {  	[sflag:s0] =	ssyncset.done $0x0  }
0x12b: {  	s9 =	sadd.s32 $0x480, s7;
	[sflag:s0] =	ssyncadd.s32 $0xFFFFE000  }
0x12c: {  	[tilespmem:s20], [sflag:$0x2] =	stream.indirect.gather [hbm4b:s5+s18], $0x40, s9, s18, $0xb8;
	[tilespmem:$0x1E000] =	vst v63  }
0x12d: {  	_ =	swait.ge [sflag:s24], $0x2000  }
0x12e: {  	[sflag:s24] =	ssyncset.done $0x0  }
0x12f: {  	s9 =	sadd.s32 $0x5300, s7;
	[sflag:s24] =	ssyncadd.s32 $0xFFFFE000  }
0x130: {  	[spmem:s2] =	stream.indirect.scatter.add.f32 [tilespmem:s22], [sflag:$0x7], $0x40, s9, s18, $0xb8;
	[tilespmem:$0x1E000] =	vst v63  }
0x131: {  	_ =	swait.ge [sflag:s31], $0x2000  }
0x132: {  	[sflag:s31] =	ssyncset.done $0x0  }
.Ltmp6:
0x133: {  	s9 =	sadd.s32 $0x500, s7;
	[sflag:s31] =	ssyncadd.s32 $0xFFFFE000;
	(pc) =	sbr.rel @!p1 .LBB2_5-.Ltmp6, $4  }
0x134: {  	[tilespmem:s22], [sflag:$0x3] =	stream.indirect.gather [hbm4b:s5+s18], $0x40, s9, s18, $0xb8;
	[tilespmem:$0x1E000] =	vst v63  }
0x135: {  	_ =	swait.ge [sflag:s29], $0x2000  }
0x136: {  	[sflag:s29] =	ssyncset.done $0x0  }
0x137: {  	s7 =	sadd.s32 $0x5380, s7;
	[sflag:s29] =	ssyncadd.s32 $0xFFFFE000  }
.Ltmp7:
0x138: {  	_ = 	snop;
	(pc) =	sbr.rel .LBB2_6-.Ltmp7, $1  }
0x139: {  	_ =	sdelay $0x3  }
.LBB2_11:
0x13a: {  	_ =	sfence.sel $0x180000  }
0x13b: {  	[bflag:$0x0] =	sbarrier.arrive $0xFFFF  }
0x13c: {  	_ =	strace $0x90000050  }
0x13d: {  	s0 =	stileid.u32;
	[bflag:$0x2] =	sbarrier.arrive $0xFFFF  }
0x13e: {  	p0 =	sne.s32 s0, $0x0;
	s0 =	rddreg [dreg:$0x2]  }
0x13f: {  	s0 =	sadd.s32 @!p0 $0x100000, s0  }
0x140: {  	[sflag:s0] =	ssyncadd.tile.s32 @!p0 $0x1;
	_ =	shalt  }
.Lfunc_end2:
_tile_overlayer_lowered:
.L_overlay_start_2:
0x141: {  	(tag) =	ssettag $0x2  }
0x142: {  	s0 =	rddreg [dreg:$0x0];
	s2 =	stileid.u32  }
0x143: {  	s1 =	rddreg [dreg:$0x1];
	p0 =	sne.s32 s2, $0x0  }
0x144: {  	s3 =	rddreg [dreg:$0x2];
	[bflag:$0x3] =	sbarrier.arrive $0xFFFF;
	s2 =	simm.s32 @!p0 $0x1C09  }
0x145: {  	[timem:s3], [sflag:s2] =	dma.local @!p0 [hbm:s0], s1  }
0x146: {  	s0 =	simm.s32 @!p0 $0x9  }
0x147: {  	_ =	swait.ge @!p0 [sflag:s0], s1  }
0x148: {  	s1 =	ssub.s32 @!p0 $0x0, s1;
	[sflag:s0] =	ssyncset.done @!p0 $0x0  }
0x149: {  	[sflag:s0] =	ssyncadd.s32 @!p0 s1  }
0x14a: {  	[bflag:$0x3] =	sbarrier.arrive $0xFFFF  }
0x14b: {  	_ =	shalt  }

</sc_bundles>
